<compile_context>
chip_gen: v7x
topology: tpu7x:2x2x1
jax: 0.10.2.dev20260603
libtpu: 0.0.44.dev20260713+nightly
codegen_flags: <defaults>
</compile_context>

<pallas_src>
import jax
import jax.numpy as jnp
from jax import lax
from jax.experimental import pallas as pl
from jax.experimental.pallas import tpu as pltpu
from jax.experimental.pallas import tpu_sc as plsc

N = 10000
NPAD = 10240
E = 320000
D = 128
DH = D // 2
P = 64
PH = P // 2

NCORES = 2
NSUB = 16
NTILES = NCORES * NSUB

IDXW = 80
NROWS = E // IDXW
RPT = NROWS // NSUB
K = 5
CHUNKS = RPT // K
PAIRS = CHUNKS // 2
CE = K * IDXW
ROWS_PT = NPAD // NSUB
B = 2048

_MESH = plsc.VectorSubcoreMesh(core_axis_name="c", subcore_axis_name="s")
_SC_PARAMS = pltpu.CompilerParams(needs_layout_passes=False,
                                  use_tc_tiling_on_sc=False)


def _agg_call(with_cnt):
    out_type = [
        jax.ShapeDtypeStruct((NPAD, DH), jnp.float32),
        jax.ShapeDtypeStruct((NPAD, DH), jnp.float32),
    ]
    if with_cnt:
        out_type.append(jax.ShapeDtypeStruct((NSUB, NPAD), jnp.float32))
    scratch = [
        pltpu.VMEM((2, K, IDXW), jnp.int32),
        pltpu.VMEM((2, K, IDXW), jnp.int32),
        pltpu.VMEM((2, K, IDXW, DH), jnp.float32),
        pltpu.VMEM_SHARED((NPAD, DH), jnp.float32),
        pltpu.SemaphoreType.DMA,
        pltpu.SemaphoreType.DMA,
        pltpu.SemaphoreType.DMA,
        pltpu.SemaphoreType.DMA,
        pltpu.SemaphoreType.DMA,
        pltpu.SemaphoreType.DMA,
    ]
    if with_cnt:
        scratch.append(pltpu.VMEM((NPAD,), jnp.float32))

    def body(h_hbm, sidx_hbm, didx_hbm, zrows_hbm, *rest):
        if with_cnt:
            (out0, out1, out_cnt, sidx_v, didx_v, rows_v, acc_sh,
             isem0, isem1, gsem0, gsem1, ssem0, ssem1, cnt_v) = rest
        else:
            (out0, out1, sidx_v, didx_v, rows_v, acc_sh,
             isem0, isem1, gsem0, gsem1, ssem0, ssem1) = rest
        c = lax.axis_index("c")
        s = lax.axis_index("s")
        pltpu.sync_copy(zrows_hbm, acc_sh.at[pl.ds(s * ROWS_PT, ROWS_PT)])
        if with_cnt:
            def zero_cnt(i, carry):
                cnt_v[pl.ds(i * 16, 16)] = jnp.zeros((16,), jnp.float32)
                return carry
            lax.fori_loop(0, NPAD // 16, zero_cnt, 0)
        plsc.subcore_barrier()
        h_half = h_hbm.at[c]
        s_rows = sidx_hbm.at[s]
        d_rows = didx_hbm.at[s]
        isems = (isem0, isem1)
        gsems = (gsem0, gsem1)
        ssems = (ssem0, ssem1)

        def fire_i(chunk, b):
            pltpu.async_copy(s_rows.at[pl.ds(chunk * K, K)], sidx_v.at[b],
                             isems[b])
            pltpu.async_copy(d_rows.at[pl.ds(chunk * K, K)], didx_v.at[b],
                             isems[b])

        def wait_i(b):
            pltpu.make_async_copy(s_rows.at[pl.ds(0, K)], sidx_v.at[b],
                                  isems[b]).wait()
            pltpu.make_async_copy(d_rows.at[pl.ds(0, K)], didx_v.at[b],
                                  isems[b]).wait()

        def fire_g(b):
            for j in range(K):
                pltpu.async_copy(h_half.at[sidx_v.at[b, j]],
                                 rows_v.at[b, j], gsems[b])

        def wait_g(b):
            for j in range(K):
                pltpu.make_async_copy(h_half.at[sidx_v.at[b, 0]],
                                      rows_v.at[b, j], gsems[b]).wait()

        def fire_s(b):
            for j in range(K):
                pltpu.async_copy(rows_v.at[b, j],
                                 acc_sh.at[didx_v.at[b, j]],
                                 ssems[b], add=True)

        def wait_s(b):
            for j in range(K):
                pltpu.make_async_copy(rows_v.at[b, j],
                                      acc_sh.at[didx_v.at[b, 0]],
                                      ssems[b]).wait()

        def do_cnt(b):
            if with_cnt:
                ones16 = jnp.ones((16,), jnp.float32)
                for j in range(K):
                    for jj in range(IDXW // 16):
                        idx16 = didx_v[b, j, pl.ds(jj * 16, 16)]
                        plsc.addupdate_scatter(cnt_v, [idx16], ones16)

        fire_i(0, 0)

        def pair(i, carry):
            c0 = 2 * i
            c1 = 2 * i + 1

            @pl.when(i > 0)
            def _():
                wait_s(1)
            fire_i(c1, 1)
            wait_i(0)
            fire_g(0)
            do_cnt(0)
            wait_g(0)
            fire_s(0)
            wait_i(1)
            fire_g(1)
            do_cnt(1)
            wait_s(0)

            @pl.when(i < PAIRS - 1)
            def _():
                fire_i(c0 + 2, 0)
            wait_g(1)
            fire_s(1)
            return carry

        lax.fori_loop(0, PAIRS, pair, 0)
        wait_s(1)

        if with_cnt:
            @pl.when(c == 0)
            def _():
                pltpu.sync_copy(cnt_v, out_cnt.at[s])

        plsc.subcore_barrier()
        sl = pl.ds(s * ROWS_PT, ROWS_PT)

        @pl.when(c == 0)
        def _():
            pltpu.sync_copy(acc_sh.at[sl], out0.at[sl])

        @pl.when(c == 1)
        def _():
            pltpu.sync_copy(acc_sh.at[sl], out1.at[sl])

    return pl.kernel(body, out_type=out_type, mesh=_MESH,
                     scratch_types=scratch, compiler_params=_SC_PARAMS)


def _mbuild_call():
    out_type = [
        jax.ShapeDtypeStruct((NPAD, PH), jnp.float32),
        jax.ShapeDtypeStruct((NPAD, PH), jnp.float32),
    ]
    scratch = [
        pltpu.VMEM((RPT, IDXW), jnp.int32),
        pltpu.VMEM((RPT, IDXW), jnp.int32),
        pltpu.VMEM((2, CE, PH), jnp.float32),
        pltpu.VMEM_SHARED((NPAD, PH), jnp.float32),
        pltpu.SemaphoreType.DMA,
        pltpu.SemaphoreType.DMA,
        pltpu.SemaphoreType.DMA,
        pltpu.SemaphoreType.DMA,
    ]

    def body(pmt_hbm, sidx_hbm, didx_hbm, zrows_hbm,
             out0, out1, sidx_v, didx_v, rows_v, m_sh,
             lsem0, lsem1, ssem0, ssem1):
        c = lax.axis_index("c")
        s = lax.axis_index("s")
        pltpu.sync_copy(zrows_hbm, m_sh.at[pl.ds(s * ROWS_PT, ROWS_PT)])
        pltpu.sync_copy(sidx_hbm.at[s], sidx_v)
        pltpu.sync_copy(didx_hbm.at[s], didx_v)
        plsc.subcore_barrier()
        pmt_half = pmt_hbm.at[c]
        e_base = s * (E // NSUB)
        lsems = (lsem0, lsem1)
        ssems = (ssem0, ssem1)

        def fire_l(chunk, b):
            pltpu.async_copy(pmt_half.at[pl.ds(e_base + chunk * CE, CE)],
                             rows_v.at[b], lsems[b])

        def wait_l(b):
            pltpu.make_async_copy(pmt_half.at[pl.ds(e_base, CE)],
                                  rows_v.at[b], lsems[b]).wait()

        def fire_s(chunk, b):
            for j in range(K):
                seg = rows_v.at[b].at[pl.ds(j * IDXW, IDXW)]
                pltpu.async_copy(seg, m_sh.at[sidx_v.at[chunk * K + j]],
                                 ssems[b], add=True)
                pltpu.async_copy(seg, m_sh.at[didx_v.at[chunk * K + j]],
                                 ssems[b], add=True)

        def wait_s(b):
            for j in range(K):
                seg = rows_v.at[b].at[pl.ds(j * IDXW, IDXW)]
                pltpu.make_async_copy(seg, m_sh.at[sidx_v.at[0]],
                                      ssems[b]).wait()
                pltpu.make_async_copy(seg, m_sh.at[didx_v.at[0]],
                                      ssems[b]).wait()

        fire_l(0, 0)

        def pair(i, carry):
            c0 = 2 * i
            c1 = 2 * i + 1
            wait_l(0)
            fire_s(c0, 0)

            @pl.when(i > 0)
            def _():
                wait_s(1)
            fire_l(c1, 1)
            wait_s(0)

            @pl.when(i < PAIRS - 1)
            def _():
                fire_l(c0 + 2, 0)
            wait_l(1)
            fire_s(c1, 1)
            return carry

        lax.fori_loop(0, PAIRS, pair, 0)
        wait_s(1)
        plsc.subcore_barrier()
        sl = pl.ds(s * ROWS_PT, ROWS_PT)

        @pl.when(c == 0)
        def _():
            pltpu.sync_copy(m_sh.at[sl], out0.at[sl])

        @pl.when(c == 1)
        def _():
            pltpu.sync_copy(m_sh.at[sl], out1.at[sl])

    return pl.kernel(body, out_type=out_type, mesh=_MESH,
                     scratch_types=scratch, compiler_params=_SC_PARAMS)


def _transpose_pm(pm):
    cb = 2560

    def body(in_ref, out_ref):
        out_ref[0] = in_ref[:PH, :].T
        out_ref[1] = in_ref[PH:, :].T

    return pl.pallas_call(
        body,
        grid=(E // cb,),
        in_specs=[pl.BlockSpec((P, cb), lambda i: (0, i))],
        out_specs=pl.BlockSpec((2, cb, PH), lambda i: (0, i, 0)),
        out_shape=jax.ShapeDtypeStruct((2, E, PH), jnp.float32),
    )(pm)


def _dense0(a0, a1, cntp, x, wl, wr, b):
    def body(a0_r, a1_r, c_r, x_r, wl_r, wr_r, b_r, o_r):
        rcp = (1.0 / jnp.maximum(jnp.sum(c_r[...], axis=0), 1.0))[:, None]
        mean = jnp.concatenate((a0_r[...], a1_r[...]), axis=1) * rcp
        h = (jnp.dot(mean, wl_r[...], preferred_element_type=jnp.float32)
             + jnp.dot(x_r[...], wr_r[...], preferred_element_type=jnp.float32)
             + b_r[...])
        h = jnp.maximum(h, 0.0)
        o_r[0] = h[:, :DH]
        o_r[1] = h[:, DH:]

    return pl.pallas_call(
        body,
        grid=(NPAD // B,),
        in_specs=[
            pl.BlockSpec((B, DH), lambda i: (i, 0)),
            pl.BlockSpec((B, DH), lambda i: (i, 0)),
            pl.BlockSpec((NSUB, B), lambda i: (0, i)),
            pl.BlockSpec((B, D), lambda i: (i, 0)),
            pl.BlockSpec((D, D), lambda i: (0, 0)),
            pl.BlockSpec((D, D), lambda i: (0, 0)),
            pl.BlockSpec((1, D), lambda i: (0, 0)),
        ],
        out_specs=pl.BlockSpec((2, B, DH), lambda i: (0, i, 0)),
        out_shape=jax.ShapeDtypeStruct((2, NPAD, DH), jnp.float32),
    )(a0, a1, cntp, x, wl, wr, b)


def _dense1_final(q0, q1, cntp, h0s, wl, wr, b, m0, m1, wro, bro):
    G = NPAD // B

    def body(q0_r, q1_r, c_r, h0_r, wl_r, wr_r, b_r, m0_r, m1_r, wro_r,
             bro_r, o_r, acc):
        i = pl.program_id(0)
        rcp = (1.0 / jnp.maximum(jnp.sum(c_r[...], axis=0), 1.0))[:, None]
        mean = jnp.concatenate((q0_r[...], q1_r[...]), axis=1) * rcp
        h0full = jnp.concatenate((h0_r[0], h0_r[1]), axis=1)
        h1 = jnp.maximum(
            jnp.dot(mean, wl_r[...], preferred_element_type=jnp.float32)
            + jnp.dot(h0full, wr_r[...], preferred_element_type=jnp.float32)
            + b_r[...], 0.0)
        pe_top = lax.dot_general(m0_r[...], h1, (((0,), (0,)), ((), ())),
                                 preferred_element_type=jnp.float32)
        pe_bot = lax.dot_general(m1_r[...], h1, (((0,), (0,)), ((), ())),
                                 preferred_element_type=jnp.float32)
        pe = jnp.concatenate((pe_top, pe_bot), axis=0)

        @pl.when(i == 0)
        def _():
            acc[...] = pe

        @pl.when(i > 0)
        def _():
            acc[...] += pe

        @pl.when(i == G - 1)
        def _():
            o_r[...] = (jnp.dot(0.5 * acc[...], wro_r[...],
                                preferred_element_type=jnp.float32)
                        + bro_r[...])

    return pl.pallas_call(
        body,
        grid=(G,),
        in_specs=[
            pl.BlockSpec((B, DH), lambda i: (i, 0)),
            pl.BlockSpec((B, DH), lambda i: (i, 0)),
            pl.BlockSpec((NSUB, B), lambda i: (0, i)),
            pl.BlockSpec((2, B, DH), lambda i: (0, i, 0)),
            pl.BlockSpec((D, D), lambda i: (0, 0)),
            pl.BlockSpec((D, D), lambda i: (0, 0)),
            pl.BlockSpec((1, D), lambda i: (0, 0)),
            pl.BlockSpec((B, PH), lambda i: (i, 0)),
            pl.BlockSpec((B, PH), lambda i: (i, 0)),
            pl.BlockSpec((D, D), lambda i: (0, 0)),
            pl.BlockSpec((1, D), lambda i: (0, 0)),
        ],
        out_specs=pl.BlockSpec((P, D), lambda i: (0, 0)),
        out_shape=jax.ShapeDtypeStruct((P, D), jnp.float32),
        scratch_shapes=[pltpu.VMEM((P, D), jnp.float32)],
    )(q0, q1, cntp, h0s, wl, wr, b, m0, m1, wro, bro)


def kernel(node_features, edge_index, path_masks,
           W_l0, W_r0, b0, W_l1, W_r1, b1, W_ro, b_ro):
    sidx3d = edge_index[0].reshape(NSUB, RPT, IDXW)
    didx3d = edge_index[1].reshape(NSUB, RPT, IDXW)
    zrows_d = jnp.zeros((ROWS_PT, DH), jnp.float32)
    zrows_p = jnp.zeros((ROWS_PT, PH), jnp.float32)
    b0r = b0.reshape(1, D)
    b1r = b1.reshape(1, D)
    bror = b_ro.reshape(1, D)
    xs = jnp.stack((node_features[:, :DH], node_features[:, DH:]))
    xpad = jnp.pad(node_features, ((0, NPAD - N), (0, 0)))

    pmt = _transpose_pm(path_masks)
    a0, a1, cntp = _agg_call(True)(xs, sidx3d, didx3d, zrows_d)
    m0, m1 = _mbuild_call()(pmt, sidx3d, didx3d, zrows_p)
    h0s = _dense0(a0, a1, cntp, xpad, W_l0, W_r0, b0r)
    q0, q1 = _agg_call(False)(h0s, sidx3d, didx3d, zrows_d)
    out = _dense1_final(q0, q1, cntp, h0s, W_l1, W_r1, b1r, m0, m1,
                        W_ro, bror)
    return out.reshape(-1)

# --- scband reference (transcript-rebuilt; emitter-appended) ---
"""Pipeline reference for scband-path-gnnencoder-37984690766250 (READ-ONLY COPY).

The authoritative reference and input builder live on the scoring server;
editing this copy changes nothing except your own understanding.
"""

import jax, jax.numpy as jnp
import numpy as np

N = 10000      # num nodes
E = 320000     # num edges
D_IN = 128     # input feature dim
EMB = 128      # emb_dim
P = 64         # num paths
SCALE = 0.5    # EDGE_EMBEDDING_SCALE_FACTOR (assumed 0.5, i.e. average of endpoint embeddings)


def setup_inputs(seed: int = 0) -> dict:
    key = jax.random.key(seed)
    ks = jax.random.split(key, 12)
    x = jax.random.normal(ks[0], (N, D_IN), dtype=jnp.float32)
    edge_index = jax.random.randint(ks[1], (2, E), 0, N, dtype=jnp.int32)
    path_masks = jax.random.uniform(ks[2], (P, E), dtype=jnp.float32)

    def lin(k, fan_in, fan_out):
        return jax.random.normal(k, (fan_in, fan_out), dtype=jnp.float32) / np.sqrt(fan_in)

    # SAGEConv layer 0: lin_l acts on aggregated neighbors, lin_r on root features
    W_l0 = lin(ks[3], D_IN, EMB)
    W_r0 = lin(ks[4], D_IN, EMB)
    b0 = jnp.zeros((EMB,), dtype=jnp.float32)
    # SAGEConv layer 1
    W_l1 = lin(ks[5], EMB, EMB)
    W_r1 = lin(ks[6], EMB, EMB)
    b1 = jnp.zeros((EMB,), dtype=jnp.float32)
    # readout linear
    W_ro = lin(ks[7], EMB, EMB)
    b_ro = jnp.zeros((EMB,), dtype=jnp.float32)
    return {
        'node_features': x, 'edge_index': edge_index, 'path_masks': path_masks,
        'W_l0': W_l0, 'W_r0': W_r0, 'b0': b0,
        'W_l1': W_l1, 'W_r1': W_r1, 'b1': b1,
        'W_ro': W_ro, 'b_ro': b_ro,
    }


def _sage_layer(h, src, dst, Wl, Wr, b):
    # PyG SAGEConv with mean aggregation: out = lin_l(mean_{j in N(i)} x_j) + lin_r(x_i) + bias
    msgs = h[src]
    agg = jax.ops.segment_sum(msgs, dst, num_segments=N)
    cnt = jax.ops.segment_sum(jnp.ones((E,), dtype=jnp.float32), dst, num_segments=N)
    mean = agg / jnp.maximum(cnt, 1.0)[:, None]
    return mean @ Wl + h @ Wr + b


def reference(node_features, edge_index, path_masks, W_l0, W_r0, b0, W_l1, W_r1, b1, W_ro, b_ro):
    src = edge_index[0]
    dst = edge_index[1]
    h = jax.nn.relu(_sage_layer(node_features, src, dst, W_l0, W_r0, b0))
    h = jax.nn.relu(_sage_layer(h, src, dst, W_l1, W_r1, b1))
    edge_emb = (h[src] + h[dst]) * SCALE
    path_emb = path_masks @ edge_emb
    out = path_emb @ W_ro + b_ro
    return out.reshape(-1)

if __name__ == "__main__":
    import jax
    _d = setup_inputs()
    print(jax.jit(kernel)(*tuple(_d.values())))

</pallas_src>

<mosaic_0001>
#map = affine_map<(d0, d1) -> (0, 0, 0)>
#map1 = affine_map<(d0, d1) -> (0, 0)>
module attributes {stable_mosaic.version = 14 : i64} {
  func.func @body(%arg0: i32, %arg1: i32, %arg2: memref<2x10000x64xf32, #tpu.memory_space<hbm>>, %arg3: memref<16x250x80xi32, #tpu.memory_space<hbm>>, %arg4: memref<16x250x80xi32, #tpu.memory_space<hbm>>, %arg5: memref<640x64xf32, #tpu.memory_space<hbm>>, %arg6: memref<10240x64xf32, #tpu.memory_space<hbm>>, %arg7: memref<10240x64xf32, #tpu.memory_space<hbm>>, %arg8: memref<16x10240xf32, #tpu.memory_space<hbm>>, %arg9: memref<2x5x80xi32, #tpu.memory_space<vmem>>, %arg10: memref<2x5x80xi32, #tpu.memory_space<vmem>>, %arg11: memref<2x5x80x64xf32, #tpu.memory_space<vmem>>, %arg12: memref<10240x64xf32, #tpu.memory_space<vmem_shared>>, %arg13: memref<!tpu.dma_semaphore, #tpu.memory_space<semaphore_mem>>, %arg14: memref<!tpu.dma_semaphore, #tpu.memory_space<semaphore_mem>>, %arg15: memref<!tpu.dma_semaphore, #tpu.memory_space<semaphore_mem>>, %arg16: memref<!tpu.dma_semaphore, #tpu.memory_space<semaphore_mem>>, %arg17: memref<!tpu.dma_semaphore, #tpu.memory_space<semaphore_mem>>, %arg18: memref<!tpu.dma_semaphore, #tpu.memory_space<semaphore_mem>>, %arg19: memref<10240xf32, #tpu.memory_space<vmem>>) attributes {dimension_semantics = [#tpu.dimension_semantics<core_parallel>, #tpu.dimension_semantics<subcore_parallel>], iteration_bounds = array<i64: 2, 16>, scalar_prefetch = 0 : i64, scratch_operands = 11 : i64, tpu.core_type = #tpu.core_type<sc_vector_subcore>, window_params = [{transform_indices = #map}, {transform_indices = #map}, {transform_indices = #map}, {transform_indices = #map1}, {transform_indices = #map1}, {transform_indices = #map1}, {transform_indices = #map1}]} {
    %mul3A = arith.constant 640 : i32
    %mul3A_0 = arith.muli %arg1, %mul3A : i32
    "tpu.region"() ({
      %run_scoped3A = tpu.sem_alloc : memref<!tpu.dma_semaphore, #tpu.memory_space<semaphore_mem>>
      %dma_start3A_141 = arith.constant 0 : i32
      %dma_start3A_142 = tpu.memref_slice %arg12[%mul3A_0, %dma_start3A_141] : memref<10240x64xf32, #tpu.memory_space<vmem_shared>> -> memref<640x64xf32, #tpu.memory_space<vmem_shared>>
      tpu.enqueue_dma source(%arg5 : memref<640x64xf32, #tpu.memory_space<hbm>>) target(%dma_start3A_142 : memref<640x64xf32, #tpu.memory_space<vmem_shared>>) target_semaphore(%run_scoped3A : memref<!tpu.dma_semaphore, #tpu.memory_space<semaphore_mem>>)
      %dma_wait3A_143 = arith.constant 0 : i32
      %dma_wait3A_144 = tpu.memref_slice %arg12[%mul3A_0, %dma_wait3A_143] : memref<10240x64xf32, #tpu.memory_space<vmem_shared>> -> memref<640x64xf32, #tpu.memory_space<vmem_shared>>
      tpu.wait_dma2 semaphore(%run_scoped3A : memref<!tpu.dma_semaphore, #tpu.memory_space<semaphore_mem>>) src(%arg5 : memref<640x64xf32, #tpu.memory_space<hbm>>) dst(%dma_wait3A_144 : memref<640x64xf32, #tpu.memory_space<vmem_shared>>)
      tpu.yield
    }) : () -> ()
    %scan3A = arith.constant 0 : i32
    %scan3A_1 = arith.constant 0 : i32
    %scan3A_2 = arith.constant 640 : i32
    %scan3A_3 = arith.addi %scan3A_1, %scan3A_2 : i32
    %scan3A_4 = arith.constant 1 : i32
    scf.for %scan3A_141 = %scan3A_1 to %scan3A_3 step %scan3A_4  : i32 {
      %broadcast_in_dim3A = arith.constant 0.000000e+00 : f32
      %broadcast_in_dim3A_142 = vector.broadcast %broadcast_in_dim3A : f32 to vector<16xf32>
      %mul3A_143 = arith.constant 16 : i32
      %mul3A_144 = arith.muli %scan3A_141, %mul3A_143 : i32
      %swap3A = arith.index_cast %mul3A_144 : i32 to index
      %swap3A_145 = tpu.vector_load %arg19[%swap3A] {strides = array<i32>} : memref<10240xf32, #tpu.memory_space<vmem>>, vector<16xf32>,
      tpu.vector_store %arg19[%swap3A], %broadcast_in_dim3A_142 {strides = array<i32>} : memref<10240xf32, #tpu.memory_space<vmem>>, vector<16xf32>,
    }
    %scan3A_5 = arith.constant 640 : i32
    %barrier3A = arith.constant 0 : index
    tpu.barrier barrier_id(%barrier3A)
    %dma_start3A = arith.constant 0 : i32
    %dma_start3A_6 = arith.constant 0 : i32
    %dma_start3A_7 = arith.constant 0 : i32
    %dma_start3A_8 = tpu.memref_slice %arg9[%dma_start3A, %dma_start3A_6, %dma_start3A_7] : memref<2x5x80xi32, #tpu.memory_space<vmem>> -> memref<1x5x80xi32, #tpu.memory_space<vmem>>
    %dma_start3A_9 = tpu.memref_squeeze %dma_start3A_8 : memref<1x5x80xi32, #tpu.memory_space<vmem>> -> memref<5x80xi32, #tpu.memory_space<vmem>>
    %dma_start3A_10 = arith.constant 0 : i32
    %dma_start3A_11 = arith.constant 0 : i32
    %dma_start3A_12 = tpu.memref_slice %arg3[%arg1, %dma_start3A_10, %dma_start3A_11] : memref<16x250x80xi32, #tpu.memory_space<hbm>> -> memref<1x250x80xi32, #tpu.memory_space<hbm>>
    %dma_start3A_13 = tpu.memref_squeeze %dma_start3A_12 : memref<1x250x80xi32, #tpu.memory_space<hbm>> -> memref<250x80xi32, #tpu.memory_space<hbm>>
    %dma_start3A_14 = arith.constant 0 : i32
    %dma_start3A_15 = arith.constant 0 : i32
    %dma_start3A_16 = tpu.memref_slice %dma_start3A_13[%dma_start3A_14, %dma_start3A_15] : memref<250x80xi32, #tpu.memory_space<hbm>> -> memref<5x80xi32, #tpu.memory_space<hbm>>
    %dma_start3A_17 = arith.constant 0 : i32
    %dma_start3A_18 = arith.constant 0 : i32
    %dma_start3A_19 = tpu.memref_slice %arg9[%dma_start3A, %dma_start3A_17, %dma_start3A_18] : memref<2x5x80xi32, #tpu.memory_space<vmem>> -> memref<1x5x80xi32, #tpu.memory_space<vmem>>
    %dma_start3A_20 = tpu.memref_squeeze %dma_start3A_19 : memref<1x5x80xi32, #tpu.memory_space<vmem>> -> memref<5x80xi32, #tpu.memory_space<vmem>>
    %dma_start3A_21 = arith.constant 0 : i32
    %dma_start3A_22 = arith.constant 0 : i32
    %dma_start3A_23 = tpu.memref_slice %arg3[%arg1, %dma_start3A_21, %dma_start3A_22] : memref<16x250x80xi32, #tpu.memory_space<hbm>> -> memref<1x250x80xi32, #tpu.memory_space<hbm>>
    %dma_start3A_24 = tpu.memref_squeeze %dma_start3A_23 : memref<1x250x80xi32, #tpu.memory_space<hbm>> -> memref<250x80xi32, #tpu.memory_space<hbm>>
    %dma_start3A_25 = arith.constant 0 : i32
    %dma_start3A_26 = arith.constant 0 : i32
    %dma_start3A_27 = tpu.memref_slice %dma_start3A_24[%dma_start3A_25, %dma_start3A_26] : memref<250x80xi32, #tpu.memory_space<hbm>> -> memref<5x80xi32, #tpu.memory_space<hbm>>
    tpu.enqueue_dma source(%dma_start3A_27 : memref<5x80xi32, #tpu.memory_space<hbm>>) target(%dma_start3A_20 : memref<5x80xi32, #tpu.memory_space<vmem>>) target_semaphore(%arg13 : memref<!tpu.dma_semaphore, #tpu.memory_space<semaphore_mem>>)
    %dma_start3A_28 = arith.constant 0 : i32
    %dma_start3A_29 = arith.constant 0 : i32
    %dma_start3A_30 = arith.constant 0 : i32
    %dma_start3A_31 = tpu.memref_slice %arg10[%dma_start3A_28, %dma_start3A_29, %dma_start3A_30] : memref<2x5x80xi32, #tpu.memory_space<vmem>> -> memref<1x5x80xi32, #tpu.memory_space<vmem>>
    %dma_start3A_32 = tpu.memref_squeeze %dma_start3A_31 : memref<1x5x80xi32, #tpu.memory_space<vmem>> -> memref<5x80xi32, #tpu.memory_space<vmem>>
    %dma_start3A_33 = arith.constant 0 : i32
    %dma_start3A_34 = arith.constant 0 : i32
    %dma_start3A_35 = tpu.memref_slice %arg4[%arg1, %dma_start3A_33, %dma_start3A_34] : memref<16x250x80xi32, #tpu.memory_space<hbm>> -> memref<1x250x80xi32, #tpu.memory_space<hbm>>
    %dma_start3A_36 = tpu.memref_squeeze %dma_start3A_35 : memref<1x250x80xi32, #tpu.memory_space<hbm>> -> memref<250x80xi32, #tpu.memory_space<hbm>>
    %dma_start3A_37 = arith.constant 0 : i32
    %dma_start3A_38 = arith.constant 0 : i32
    %dma_start3A_39 = tpu.memref_slice %dma_start3A_36[%dma_start3A_37, %dma_start3A_38] : memref<250x80xi32, #tpu.memory_space<hbm>> -> memref<5x80xi32, #tpu.memory_space<hbm>>
    %dma_start3A_40 = arith.constant 0 : i32
    %dma_start3A_41 = arith.constant 0 : i32
    %dma_start3A_42 = tpu.memref_slice %arg10[%dma_start3A_28, %dma_start3A_40, %dma_start3A_41] : memref<2x5x80xi32, #tpu.memory_space<vmem>> -> memref<1x5x80xi32, #tpu.memory_space<vmem>>
    %dma_start3A_43 = tpu.memref_squeeze %dma_start3A_42 : memref<1x5x80xi32, #tpu.memory_space<vmem>> -> memref<5x80xi32, #tpu.memory_space<vmem>>
    %dma_start3A_44 = arith.constant 0 : i32
    %dma_start3A_45 = arith.constant 0 : i32
    %dma_start3A_46 = tpu.memref_slice %arg4[%arg1, %dma_start3A_44, %dma_start3A_45] : memref<16x250x80xi32, #tpu.memory_space<hbm>> -> memref<1x250x80xi32, #tpu.memory_space<hbm>>
    %dma_start3A_47 = tpu.memref_squeeze %dma_start3A_46 : memref<1x250x80xi32, #tpu.memory_space<hbm>> -> memref<250x80xi32, #tpu.memory_space<hbm>>
    %dma_start3A_48 = arith.constant 0 : i32
    %dma_start3A_49 = arith.constant 0 : i32
    %dma_start3A_50 = tpu.memref_slice %dma_start3A_47[%dma_start3A_48, %dma_start3A_49] : memref<250x80xi32, #tpu.memory_space<hbm>> -> memref<5x80xi32, #tpu.memory_space<hbm>>
    tpu.enqueue_dma source(%dma_start3A_50 : memref<5x80xi32, #tpu.memory_space<hbm>>) target(%dma_start3A_43 : memref<5x80xi32, #tpu.memory_space<vmem>>) target_semaphore(%arg13 : memref<!tpu.dma_semaphore, #tpu.memory_space<semaphore_mem>>)
    %scan3A_51 = arith.constant 0 : i32
    %scan3A_52 = arith.constant 0 : i32
    %scan3A_53 = arith.constant 25 : i32
    %scan3A_54 = arith.addi %scan3A_52, %scan3A_53 : i32
    %scan3A_55 = arith.constant 1 : i32
    scf.for %scan3A_141 = %scan3A_52 to %scan3A_54 step %scan3A_55  : i32 {
      %mul3A_142 = arith.constant 2 : i32
      %mul3A_143 = arith.muli %mul3A_142, %scan3A_141 : i32
      %mul3A_144 = arith.constant 2 : i32
      %mul3A_145 = arith.muli %mul3A_144, %scan3A_141 : i32
      %add3A = arith.constant 1 : i32
      %add3A_146 = arith.addi %mul3A_145, %add3A : i32
      %gt3A = arith.constant 0 : i32
      %gt3A_147 = arith.cmpi sgt, %scan3A_141, %gt3A : i32
      %convert_element_type3A_148 = arith.extui %gt3A_147 : i1 to i32
      %cond3A_149 = arith.constant 0 : i32
      %cond3A_150 = arith.cmpi ne, %convert_element_type3A_148, %cond3A_149 : i32
      scf.if %cond3A_150 {
        %dma_wait3A_1165 = arith.constant 1 : i32
        %dma_wait3A_1166 = arith.constant 0 : i32
        %dma_wait3A_1167 = arith.constant 1 : i32
        %dma_wait3A_1168 = arith.constant 0 : i32
        %dma_wait3A_1169 = arith.constant 0 : i32
        %dma_wait3A_1170 = arith.constant 0 : i32
        %dma_wait3A_1171 = tpu.memref_slice %arg11[%dma_wait3A_1165, %dma_wait3A_1166, %dma_wait3A_1169, %dma_wait3A_1170] : memref<2x5x80x64xf32, #tpu.memory_space<vmem>> -> memref<1x1x80x64xf32, #tpu.memory_space<vmem>>
        %dma_wait3A_1172 = tpu.memref_squeeze %dma_wait3A_1171 : memref<1x1x80x64xf32, #tpu.memory_space<vmem>> -> memref<80x64xf32, #tpu.memory_space<vmem>>
        %dma_wait3A_1173 = arith.constant 0 : i32
        %dma_wait3A_1174 = tpu.memref_slice %arg10[%dma_wait3A_1167, %dma_wait3A_1168, %dma_wait3A_1173] : memref<2x5x80xi32, #tpu.memory_space<vmem>> -> memref<1x1x80xi32, #tpu.memory_space<vmem>>
        %dma_wait3A_1175 = tpu.memref_squeeze %dma_wait3A_1174 : memref<1x1x80xi32, #tpu.memory_space<vmem>> -> memref<80xi32, #tpu.memory_space<vmem>>
        %dma_wait3A_1176 = arith.constant 0 : i32
        %dma_wait3A_1177 = arith.constant 0 : i32
        %dma_wait3A_1178 = tpu.memref_slice %arg12[%dma_wait3A_1176, %dma_wait3A_1177] : memref<10240x64xf32, #tpu.memory_space<vmem_shared>> -> memref<10240x64xf32, #tpu.memory_space<vmem_shared>>
        tpu.wait_indirect_dma semaphore(%arg18 : memref<!tpu.dma_semaphore, #tpu.memory_space<semaphore_mem>>) src(%dma_wait3A_1172 : memref<80x64xf32, #tpu.memory_space<vmem>>) dst(%dma_wait3A_1178 : memref<10240x64xf32, #tpu.memory_space<vmem_shared>>)
        %dma_wait3A_1179 = arith.constant 1 : i32
        %dma_wait3A_1180 = arith.constant 1 : i32
        %dma_wait3A_1181 = arith.constant 1 : i32
        %dma_wait3A_1182 = arith.constant 0 : i32
        %dma_wait3A_1183 = arith.constant 0 : i32
        %dma_wait3A_1184 = arith.constant 0 : i32
        %dma_wait3A_1185 = tpu.memref_slice %arg11[%dma_wait3A_1179, %dma_wait3A_1180, %dma_wait3A_1183, %dma_wait3A_1184] : memref<2x5x80x64xf32, #tpu.memory_space<vmem>> -> memref<1x1x80x64xf32, #tpu.memory_space<vmem>>
        %dma_wait3A_1186 = tpu.memref_squeeze %dma_wait3A_1185 : memref<1x1x80x64xf32, #tpu.memory_space<vmem>> -> memref<80x64xf32, #tpu.memory_space<vmem>>
        %dma_wait3A_1187 = arith.constant 0 : i32
        %dma_wait3A_1188 = tpu.memref_slice %arg10[%dma_wait3A_1181, %dma_wait3A_1182, %dma_wait3A_1187] : memref<2x5x80xi32, #tpu.memory_space<vmem>> -> memref<1x1x80xi32, #tpu.memory_space<vmem>>
        %dma_wait3A_1189 = tpu.memref_squeeze %dma_wait3A_1188 : memref<1x1x80xi32, #tpu.memory_space<vmem>> -> memref<80xi32, #tpu.memory_space<vmem>>
        %dma_wait3A_1190 = arith.constant 0 : i32
        %dma_wait3A_1191 = arith.constant 0 : i32
        %dma_wait3A_1192 = tpu.memref_slice %arg12[%dma_wait3A_1190, %dma_wait3A_1191] : memref<10240x64xf32, #tpu.memory_space<vmem_shared>> -> memref<10240x64xf32, #tpu.memory_space<vmem_shared>>
        tpu.wait_indirect_dma semaphore(%arg18 : memref<!tpu.dma_semaphore, #tpu.memory_space<semaphore_mem>>) src(%dma_wait3A_1186 : memref<80x64xf32, #tpu.memory_space<vmem>>) dst(%dma_wait3A_1192 : memref<10240x64xf32, #tpu.memory_space<vmem_shared>>)
        %dma_wait3A_1193 = arith.constant 1 : i32
        %dma_wait3A_1194 = arith.constant 2 : i32
        %dma_wait3A_1195 = arith.constant 1 : i32
        %dma_wait3A_1196 = arith.constant 0 : i32
        %dma_wait3A_1197 = arith.constant 0 : i32
        %dma_wait3A_1198 = arith.constant 0 : i32
        %dma_wait3A_1199 = tpu.memref_slice %arg11[%dma_wait3A_1193, %dma_wait3A_1194, %dma_wait3A_1197, %dma_wait3A_1198] : memref<2x5x80x64xf32, #tpu.memory_space<vmem>> -> memref<1x1x80x64xf32, #tpu.memory_space<vmem>>
        %dma_wait3A_1200 = tpu.memref_squeeze %dma_wait3A_1199 : memref<1x1x80x64xf32, #tpu.memory_space<vmem>> -> memref<80x64xf32, #tpu.memory_space<vmem>>
        %dma_wait3A_1201 = arith.constant 0 : i32
        %dma_wait3A_1202 = tpu.memref_slice %arg10[%dma_wait3A_1195, %dma_wait3A_1196, %dma_wait3A_1201] : memref<2x5x80xi32, #tpu.memory_space<vmem>> -> memref<1x1x80xi32, #tpu.memory_space<vmem>>
        %dma_wait3A_1203 = tpu.memref_squeeze %dma_wait3A_1202 : memref<1x1x80xi32, #tpu.memory_space<vmem>> -> memref<80xi32, #tpu.memory_space<vmem>>
        %dma_wait3A_1204 = arith.constant 0 : i32
        %dma_wait3A_1205 = arith.constant 0 : i32
        %dma_wait3A_1206 = tpu.memref_slice %arg12[%dma_wait3A_1204, %dma_wait3A_1205] : memref<10240x64xf32, #tpu.memory_space<vmem_shared>> -> memref<10240x64xf32, #tpu.memory_space<vmem_shared>>
        tpu.wait_indirect_dma semaphore(%arg18 : memref<!tpu.dma_semaphore, #tpu.memory_space<semaphore_mem>>) src(%dma_wait3A_1200 : memref<80x64xf32, #tpu.memory_space<vmem>>) dst(%dma_wait3A_1206 : memref<10240x64xf32, #tpu.memory_space<vmem_shared>>)
        %dma_wait3A_1207 = arith.constant 1 : i32
        %dma_wait3A_1208 = arith.constant 3 : i32
        %dma_wait3A_1209 = arith.constant 1 : i32
        %dma_wait3A_1210 = arith.constant 0 : i32
        %dma_wait3A_1211 = arith.constant 0 : i32
        %dma_wait3A_1212 = arith.constant 0 : i32
        %dma_wait3A_1213 = tpu.memref_slice %arg11[%dma_wait3A_1207, %dma_wait3A_1208, %dma_wait3A_1211, %dma_wait3A_1212] : memref<2x5x80x64xf32, #tpu.memory_space<vmem>> -> memref<1x1x80x64xf32, #tpu.memory_space<vmem>>
        %dma_wait3A_1214 = tpu.memref_squeeze %dma_wait3A_1213 : memref<1x1x80x64xf32, #tpu.memory_space<vmem>> -> memref<80x64xf32, #tpu.memory_space<vmem>>
        %dma_wait3A_1215 = arith.constant 0 : i32
        %dma_wait3A_1216 = tpu.memref_slice %arg10[%dma_wait3A_1209, %dma_wait3A_1210, %dma_wait3A_1215] : memref<2x5x80xi32, #tpu.memory_space<vmem>> -> memref<1x1x80xi32, #tpu.memory_space<vmem>>
        %dma_wait3A_1217 = tpu.memref_squeeze %dma_wait3A_1216 : memref<1x1x80xi32, #tpu.memory_space<vmem>> -> memref<80xi32, #tpu.memory_space<vmem>>
        %dma_wait3A_1218 = arith.constant 0 : i32
        %dma_wait3A_1219 = arith.constant 0 : i32
        %dma_wait3A_1220 = tpu.memref_slice %arg12[%dma_wait3A_1218, %dma_wait3A_1219] : memref<10240x64xf32, #tpu.memory_space<vmem_shared>> -> memref<10240x64xf32, #tpu.memory_space<vmem_shared>>
        tpu.wait_indirect_dma semaphore(%arg18 : memref<!tpu.dma_semaphore, #tpu.memory_space<semaphore_mem>>) src(%dma_wait3A_1214 : memref<80x64xf32, #tpu.memory_space<vmem>>) dst(%dma_wait3A_1220 : memref<10240x64xf32, #tpu.memory_space<vmem_shared>>)
        %dma_wait3A_1221 = arith.constant 1 : i32
        %dma_wait3A_1222 = arith.constant 4 : i32
        %dma_wait3A_1223 = arith.constant 1 : i32
        %dma_wait3A_1224 = arith.constant 0 : i32
        %dma_wait3A_1225 = arith.constant 0 : i32
        %dma_wait3A_1226 = arith.constant 0 : i32
        %dma_wait3A_1227 = tpu.memref_slice %arg11[%dma_wait3A_1221, %dma_wait3A_1222, %dma_wait3A_1225, %dma_wait3A_1226] : memref<2x5x80x64xf32, #tpu.memory_space<vmem>> -> memref<1x1x80x64xf32, #tpu.memory_space<vmem>>
        %dma_wait3A_1228 = tpu.memref_squeeze %dma_wait3A_1227 : memref<1x1x80x64xf32, #tpu.memory_space<vmem>> -> memref<80x64xf32, #tpu.memory_space<vmem>>
        %dma_wait3A_1229 = arith.constant 0 : i32
        %dma_wait3A_1230 = tpu.memref_slice %arg10[%dma_wait3A_1223, %dma_wait3A_1224, %dma_wait3A_1229] : memref<2x5x80xi32, #tpu.memory_space<vmem>> -> memref<1x1x80xi32, #tpu.memory_space<vmem>>
        %dma_wait3A_1231 = tpu.memref_squeeze %dma_wait3A_1230 : memref<1x1x80xi32, #tpu.memory_space<vmem>> -> memref<80xi32, #tpu.memory_space<vmem>>
        %dma_wait3A_1232 = arith.constant 0 : i32
        %dma_wait3A_1233 = arith.constant 0 : i32
        %dma_wait3A_1234 = tpu.memref_slice %arg12[%dma_wait3A_1232, %dma_wait3A_1233] : memref<10240x64xf32, #tpu.memory_space<vmem_shared>> -> memref<10240x64xf32, #tpu.memory_space<vmem_shared>>
        tpu.wait_indirect_dma semaphore(%arg18 : memref<!tpu.dma_semaphore, #tpu.memory_space<semaphore_mem>>) src(%dma_wait3A_1228 : memref<80x64xf32, #tpu.memory_space<vmem>>) dst(%dma_wait3A_1234 : memref<10240x64xf32, #tpu.memory_space<vmem_shared>>)
      } else {
      }
      %mul3A_151 = arith.constant 5 : i32
      %mul3A_152 = arith.muli %add3A_146, %mul3A_151 : i32
      %dma_start3A_153 = arith.constant 1 : i32
      %dma_start3A_154 = arith.constant 0 : i32
      %dma_start3A_155 = arith.constant 0 : i32
      %dma_start3A_156 = tpu.memref_slice %arg9[%dma_start3A_153, %dma_start3A_154, %dma_start3A_155] : memref<2x5x80xi32, #tpu.memory_space<vmem>> -> memref<1x5x80xi32, #tpu.memory_space<vmem>>
      %dma_start3A_157 = tpu.memref_squeeze %dma_start3A_156 : memref<1x5x80xi32, #tpu.memory_space<vmem>> -> memref<5x80xi32, #tpu.memory_space<vmem>>
      %dma_start3A_158 = arith.constant 0 : i32
      %dma_start3A_159 = arith.constant 0 : i32
      %dma_start3A_160 = tpu.memref_slice %arg3[%arg1, %dma_start3A_158, %dma_start3A_159] : memref<16x250x80xi32, #tpu.memory_space<hbm>> -> memref<1x250x80xi32, #tpu.memory_space<hbm>>
      %dma_start3A_161 = tpu.memref_squeeze %dma_start3A_160 : memref<1x250x80xi32, #tpu.memory_space<hbm>> -> memref<250x80xi32, #tpu.memory_space<hbm>>
      %dma_start3A_162 = arith.constant 0 : i32
      %dma_start3A_163 = tpu.memref_slice %dma_start3A_161[%mul3A_152, %dma_start3A_162] : memref<250x80xi32, #tpu.memory_space<hbm>> -> memref<5x80xi32, #tpu.memory_space<hbm>>
      %dma_start3A_164 = arith.constant 0 : i32
      %dma_start3A_165 = arith.constant 0 : i32
      %dma_start3A_166 = tpu.memref_slice %arg9[%dma_start3A_153, %dma_start3A_164, %dma_start3A_165] : memref<2x5x80xi32, #tpu.memory_space<vmem>> -> memref<1x5x80xi32, #tpu.memory_space<vmem>>
      %dma_start3A_167 = tpu.memref_squeeze %dma_start3A_166 : memref<1x5x80xi32, #tpu.memory_space<vmem>> -> memref<5x80xi32, #tpu.memory_space<vmem>>
      %dma_start3A_168 = arith.constant 0 : i32
      %dma_start3A_169 = arith.constant 0 : i32
      %dma_start3A_170 = tpu.memref_slice %arg3[%arg1, %dma_start3A_168, %dma_start3A_169] : memref<16x250x80xi32, #tpu.memory_space<hbm>> -> memref<1x250x80xi32, #tpu.memory_space<hbm>>
      %dma_start3A_171 = tpu.memref_squeeze %dma_start3A_170 : memref<1x250x80xi32, #tpu.memory_space<hbm>> -> memref<250x80xi32, #tpu.memory_space<hbm>>
      %dma_start3A_172 = arith.constant 0 : i32
      %dma_start3A_173 = tpu.memref_slice %dma_start3A_171[%mul3A_152, %dma_start3A_172] : memref<250x80xi32, #tpu.memory_space<hbm>> -> memref<5x80xi32, #tpu.memory_space<hbm>>
      tpu.enqueue_dma source(%dma_start3A_173 : memref<5x80xi32, #tpu.memory_space<hbm>>) target(%dma_start3A_167 : memref<5x80xi32, #tpu.memory_space<vmem>>) target_semaphore(%arg14 : memref<!tpu.dma_semaphore, #tpu.memory_space<semaphore_mem>>)
      %mul3A_174 = arith.constant 5 : i32
      %mul3A_175 = arith.muli %add3A_146, %mul3A_174 : i32
      %dma_start3A_176 = arith.constant 1 : i32
      %dma_start3A_177 = arith.constant 0 : i32
      %dma_start3A_178 = arith.constant 0 : i32
      %dma_start3A_179 = tpu.memref_slice %arg10[%dma_start3A_176, %dma_start3A_177, %dma_start3A_178] : memref<2x5x80xi32, #tpu.memory_space<vmem>> -> memref<1x5x80xi32, #tpu.memory_space<vmem>>
      %dma_start3A_180 = tpu.memref_squeeze %dma_start3A_179 : memref<1x5x80xi32, #tpu.memory_space<vmem>> -> memref<5x80xi32, #tpu.memory_space<vmem>>
      %dma_start3A_181 = arith.constant 0 : i32
      %dma_start3A_182 = arith.constant 0 : i32
      %dma_start3A_183 = tpu.memref_slice %arg4[%arg1, %dma_start3A_181, %dma_start3A_182] : memref<16x250x80xi32, #tpu.memory_space<hbm>> -> memref<1x250x80xi32, #tpu.memory_space<hbm>>
      %dma_start3A_184 = tpu.memref_squeeze %dma_start3A_183 : memref<1x250x80xi32, #tpu.memory_space<hbm>> -> memref<250x80xi32, #tpu.memory_space<hbm>>
      %dma_start3A_185 = arith.constant 0 : i32
      %dma_start3A_186 = tpu.memref_slice %dma_start3A_184[%mul3A_175, %dma_start3A_185] : memref<250x80xi32, #tpu.memory_space<hbm>> -> memref<5x80xi32, #tpu.memory_space<hbm>>
      %dma_start3A_187 = arith.constant 0 : i32
      %dma_start3A_188 = arith.constant 0 : i32
      %dma_start3A_189 = tpu.memref_slice %arg10[%dma_start3A_176, %dma_start3A_187, %dma_start3A_188] : memref<2x5x80xi32, #tpu.memory_space<vmem>> -> memref<1x5x80xi32, #tpu.memory_space<vmem>>
      %dma_start3A_190 = tpu.memref_squeeze %dma_start3A_189 : memref<1x5x80xi32, #tpu.memory_space<vmem>> -> memref<5x80xi32, #tpu.memory_space<vmem>>
      %dma_start3A_191 = arith.constant 0 : i32
      %dma_start3A_192 = arith.constant 0 : i32
      %dma_start3A_193 = tpu.memref_slice %arg4[%arg1, %dma_start3A_191, %dma_start3A_192] : memref<16x250x80xi32, #tpu.memory_space<hbm>> -> memref<1x250x80xi32, #tpu.memory_space<hbm>>
      %dma_start3A_194 = tpu.memref_squeeze %dma_start3A_193 : memref<1x250x80xi32, #tpu.memory_space<hbm>> -> memref<250x80xi32, #tpu.memory_space<hbm>>
      %dma_start3A_195 = arith.constant 0 : i32
      %dma_start3A_196 = tpu.memref_slice %dma_start3A_194[%mul3A_175, %dma_start3A_195] : memref<250x80xi32, #tpu.memory_space<hbm>> -> memref<5x80xi32, #tpu.memory_space<hbm>>
      tpu.enqueue_dma source(%dma_start3A_196 : memref<5x80xi32, #tpu.memory_space<hbm>>) target(%dma_start3A_190 : memref<5x80xi32, #tpu.memory_space<vmem>>) target_semaphore(%arg14 : memref<!tpu.dma_semaphore, #tpu.memory_space<semaphore_mem>>)
      %dma_wait3A_197 = arith.constant 0 : i32
      %dma_wait3A_198 = arith.constant 0 : i32
      %dma_wait3A_199 = arith.constant 0 : i32
      %dma_wait3A_200 = tpu.memref_slice %arg9[%dma_wait3A_197, %dma_wait3A_198, %dma_wait3A_199] : memref<2x5x80xi32, #tpu.memory_space<vmem>> -> memref<1x5x80xi32, #tpu.memory_space<vmem>>
      %dma_wait3A_201 = tpu.memref_squeeze %dma_wait3A_200 : memref<1x5x80xi32, #tpu.memory_space<vmem>> -> memref<5x80xi32, #tpu.memory_space<vmem>>
      %dma_wait3A_202 = arith.constant 0 : i32
      %dma_wait3A_203 = arith.constant 0 : i32
      %dma_wait3A_204 = tpu.memref_slice %arg3[%arg1, %dma_wait3A_202, %dma_wait3A_203] : memref<16x250x80xi32, #tpu.memory_space<hbm>> -> memref<1x250x80xi32, #tpu.memory_space<hbm>>
      %dma_wait3A_205 = tpu.memref_squeeze %dma_wait3A_204 : memref<1x250x80xi32, #tpu.memory_space<hbm>> -> memref<250x80xi32, #tpu.memory_space<hbm>>
      %dma_wait3A_206 = arith.constant 0 : i32
      %dma_wait3A_207 = arith.constant 0 : i32
      %dma_wait3A_208 = tpu.memref_slice %dma_wait3A_205[%dma_wait3A_206, %dma_wait3A_207] : memref<250x80xi32, #tpu.memory_space<hbm>> -> memref<5x80xi32, #tpu.memory_space<hbm>>
      %dma_wait3A_209 = arith.constant 0 : i32
      %dma_wait3A_210 = arith.constant 0 : i32
      %dma_wait3A_211 = tpu.memref_slice %arg9[%dma_wait3A_197, %dma_wait3A_209, %dma_wait3A_210] : memref<2x5x80xi32, #tpu.memory_space<vmem>> -> memref<1x5x80xi32, #tpu.memory_space<vmem>>
      %dma_wait3A_212 = tpu.memref_squeeze %dma_wait3A_211 : memref<1x5x80xi32, #tpu.memory_space<vmem>> -> memref<5x80xi32, #tpu.memory_space<vmem>>
      %dma_wait3A_213 = arith.constant 0 : i32
      %dma_wait3A_214 = arith.constant 0 : i32
      %dma_wait3A_215 = tpu.memref_slice %arg3[%arg1, %dma_wait3A_213, %dma_wait3A_214] : memref<16x250x80xi32, #tpu.memory_space<hbm>> -> memref<1x250x80xi32, #tpu.memory_space<hbm>>
      %dma_wait3A_216 = tpu.memref_squeeze %dma_wait3A_215 : memref<1x250x80xi32, #tpu.memory_space<hbm>> -> memref<250x80xi32, #tpu.memory_space<hbm>>
      %dma_wait3A_217 = arith.constant 0 : i32
      %dma_wait3A_218 = arith.constant 0 : i32
      %dma_wait3A_219 = tpu.memref_slice %dma_wait3A_216[%dma_wait3A_217, %dma_wait3A_218] : memref<250x80xi32, #tpu.memory_space<hbm>> -> memref<5x80xi32, #tpu.memory_space<hbm>>
      tpu.wait_dma2 semaphore(%arg13 : memref<!tpu.dma_semaphore, #tpu.memory_space<semaphore_mem>>) src(%dma_wait3A_219 : memref<5x80xi32, #tpu.memory_space<hbm>>) dst(%dma_wait3A_212 : memref<5x80xi32, #tpu.memory_space<vmem>>)
      %dma_wait3A_220 = arith.constant 0 : i32
      %dma_wait3A_221 = arith.constant 0 : i32
      %dma_wait3A_222 = arith.constant 0 : i32
      %dma_wait3A_223 = tpu.memref_slice %arg10[%dma_wait3A_220, %dma_wait3A_221, %dma_wait3A_222] : memref<2x5x80xi32, #tpu.memory_space<vmem>> -> memref<1x5x80xi32, #tpu.memory_space<vmem>>
      %dma_wait3A_224 = tpu.memref_squeeze %dma_wait3A_223 : memref<1x5x80xi32, #tpu.memory_space<vmem>> -> memref<5x80xi32, #tpu.memory_space<vmem>>
      %dma_wait3A_225 = arith.constant 0 : i32
      %dma_wait3A_226 = arith.constant 0 : i32
      %dma_wait3A_227 = tpu.memref_slice %arg4[%arg1, %dma_wait3A_225, %dma_wait3A_226] : memref<16x250x80xi32, #tpu.memory_space<hbm>> -> memref<1x250x80xi32, #tpu.memory_space<hbm>>
      %dma_wait3A_228 = tpu.memref_squeeze %dma_wait3A_227 : memref<1x250x80xi32, #tpu.memory_space<hbm>> -> memref<250x80xi32, #tpu.memory_space<hbm>>
      %dma_wait3A_229 = arith.constant 0 : i32
      %dma_wait3A_230 = arith.constant 0 : i32
      %dma_wait3A_231 = tpu.memref_slice %dma_wait3A_228[%dma_wait3A_229, %dma_wait3A_230] : memref<250x80xi32, #tpu.memory_space<hbm>> -> memref<5x80xi32, #tpu.memory_space<hbm>>
      %dma_wait3A_232 = arith.constant 0 : i32
      %dma_wait3A_233 = arith.constant 0 : i32
      %dma_wait3A_234 = tpu.memref_slice %arg10[%dma_wait3A_220, %dma_wait3A_232, %dma_wait3A_233] : memref<2x5x80xi32, #tpu.memory_space<vmem>> -> memref<1x5x80xi32, #tpu.memory_space<vmem>>
      %dma_wait3A_235 = tpu.memref_squeeze %dma_wait3A_234 : memref<1x5x80xi32, #tpu.memory_space<vmem>> -> memref<5x80xi32, #tpu.memory_space<vmem>>
      %dma_wait3A_236 = arith.constant 0 : i32
      %dma_wait3A_237 = arith.constant 0 : i32
      %dma_wait3A_238 = tpu.memref_slice %arg4[%arg1, %dma_wait3A_236, %dma_wait3A_237] : memref<16x250x80xi32, #tpu.memory_space<hbm>> -> memref<1x250x80xi32, #tpu.memory_space<hbm>>
      %dma_wait3A_239 = tpu.memref_squeeze %dma_wait3A_238 : memref<1x250x80xi32, #tpu.memory_space<hbm>> -> memref<250x80xi32, #tpu.memory_space<hbm>>
      %dma_wait3A_240 = arith.constant 0 : i32
      %dma_wait3A_241 = arith.constant 0 : i32
      %dma_wait3A_242 = tpu.memref_slice %dma_wait3A_239[%dma_wait3A_240, %dma_wait3A_241] : memref<250x80xi32, #tpu.memory_space<hbm>> -> memref<5x80xi32, #tpu.memory_space<hbm>>
      tpu.wait_dma2 semaphore(%arg13 : memref<!tpu.dma_semaphore, #tpu.memory_space<semaphore_mem>>) src(%dma_wait3A_242 : memref<5x80xi32, #tpu.memory_space<hbm>>) dst(%dma_wait3A_235 : memref<5x80xi32, #tpu.memory_space<vmem>>)
      %dma_start3A_243 = arith.constant 0 : i32
      %dma_start3A_244 = arith.constant 0 : i32
      %dma_start3A_245 = arith.constant 0 : i32
      %dma_start3A_246 = arith.constant 0 : i32
      %dma_start3A_247 = arith.constant 0 : i32
      %dma_start3A_248 = arith.constant 0 : i32
      %dma_start3A_249 = tpu.memref_slice %arg11[%dma_start3A_245, %dma_start3A_246, %dma_start3A_247, %dma_start3A_248] : memref<2x5x80x64xf32, #tpu.memory_space<vmem>> -> memref<1x1x80x64xf32, #tpu.memory_space<vmem>>
      %dma_start3A_250 = tpu.memref_squeeze %dma_start3A_249 : memref<1x1x80x64xf32, #tpu.memory_space<vmem>> -> memref<80x64xf32, #tpu.memory_space<vmem>>
      %dma_start3A_251 = arith.constant 0 : i32
      %dma_start3A_252 = tpu.memref_slice %arg9[%dma_start3A_243, %dma_start3A_244, %dma_start3A_251] : memref<2x5x80xi32, #tpu.memory_space<vmem>> -> memref<1x1x80xi32, #tpu.memory_space<vmem>>
      %dma_start3A_253 = tpu.memref_squeeze %dma_start3A_252 : memref<1x1x80xi32, #tpu.memory_space<vmem>> -> memref<80xi32, #tpu.memory_space<vmem>>
      %dma_start3A_254 = arith.constant 0 : i32
      %dma_start3A_255 = arith.constant 0 : i32
      %dma_start3A_256 = tpu.memref_slice %arg2[%arg0, %dma_start3A_254, %dma_start3A_255] : memref<2x10000x64xf32, #tpu.memory_space<hbm>> -> memref<1x10000x64xf32, #tpu.memory_space<hbm>>
      %dma_start3A_257 = tpu.memref_squeeze %dma_start3A_256 : memref<1x10000x64xf32, #tpu.memory_space<hbm>> -> memref<10000x64xf32, #tpu.memory_space<hbm>>
      %dma_start3A_258 = arith.constant 0 : i32
      %dma_start3A_259 = arith.constant 0 : i32
      %dma_start3A_260 = tpu.memref_slice %dma_start3A_257[%dma_start3A_258, %dma_start3A_259] : memref<10000x64xf32, #tpu.memory_space<hbm>> -> memref<10000x64xf32, #tpu.memory_space<hbm>>
      tpu.enqueue_indirect_dma source(%dma_start3A_260 : memref<10000x64xf32, #tpu.memory_space<hbm>>) target(%dma_start3A_250 : memref<80x64xf32, #tpu.memory_space<vmem>>) offsets(%dma_start3A_253 : memref<80xi32, #tpu.memory_space<vmem>>) semaphore(%arg15 : memref<!tpu.dma_semaphore, #tpu.memory_space<semaphore_mem>>)
      %dma_start3A_261 = arith.constant 0 : i32
      %dma_start3A_262 = arith.constant 1 : i32
      %dma_start3A_263 = arith.constant 0 : i32
      %dma_start3A_264 = arith.constant 1 : i32
      %dma_start3A_265 = arith.constant 0 : i32
      %dma_start3A_266 = arith.constant 0 : i32
      %dma_start3A_267 = tpu.memref_slice %arg11[%dma_start3A_263, %dma_start3A_264, %dma_start3A_265, %dma_start3A_266] : memref<2x5x80x64xf32, #tpu.memory_space<vmem>> -> memref<1x1x80x64xf32, #tpu.memory_space<vmem>>
      %dma_start3A_268 = tpu.memref_squeeze %dma_start3A_267 : memref<1x1x80x64xf32, #tpu.memory_space<vmem>> -> memref<80x64xf32, #tpu.memory_space<vmem>>
      %dma_start3A_269 = arith.constant 0 : i32
      %dma_start3A_270 = tpu.memref_slice %arg9[%dma_start3A_261, %dma_start3A_262, %dma_start3A_269] : memref<2x5x80xi32, #tpu.memory_space<vmem>> -> memref<1x1x80xi32, #tpu.memory_space<vmem>>
      %dma_start3A_271 = tpu.memref_squeeze %dma_start3A_270 : memref<1x1x80xi32, #tpu.memory_space<vmem>> -> memref<80xi32, #tpu.memory_space<vmem>>
      %dma_start3A_272 = arith.constant 0 : i32
      %dma_start3A_273 = arith.constant 0 : i32
      %dma_start3A_274 = tpu.memref_slice %arg2[%arg0, %dma_start3A_272, %dma_start3A_273] : memref<2x10000x64xf32, #tpu.memory_space<hbm>> -> memref<1x10000x64xf32, #tpu.memory_space<hbm>>
      %dma_start3A_275 = tpu.memref_squeeze %dma_start3A_274 : memref<1x10000x64xf32, #tpu.memory_space<hbm>> -> memref<10000x64xf32, #tpu.memory_space<hbm>>
      %dma_start3A_276 = arith.constant 0 : i32
      %dma_start3A_277 = arith.constant 0 : i32
      %dma_start3A_278 = tpu.memref_slice %dma_start3A_275[%dma_start3A_276, %dma_start3A_277] : memref<10000x64xf32, #tpu.memory_space<hbm>> -> memref<10000x64xf32, #tpu.memory_space<hbm>>
      tpu.enqueue_indirect_dma source(%dma_start3A_278 : memref<10000x64xf32, #tpu.memory_space<hbm>>) target(%dma_start3A_268 : memref<80x64xf32, #tpu.memory_space<vmem>>) offsets(%dma_start3A_271 : memref<80xi32, #tpu.memory_space<vmem>>) semaphore(%arg15 : memref<!tpu.dma_semaphore, #tpu.memory_space<semaphore_mem>>)
      %dma_start3A_279 = arith.constant 0 : i32
      %dma_start3A_280 = arith.constant 2 : i32
      %dma_start3A_281 = arith.constant 0 : i32
      %dma_start3A_282 = arith.constant 2 : i32
      %dma_start3A_283 = arith.constant 0 : i32
      %dma_start3A_284 = arith.constant 0 : i32
      %dma_start3A_285 = tpu.memref_slice %arg11[%dma_start3A_281, %dma_start3A_282, %dma_start3A_283, %dma_start3A_284] : memref<2x5x80x64xf32, #tpu.memory_space<vmem>> -> memref<1x1x80x64xf32, #tpu.memory_space<vmem>>
      %dma_start3A_286 = tpu.memref_squeeze %dma_start3A_285 : memref<1x1x80x64xf32, #tpu.memory_space<vmem>> -> memref<80x64xf32, #tpu.memory_space<vmem>>
      %dma_start3A_287 = arith.constant 0 : i32
      %dma_start3A_288 = tpu.memref_slice %arg9[%dma_start3A_279, %dma_start3A_280, %dma_start3A_287] : memref<2x5x80xi32, #tpu.memory_space<vmem>> -> memref<1x1x80xi32, #tpu.memory_space<vmem>>
      %dma_start3A_289 = tpu.memref_squeeze %dma_start3A_288 : memref<1x1x80xi32, #tpu.memory_space<vmem>> -> memref<80xi32, #tpu.memory_space<vmem>>
      %dma_start3A_290 = arith.constant 0 : i32
      %dma_start3A_291 = arith.constant 0 : i32
      %dma_start3A_292 = tpu.memref_slice %arg2[%arg0, %dma_start3A_290, %dma_start3A_291] : memref<2x10000x64xf32, #tpu.memory_space<hbm>> -> memref<1x10000x64xf32, #tpu.memory_space<hbm>>
      %dma_start3A_293 = tpu.memref_squeeze %dma_start3A_292 : memref<1x10000x64xf32, #tpu.memory_space<hbm>> -> memref<10000x64xf32, #tpu.memory_space<hbm>>
      %dma_start3A_294 = arith.constant 0 : i32
      %dma_start3A_295 = arith.constant 0 : i32
      %dma_start3A_296 = tpu.memref_slice %dma_start3A_293[%dma_start3A_294, %dma_start3A_295] : memref<10000x64xf32, #tpu.memory_space<hbm>> -> memref<10000x64xf32, #tpu.memory_space<hbm>>
      tpu.enqueue_indirect_dma source(%dma_start3A_296 : memref<10000x64xf32, #tpu.memory_space<hbm>>) target(%dma_start3A_286 : memref<80x64xf32, #tpu.memory_space<vmem>>) offsets(%dma_start3A_289 : memref<80xi32, #tpu.memory_space<vmem>>) semaphore(%arg15 : memref<!tpu.dma_semaphore, #tpu.memory_space<semaphore_mem>>)
      %dma_start3A_297 = arith.constant 0 : i32
      %dma_start3A_298 = arith.constant 3 : i32
      %dma_start3A_299 = arith.constant 0 : i32
      %dma_start3A_300 = arith.constant 3 : i32
      %dma_start3A_301 = arith.constant 0 : i32
      %dma_start3A_302 = arith.constant 0 : i32
      %dma_start3A_303 = tpu.memref_slice %arg11[%dma_start3A_299, %dma_start3A_300, %dma_start3A_301, %dma_start3A_302] : memref<2x5x80x64xf32, #tpu.memory_space<vmem>> -> memref<1x1x80x64xf32, #tpu.memory_space<vmem>>
      %dma_start3A_304 = tpu.memref_squeeze %dma_start3A_303 : memref<1x1x80x64xf32, #tpu.memory_space<vmem>> -> memref<80x64xf32, #tpu.memory_space<vmem>>
      %dma_start3A_305 = arith.constant 0 : i32
      %dma_start3A_306 = tpu.memref_slice %arg9[%dma_start3A_297, %dma_start3A_298, %dma_start3A_305] : memref<2x5x80xi32, #tpu.memory_space<vmem>> -> memref<1x1x80xi32, #tpu.memory_space<vmem>>
      %dma_start3A_307 = tpu.memref_squeeze %dma_start3A_306 : memref<1x1x80xi32, #tpu.memory_space<vmem>> -> memref<80xi32, #tpu.memory_space<vmem>>
      %dma_start3A_308 = arith.constant 0 : i32
      %dma_start3A_309 = arith.constant 0 : i32
      %dma_start3A_310 = tpu.memref_slice %arg2[%arg0, %dma_start3A_308, %dma_start3A_309] : memref<2x10000x64xf32, #tpu.memory_space<hbm>> -> memref<1x10000x64xf32, #tpu.memory_space<hbm>>
      %dma_start3A_311 = tpu.memref_squeeze %dma_start3A_310 : memref<1x10000x64xf32, #tpu.memory_space<hbm>> -> memref<10000x64xf32, #tpu.memory_space<hbm>>
      %dma_start3A_312 = arith.constant 0 : i32
      %dma_start3A_313 = arith.constant 0 : i32
      %dma_start3A_314 = tpu.memref_slice %dma_start3A_311[%dma_start3A_312, %dma_start3A_313] : memref<10000x64xf32, #tpu.memory_space<hbm>> -> memref<10000x64xf32, #tpu.memory_space<hbm>>
      tpu.enqueue_indirect_dma source(%dma_start3A_314 : memref<10000x64xf32, #tpu.memory_space<hbm>>) target(%dma_start3A_304 : memref<80x64xf32, #tpu.memory_space<vmem>>) offsets(%dma_start3A_307 : memref<80xi32, #tpu.memory_space<vmem>>) semaphore(%arg15 : memref<!tpu.dma_semaphore, #tpu.memory_space<semaphore_mem>>)
      %dma_start3A_315 = arith.constant 0 : i32
      %dma_start3A_316 = arith.constant 4 : i32
      %dma_start3A_317 = arith.constant 0 : i32
      %dma_start3A_318 = arith.constant 4 : i32
      %dma_start3A_319 = arith.constant 0 : i32
      %dma_start3A_320 = arith.constant 0 : i32
      %dma_start3A_321 = tpu.memref_slice %arg11[%dma_start3A_317, %dma_start3A_318, %dma_start3A_319, %dma_start3A_320] : memref<2x5x80x64xf32, #tpu.memory_space<vmem>> -> memref<1x1x80x64xf32, #tpu.memory_space<vmem>>
      %dma_start3A_322 = tpu.memref_squeeze %dma_start3A_321 : memref<1x1x80x64xf32, #tpu.memory_space<vmem>> -> memref<80x64xf32, #tpu.memory_space<vmem>>
      %dma_start3A_323 = arith.constant 0 : i32
      %dma_start3A_324 = tpu.memref_slice %arg9[%dma_start3A_315, %dma_start3A_316, %dma_start3A_323] : memref<2x5x80xi32, #tpu.memory_space<vmem>> -> memref<1x1x80xi32, #tpu.memory_space<vmem>>
      %dma_start3A_325 = tpu.memref_squeeze %dma_start3A_324 : memref<1x1x80xi32, #tpu.memory_space<vmem>> -> memref<80xi32, #tpu.memory_space<vmem>>
      %dma_start3A_326 = arith.constant 0 : i32
      %dma_start3A_327 = arith.constant 0 : i32
      %dma_start3A_328 = tpu.memref_slice %arg2[%arg0, %dma_start3A_326, %dma_start3A_327] : memref<2x10000x64xf32, #tpu.memory_space<hbm>> -> memref<1x10000x64xf32, #tpu.memory_space<hbm>>
      %dma_start3A_329 = tpu.memref_squeeze %dma_start3A_328 : memref<1x10000x64xf32, #tpu.memory_space<hbm>> -> memref<10000x64xf32, #tpu.memory_space<hbm>>
      %dma_start3A_330 = arith.constant 0 : i32
      %dma_start3A_331 = arith.constant 0 : i32
      %dma_start3A_332 = tpu.memref_slice %dma_start3A_329[%dma_start3A_330, %dma_start3A_331] : memref<10000x64xf32, #tpu.memory_space<hbm>> -> memref<10000x64xf32, #tpu.memory_space<hbm>>
      tpu.enqueue_indirect_dma source(%dma_start3A_332 : memref<10000x64xf32, #tpu.memory_space<hbm>>) target(%dma_start3A_322 : memref<80x64xf32, #tpu.memory_space<vmem>>) offsets(%dma_start3A_325 : memref<80xi32, #tpu.memory_space<vmem>>) semaphore(%arg15 : memref<!tpu.dma_semaphore, #tpu.memory_space<semaphore_mem>>)
      %broadcast_in_dim3A = arith.constant 1.000000e+00 : f32
      %broadcast_in_dim3A_333 = vector.broadcast %broadcast_in_dim3A : f32 to vector<16xf32>
      %get3A = arith.constant 0 : i32
      %get3A_334 = arith.constant 0 : i32
      %get3A_335 = arith.index_cast %get3A : i32 to index
      %get3A_336 = arith.index_cast %get3A_334 : i32 to index
      %get3A_337 = arith.constant 0 : index
      %get3A_338 = tpu.vector_load %arg10[%get3A_335, %get3A_336, %get3A_337] {strides = array<i32>} : memref<2x5x80xi32, #tpu.memory_space<vmem>>, vector<16xi32>,
      tpu.vector_store_idx %arg19[%get3A_338], %broadcast_in_dim3A_333 {add = true} : memref<10240xf32, #tpu.memory_space<vmem>>[vector<16xi32>], vector<16xf32>,
      %get3A_339 = arith.constant 0 : i32
      %get3A_340 = arith.constant 0 : i32
      %get3A_341 = arith.index_cast %get3A_339 : i32 to index
      %get3A_342 = arith.index_cast %get3A_340 : i32 to index
      %get3A_343 = arith.constant 16 : index
      %get3A_344 = tpu.vector_load %arg10[%get3A_341, %get3A_342, %get3A_343] {strides = array<i32>} : memref<2x5x80xi32, #tpu.memory_space<vmem>>, vector<16xi32>,
      tpu.vector_store_idx %arg19[%get3A_344], %broadcast_in_dim3A_333 {add = true} : memref<10240xf32, #tpu.memory_space<vmem>>[vector<16xi32>], vector<16xf32>,
      %get3A_345 = arith.constant 0 : i32
      %get3A_346 = arith.constant 0 : i32
      %get3A_347 = arith.index_cast %get3A_345 : i32 to index
      %get3A_348 = arith.index_cast %get3A_346 : i32 to index
      %get3A_349 = arith.constant 32 : index
      %get3A_350 = tpu.vector_load %arg10[%get3A_347, %get3A_348, %get3A_349] {strides = array<i32>} : memref<2x5x80xi32, #tpu.memory_space<vmem>>, vector<16xi32>,
      tpu.vector_store_idx %arg19[%get3A_350], %broadcast_in_dim3A_333 {add = true} : memref<10240xf32, #tpu.memory_space<vmem>>[vector<16xi32>], vector<16xf32>,
      %get3A_351 = arith.constant 0 : i32
      %get3A_352 = arith.constant 0 : i32
      %get3A_353 = arith.index_cast %get3A_351 : i32 to index
      %get3A_354 = arith.index_cast %get3A_352 : i32 to index
      %get3A_355 = arith.constant 48 : index
      %get3A_356 = tpu.vector_load %arg10[%get3A_353, %get3A_354, %get3A_355] {strides = array<i32>} : memref<2x5x80xi32, #tpu.memory_space<vmem>>, vector<16xi32>,
      tpu.vector_store_idx %arg19[%get3A_356], %broadcast_in_dim3A_333 {add = true} : memref<10240xf32, #tpu.memory_space<vmem>>[vector<16xi32>], vector<16xf32>,
      %get3A_357 = arith.constant 0 : i32
      %get3A_358 = arith.constant 0 : i32
      %get3A_359 = arith.index_cast %get3A_357 : i32 to index
      %get3A_360 = arith.index_cast %get3A_358 : i32 to index
      %get3A_361 = arith.constant 64 : index
      %get3A_362 = tpu.vector_load %arg10[%get3A_359, %get3A_360, %get3A_361] {strides = array<i32>} : memref<2x5x80xi32, #tpu.memory_space<vmem>>, vector<16xi32>,
      tpu.vector_store_idx %arg19[%get3A_362], %broadcast_in_dim3A_333 {add = true} : memref<10240xf32, #tpu.memory_space<vmem>>[vector<16xi32>], vector<16xf32>,
      %get3A_363 = arith.constant 0 : i32
      %get3A_364 = arith.constant 1 : i32
      %get3A_365 = arith.index_cast %get3A_363 : i32 to index
      %get3A_366 = arith.index_cast %get3A_364 : i32 to index
      %get3A_367 = arith.constant 0 : index
      %get3A_368 = tpu.vector_load %arg10[%get3A_365, %get3A_366, %get3A_367] {strides = array<i32>} : memref<2x5x80xi32, #tpu.memory_space<vmem>>, vector<16xi32>,
      tpu.vector_store_idx %arg19[%get3A_368], %broadcast_in_dim3A_333 {add = true} : memref<10240xf32, #tpu.memory_space<vmem>>[vector<16xi32>], vector<16xf32>,
      %get3A_369 = arith.constant 0 : i32
      %get3A_370 = arith.constant 1 : i32
      %get3A_371 = arith.index_cast %get3A_369 : i32 to index
      %get3A_372 = arith.index_cast %get3A_370 : i32 to index
      %get3A_373 = arith.constant 16 : index
      %get3A_374 = tpu.vector_load %arg10[%get3A_371, %get3A_372, %get3A_373] {strides = array<i32>} : memref<2x5x80xi32, #tpu.memory_space<vmem>>, vector<16xi32>,
      tpu.vector_store_idx %arg19[%get3A_374], %broadcast_in_dim3A_333 {add = true} : memref<10240xf32, #tpu.memory_space<vmem>>[vector<16xi32>], vector<16xf32>,
      %get3A_375 = arith.constant 0 : i32
      %get3A_376 = arith.constant 1 : i32
      %get3A_377 = arith.index_cast %get3A_375 : i32 to index
      %get3A_378 = arith.index_cast %get3A_376 : i32 to index
      %get3A_379 = arith.constant 32 : index
      %get3A_380 = tpu.vector_load %arg10[%get3A_377, %get3A_378, %get3A_379] {strides = array<i32>} : memref<2x5x80xi32, #tpu.memory_space<vmem>>, vector<16xi32>,
      tpu.vector_store_idx %arg19[%get3A_380], %broadcast_in_dim3A_333 {add = true} : memref<10240xf32, #tpu.memory_space<vmem>>[vector<16xi32>], vector<16xf32>,
      %get3A_381 = arith.constant 0 : i32
      %get3A_382 = arith.constant 1 : i32
      %get3A_383 = arith.index_cast %get3A_381 : i32 to index
      %get3A_384 = arith.index_cast %get3A_382 : i32 to index
      %get3A_385 = arith.constant 48 : index
      %get3A_386 = tpu.vector_load %arg10[%get3A_383, %get3A_384, %get3A_385] {strides = array<i32>} : memref<2x5x80xi32, #tpu.memory_space<vmem>>, vector<16xi32>,
      tpu.vector_store_idx %arg19[%get3A_386], %broadcast_in_dim3A_333 {add = true} : memref<10240xf32, #tpu.memory_space<vmem>>[vector<16xi32>], vector<16xf32>,
      %get3A_387 = arith.constant 0 : i32
      %get3A_388 = arith.constant 1 : i32
      %get3A_389 = arith.index_cast %get3A_387 : i32 to index
      %get3A_390 = arith.index_cast %get3A_388 : i32 to index
      %get3A_391 = arith.constant 64 : index
      %get3A_392 = tpu.vector_load %arg10[%get3A_389, %get3A_390, %get3A_391] {strides = array<i32>} : memref<2x5x80xi32, #tpu.memory_space<vmem>>, vector<16xi32>,
      tpu.vector_store_idx %arg19[%get3A_392], %broadcast_in_dim3A_333 {add = true} : memref<10240xf32, #tpu.memory_space<vmem>>[vector<16xi32>], vector<16xf32>,
      %get3A_393 = arith.constant 0 : i32
      %get3A_394 = arith.constant 2 : i32
      %get3A_395 = arith.index_cast %get3A_393 : i32 to index
      %get3A_396 = arith.index_cast %get3A_394 : i32 to index
      %get3A_397 = arith.constant 0 : index
      %get3A_398 = tpu.vector_load %arg10[%get3A_395, %get3A_396, %get3A_397] {strides = array<i32>} : memref<2x5x80xi32, #tpu.memory_space<vmem>>, vector<16xi32>,
      tpu.vector_store_idx %arg19[%get3A_398], %broadcast_in_dim3A_333 {add = true} : memref<10240xf32, #tpu.memory_space<vmem>>[vector<16xi32>], vector<16xf32>,
      %get3A_399 = arith.constant 0 : i32
      %get3A_400 = arith.constant 2 : i32
      %get3A_401 = arith.index_cast %get3A_399 : i32 to index
      %get3A_402 = arith.index_cast %get3A_400 : i32 to index
      %get3A_403 = arith.constant 16 : index
      %get3A_404 = tpu.vector_load %arg10[%get3A_401, %get3A_402, %get3A_403] {strides = array<i32>} : memref<2x5x80xi32, #tpu.memory_space<vmem>>, vector<16xi32>,
      tpu.vector_store_idx %arg19[%get3A_404], %broadcast_in_dim3A_333 {add = true} : memref<10240xf32, #tpu.memory_space<vmem>>[vector<16xi32>], vector<16xf32>,
      %get3A_405 = arith.constant 0 : i32
      %get3A_406 = arith.constant 2 : i32
      %get3A_407 = arith.index_cast %get3A_405 : i32 to index
      %get3A_408 = arith.index_cast %get3A_406 : i32 to index
      %get3A_409 = arith.constant 32 : index
      %get3A_410 = tpu.vector_load %arg10[%get3A_407, %get3A_408, %get3A_409] {strides = array<i32>} : memref<2x5x80xi32, #tpu.memory_space<vmem>>, vector<16xi32>,
      tpu.vector_store_idx %arg19[%get3A_410], %broadcast_in_dim3A_333 {add = true} : memref<10240xf32, #tpu.memory_space<vmem>>[vector<16xi32>], vector<16xf32>,
      %get3A_411 = arith.constant 0 : i32
      %get3A_412 = arith.constant 2 : i32
      %get3A_413 = arith.index_cast %get3A_411 : i32 to index
      %get3A_414 = arith.index_cast %get3A_412 : i32 to index
      %get3A_415 = arith.constant 48 : index
      %get3A_416 = tpu.vector_load %arg10[%get3A_413, %get3A_414, %get3A_415] {strides = array<i32>} : memref<2x5x80xi32, #tpu.memory_space<vmem>>, vector<16xi32>,
      tpu.vector_store_idx %arg19[%get3A_416], %broadcast_in_dim3A_333 {add = true} : memref<10240xf32, #tpu.memory_space<vmem>>[vector<16xi32>], vector<16xf32>,
      %get3A_417 = arith.constant 0 : i32
      %get3A_418 = arith.constant 2 : i32
      %get3A_419 = arith.index_cast %get3A_417 : i32 to index
      %get3A_420 = arith.index_cast %get3A_418 : i32 to index
      %get3A_421 = arith.constant 64 : index
      %get3A_422 = tpu.vector_load %arg10[%get3A_419, %get3A_420, %get3A_421] {strides = array<i32>} : memref<2x5x80xi32, #tpu.memory_space<vmem>>, vector<16xi32>,
      tpu.vector_store_idx %arg19[%get3A_422], %broadcast_in_dim3A_333 {add = true} : memref<10240xf32, #tpu.memory_space<vmem>>[vector<16xi32>], vector<16xf32>,
      %get3A_423 = arith.constant 0 : i32
      %get3A_424 = arith.constant 3 : i32
      %get3A_425 = arith.index_cast %get3A_423 : i32 to index
      %get3A_426 = arith.index_cast %get3A_424 : i32 to index
      %get3A_427 = arith.constant 0 : index
      %get3A_428 = tpu.vector_load %arg10[%get3A_425, %get3A_426, %get3A_427] {strides = array<i32>} : memref<2x5x80xi32, #tpu.memory_space<vmem>>, vector<16xi32>,
      tpu.vector_store_idx %arg19[%get3A_428], %broadcast_in_dim3A_333 {add = true} : memref<10240xf32, #tpu.memory_space<vmem>>[vector<16xi32>], vector<16xf32>,
      %get3A_429 = arith.constant 0 : i32
      %get3A_430 = arith.constant 3 : i32
      %get3A_431 = arith.index_cast %get3A_429 : i32 to index
      %get3A_432 = arith.index_cast %get3A_430 : i32 to index
      %get3A_433 = arith.constant 16 : index
      %get3A_434 = tpu.vector_load %arg10[%get3A_431, %get3A_432, %get3A_433] {strides = array<i32>} : memref<2x5x80xi32, #tpu.memory_space<vmem>>, vector<16xi32>,
      tpu.vector_store_idx %arg19[%get3A_434], %broadcast_in_dim3A_333 {add = true} : memref<10240xf32, #tpu.memory_space<vmem>>[vector<16xi32>], vector<16xf32>,
      %get3A_435 = arith.constant 0 : i32
      %get3A_436 = arith.constant 3 : i32
      %get3A_437 = arith.index_cast %get3A_435 : i32 to index
      %get3A_438 = arith.index_cast %get3A_436 : i32 to index
      %get3A_439 = arith.constant 32 : index
      %get3A_440 = tpu.vector_load %arg10[%get3A_437, %get3A_438, %get3A_439] {strides = array<i32>} : memref<2x5x80xi32, #tpu.memory_space<vmem>>, vector<16xi32>,
      tpu.vector_store_idx %arg19[%get3A_440], %broadcast_in_dim3A_333 {add = true} : memref<10240xf32, #tpu.memory_space<vmem>>[vector<16xi32>], vector<16xf32>,
      %get3A_441 = arith.constant 0 : i32
      %get3A_442 = arith.constant 3 : i32
      %get3A_443 = arith.index_cast %get3A_441 : i32 to index
      %get3A_444 = arith.index_cast %get3A_442 : i32 to index
      %get3A_445 = arith.constant 48 : index
      %get3A_446 = tpu.vector_load %arg10[%get3A_443, %get3A_444, %get3A_445] {strides = array<i32>} : memref<2x5x80xi32, #tpu.memory_space<vmem>>, vector<16xi32>,
      tpu.vector_store_idx %arg19[%get3A_446], %broadcast_in_dim3A_333 {add = true} : memref<10240xf32, #tpu.memory_space<vmem>>[vector<16xi32>], vector<16xf32>,
      %get3A_447 = arith.constant 0 : i32
      %get3A_448 = arith.constant 3 : i32
      %get3A_449 = arith.index_cast %get3A_447 : i32 to index
      %get3A_450 = arith.index_cast %get3A_448 : i32 to index
      %get3A_451 = arith.constant 64 : index
      %get3A_452 = tpu.vector_load %arg10[%get3A_449, %get3A_450, %get3A_451] {strides = array<i32>} : memref<2x5x80xi32, #tpu.memory_space<vmem>>, vector<16xi32>,
      tpu.vector_store_idx %arg19[%get3A_452], %broadcast_in_dim3A_333 {add = true} : memref<10240xf32, #tpu.memory_space<vmem>>[vector<16xi32>], vector<16xf32>,
      %get3A_453 = arith.constant 0 : i32
      %get3A_454 = arith.constant 4 : i32
      %get3A_455 = arith.index_cast %get3A_453 : i32 to index
      %get3A_456 = arith.index_cast %get3A_454 : i32 to index
      %get3A_457 = arith.constant 0 : index
      %get3A_458 = tpu.vector_load %arg10[%get3A_455, %get3A_456, %get3A_457] {strides = array<i32>} : memref<2x5x80xi32, #tpu.memory_space<vmem>>, vector<16xi32>,
      tpu.vector_store_idx %arg19[%get3A_458], %broadcast_in_dim3A_333 {add = true} : memref<10240xf32, #tpu.memory_space<vmem>>[vector<16xi32>], vector<16xf32>,
      %get3A_459 = arith.constant 0 : i32
      %get3A_460 = arith.constant 4 : i32
      %get3A_461 = arith.index_cast %get3A_459 : i32 to index
      %get3A_462 = arith.index_cast %get3A_460 : i32 to index
      %get3A_463 = arith.constant 16 : index
      %get3A_464 = tpu.vector_load %arg10[%get3A_461, %get3A_462, %get3A_463] {strides = array<i32>} : memref<2x5x80xi32, #tpu.memory_space<vmem>>, vector<16xi32>,
      tpu.vector_store_idx %arg19[%get3A_464], %broadcast_in_dim3A_333 {add = true} : memref<10240xf32, #tpu.memory_space<vmem>>[vector<16xi32>], vector<16xf32>,
      %get3A_465 = arith.constant 0 : i32
      %get3A_466 = arith.constant 4 : i32
      %get3A_467 = arith.index_cast %get3A_465 : i32 to index
      %get3A_468 = arith.index_cast %get3A_466 : i32 to index
      %get3A_469 = arith.constant 32 : index
      %get3A_470 = tpu.vector_load %arg10[%get3A_467, %get3A_468, %get3A_469] {strides = array<i32>} : memref<2x5x80xi32, #tpu.memory_space<vmem>>, vector<16xi32>,
      tpu.vector_store_idx %arg19[%get3A_470], %broadcast_in_dim3A_333 {add = true} : memref<10240xf32, #tpu.memory_space<vmem>>[vector<16xi32>], vector<16xf32>,
      %get3A_471 = arith.constant 0 : i32
      %get3A_472 = arith.constant 4 : i32
      %get3A_473 = arith.index_cast %get3A_471 : i32 to index
      %get3A_474 = arith.index_cast %get3A_472 : i32 to index
      %get3A_475 = arith.constant 48 : index
      %get3A_476 = tpu.vector_load %arg10[%get3A_473, %get3A_474, %get3A_475] {strides = array<i32>} : memref<2x5x80xi32, #tpu.memory_space<vmem>>, vector<16xi32>,
      tpu.vector_store_idx %arg19[%get3A_476], %broadcast_in_dim3A_333 {add = true} : memref<10240xf32, #tpu.memory_space<vmem>>[vector<16xi32>], vector<16xf32>,
      %get3A_477 = arith.constant 0 : i32
      %get3A_478 = arith.constant 4 : i32
      %get3A_479 = arith.index_cast %get3A_477 : i32 to index
      %get3A_480 = arith.index_cast %get3A_478 : i32 to index
      %get3A_481 = arith.constant 64 : index
      %get3A_482 = tpu.vector_load %arg10[%get3A_479, %get3A_480, %get3A_481] {strides = array<i32>} : memref<2x5x80xi32, #tpu.memory_space<vmem>>, vector<16xi32>,
      tpu.vector_store_idx %arg19[%get3A_482], %broadcast_in_dim3A_333 {add = true} : memref<10240xf32, #tpu.memory_space<vmem>>[vector<16xi32>], vector<16xf32>,
      %dma_wait3A_483 = arith.constant 0 : i32
      %dma_wait3A_484 = arith.constant 0 : i32
      %dma_wait3A_485 = arith.constant 0 : i32
      %dma_wait3A_486 = arith.constant 0 : i32
      %dma_wait3A_487 = arith.constant 0 : i32
      %dma_wait3A_488 = arith.constant 0 : i32
      %dma_wait3A_489 = tpu.memref_slice %arg11[%dma_wait3A_485, %dma_wait3A_486, %dma_wait3A_487, %dma_wait3A_488] : memref<2x5x80x64xf32, #tpu.memory_space<vmem>> -> memref<1x1x80x64xf32, #tpu.memory_space<vmem>>
      %dma_wait3A_490 = tpu.memref_squeeze %dma_wait3A_489 : memref<1x1x80x64xf32, #tpu.memory_space<vmem>> -> memref<80x64xf32, #tpu.memory_space<vmem>>
      %dma_wait3A_491 = arith.constant 0 : i32
      %dma_wait3A_492 = tpu.memref_slice %arg9[%dma_wait3A_483, %dma_wait3A_484, %dma_wait3A_491] : memref<2x5x80xi32, #tpu.memory_space<vmem>> -> memref<1x1x80xi32, #tpu.memory_space<vmem>>
      %dma_wait3A_493 = tpu.memref_squeeze %dma_wait3A_492 : memref<1x1x80xi32, #tpu.memory_space<vmem>> -> memref<80xi32, #tpu.memory_space<vmem>>
      %dma_wait3A_494 = arith.constant 0 : i32
      %dma_wait3A_495 = arith.constant 0 : i32
      %dma_wait3A_496 = tpu.memref_slice %arg2[%arg0, %dma_wait3A_494, %dma_wait3A_495] : memref<2x10000x64xf32, #tpu.memory_space<hbm>> -> memref<1x10000x64xf32, #tpu.memory_space<hbm>>
      %dma_wait3A_497 = tpu.memref_squeeze %dma_wait3A_496 : memref<1x10000x64xf32, #tpu.memory_space<hbm>> -> memref<10000x64xf32, #tpu.memory_space<hbm>>
      %dma_wait3A_498 = arith.constant 0 : i32
      %dma_wait3A_499 = arith.constant 0 : i32
      %dma_wait3A_500 = tpu.memref_slice %dma_wait3A_497[%dma_wait3A_498, %dma_wait3A_499] : memref<10000x64xf32, #tpu.memory_space<hbm>> -> memref<10000x64xf32, #tpu.memory_space<hbm>>
      tpu.wait_indirect_dma semaphore(%arg15 : memref<!tpu.dma_semaphore, #tpu.memory_space<semaphore_mem>>) src(%dma_wait3A_500 : memref<10000x64xf32, #tpu.memory_space<hbm>>) dst(%dma_wait3A_490 : memref<80x64xf32, #tpu.memory_space<vmem>>)
      %dma_wait3A_501 = arith.constant 0 : i32
      %dma_wait3A_502 = arith.constant 0 : i32
      %dma_wait3A_503 = arith.constant 0 : i32
      %dma_wait3A_504 = arith.constant 1 : i32
      %dma_wait3A_505 = arith.constant 0 : i32
      %dma_wait3A_506 = arith.constant 0 : i32
      %dma_wait3A_507 = tpu.memref_slice %arg11[%dma_wait3A_503, %dma_wait3A_504, %dma_wait3A_505, %dma_wait3A_506] : memref<2x5x80x64xf32, #tpu.memory_space<vmem>> -> memref<1x1x80x64xf32, #tpu.memory_space<vmem>>
      %dma_wait3A_508 = tpu.memref_squeeze %dma_wait3A_507 : memref<1x1x80x64xf32, #tpu.memory_space<vmem>> -> memref<80x64xf32, #tpu.memory_space<vmem>>
      %dma_wait3A_509 = arith.constant 0 : i32
      %dma_wait3A_510 = tpu.memref_slice %arg9[%dma_wait3A_501, %dma_wait3A_502, %dma_wait3A_509] : memref<2x5x80xi32, #tpu.memory_space<vmem>> -> memref<1x1x80xi32, #tpu.memory_space<vmem>>
      %dma_wait3A_511 = tpu.memref_squeeze %dma_wait3A_510 : memref<1x1x80xi32, #tpu.memory_space<vmem>> -> memref<80xi32, #tpu.memory_space<vmem>>
      %dma_wait3A_512 = arith.constant 0 : i32
      %dma_wait3A_513 = arith.constant 0 : i32
      %dma_wait3A_514 = tpu.memref_slice %arg2[%arg0, %dma_wait3A_512, %dma_wait3A_513] : memref<2x10000x64xf32, #tpu.memory_space<hbm>> -> memref<1x10000x64xf32, #tpu.memory_space<hbm>>
      %dma_wait3A_515 = tpu.memref_squeeze %dma_wait3A_514 : memref<1x10000x64xf32, #tpu.memory_space<hbm>> -> memref<10000x64xf32, #tpu.memory_space<hbm>>
      %dma_wait3A_516 = arith.constant 0 : i32
      %dma_wait3A_517 = arith.constant 0 : i32
      %dma_wait3A_518 = tpu.memref_slice %dma_wait3A_515[%dma_wait3A_516, %dma_wait3A_517] : memref<10000x64xf32, #tpu.memory_space<hbm>> -> memref<10000x64xf32, #tpu.memory_space<hbm>>
      tpu.wait_indirect_dma semaphore(%arg15 : memref<!tpu.dma_semaphore, #tpu.memory_space<semaphore_mem>>) src(%dma_wait3A_518 : memref<10000x64xf32, #tpu.memory_space<hbm>>) dst(%dma_wait3A_508 : memref<80x64xf32, #tpu.memory_space<vmem>>)
      %dma_wait3A_519 = arith.constant 0 : i32
      %dma_wait3A_520 = arith.constant 0 : i32
      %dma_wait3A_521 = arith.constant 0 : i32
      %dma_wait3A_522 = arith.constant 2 : i32
      %dma_wait3A_523 = arith.constant 0 : i32
      %dma_wait3A_524 = arith.constant 0 : i32
      %dma_wait3A_525 = tpu.memref_slice %arg11[%dma_wait3A_521, %dma_wait3A_522, %dma_wait3A_523, %dma_wait3A_524] : memref<2x5x80x64xf32, #tpu.memory_space<vmem>> -> memref<1x1x80x64xf32, #tpu.memory_space<vmem>>
      %dma_wait3A_526 = tpu.memref_squeeze %dma_wait3A_525 : memref<1x1x80x64xf32, #tpu.memory_space<vmem>> -> memref<80x64xf32, #tpu.memory_space<vmem>>
      %dma_wait3A_527 = arith.constant 0 : i32
      %dma_wait3A_528 = tpu.memref_slice %arg9[%dma_wait3A_519, %dma_wait3A_520, %dma_wait3A_527] : memref<2x5x80xi32, #tpu.memory_space<vmem>> -> memref<1x1x80xi32, #tpu.memory_space<vmem>>
      %dma_wait3A_529 = tpu.memref_squeeze %dma_wait3A_528 : memref<1x1x80xi32, #tpu.memory_space<vmem>> -> memref<80xi32, #tpu.memory_space<vmem>>
      %dma_wait3A_530 = arith.constant 0 : i32
      %dma_wait3A_531 = arith.constant 0 : i32
      %dma_wait3A_532 = tpu.memref_slice %arg2[%arg0, %dma_wait3A_530, %dma_wait3A_531] : memref<2x10000x64xf32, #tpu.memory_space<hbm>> -> memref<1x10000x64xf32, #tpu.memory_space<hbm>>
      %dma_wait3A_533 = tpu.memref_squeeze %dma_wait3A_532 : memref<1x10000x64xf32, #tpu.memory_space<hbm>> -> memref<10000x64xf32, #tpu.memory_space<hbm>>
      %dma_wait3A_534 = arith.constant 0 : i32
      %dma_wait3A_535 = arith.constant 0 : i32
      %dma_wait3A_536 = tpu.memref_slice %dma_wait3A_533[%dma_wait3A_534, %dma_wait3A_535] : memref<10000x64xf32, #tpu.memory_space<hbm>> -> memref<10000x64xf32, #tpu.memory_space<hbm>>
      tpu.wait_indirect_dma semaphore(%arg15 : memref<!tpu.dma_semaphore, #tpu.memory_space<semaphore_mem>>) src(%dma_wait3A_536 : memref<10000x64xf32, #tpu.memory_space<hbm>>) dst(%dma_wait3A_526 : memref<80x64xf32, #tpu.memory_space<vmem>>)
      %dma_wait3A_537 = arith.constant 0 : i32
      %dma_wait3A_538 = arith.constant 0 : i32
      %dma_wait3A_539 = arith.constant 0 : i32
      %dma_wait3A_540 = arith.constant 3 : i32
      %dma_wait3A_541 = arith.constant 0 : i32
      %dma_wait3A_542 = arith.constant 0 : i32
      %dma_wait3A_543 = tpu.memref_slice %arg11[%dma_wait3A_539, %dma_wait3A_540, %dma_wait3A_541, %dma_wait3A_542] : memref<2x5x80x64xf32, #tpu.memory_space<vmem>> -> memref<1x1x80x64xf32, #tpu.memory_space<vmem>>
      %dma_wait3A_544 = tpu.memref_squeeze %dma_wait3A_543 : memref<1x1x80x64xf32, #tpu.memory_space<vmem>> -> memref<80x64xf32, #tpu.memory_space<vmem>>
      %dma_wait3A_545 = arith.constant 0 : i32
      %dma_wait3A_546 = tpu.memref_slice %arg9[%dma_wait3A_537, %dma_wait3A_538, %dma_wait3A_545] : memref<2x5x80xi32, #tpu.memory_space<vmem>> -> memref<1x1x80xi32, #tpu.memory_space<vmem>>
      %dma_wait3A_547 = tpu.memref_squeeze %dma_wait3A_546 : memref<1x1x80xi32, #tpu.memory_space<vmem>> -> memref<80xi32, #tpu.memory_space<vmem>>
      %dma_wait3A_548 = arith.constant 0 : i32
      %dma_wait3A_549 = arith.constant 0 : i32
      %dma_wait3A_550 = tpu.memref_slice %arg2[%arg0, %dma_wait3A_548, %dma_wait3A_549] : memref<2x10000x64xf32, #tpu.memory_space<hbm>> -> memref<1x10000x64xf32, #tpu.memory_space<hbm>>
      %dma_wait3A_551 = tpu.memref_squeeze %dma_wait3A_550 : memref<1x10000x64xf32, #tpu.memory_space<hbm>> -> memref<10000x64xf32, #tpu.memory_space<hbm>>
      %dma_wait3A_552 = arith.constant 0 : i32
      %dma_wait3A_553 = arith.constant 0 : i32
      %dma_wait3A_554 = tpu.memref_slice %dma_wait3A_551[%dma_wait3A_552, %dma_wait3A_553] : memref<10000x64xf32, #tpu.memory_space<hbm>> -> memref<10000x64xf32, #tpu.memory_space<hbm>>
      tpu.wait_indirect_dma semaphore(%arg15 : memref<!tpu.dma_semaphore, #tpu.memory_space<semaphore_mem>>) src(%dma_wait3A_554 : memref<10000x64xf32, #tpu.memory_space<hbm>>) dst(%dma_wait3A_544 : memref<80x64xf32, #tpu.memory_space<vmem>>)
      %dma_wait3A_555 = arith.constant 0 : i32
      %dma_wait3A_556 = arith.constant 0 : i32
      %dma_wait3A_557 = arith.constant 0 : i32
      %dma_wait3A_558 = arith.constant 4 : i32
      %dma_wait3A_559 = arith.constant 0 : i32
      %dma_wait3A_560 = arith.constant 0 : i32
      %dma_wait3A_561 = tpu.memref_slice %arg11[%dma_wait3A_557, %dma_wait3A_558, %dma_wait3A_559, %dma_wait3A_560] : memref<2x5x80x64xf32, #tpu.memory_space<vmem>> -> memref<1x1x80x64xf32, #tpu.memory_space<vmem>>
      %dma_wait3A_562 = tpu.memref_squeeze %dma_wait3A_561 : memref<1x1x80x64xf32, #tpu.memory_space<vmem>> -> memref<80x64xf32, #tpu.memory_space<vmem>>
      %dma_wait3A_563 = arith.constant 0 : i32
      %dma_wait3A_564 = tpu.memref_slice %arg9[%dma_wait3A_555, %dma_wait3A_556, %dma_wait3A_563] : memref<2x5x80xi32, #tpu.memory_space<vmem>> -> memref<1x1x80xi32, #tpu.memory_space<vmem>>
      %dma_wait3A_565 = tpu.memref_squeeze %dma_wait3A_564 : memref<1x1x80xi32, #tpu.memory_space<vmem>> -> memref<80xi32, #tpu.memory_space<vmem>>
      %dma_wait3A_566 = arith.constant 0 : i32
      %dma_wait3A_567 = arith.constant 0 : i32
      %dma_wait3A_568 = tpu.memref_slice %arg2[%arg0, %dma_wait3A_566, %dma_wait3A_567] : memref<2x10000x64xf32, #tpu.memory_space<hbm>> -> memref<1x10000x64xf32, #tpu.memory_space<hbm>>
      %dma_wait3A_569 = tpu.memref_squeeze %dma_wait3A_568 : memref<1x10000x64xf32, #tpu.memory_space<hbm>> -> memref<10000x64xf32, #tpu.memory_space<hbm>>
      %dma_wait3A_570 = arith.constant 0 : i32
      %dma_wait3A_571 = arith.constant 0 : i32
      %dma_wait3A_572 = tpu.memref_slice %dma_wait3A_569[%dma_wait3A_570, %dma_wait3A_571] : memref<10000x64xf32, #tpu.memory_space<hbm>> -> memref<10000x64xf32, #tpu.memory_space<hbm>>
      tpu.wait_indirect_dma semaphore(%arg15 : memref<!tpu.dma_semaphore, #tpu.memory_space<semaphore_mem>>) src(%dma_wait3A_572 : memref<10000x64xf32, #tpu.memory_space<hbm>>) dst(%dma_wait3A_562 : memref<80x64xf32, #tpu.memory_space<vmem>>)
      %dma_start3A_573 = arith.constant 0 : i32
      %dma_start3A_574 = arith.constant 0 : i32
      %dma_start3A_575 = arith.constant 0 : i32
      %dma_start3A_576 = arith.constant 0 : i32
      %dma_start3A_577 = arith.constant 0 : i32
      %dma_start3A_578 = arith.constant 0 : i32
      %dma_start3A_579 = tpu.memref_slice %arg11[%dma_start3A_573, %dma_start3A_574, %dma_start3A_577, %dma_start3A_578] : memref<2x5x80x64xf32, #tpu.memory_space<vmem>> -> memref<1x1x80x64xf32, #tpu.memory_space<vmem>>
      %dma_start3A_580 = tpu.memref_squeeze %dma_start3A_579 : memref<1x1x80x64xf32, #tpu.memory_space<vmem>> -> memref<80x64xf32, #tpu.memory_space<vmem>>
      %dma_start3A_581 = arith.constant 0 : i32
      %dma_start3A_582 = tpu.memref_slice %arg10[%dma_start3A_575, %dma_start3A_576, %dma_start3A_581] : memref<2x5x80xi32, #tpu.memory_space<vmem>> -> memref<1x1x80xi32, #tpu.memory_space<vmem>>
      %dma_start3A_583 = tpu.memref_squeeze %dma_start3A_582 : memref<1x1x80xi32, #tpu.memory_space<vmem>> -> memref<80xi32, #tpu.memory_space<vmem>>
      %dma_start3A_584 = arith.constant 0 : i32
      %dma_start3A_585 = arith.constant 0 : i32
      %dma_start3A_586 = tpu.memref_slice %arg12[%dma_start3A_584, %dma_start3A_585] : memref<10240x64xf32, #tpu.memory_space<vmem_shared>> -> memref<10240x64xf32, #tpu.memory_space<vmem_shared>>
      tpu.enqueue_indirect_dma source(%dma_start3A_580 : memref<80x64xf32, #tpu.memory_space<vmem>>) target(%dma_start3A_586 : memref<10240x64xf32, #tpu.memory_space<vmem_shared>>) offsets(%dma_start3A_583 : memref<80xi32, #tpu.memory_space<vmem>>) semaphore(%arg17 : memref<!tpu.dma_semaphore, #tpu.memory_space<semaphore_mem>>) {add = true}
      %dma_start3A_587 = arith.constant 0 : i32
      %dma_start3A_588 = arith.constant 1 : i32
      %dma_start3A_589 = arith.constant 0 : i32
      %dma_start3A_590 = arith.constant 1 : i32
      %dma_start3A_591 = arith.constant 0 : i32
      %dma_start3A_592 = arith.constant 0 : i32
      %dma_start3A_593 = tpu.memref_slice %arg11[%dma_start3A_587, %dma_start3A_588, %dma_start3A_591, %dma_start3A_592] : memref<2x5x80x64xf32, #tpu.memory_space<vmem>> -> memref<1x1x80x64xf32, #tpu.memory_space<vmem>>
      %dma_start3A_594 = tpu.memref_squeeze %dma_start3A_593 : memref<1x1x80x64xf32, #tpu.memory_space<vmem>> -> memref<80x64xf32, #tpu.memory_space<vmem>>
      %dma_start3A_595 = arith.constant 0 : i32
      %dma_start3A_596 = tpu.memref_slice %arg10[%dma_start3A_589, %dma_start3A_590, %dma_start3A_595] : memref<2x5x80xi32, #tpu.memory_space<vmem>> -> memref<1x1x80xi32, #tpu.memory_space<vmem>>
      %dma_start3A_597 = tpu.memref_squeeze %dma_start3A_596 : memref<1x1x80xi32, #tpu.memory_space<vmem>> -> memref<80xi32, #tpu.memory_space<vmem>>
      %dma_start3A_598 = arith.constant 0 : i32
      %dma_start3A_599 = arith.constant 0 : i32
      %dma_start3A_600 = tpu.memref_slice %arg12[%dma_start3A_598, %dma_start3A_599] : memref<10240x64xf32, #tpu.memory_space<vmem_shared>> -> memref<10240x64xf32, #tpu.memory_space<vmem_shared>>
      tpu.enqueue_indirect_dma source(%dma_start3A_594 : memref<80x64xf32, #tpu.memory_space<vmem>>) target(%dma_start3A_600 : memref<10240x64xf32, #tpu.memory_space<vmem_shared>>) offsets(%dma_start3A_597 : memref<80xi32, #tpu.memory_space<vmem>>) semaphore(%arg17 : memref<!tpu.dma_semaphore, #tpu.memory_space<semaphore_mem>>) {add = true}
      %dma_start3A_601 = arith.constant 0 : i32
      %dma_start3A_602 = arith.constant 2 : i32
      %dma_start3A_603 = arith.constant 0 : i32
      %dma_start3A_604 = arith.constant 2 : i32
      %dma_start3A_605 = arith.constant 0 : i32
      %dma_start3A_606 = arith.constant 0 : i32
      %dma_start3A_607 = tpu.memref_slice %arg11[%dma_start3A_601, %dma_start3A_602, %dma_start3A_605, %dma_start3A_606] : memref<2x5x80x64xf32, #tpu.memory_space<vmem>> -> memref<1x1x80x64xf32, #tpu.memory_space<vmem>>
      %dma_start3A_608 = tpu.memref_squeeze %dma_start3A_607 : memref<1x1x80x64xf32, #tpu.memory_space<vmem>> -> memref<80x64xf32, #tpu.memory_space<vmem>>
      %dma_start3A_609 = arith.constant 0 : i32
      %dma_start3A_610 = tpu.memref_slice %arg10[%dma_start3A_603, %dma_start3A_604, %dma_start3A_609] : memref<2x5x80xi32, #tpu.memory_space<vmem>> -> memref<1x1x80xi32, #tpu.memory_space<vmem>>
      %dma_start3A_611 = tpu.memref_squeeze %dma_start3A_610 : memref<1x1x80xi32, #tpu.memory_space<vmem>> -> memref<80xi32, #tpu.memory_space<vmem>>
      %dma_start3A_612 = arith.constant 0 : i32
      %dma_start3A_613 = arith.constant 0 : i32
      %dma_start3A_614 = tpu.memref_slice %arg12[%dma_start3A_612, %dma_start3A_613] : memref<10240x64xf32, #tpu.memory_space<vmem_shared>> -> memref<10240x64xf32, #tpu.memory_space<vmem_shared>>
      tpu.enqueue_indirect_dma source(%dma_start3A_608 : memref<80x64xf32, #tpu.memory_space<vmem>>) target(%dma_start3A_614 : memref<10240x64xf32, #tpu.memory_space<vmem_shared>>) offsets(%dma_start3A_611 : memref<80xi32, #tpu.memory_space<vmem>>) semaphore(%arg17 : memref<!tpu.dma_semaphore, #tpu.memory_space<semaphore_mem>>) {add = true}
      %dma_start3A_615 = arith.constant 0 : i32
      %dma_start3A_616 = arith.constant 3 : i32
      %dma_start3A_617 = arith.constant 0 : i32
      %dma_start3A_618 = arith.constant 3 : i32
      %dma_start3A_619 = arith.constant 0 : i32
      %dma_start3A_620 = arith.constant 0 : i32
      %dma_start3A_621 = tpu.memref_slice %arg11[%dma_start3A_615, %dma_start3A_616, %dma_start3A_619, %dma_start3A_620] : memref<2x5x80x64xf32, #tpu.memory_space<vmem>> -> memref<1x1x80x64xf32, #tpu.memory_space<vmem>>
      %dma_start3A_622 = tpu.memref_squeeze %dma_start3A_621 : memref<1x1x80x64xf32, #tpu.memory_space<vmem>> -> memref<80x64xf32, #tpu.memory_space<vmem>>
      %dma_start3A_623 = arith.constant 0 : i32
      %dma_start3A_624 = tpu.memref_slice %arg10[%dma_start3A_617, %dma_start3A_618, %dma_start3A_623] : memref<2x5x80xi32, #tpu.memory_space<vmem>> -> memref<1x1x80xi32, #tpu.memory_space<vmem>>
      %dma_start3A_625 = tpu.memref_squeeze %dma_start3A_624 : memref<1x1x80xi32, #tpu.memory_space<vmem>> -> memref<80xi32, #tpu.memory_space<vmem>>
      %dma_start3A_626 = arith.constant 0 : i32
      %dma_start3A_627 = arith.constant 0 : i32
      %dma_start3A_628 = tpu.memref_slice %arg12[%dma_start3A_626, %dma_start3A_627] : memref<10240x64xf32, #tpu.memory_space<vmem_shared>> -> memref<10240x64xf32, #tpu.memory_space<vmem_shared>>
      tpu.enqueue_indirect_dma source(%dma_start3A_622 : memref<80x64xf32, #tpu.memory_space<vmem>>) target(%dma_start3A_628 : memref<10240x64xf32, #tpu.memory_space<vmem_shared>>) offsets(%dma_start3A_625 : memref<80xi32, #tpu.memory_space<vmem>>) semaphore(%arg17 : memref<!tpu.dma_semaphore, #tpu.memory_space<semaphore_mem>>) {add = true}
      %dma_start3A_629 = arith.constant 0 : i32
      %dma_start3A_630 = arith.constant 4 : i32
      %dma_start3A_631 = arith.constant 0 : i32
      %dma_start3A_632 = arith.constant 4 : i32
      %dma_start3A_633 = arith.constant 0 : i32
      %dma_start3A_634 = arith.constant 0 : i32
      %dma_start3A_635 = tpu.memref_slice %arg11[%dma_start3A_629, %dma_start3A_630, %dma_start3A_633, %dma_start3A_634] : memref<2x5x80x64xf32, #tpu.memory_space<vmem>> -> memref<1x1x80x64xf32, #tpu.memory_space<vmem>>
      %dma_start3A_636 = tpu.memref_squeeze %dma_start3A_635 : memref<1x1x80x64xf32, #tpu.memory_space<vmem>> -> memref<80x64xf32, #tpu.memory_space<vmem>>
      %dma_start3A_637 = arith.constant 0 : i32
      %dma_start3A_638 = tpu.memref_slice %arg10[%dma_start3A_631, %dma_start3A_632, %dma_start3A_637] : memref<2x5x80xi32, #tpu.memory_space<vmem>> -> memref<1x1x80xi32, #tpu.memory_space<vmem>>
      %dma_start3A_639 = tpu.memref_squeeze %dma_start3A_638 : memref<1x1x80xi32, #tpu.memory_space<vmem>> -> memref<80xi32, #tpu.memory_space<vmem>>
      %dma_start3A_640 = arith.constant 0 : i32
      %dma_start3A_641 = arith.constant 0 : i32
      %dma_start3A_642 = tpu.memref_slice %arg12[%dma_start3A_640, %dma_start3A_641] : memref<10240x64xf32, #tpu.memory_space<vmem_shared>> -> memref<10240x64xf32, #tpu.memory_space<vmem_shared>>
      tpu.enqueue_indirect_dma source(%dma_start3A_636 : memref<80x64xf32, #tpu.memory_space<vmem>>) target(%dma_start3A_642 : memref<10240x64xf32, #tpu.memory_space<vmem_shared>>) offsets(%dma_start3A_639 : memref<80xi32, #tpu.memory_space<vmem>>) semaphore(%arg17 : memref<!tpu.dma_semaphore, #tpu.memory_space<semaphore_mem>>) {add = true}
      %dma_wait3A_643 = arith.constant 1 : i32
      %dma_wait3A_644 = arith.constant 0 : i32
      %dma_wait3A_645 = arith.constant 0 : i32
      %dma_wait3A_646 = tpu.memref_slice %arg9[%dma_wait3A_643, %dma_wait3A_644, %dma_wait3A_645] : memref<2x5x80xi32, #tpu.memory_space<vmem>> -> memref<1x5x80xi32, #tpu.memory_space<vmem>>
      %dma_wait3A_647 = tpu.memref_squeeze %dma_wait3A_646 : memref<1x5x80xi32, #tpu.memory_space<vmem>> -> memref<5x80xi32, #tpu.memory_space<vmem>>
      %dma_wait3A_648 = arith.constant 0 : i32
      %dma_wait3A_649 = arith.constant 0 : i32
      %dma_wait3A_650 = tpu.memref_slice %arg3[%arg1, %dma_wait3A_648, %dma_wait3A_649] : memref<16x250x80xi32, #tpu.memory_space<hbm>> -> memref<1x250x80xi32, #tpu.memory_space<hbm>>
      %dma_wait3A_651 = tpu.memref_squeeze %dma_wait3A_650 : memref<1x250x80xi32, #tpu.memory_space<hbm>> -> memref<250x80xi32, #tpu.memory_space<hbm>>
      %dma_wait3A_652 = arith.constant 0 : i32
      %dma_wait3A_653 = arith.constant 0 : i32
      %dma_wait3A_654 = tpu.memref_slice %dma_wait3A_651[%dma_wait3A_652, %dma_wait3A_653] : memref<250x80xi32, #tpu.memory_space<hbm>> -> memref<5x80xi32, #tpu.memory_space<hbm>>
      %dma_wait3A_655 = arith.constant 0 : i32
      %dma_wait3A_656 = arith.constant 0 : i32
      %dma_wait3A_657 = tpu.memref_slice %arg9[%dma_wait3A_643, %dma_wait3A_655, %dma_wait3A_656] : memref<2x5x80xi32, #tpu.memory_space<vmem>> -> memref<1x5x80xi32, #tpu.memory_space<vmem>>
      %dma_wait3A_658 = tpu.memref_squeeze %dma_wait3A_657 : memref<1x5x80xi32, #tpu.memory_space<vmem>> -> memref<5x80xi32, #tpu.memory_space<vmem>>
      %dma_wait3A_659 = arith.constant 0 : i32
      %dma_wait3A_660 = arith.constant 0 : i32
      %dma_wait3A_661 = tpu.memref_slice %arg3[%arg1, %dma_wait3A_659, %dma_wait3A_660] : memref<16x250x80xi32, #tpu.memory_space<hbm>> -> memref<1x250x80xi32, #tpu.memory_space<hbm>>
      %dma_wait3A_662 = tpu.memref_squeeze %dma_wait3A_661 : memref<1x250x80xi32, #tpu.memory_space<hbm>> -> memref<250x80xi32, #tpu.memory_space<hbm>>
      %dma_wait3A_663 = arith.constant 0 : i32
      %dma_wait3A_664 = arith.constant 0 : i32
      %dma_wait3A_665 = tpu.memref_slice %dma_wait3A_662[%dma_wait3A_663, %dma_wait3A_664] : memref<250x80xi32, #tpu.memory_space<hbm>> -> memref<5x80xi32, #tpu.memory_space<hbm>>
      tpu.wait_dma2 semaphore(%arg14 : memref<!tpu.dma_semaphore, #tpu.memory_space<semaphore_mem>>) src(%dma_wait3A_665 : memref<5x80xi32, #tpu.memory_space<hbm>>) dst(%dma_wait3A_658 : memref<5x80xi32, #tpu.memory_space<vmem>>)
      %dma_wait3A_666 = arith.constant 1 : i32
      %dma_wait3A_667 = arith.constant 0 : i32
      %dma_wait3A_668 = arith.constant 0 : i32
      %dma_wait3A_669 = tpu.memref_slice %arg10[%dma_wait3A_666, %dma_wait3A_667, %dma_wait3A_668] : memref<2x5x80xi32, #tpu.memory_space<vmem>> -> memref<1x5x80xi32, #tpu.memory_space<vmem>>
      %dma_wait3A_670 = tpu.memref_squeeze %dma_wait3A_669 : memref<1x5x80xi32, #tpu.memory_space<vmem>> -> memref<5x80xi32, #tpu.memory_space<vmem>>
      %dma_wait3A_671 = arith.constant 0 : i32
      %dma_wait3A_672 = arith.constant 0 : i32
      %dma_wait3A_673 = tpu.memref_slice %arg4[%arg1, %dma_wait3A_671, %dma_wait3A_672] : memref<16x250x80xi32, #tpu.memory_space<hbm>> -> memref<1x250x80xi32, #tpu.memory_space<hbm>>
      %dma_wait3A_674 = tpu.memref_squeeze %dma_wait3A_673 : memref<1x250x80xi32, #tpu.memory_space<hbm>> -> memref<250x80xi32, #tpu.memory_space<hbm>>
      %dma_wait3A_675 = arith.constant 0 : i32
      %dma_wait3A_676 = arith.constant 0 : i32
      %dma_wait3A_677 = tpu.memref_slice %dma_wait3A_674[%dma_wait3A_675, %dma_wait3A_676] : memref<250x80xi32, #tpu.memory_space<hbm>> -> memref<5x80xi32, #tpu.memory_space<hbm>>
      %dma_wait3A_678 = arith.constant 0 : i32
      %dma_wait3A_679 = arith.constant 0 : i32
      %dma_wait3A_680 = tpu.memref_slice %arg10[%dma_wait3A_666, %dma_wait3A_678, %dma_wait3A_679] : memref<2x5x80xi32, #tpu.memory_space<vmem>> -> memref<1x5x80xi32, #tpu.memory_space<vmem>>
      %dma_wait3A_681 = tpu.memref_squeeze %dma_wait3A_680 : memref<1x5x80xi32, #tpu.memory_space<vmem>> -> memref<5x80xi32, #tpu.memory_space<vmem>>
      %dma_wait3A_682 = arith.constant 0 : i32
      %dma_wait3A_683 = arith.constant 0 : i32
      %dma_wait3A_684 = tpu.memref_slice %arg4[%arg1, %dma_wait3A_682, %dma_wait3A_683] : memref<16x250x80xi32, #tpu.memory_space<hbm>> -> memref<1x250x80xi32, #tpu.memory_space<hbm>>
      %dma_wait3A_685 = tpu.memref_squeeze %dma_wait3A_684 : memref<1x250x80xi32, #tpu.memory_space<hbm>> -> memref<250x80xi32, #tpu.memory_space<hbm>>
      %dma_wait3A_686 = arith.constant 0 : i32
      %dma_wait3A_687 = arith.constant 0 : i32
      %dma_wait3A_688 = tpu.memref_slice %dma_wait3A_685[%dma_wait3A_686, %dma_wait3A_687] : memref<250x80xi32, #tpu.memory_space<hbm>> -> memref<5x80xi32, #tpu.memory_space<hbm>>
      tpu.wait_dma2 semaphore(%arg14 : memref<!tpu.dma_semaphore, #tpu.memory_space<semaphore_mem>>) src(%dma_wait3A_688 : memref<5x80xi32, #tpu.memory_space<hbm>>) dst(%dma_wait3A_681 : memref<5x80xi32, #tpu.memory_space<vmem>>)
      %dma_start3A_689 = arith.constant 1 : i32
      %dma_start3A_690 = arith.constant 0 : i32
      %dma_start3A_691 = arith.constant 1 : i32
      %dma_start3A_692 = arith.constant 0 : i32
      %dma_start3A_693 = arith.constant 0 : i32
      %dma_start3A_694 = arith.constant 0 : i32
      %dma_start3A_695 = tpu.memref_slice %arg11[%dma_start3A_691, %dma_start3A_692, %dma_start3A_693, %dma_start3A_694] : memref<2x5x80x64xf32, #tpu.memory_space<vmem>> -> memref<1x1x80x64xf32, #tpu.memory_space<vmem>>
      %dma_start3A_696 = tpu.memref_squeeze %dma_start3A_695 : memref<1x1x80x64xf32, #tpu.memory_space<vmem>> -> memref<80x64xf32, #tpu.memory_space<vmem>>
      %dma_start3A_697 = arith.constant 0 : i32
      %dma_start3A_698 = tpu.memref_slice %arg9[%dma_start3A_689, %dma_start3A_690, %dma_start3A_697] : memref<2x5x80xi32, #tpu.memory_space<vmem>> -> memref<1x1x80xi32, #tpu.memory_space<vmem>>
      %dma_start3A_699 = tpu.memref_squeeze %dma_start3A_698 : memref<1x1x80xi32, #tpu.memory_space<vmem>> -> memref<80xi32, #tpu.memory_space<vmem>>
      %dma_start3A_700 = arith.constant 0 : i32
      %dma_start3A_701 = arith.constant 0 : i32
      %dma_start3A_702 = tpu.memref_slice %arg2[%arg0, %dma_start3A_700, %dma_start3A_701] : memref<2x10000x64xf32, #tpu.memory_space<hbm>> -> memref<1x10000x64xf32, #tpu.memory_space<hbm>>
      %dma_start3A_703 = tpu.memref_squeeze %dma_start3A_702 : memref<1x10000x64xf32, #tpu.memory_space<hbm>> -> memref<10000x64xf32, #tpu.memory_space<hbm>>
      %dma_start3A_704 = arith.constant 0 : i32
      %dma_start3A_705 = arith.constant 0 : i32
      %dma_start3A_706 = tpu.memref_slice %dma_start3A_703[%dma_start3A_704, %dma_start3A_705] : memref<10000x64xf32, #tpu.memory_space<hbm>> -> memref<10000x64xf32, #tpu.memory_space<hbm>>
      tpu.enqueue_indirect_dma source(%dma_start3A_706 : memref<10000x64xf32, #tpu.memory_space<hbm>>) target(%dma_start3A_696 : memref<80x64xf32, #tpu.memory_space<vmem>>) offsets(%dma_start3A_699 : memref<80xi32, #tpu.memory_space<vmem>>) semaphore(%arg16 : memref<!tpu.dma_semaphore, #tpu.memory_space<semaphore_mem>>)
      %dma_start3A_707 = arith.constant 1 : i32
      %dma_start3A_708 = arith.constant 1 : i32
      %dma_start3A_709 = arith.constant 1 : i32
      %dma_start3A_710 = arith.constant 1 : i32
      %dma_start3A_711 = arith.constant 0 : i32
      %dma_start3A_712 = arith.constant 0 : i32
      %dma_start3A_713 = tpu.memref_slice %arg11[%dma_start3A_709, %dma_start3A_710, %dma_start3A_711, %dma_start3A_712] : memref<2x5x80x64xf32, #tpu.memory_space<vmem>> -> memref<1x1x80x64xf32, #tpu.memory_space<vmem>>
      %dma_start3A_714 = tpu.memref_squeeze %dma_start3A_713 : memref<1x1x80x64xf32, #tpu.memory_space<vmem>> -> memref<80x64xf32, #tpu.memory_space<vmem>>
      %dma_start3A_715 = arith.constant 0 : i32
      %dma_start3A_716 = tpu.memref_slice %arg9[%dma_start3A_707, %dma_start3A_708, %dma_start3A_715] : memref<2x5x80xi32, #tpu.memory_space<vmem>> -> memref<1x1x80xi32, #tpu.memory_space<vmem>>
      %dma_start3A_717 = tpu.memref_squeeze %dma_start3A_716 : memref<1x1x80xi32, #tpu.memory_space<vmem>> -> memref<80xi32, #tpu.memory_space<vmem>>
      %dma_start3A_718 = arith.constant 0 : i32
      %dma_start3A_719 = arith.constant 0 : i32
      %dma_start3A_720 = tpu.memref_slice %arg2[%arg0, %dma_start3A_718, %dma_start3A_719] : memref<2x10000x64xf32, #tpu.memory_space<hbm>> -> memref<1x10000x64xf32, #tpu.memory_space<hbm>>
      %dma_start3A_721 = tpu.memref_squeeze %dma_start3A_720 : memref<1x10000x64xf32, #tpu.memory_space<hbm>> -> memref<10000x64xf32, #tpu.memory_space<hbm>>
      %dma_start3A_722 = arith.constant 0 : i32
      %dma_start3A_723 = arith.constant 0 : i32
      %dma_start3A_724 = tpu.memref_slice %dma_start3A_721[%dma_start3A_722, %dma_start3A_723] : memref<10000x64xf32, #tpu.memory_space<hbm>> -> memref<10000x64xf32, #tpu.memory_space<hbm>>
      tpu.enqueue_indirect_dma source(%dma_start3A_724 : memref<10000x64xf32, #tpu.memory_space<hbm>>) target(%dma_start3A_714 : memref<80x64xf32, #tpu.memory_space<vmem>>) offsets(%dma_start3A_717 : memref<80xi32, #tpu.memory_space<vmem>>) semaphore(%arg16 : memref<!tpu.dma_semaphore, #tpu.memory_space<semaphore_mem>>)
      %dma_start3A_725 = arith.constant 1 : i32
      %dma_start3A_726 = arith.constant 2 : i32
      %dma_start3A_727 = arith.constant 1 : i32
      %dma_start3A_728 = arith.constant 2 : i32
      %dma_start3A_729 = arith.constant 0 : i32
      %dma_start3A_730 = arith.constant 0 : i32
      %dma_start3A_731 = tpu.memref_slice %arg11[%dma_start3A_727, %dma_start3A_728, %dma_start3A_729, %dma_start3A_730] : memref<2x5x80x64xf32, #tpu.memory_space<vmem>> -> memref<1x1x80x64xf32, #tpu.memory_space<vmem>>
      %dma_start3A_732 = tpu.memref_squeeze %dma_start3A_731 : memref<1x1x80x64xf32, #tpu.memory_space<vmem>> -> memref<80x64xf32, #tpu.memory_space<vmem>>
      %dma_start3A_733 = arith.constant 0 : i32
      %dma_start3A_734 = tpu.memref_slice %arg9[%dma_start3A_725, %dma_start3A_726, %dma_start3A_733] : memref<2x5x80xi32, #tpu.memory_space<vmem>> -> memref<1x1x80xi32, #tpu.memory_space<vmem>>
      %dma_start3A_735 = tpu.memref_squeeze %dma_start3A_734 : memref<1x1x80xi32, #tpu.memory_space<vmem>> -> memref<80xi32, #tpu.memory_space<vmem>>
      %dma_start3A_736 = arith.constant 0 : i32
      %dma_start3A_737 = arith.constant 0 : i32
      %dma_start3A_738 = tpu.memref_slice %arg2[%arg0, %dma_start3A_736, %dma_start3A_737] : memref<2x10000x64xf32, #tpu.memory_space<hbm>> -> memref<1x10000x64xf32, #tpu.memory_space<hbm>>
      %dma_start3A_739 = tpu.memref_squeeze %dma_start3A_738 : memref<1x10000x64xf32, #tpu.memory_space<hbm>> -> memref<10000x64xf32, #tpu.memory_space<hbm>>
      %dma_start3A_740 = arith.constant 0 : i32
      %dma_start3A_741 = arith.constant 0 : i32
      %dma_start3A_742 = tpu.memref_slice %dma_start3A_739[%dma_start3A_740, %dma_start3A_741] : memref<10000x64xf32, #tpu.memory_space<hbm>> -> memref<10000x64xf32, #tpu.memory_space<hbm>>
      tpu.enqueue_indirect_dma source(%dma_start3A_742 : memref<10000x64xf32, #tpu.memory_space<hbm>>) target(%dma_start3A_732 : memref<80x64xf32, #tpu.memory_space<vmem>>) offsets(%dma_start3A_735 : memref<80xi32, #tpu.memory_space<vmem>>) semaphore(%arg16 : memref<!tpu.dma_semaphore, #tpu.memory_space<semaphore_mem>>)
      %dma_start3A_743 = arith.constant 1 : i32
      %dma_start3A_744 = arith.constant 3 : i32
      %dma_start3A_745 = arith.constant 1 : i32
      %dma_start3A_746 = arith.constant 3 : i32
      %dma_start3A_747 = arith.constant 0 : i32
      %dma_start3A_748 = arith.constant 0 : i32
      %dma_start3A_749 = tpu.memref_slice %arg11[%dma_start3A_745, %dma_start3A_746, %dma_start3A_747, %dma_start3A_748] : memref<2x5x80x64xf32, #tpu.memory_space<vmem>> -> memref<1x1x80x64xf32, #tpu.memory_space<vmem>>
      %dma_start3A_750 = tpu.memref_squeeze %dma_start3A_749 : memref<1x1x80x64xf32, #tpu.memory_space<vmem>> -> memref<80x64xf32, #tpu.memory_space<vmem>>
      %dma_start3A_751 = arith.constant 0 : i32
      %dma_start3A_752 = tpu.memref_slice %arg9[%dma_start3A_743, %dma_start3A_744, %dma_start3A_751] : memref<2x5x80xi32, #tpu.memory_space<vmem>> -> memref<1x1x80xi32, #tpu.memory_space<vmem>>
      %dma_start3A_753 = tpu.memref_squeeze %dma_start3A_752 : memref<1x1x80xi32, #tpu.memory_space<vmem>> -> memref<80xi32, #tpu.memory_space<vmem>>
      %dma_start3A_754 = arith.constant 0 : i32
      %dma_start3A_755 = arith.constant 0 : i32
      %dma_start3A_756 = tpu.memref_slice %arg2[%arg0, %dma_start3A_754, %dma_start3A_755] : memref<2x10000x64xf32, #tpu.memory_space<hbm>> -> memref<1x10000x64xf32, #tpu.memory_space<hbm>>
      %dma_start3A_757 = tpu.memref_squeeze %dma_start3A_756 : memref<1x10000x64xf32, #tpu.memory_space<hbm>> -> memref<10000x64xf32, #tpu.memory_space<hbm>>
      %dma_start3A_758 = arith.constant 0 : i32
      %dma_start3A_759 = arith.constant 0 : i32
      %dma_start3A_760 = tpu.memref_slice %dma_start3A_757[%dma_start3A_758, %dma_start3A_759] : memref<10000x64xf32, #tpu.memory_space<hbm>> -> memref<10000x64xf32, #tpu.memory_space<hbm>>
      tpu.enqueue_indirect_dma source(%dma_start3A_760 : memref<10000x64xf32, #tpu.memory_space<hbm>>) target(%dma_start3A_750 : memref<80x64xf32, #tpu.memory_space<vmem>>) offsets(%dma_start3A_753 : memref<80xi32, #tpu.memory_space<vmem>>) semaphore(%arg16 : memref<!tpu.dma_semaphore, #tpu.memory_space<semaphore_mem>>)
      %dma_start3A_761 = arith.constant 1 : i32
      %dma_start3A_762 = arith.constant 4 : i32
      %dma_start3A_763 = arith.constant 1 : i32
      %dma_start3A_764 = arith.constant 4 : i32
      %dma_start3A_765 = arith.constant 0 : i32
      %dma_start3A_766 = arith.constant 0 : i32
      %dma_start3A_767 = tpu.memref_slice %arg11[%dma_start3A_763, %dma_start3A_764, %dma_start3A_765, %dma_start3A_766] : memref<2x5x80x64xf32, #tpu.memory_space<vmem>> -> memref<1x1x80x64xf32, #tpu.memory_space<vmem>>
      %dma_start3A_768 = tpu.memref_squeeze %dma_start3A_767 : memref<1x1x80x64xf32, #tpu.memory_space<vmem>> -> memref<80x64xf32, #tpu.memory_space<vmem>>
      %dma_start3A_769 = arith.constant 0 : i32
      %dma_start3A_770 = tpu.memref_slice %arg9[%dma_start3A_761, %dma_start3A_762, %dma_start3A_769] : memref<2x5x80xi32, #tpu.memory_space<vmem>> -> memref<1x1x80xi32, #tpu.memory_space<vmem>>
      %dma_start3A_771 = tpu.memref_squeeze %dma_start3A_770 : memref<1x1x80xi32, #tpu.memory_space<vmem>> -> memref<80xi32, #tpu.memory_space<vmem>>
      %dma_start3A_772 = arith.constant 0 : i32
      %dma_start3A_773 = arith.constant 0 : i32
      %dma_start3A_774 = tpu.memref_slice %arg2[%arg0, %dma_start3A_772, %dma_start3A_773] : memref<2x10000x64xf32, #tpu.memory_space<hbm>> -> memref<1x10000x64xf32, #tpu.memory_space<hbm>>
      %dma_start3A_775 = tpu.memref_squeeze %dma_start3A_774 : memref<1x10000x64xf32, #tpu.memory_space<hbm>> -> memref<10000x64xf32, #tpu.memory_space<hbm>>
      %dma_start3A_776 = arith.constant 0 : i32
      %dma_start3A_777 = arith.constant 0 : i32
      %dma_start3A_778 = tpu.memref_slice %dma_start3A_775[%dma_start3A_776, %dma_start3A_777] : memref<10000x64xf32, #tpu.memory_space<hbm>> -> memref<10000x64xf32, #tpu.memory_space<hbm>>
      tpu.enqueue_indirect_dma source(%dma_start3A_778 : memref<10000x64xf32, #tpu.memory_space<hbm>>) target(%dma_start3A_768 : memref<80x64xf32, #tpu.memory_space<vmem>>) offsets(%dma_start3A_771 : memref<80xi32, #tpu.memory_space<vmem>>) semaphore(%arg16 : memref<!tpu.dma_semaphore, #tpu.memory_space<semaphore_mem>>)
      %broadcast_in_dim3A_779 = arith.constant 1.000000e+00 : f32
      %broadcast_in_dim3A_780 = vector.broadcast %broadcast_in_dim3A_779 : f32 to vector<16xf32>
      %get3A_781 = arith.constant 1 : i32
      %get3A_782 = arith.constant 0 : i32
      %get3A_783 = arith.index_cast %get3A_781 : i32 to index
      %get3A_784 = arith.index_cast %get3A_782 : i32 to index
      %get3A_785 = arith.constant 0 : index
      %get3A_786 = tpu.vector_load %arg10[%get3A_783, %get3A_784, %get3A_785] {strides = array<i32>} : memref<2x5x80xi32, #tpu.memory_space<vmem>>, vector<16xi32>,
      tpu.vector_store_idx %arg19[%get3A_786], %broadcast_in_dim3A_780 {add = true} : memref<10240xf32, #tpu.memory_space<vmem>>[vector<16xi32>], vector<16xf32>,
      %get3A_787 = arith.constant 1 : i32
      %get3A_788 = arith.constant 0 : i32
      %get3A_789 = arith.index_cast %get3A_787 : i32 to index
      %get3A_790 = arith.index_cast %get3A_788 : i32 to index
      %get3A_791 = arith.constant 16 : index
      %get3A_792 = tpu.vector_load %arg10[%get3A_789, %get3A_790, %get3A_791] {strides = array<i32>} : memref<2x5x80xi32, #tpu.memory_space<vmem>>, vector<16xi32>,
      tpu.vector_store_idx %arg19[%get3A_792], %broadcast_in_dim3A_780 {add = true} : memref<10240xf32, #tpu.memory_space<vmem>>[vector<16xi32>], vector<16xf32>,
      %get3A_793 = arith.constant 1 : i32
      %get3A_794 = arith.constant 0 : i32
      %get3A_795 = arith.index_cast %get3A_793 : i32 to index
      %get3A_796 = arith.index_cast %get3A_794 : i32 to index
      %get3A_797 = arith.constant 32 : index
      %get3A_798 = tpu.vector_load %arg10[%get3A_795, %get3A_796, %get3A_797] {strides = array<i32>} : memref<2x5x80xi32, #tpu.memory_space<vmem>>, vector<16xi32>,
      tpu.vector_store_idx %arg19[%get3A_798], %broadcast_in_dim3A_780 {add = true} : memref<10240xf32, #tpu.memory_space<vmem>>[vector<16xi32>], vector<16xf32>,
      %get3A_799 = arith.constant 1 : i32
      %get3A_800 = arith.constant 0 : i32
      %get3A_801 = arith.index_cast %get3A_799 : i32 to index
      %get3A_802 = arith.index_cast %get3A_800 : i32 to index
      %get3A_803 = arith.constant 48 : index
      %get3A_804 = tpu.vector_load %arg10[%get3A_801, %get3A_802, %get3A_803] {strides = array<i32>} : memref<2x5x80xi32, #tpu.memory_space<vmem>>, vector<16xi32>,
      tpu.vector_store_idx %arg19[%get3A_804], %broadcast_in_dim3A_780 {add = true} : memref<10240xf32, #tpu.memory_space<vmem>>[vector<16xi32>], vector<16xf32>,
      %get3A_805 = arith.constant 1 : i32
      %get3A_806 = arith.constant 0 : i32
      %get3A_807 = arith.index_cast %get3A_805 : i32 to index
      %get3A_808 = arith.index_cast %get3A_806 : i32 to index
      %get3A_809 = arith.constant 64 : index
      %get3A_810 = tpu.vector_load %arg10[%get3A_807, %get3A_808, %get3A_809] {strides = array<i32>} : memref<2x5x80xi32, #tpu.memory_space<vmem>>, vector<16xi32>,
      tpu.vector_store_idx %arg19[%get3A_810], %broadcast_in_dim3A_780 {add = true} : memref<10240xf32, #tpu.memory_space<vmem>>[vector<16xi32>], vector<16xf32>,
      %get3A_811 = arith.constant 1 : i32
      %get3A_812 = arith.constant 1 : i32
      %get3A_813 = arith.index_cast %get3A_811 : i32 to index
      %get3A_814 = arith.index_cast %get3A_812 : i32 to index
      %get3A_815 = arith.constant 0 : index
      %get3A_816 = tpu.vector_load %arg10[%get3A_813, %get3A_814, %get3A_815] {strides = array<i32>} : memref<2x5x80xi32, #tpu.memory_space<vmem>>, vector<16xi32>,
      tpu.vector_store_idx %arg19[%get3A_816], %broadcast_in_dim3A_780 {add = true} : memref<10240xf32, #tpu.memory_space<vmem>>[vector<16xi32>], vector<16xf32>,
      %get3A_817 = arith.constant 1 : i32
      %get3A_818 = arith.constant 1 : i32
      %get3A_819 = arith.index_cast %get3A_817 : i32 to index
      %get3A_820 = arith.index_cast %get3A_818 : i32 to index
      %get3A_821 = arith.constant 16 : index
      %get3A_822 = tpu.vector_load %arg10[%get3A_819, %get3A_820, %get3A_821] {strides = array<i32>} : memref<2x5x80xi32, #tpu.memory_space<vmem>>, vector<16xi32>,
      tpu.vector_store_idx %arg19[%get3A_822], %broadcast_in_dim3A_780 {add = true} : memref<10240xf32, #tpu.memory_space<vmem>>[vector<16xi32>], vector<16xf32>,
      %get3A_823 = arith.constant 1 : i32
      %get3A_824 = arith.constant 1 : i32
      %get3A_825 = arith.index_cast %get3A_823 : i32 to index
      %get3A_826 = arith.index_cast %get3A_824 : i32 to index
      %get3A_827 = arith.constant 32 : index
      %get3A_828 = tpu.vector_load %arg10[%get3A_825, %get3A_826, %get3A_827] {strides = array<i32>} : memref<2x5x80xi32, #tpu.memory_space<vmem>>, vector<16xi32>,
      tpu.vector_store_idx %arg19[%get3A_828], %broadcast_in_dim3A_780 {add = true} : memref<10240xf32, #tpu.memory_space<vmem>>[vector<16xi32>], vector<16xf32>,
      %get3A_829 = arith.constant 1 : i32
      %get3A_830 = arith.constant 1 : i32
      %get3A_831 = arith.index_cast %get3A_829 : i32 to index
      %get3A_832 = arith.index_cast %get3A_830 : i32 to index
      %get3A_833 = arith.constant 48 : index
      %get3A_834 = tpu.vector_load %arg10[%get3A_831, %get3A_832, %get3A_833] {strides = array<i32>} : memref<2x5x80xi32, #tpu.memory_space<vmem>>, vector<16xi32>,
      tpu.vector_store_idx %arg19[%get3A_834], %broadcast_in_dim3A_780 {add = true} : memref<10240xf32, #tpu.memory_space<vmem>>[vector<16xi32>], vector<16xf32>,
      %get3A_835 = arith.constant 1 : i32
      %get3A_836 = arith.constant 1 : i32
      %get3A_837 = arith.index_cast %get3A_835 : i32 to index
      %get3A_838 = arith.index_cast %get3A_836 : i32 to index
      %get3A_839 = arith.constant 64 : index
      %get3A_840 = tpu.vector_load %arg10[%get3A_837, %get3A_838, %get3A_839] {strides = array<i32>} : memref<2x5x80xi32, #tpu.memory_space<vmem>>, vector<16xi32>,
      tpu.vector_store_idx %arg19[%get3A_840], %broadcast_in_dim3A_780 {add = true} : memref<10240xf32, #tpu.memory_space<vmem>>[vector<16xi32>], vector<16xf32>,
      %get3A_841 = arith.constant 1 : i32
      %get3A_842 = arith.constant 2 : i32
      %get3A_843 = arith.index_cast %get3A_841 : i32 to index
      %get3A_844 = arith.index_cast %get3A_842 : i32 to index
      %get3A_845 = arith.constant 0 : index
      %get3A_846 = tpu.vector_load %arg10[%get3A_843, %get3A_844, %get3A_845] {strides = array<i32>} : memref<2x5x80xi32, #tpu.memory_space<vmem>>, vector<16xi32>,
      tpu.vector_store_idx %arg19[%get3A_846], %broadcast_in_dim3A_780 {add = true} : memref<10240xf32, #tpu.memory_space<vmem>>[vector<16xi32>], vector<16xf32>,
      %get3A_847 = arith.constant 1 : i32
      %get3A_848 = arith.constant 2 : i32
      %get3A_849 = arith.index_cast %get3A_847 : i32 to index
      %get3A_850 = arith.index_cast %get3A_848 : i32 to index
      %get3A_851 = arith.constant 16 : index
      %get3A_852 = tpu.vector_load %arg10[%get3A_849, %get3A_850, %get3A_851] {strides = array<i32>} : memref<2x5x80xi32, #tpu.memory_space<vmem>>, vector<16xi32>,
      tpu.vector_store_idx %arg19[%get3A_852], %broadcast_in_dim3A_780 {add = true} : memref<10240xf32, #tpu.memory_space<vmem>>[vector<16xi32>], vector<16xf32>,
      %get3A_853 = arith.constant 1 : i32
      %get3A_854 = arith.constant 2 : i32
      %get3A_855 = arith.index_cast %get3A_853 : i32 to index
      %get3A_856 = arith.index_cast %get3A_854 : i32 to index
      %get3A_857 = arith.constant 32 : index
      %get3A_858 = tpu.vector_load %arg10[%get3A_855, %get3A_856, %get3A_857] {strides = array<i32>} : memref<2x5x80xi32, #tpu.memory_space<vmem>>, vector<16xi32>,
      tpu.vector_store_idx %arg19[%get3A_858], %broadcast_in_dim3A_780 {add = true} : memref<10240xf32, #tpu.memory_space<vmem>>[vector<16xi32>], vector<16xf32>,
      %get3A_859 = arith.constant 1 : i32
      %get3A_860 = arith.constant 2 : i32
      %get3A_861 = arith.index_cast %get3A_859 : i32 to index
      %get3A_862 = arith.index_cast %get3A_860 : i32 to index
      %get3A_863 = arith.constant 48 : index
      %get3A_864 = tpu.vector_load %arg10[%get3A_861, %get3A_862, %get3A_863] {strides = array<i32>} : memref<2x5x80xi32, #tpu.memory_space<vmem>>, vector<16xi32>,
      tpu.vector_store_idx %arg19[%get3A_864], %broadcast_in_dim3A_780 {add = true} : memref<10240xf32, #tpu.memory_space<vmem>>[vector<16xi32>], vector<16xf32>,
      %get3A_865 = arith.constant 1 : i32
      %get3A_866 = arith.constant 2 : i32
      %get3A_867 = arith.index_cast %get3A_865 : i32 to index
      %get3A_868 = arith.index_cast %get3A_866 : i32 to index
      %get3A_869 = arith.constant 64 : index
      %get3A_870 = tpu.vector_load %arg10[%get3A_867, %get3A_868, %get3A_869] {strides = array<i32>} : memref<2x5x80xi32, #tpu.memory_space<vmem>>, vector<16xi32>,
      tpu.vector_store_idx %arg19[%get3A_870], %broadcast_in_dim3A_780 {add = true} : memref<10240xf32, #tpu.memory_space<vmem>>[vector<16xi32>], vector<16xf32>,
      %get3A_871 = arith.constant 1 : i32
      %get3A_872 = arith.constant 3 : i32
      %get3A_873 = arith.index_cast %get3A_871 : i32 to index
      %get3A_874 = arith.index_cast %get3A_872 : i32 to index
      %get3A_875 = arith.constant 0 : index
      %get3A_876 = tpu.vector_load %arg10[%get3A_873, %get3A_874, %get3A_875] {strides = array<i32>} : memref<2x5x80xi32, #tpu.memory_space<vmem>>, vector<16xi32>,
      tpu.vector_store_idx %arg19[%get3A_876], %broadcast_in_dim3A_780 {add = true} : memref<10240xf32, #tpu.memory_space<vmem>>[vector<16xi32>], vector<16xf32>,
      %get3A_877 = arith.constant 1 : i32
      %get3A_878 = arith.constant 3 : i32
      %get3A_879 = arith.index_cast %get3A_877 : i32 to index
      %get3A_880 = arith.index_cast %get3A_878 : i32 to index
      %get3A_881 = arith.constant 16 : index
      %get3A_882 = tpu.vector_load %arg10[%get3A_879, %get3A_880, %get3A_881] {strides = array<i32>} : memref<2x5x80xi32, #tpu.memory_space<vmem>>, vector<16xi32>,
      tpu.vector_store_idx %arg19[%get3A_882], %broadcast_in_dim3A_780 {add = true} : memref<10240xf32, #tpu.memory_space<vmem>>[vector<16xi32>], vector<16xf32>,
      %get3A_883 = arith.constant 1 : i32
      %get3A_884 = arith.constant 3 : i32
      %get3A_885 = arith.index_cast %get3A_883 : i32 to index
      %get3A_886 = arith.index_cast %get3A_884 : i32 to index
      %get3A_887 = arith.constant 32 : index
      %get3A_888 = tpu.vector_load %arg10[%get3A_885, %get3A_886, %get3A_887] {strides = array<i32>} : memref<2x5x80xi32, #tpu.memory_space<vmem>>, vector<16xi32>,
      tpu.vector_store_idx %arg19[%get3A_888], %broadcast_in_dim3A_780 {add = true} : memref<10240xf32, #tpu.memory_space<vmem>>[vector<16xi32>], vector<16xf32>,
      %get3A_889 = arith.constant 1 : i32
      %get3A_890 = arith.constant 3 : i32
      %get3A_891 = arith.index_cast %get3A_889 : i32 to index
      %get3A_892 = arith.index_cast %get3A_890 : i32 to index
      %get3A_893 = arith.constant 48 : index
      %get3A_894 = tpu.vector_load %arg10[%get3A_891, %get3A_892, %get3A_893] {strides = array<i32>} : memref<2x5x80xi32, #tpu.memory_space<vmem>>, vector<16xi32>,
      tpu.vector_store_idx %arg19[%get3A_894], %broadcast_in_dim3A_780 {add = true} : memref<10240xf32, #tpu.memory_space<vmem>>[vector<16xi32>], vector<16xf32>,
      %get3A_895 = arith.constant 1 : i32
      %get3A_896 = arith.constant 3 : i32
      %get3A_897 = arith.index_cast %get3A_895 : i32 to index
      %get3A_898 = arith.index_cast %get3A_896 : i32 to index
      %get3A_899 = arith.constant 64 : index
      %get3A_900 = tpu.vector_load %arg10[%get3A_897, %get3A_898, %get3A_899] {strides = array<i32>} : memref<2x5x80xi32, #tpu.memory_space<vmem>>, vector<16xi32>,
      tpu.vector_store_idx %arg19[%get3A_900], %broadcast_in_dim3A_780 {add = true} : memref<10240xf32, #tpu.memory_space<vmem>>[vector<16xi32>], vector<16xf32>,
      %get3A_901 = arith.constant 1 : i32
      %get3A_902 = arith.constant 4 : i32
      %get3A_903 = arith.index_cast %get3A_901 : i32 to index
      %get3A_904 = arith.index_cast %get3A_902 : i32 to index
      %get3A_905 = arith.constant 0 : index
      %get3A_906 = tpu.vector_load %arg10[%get3A_903, %get3A_904, %get3A_905] {strides = array<i32>} : memref<2x5x80xi32, #tpu.memory_space<vmem>>, vector<16xi32>,
      tpu.vector_store_idx %arg19[%get3A_906], %broadcast_in_dim3A_780 {add = true} : memref<10240xf32, #tpu.memory_space<vmem>>[vector<16xi32>], vector<16xf32>,
      %get3A_907 = arith.constant 1 : i32
      %get3A_908 = arith.constant 4 : i32
      %get3A_909 = arith.index_cast %get3A_907 : i32 to index
      %get3A_910 = arith.index_cast %get3A_908 : i32 to index
      %get3A_911 = arith.constant 16 : index
      %get3A_912 = tpu.vector_load %arg10[%get3A_909, %get3A_910, %get3A_911] {strides = array<i32>} : memref<2x5x80xi32, #tpu.memory_space<vmem>>, vector<16xi32>,
      tpu.vector_store_idx %arg19[%get3A_912], %broadcast_in_dim3A_780 {add = true} : memref<10240xf32, #tpu.memory_space<vmem>>[vector<16xi32>], vector<16xf32>,
      %get3A_913 = arith.constant 1 : i32
      %get3A_914 = arith.constant 4 : i32
      %get3A_915 = arith.index_cast %get3A_913 : i32 to index
      %get3A_916 = arith.index_cast %get3A_914 : i32 to index
      %get3A_917 = arith.constant 32 : index
      %get3A_918 = tpu.vector_load %arg10[%get3A_915, %get3A_916, %get3A_917] {strides = array<i32>} : memref<2x5x80xi32, #tpu.memory_space<vmem>>, vector<16xi32>,
      tpu.vector_store_idx %arg19[%get3A_918], %broadcast_in_dim3A_780 {add = true} : memref<10240xf32, #tpu.memory_space<vmem>>[vector<16xi32>], vector<16xf32>,
      %get3A_919 = arith.constant 1 : i32
      %get3A_920 = arith.constant 4 : i32
      %get3A_921 = arith.index_cast %get3A_919 : i32 to index
      %get3A_922 = arith.index_cast %get3A_920 : i32 to index
      %get3A_923 = arith.constant 48 : index
      %get3A_924 = tpu.vector_load %arg10[%get3A_921, %get3A_922, %get3A_923] {strides = array<i32>} : memref<2x5x80xi32, #tpu.memory_space<vmem>>, vector<16xi32>,
      tpu.vector_store_idx %arg19[%get3A_924], %broadcast_in_dim3A_780 {add = true} : memref<10240xf32, #tpu.memory_space<vmem>>[vector<16xi32>], vector<16xf32>,
      %get3A_925 = arith.constant 1 : i32
      %get3A_926 = arith.constant 4 : i32
      %get3A_927 = arith.index_cast %get3A_925 : i32 to index
      %get3A_928 = arith.index_cast %get3A_926 : i32 to index
      %get3A_929 = arith.constant 64 : index
      %get3A_930 = tpu.vector_load %arg10[%get3A_927, %get3A_928, %get3A_929] {strides = array<i32>} : memref<2x5x80xi32, #tpu.memory_space<vmem>>, vector<16xi32>,
      tpu.vector_store_idx %arg19[%get3A_930], %broadcast_in_dim3A_780 {add = true} : memref<10240xf32, #tpu.memory_space<vmem>>[vector<16xi32>], vector<16xf32>,
      %dma_wait3A_931 = arith.constant 0 : i32
      %dma_wait3A_932 = arith.constant 0 : i32
      %dma_wait3A_933 = arith.constant 0 : i32
      %dma_wait3A_934 = arith.constant 0 : i32
      %dma_wait3A_935 = arith.constant 0 : i32
      %dma_wait3A_936 = arith.constant 0 : i32
      %dma_wait3A_937 = tpu.memref_slice %arg11[%dma_wait3A_931, %dma_wait3A_932, %dma_wait3A_935, %dma_wait3A_936] : memref<2x5x80x64xf32, #tpu.memory_space<vmem>> -> memref<1x1x80x64xf32, #tpu.memory_space<vmem>>
      %dma_wait3A_938 = tpu.memref_squeeze %dma_wait3A_937 : memref<1x1x80x64xf32, #tpu.memory_space<vmem>> -> memref<80x64xf32, #tpu.memory_space<vmem>>
      %dma_wait3A_939 = arith.constant 0 : i32
      %dma_wait3A_940 = tpu.memref_slice %arg10[%dma_wait3A_933, %dma_wait3A_934, %dma_wait3A_939] : memref<2x5x80xi32, #tpu.memory_space<vmem>> -> memref<1x1x80xi32, #tpu.memory_space<vmem>>
      %dma_wait3A_941 = tpu.memref_squeeze %dma_wait3A_940 : memref<1x1x80xi32, #tpu.memory_space<vmem>> -> memref<80xi32, #tpu.memory_space<vmem>>
      %dma_wait3A_942 = arith.constant 0 : i32
      %dma_wait3A_943 = arith.constant 0 : i32
      %dma_wait3A_944 = tpu.memref_slice %arg12[%dma_wait3A_942, %dma_wait3A_943] : memref<10240x64xf32, #tpu.memory_space<vmem_shared>> -> memref<10240x64xf32, #tpu.memory_space<vmem_shared>>
      tpu.wait_indirect_dma semaphore(%arg17 : memref<!tpu.dma_semaphore, #tpu.memory_space<semaphore_mem>>) src(%dma_wait3A_938 : memref<80x64xf32, #tpu.memory_space<vmem>>) dst(%dma_wait3A_944 : memref<10240x64xf32, #tpu.memory_space<vmem_shared>>)
      %dma_wait3A_945 = arith.constant 0 : i32
      %dma_wait3A_946 = arith.constant 1 : i32
      %dma_wait3A_947 = arith.constant 0 : i32
      %dma_wait3A_948 = arith.constant 0 : i32
      %dma_wait3A_949 = arith.constant 0 : i32
      %dma_wait3A_950 = arith.constant 0 : i32
      %dma_wait3A_951 = tpu.memref_slice %arg11[%dma_wait3A_945, %dma_wait3A_946, %dma_wait3A_949, %dma_wait3A_950] : memref<2x5x80x64xf32, #tpu.memory_space<vmem>> -> memref<1x1x80x64xf32, #tpu.memory_space<vmem>>
      %dma_wait3A_952 = tpu.memref_squeeze %dma_wait3A_951 : memref<1x1x80x64xf32, #tpu.memory_space<vmem>> -> memref<80x64xf32, #tpu.memory_space<vmem>>
      %dma_wait3A_953 = arith.constant 0 : i32
      %dma_wait3A_954 = tpu.memref_slice %arg10[%dma_wait3A_947, %dma_wait3A_948, %dma_wait3A_953] : memref<2x5x80xi32, #tpu.memory_space<vmem>> -> memref<1x1x80xi32, #tpu.memory_space<vmem>>
      %dma_wait3A_955 = tpu.memref_squeeze %dma_wait3A_954 : memref<1x1x80xi32, #tpu.memory_space<vmem>> -> memref<80xi32, #tpu.memory_space<vmem>>
      %dma_wait3A_956 = arith.constant 0 : i32
      %dma_wait3A_957 = arith.constant 0 : i32
      %dma_wait3A_958 = tpu.memref_slice %arg12[%dma_wait3A_956, %dma_wait3A_957] : memref<10240x64xf32, #tpu.memory_space<vmem_shared>> -> memref<10240x64xf32, #tpu.memory_space<vmem_shared>>
      tpu.wait_indirect_dma semaphore(%arg17 : memref<!tpu.dma_semaphore, #tpu.memory_space<semaphore_mem>>) src(%dma_wait3A_952 : memref<80x64xf32, #tpu.memory_space<vmem>>) dst(%dma_wait3A_958 : memref<10240x64xf32, #tpu.memory_space<vmem_shared>>)
      %dma_wait3A_959 = arith.constant 0 : i32
      %dma_wait3A_960 = arith.constant 2 : i32
      %dma_wait3A_961 = arith.constant 0 : i32
      %dma_wait3A_962 = arith.constant 0 : i32
      %dma_wait3A_963 = arith.constant 0 : i32
      %dma_wait3A_964 = arith.constant 0 : i32
      %dma_wait3A_965 = tpu.memref_slice %arg11[%dma_wait3A_959, %dma_wait3A_960, %dma_wait3A_963, %dma_wait3A_964] : memref<2x5x80x64xf32, #tpu.memory_space<vmem>> -> memref<1x1x80x64xf32, #tpu.memory_space<vmem>>
      %dma_wait3A_966 = tpu.memref_squeeze %dma_wait3A_965 : memref<1x1x80x64xf32, #tpu.memory_space<vmem>> -> memref<80x64xf32, #tpu.memory_space<vmem>>
      %dma_wait3A_967 = arith.constant 0 : i32
      %dma_wait3A_968 = tpu.memref_slice %arg10[%dma_wait3A_961, %dma_wait3A_962, %dma_wait3A_967] : memref<2x5x80xi32, #tpu.memory_space<vmem>> -> memref<1x1x80xi32, #tpu.memory_space<vmem>>
      %dma_wait3A_969 = tpu.memref_squeeze %dma_wait3A_968 : memref<1x1x80xi32, #tpu.memory_space<vmem>> -> memref<80xi32, #tpu.memory_space<vmem>>
      %dma_wait3A_970 = arith.constant 0 : i32
      %dma_wait3A_971 = arith.constant 0 : i32
      %dma_wait3A_972 = tpu.memref_slice %arg12[%dma_wait3A_970, %dma_wait3A_971] : memref<10240x64xf32, #tpu.memory_space<vmem_shared>> -> memref<10240x64xf32, #tpu.memory_space<vmem_shared>>
      tpu.wait_indirect_dma semaphore(%arg17 : memref<!tpu.dma_semaphore, #tpu.memory_space<semaphore_mem>>) src(%dma_wait3A_966 : memref<80x64xf32, #tpu.memory_space<vmem>>) dst(%dma_wait3A_972 : memref<10240x64xf32, #tpu.memory_space<vmem_shared>>)
      %dma_wait3A_973 = arith.constant 0 : i32
      %dma_wait3A_974 = arith.constant 3 : i32
      %dma_wait3A_975 = arith.constant 0 : i32
      %dma_wait3A_976 = arith.constant 0 : i32
      %dma_wait3A_977 = arith.constant 0 : i32
      %dma_wait3A_978 = arith.constant 0 : i32
      %dma_wait3A_979 = tpu.memref_slice %arg11[%dma_wait3A_973, %dma_wait3A_974, %dma_wait3A_977, %dma_wait3A_978] : memref<2x5x80x64xf32, #tpu.memory_space<vmem>> -> memref<1x1x80x64xf32, #tpu.memory_space<vmem>>
      %dma_wait3A_980 = tpu.memref_squeeze %dma_wait3A_979 : memref<1x1x80x64xf32, #tpu.memory_space<vmem>> -> memref<80x64xf32, #tpu.memory_space<vmem>>
      %dma_wait3A_981 = arith.constant 0 : i32
      %dma_wait3A_982 = tpu.memref_slice %arg10[%dma_wait3A_975, %dma_wait3A_976, %dma_wait3A_981] : memref<2x5x80xi32, #tpu.memory_space<vmem>> -> memref<1x1x80xi32, #tpu.memory_space<vmem>>
      %dma_wait3A_983 = tpu.memref_squeeze %dma_wait3A_982 : memref<1x1x80xi32, #tpu.memory_space<vmem>> -> memref<80xi32, #tpu.memory_space<vmem>>
      %dma_wait3A_984 = arith.constant 0 : i32
      %dma_wait3A_985 = arith.constant 0 : i32
      %dma_wait3A_986 = tpu.memref_slice %arg12[%dma_wait3A_984, %dma_wait3A_985] : memref<10240x64xf32, #tpu.memory_space<vmem_shared>> -> memref<10240x64xf32, #tpu.memory_space<vmem_shared>>
      tpu.wait_indirect_dma semaphore(%arg17 : memref<!tpu.dma_semaphore, #tpu.memory_space<semaphore_mem>>) src(%dma_wait3A_980 : memref<80x64xf32, #tpu.memory_space<vmem>>) dst(%dma_wait3A_986 : memref<10240x64xf32, #tpu.memory_space<vmem_shared>>)
      %dma_wait3A_987 = arith.constant 0 : i32
      %dma_wait3A_988 = arith.constant 4 : i32
      %dma_wait3A_989 = arith.constant 0 : i32
      %dma_wait3A_990 = arith.constant 0 : i32
      %dma_wait3A_991 = arith.constant 0 : i32
      %dma_wait3A_992 = arith.constant 0 : i32
      %dma_wait3A_993 = tpu.memref_slice %arg11[%dma_wait3A_987, %dma_wait3A_988, %dma_wait3A_991, %dma_wait3A_992] : memref<2x5x80x64xf32, #tpu.memory_space<vmem>> -> memref<1x1x80x64xf32, #tpu.memory_space<vmem>>
      %dma_wait3A_994 = tpu.memref_squeeze %dma_wait3A_993 : memref<1x1x80x64xf32, #tpu.memory_space<vmem>> -> memref<80x64xf32, #tpu.memory_space<vmem>>
      %dma_wait3A_995 = arith.constant 0 : i32
      %dma_wait3A_996 = tpu.memref_slice %arg10[%dma_wait3A_989, %dma_wait3A_990, %dma_wait3A_995] : memref<2x5x80xi32, #tpu.memory_space<vmem>> -> memref<1x1x80xi32, #tpu.memory_space<vmem>>
      %dma_wait3A_997 = tpu.memref_squeeze %dma_wait3A_996 : memref<1x1x80xi32, #tpu.memory_space<vmem>> -> memref<80xi32, #tpu.memory_space<vmem>>
      %dma_wait3A_998 = arith.constant 0 : i32
      %dma_wait3A_999 = arith.constant 0 : i32
      %dma_wait3A_1000 = tpu.memref_slice %arg12[%dma_wait3A_998, %dma_wait3A_999] : memref<10240x64xf32, #tpu.memory_space<vmem_shared>> -> memref<10240x64xf32, #tpu.memory_space<vmem_shared>>
      tpu.wait_indirect_dma semaphore(%arg17 : memref<!tpu.dma_semaphore, #tpu.memory_space<semaphore_mem>>) src(%dma_wait3A_994 : memref<80x64xf32, #tpu.memory_space<vmem>>) dst(%dma_wait3A_1000 : memref<10240x64xf32, #tpu.memory_space<vmem_shared>>)
      %lt3A = arith.constant 24 : i32
      %lt3A_1001 = arith.cmpi slt, %scan3A_141, %lt3A : i32
      %convert_element_type3A_1002 = arith.extui %lt3A_1001 : i1 to i32
      %cond3A_1003 = arith.constant 0 : i32
      %cond3A_1004 = arith.cmpi ne, %convert_element_type3A_1002, %cond3A_1003 : i32
      scf.if %cond3A_1004 {
        %add3A_1165 = arith.constant 2 : i32
        %add3A_1166 = arith.addi %mul3A_143, %add3A_1165 : i32
        %mul3A_1167 = arith.constant 5 : i32
        %mul3A_1168 = arith.muli %add3A_1166, %mul3A_1167 : i32
        %dma_start3A_1169 = arith.constant 0 : i32
        %dma_start3A_1170 = arith.constant 0 : i32
        %dma_start3A_1171 = arith.constant 0 : i32
        %dma_start3A_1172 = tpu.memref_slice %arg9[%dma_start3A_1169, %dma_start3A_1170, %dma_start3A_1171] : memref<2x5x80xi32, #tpu.memory_space<vmem>> -> memref<1x5x80xi32, #tpu.memory_space<vmem>>
        %dma_start3A_1173 = tpu.memref_squeeze %dma_start3A_1172 : memref<1x5x80xi32, #tpu.memory_space<vmem>> -> memref<5x80xi32, #tpu.memory_space<vmem>>
        %dma_start3A_1174 = arith.constant 0 : i32
        %dma_start3A_1175 = arith.constant 0 : i32
        %dma_start3A_1176 = tpu.memref_slice %arg3[%arg1, %dma_start3A_1174, %dma_start3A_1175] : memref<16x250x80xi32, #tpu.memory_space<hbm>> -> memref<1x250x80xi32, #tpu.memory_space<hbm>>
        %dma_start3A_1177 = tpu.memref_squeeze %dma_start3A_1176 : memref<1x250x80xi32, #tpu.memory_space<hbm>> -> memref<250x80xi32, #tpu.memory_space<hbm>>
        %dma_start3A_1178 = arith.constant 0 : i32
        %dma_start3A_1179 = tpu.memref_slice %dma_start3A_1177[%mul3A_1168, %dma_start3A_1178] : memref<250x80xi32, #tpu.memory_space<hbm>> -> memref<5x80xi32, #tpu.memory_space<hbm>>
        %dma_start3A_1180 = arith.constant 0 : i32
        %dma_start3A_1181 = arith.constant 0 : i32
        %dma_start3A_1182 = tpu.memref_slice %arg9[%dma_start3A_1169, %dma_start3A_1180, %dma_start3A_1181] : memref<2x5x80xi32, #tpu.memory_space<vmem>> -> memref<1x5x80xi32, #tpu.memory_space<vmem>>
        %dma_start3A_1183 = tpu.memref_squeeze %dma_start3A_1182 : memref<1x5x80xi32, #tpu.memory_space<vmem>> -> memref<5x80xi32, #tpu.memory_space<vmem>>
        %dma_start3A_1184 = arith.constant 0 : i32
        %dma_start3A_1185 = arith.constant 0 : i32
        %dma_start3A_1186 = tpu.memref_slice %arg3[%arg1, %dma_start3A_1184, %dma_start3A_1185] : memref<16x250x80xi32, #tpu.memory_space<hbm>> -> memref<1x250x80xi32, #tpu.memory_space<hbm>>
        %dma_start3A_1187 = tpu.memref_squeeze %dma_start3A_1186 : memref<1x250x80xi32, #tpu.memory_space<hbm>> -> memref<250x80xi32, #tpu.memory_space<hbm>>
        %dma_start3A_1188 = arith.constant 0 : i32
        %dma_start3A_1189 = tpu.memref_slice %dma_start3A_1187[%mul3A_1168, %dma_start3A_1188] : memref<250x80xi32, #tpu.memory_space<hbm>> -> memref<5x80xi32, #tpu.memory_space<hbm>>
        tpu.enqueue_dma source(%dma_start3A_1189 : memref<5x80xi32, #tpu.memory_space<hbm>>) target(%dma_start3A_1183 : memref<5x80xi32, #tpu.memory_space<vmem>>) target_semaphore(%arg13 : memref<!tpu.dma_semaphore, #tpu.memory_space<semaphore_mem>>)
        %mul3A_1190 = arith.constant 5 : i32
        %mul3A_1191 = arith.muli %add3A_1166, %mul3A_1190 : i32
        %dma_start3A_1192 = arith.constant 0 : i32
        %dma_start3A_1193 = arith.constant 0 : i32
        %dma_start3A_1194 = arith.constant 0 : i32
        %dma_start3A_1195 = tpu.memref_slice %arg10[%dma_start3A_1192, %dma_start3A_1193, %dma_start3A_1194] : memref<2x5x80xi32, #tpu.memory_space<vmem>> -> memref<1x5x80xi32, #tpu.memory_space<vmem>>
        %dma_start3A_1196 = tpu.memref_squeeze %dma_start3A_1195 : memref<1x5x80xi32, #tpu.memory_space<vmem>> -> memref<5x80xi32, #tpu.memory_space<vmem>>
        %dma_start3A_1197 = arith.constant 0 : i32
        %dma_start3A_1198 = arith.constant 0 : i32
        %dma_start3A_1199 = tpu.memref_slice %arg4[%arg1, %dma_start3A_1197, %dma_start3A_1198] : memref<16x250x80xi32, #tpu.memory_space<hbm>> -> memref<1x250x80xi32, #tpu.memory_space<hbm>>
        %dma_start3A_1200 = tpu.memref_squeeze %dma_start3A_1199 : memref<1x250x80xi32, #tpu.memory_space<hbm>> -> memref<250x80xi32, #tpu.memory_space<hbm>>
        %dma_start3A_1201 = arith.constant 0 : i32
        %dma_start3A_1202 = tpu.memref_slice %dma_start3A_1200[%mul3A_1191, %dma_start3A_1201] : memref<250x80xi32, #tpu.memory_space<hbm>> -> memref<5x80xi32, #tpu.memory_space<hbm>>
        %dma_start3A_1203 = arith.constant 0 : i32
        %dma_start3A_1204 = arith.constant 0 : i32
        %dma_start3A_1205 = tpu.memref_slice %arg10[%dma_start3A_1192, %dma_start3A_1203, %dma_start3A_1204] : memref<2x5x80xi32, #tpu.memory_space<vmem>> -> memref<1x5x80xi32, #tpu.memory_space<vmem>>
        %dma_start3A_1206 = tpu.memref_squeeze %dma_start3A_1205 : memref<1x5x80xi32, #tpu.memory_space<vmem>> -> memref<5x80xi32, #tpu.memory_space<vmem>>
        %dma_start3A_1207 = arith.constant 0 : i32
        %dma_start3A_1208 = arith.constant 0 : i32
        %dma_start3A_1209 = tpu.memref_slice %arg4[%arg1, %dma_start3A_1207, %dma_start3A_1208] : memref<16x250x80xi32, #tpu.memory_space<hbm>> -> memref<1x250x80xi32, #tpu.memory_space<hbm>>
        %dma_start3A_1210 = tpu.memref_squeeze %dma_start3A_1209 : memref<1x250x80xi32, #tpu.memory_space<hbm>> -> memref<250x80xi32, #tpu.memory_space<hbm>>
        %dma_start3A_1211 = arith.constant 0 : i32
        %dma_start3A_1212 = tpu.memref_slice %dma_start3A_1210[%mul3A_1191, %dma_start3A_1211] : memref<250x80xi32, #tpu.memory_space<hbm>> -> memref<5x80xi32, #tpu.memory_space<hbm>>
        tpu.enqueue_dma source(%dma_start3A_1212 : memref<5x80xi32, #tpu.memory_space<hbm>>) target(%dma_start3A_1206 : memref<5x80xi32, #tpu.memory_space<vmem>>) target_semaphore(%arg13 : memref<!tpu.dma_semaphore, #tpu.memory_space<semaphore_mem>>)
      } else {
      }
      %dma_wait3A_1005 = arith.constant 1 : i32
      %dma_wait3A_1006 = arith.constant 0 : i32
      %dma_wait3A_1007 = arith.constant 1 : i32
      %dma_wait3A_1008 = arith.constant 0 : i32
      %dma_wait3A_1009 = arith.constant 0 : i32
      %dma_wait3A_1010 = arith.constant 0 : i32
      %dma_wait3A_1011 = tpu.memref_slice %arg11[%dma_wait3A_1007, %dma_wait3A_1008, %dma_wait3A_1009, %dma_wait3A_1010] : memref<2x5x80x64xf32, #tpu.memory_space<vmem>> -> memref<1x1x80x64xf32, #tpu.memory_space<vmem>>
      %dma_wait3A_1012 = tpu.memref_squeeze %dma_wait3A_1011 : memref<1x1x80x64xf32, #tpu.memory_space<vmem>> -> memref<80x64xf32, #tpu.memory_space<vmem>>
      %dma_wait3A_1013 = arith.constant 0 : i32
      %dma_wait3A_1014 = tpu.memref_slice %arg9[%dma_wait3A_1005, %dma_wait3A_1006, %dma_wait3A_1013] : memref<2x5x80xi32, #tpu.memory_space<vmem>> -> memref<1x1x80xi32, #tpu.memory_space<vmem>>
      %dma_wait3A_1015 = tpu.memref_squeeze %dma_wait3A_1014 : memref<1x1x80xi32, #tpu.memory_space<vmem>> -> memref<80xi32, #tpu.memory_space<vmem>>
      %dma_wait3A_1016 = arith.constant 0 : i32
      %dma_wait3A_1017 = arith.constant 0 : i32
      %dma_wait3A_1018 = tpu.memref_slice %arg2[%arg0, %dma_wait3A_1016, %dma_wait3A_1017] : memref<2x10000x64xf32, #tpu.memory_space<hbm>> -> memref<1x10000x64xf32, #tpu.memory_space<hbm>>
      %dma_wait3A_1019 = tpu.memref_squeeze %dma_wait3A_1018 : memref<1x10000x64xf32, #tpu.memory_space<hbm>> -> memref<10000x64xf32, #tpu.memory_space<hbm>>
      %dma_wait3A_1020 = arith.constant 0 : i32
      %dma_wait3A_1021 = arith.constant 0 : i32
      %dma_wait3A_1022 = tpu.memref_slice %dma_wait3A_1019[%dma_wait3A_1020, %dma_wait3A_1021] : memref<10000x64xf32, #tpu.memory_space<hbm>> -> memref<10000x64xf32, #tpu.memory_space<hbm>>
      tpu.wait_indirect_dma semaphore(%arg16 : memref<!tpu.dma_semaphore, #tpu.memory_space<semaphore_mem>>) src(%dma_wait3A_1022 : memref<10000x64xf32, #tpu.memory_space<hbm>>) dst(%dma_wait3A_1012 : memref<80x64xf32, #tpu.memory_space<vmem>>)
      %dma_wait3A_1023 = arith.constant 1 : i32
      %dma_wait3A_1024 = arith.constant 0 : i32
      %dma_wait3A_1025 = arith.constant 1 : i32
      %dma_wait3A_1026 = arith.constant 1 : i32
      %dma_wait3A_1027 = arith.constant 0 : i32
      %dma_wait3A_1028 = arith.constant 0 : i32
      %dma_wait3A_1029 = tpu.memref_slice %arg11[%dma_wait3A_1025, %dma_wait3A_1026, %dma_wait3A_1027, %dma_wait3A_1028] : memref<2x5x80x64xf32, #tpu.memory_space<vmem>> -> memref<1x1x80x64xf32, #tpu.memory_space<vmem>>
      %dma_wait3A_1030 = tpu.memref_squeeze %dma_wait3A_1029 : memref<1x1x80x64xf32, #tpu.memory_space<vmem>> -> memref<80x64xf32, #tpu.memory_space<vmem>>
      %dma_wait3A_1031 = arith.constant 0 : i32
      %dma_wait3A_1032 = tpu.memref_slice %arg9[%dma_wait3A_1023, %dma_wait3A_1024, %dma_wait3A_1031] : memref<2x5x80xi32, #tpu.memory_space<vmem>> -> memref<1x1x80xi32, #tpu.memory_space<vmem>>
      %dma_wait3A_1033 = tpu.memref_squeeze %dma_wait3A_1032 : memref<1x1x80xi32, #tpu.memory_space<vmem>> -> memref<80xi32, #tpu.memory_space<vmem>>
      %dma_wait3A_1034 = arith.constant 0 : i32
      %dma_wait3A_1035 = arith.constant 0 : i32
      %dma_wait3A_1036 = tpu.memref_slice %arg2[%arg0, %dma_wait3A_1034, %dma_wait3A_1035] : memref<2x10000x64xf32, #tpu.memory_space<hbm>> -> memref<1x10000x64xf32, #tpu.memory_space<hbm>>
      %dma_wait3A_1037 = tpu.memref_squeeze %dma_wait3A_1036 : memref<1x10000x64xf32, #tpu.memory_space<hbm>> -> memref<10000x64xf32, #tpu.memory_space<hbm>>
      %dma_wait3A_1038 = arith.constant 0 : i32
      %dma_wait3A_1039 = arith.constant 0 : i32
      %dma_wait3A_1040 = tpu.memref_slice %dma_wait3A_1037[%dma_wait3A_1038, %dma_wait3A_1039] : memref<10000x64xf32, #tpu.memory_space<hbm>> -> memref<10000x64xf32, #tpu.memory_space<hbm>>
      tpu.wait_indirect_dma semaphore(%arg16 : memref<!tpu.dma_semaphore, #tpu.memory_space<semaphore_mem>>) src(%dma_wait3A_1040 : memref<10000x64xf32, #tpu.memory_space<hbm>>) dst(%dma_wait3A_1030 : memref<80x64xf32, #tpu.memory_space<vmem>>)
      %dma_wait3A_1041 = arith.constant 1 : i32
      %dma_wait3A_1042 = arith.constant 0 : i32
      %dma_wait3A_1043 = arith.constant 1 : i32
      %dma_wait3A_1044 = arith.constant 2 : i32
      %dma_wait3A_1045 = arith.constant 0 : i32
      %dma_wait3A_1046 = arith.constant 0 : i32
      %dma_wait3A_1047 = tpu.memref_slice %arg11[%dma_wait3A_1043, %dma_wait3A_1044, %dma_wait3A_1045, %dma_wait3A_1046] : memref<2x5x80x64xf32, #tpu.memory_space<vmem>> -> memref<1x1x80x64xf32, #tpu.memory_space<vmem>>
      %dma_wait3A_1048 = tpu.memref_squeeze %dma_wait3A_1047 : memref<1x1x80x64xf32, #tpu.memory_space<vmem>> -> memref<80x64xf32, #tpu.memory_space<vmem>>
      %dma_wait3A_1049 = arith.constant 0 : i32
      %dma_wait3A_1050 = tpu.memref_slice %arg9[%dma_wait3A_1041, %dma_wait3A_1042, %dma_wait3A_1049] : memref<2x5x80xi32, #tpu.memory_space<vmem>> -> memref<1x1x80xi32, #tpu.memory_space<vmem>>
      %dma_wait3A_1051 = tpu.memref_squeeze %dma_wait3A_1050 : memref<1x1x80xi32, #tpu.memory_space<vmem>> -> memref<80xi32, #tpu.memory_space<vmem>>
      %dma_wait3A_1052 = arith.constant 0 : i32
      %dma_wait3A_1053 = arith.constant 0 : i32
      %dma_wait3A_1054 = tpu.memref_slice %arg2[%arg0, %dma_wait3A_1052, %dma_wait3A_1053] : memref<2x10000x64xf32, #tpu.memory_space<hbm>> -> memref<1x10000x64xf32, #tpu.memory_space<hbm>>
      %dma_wait3A_1055 = tpu.memref_squeeze %dma_wait3A_1054 : memref<1x10000x64xf32, #tpu.memory_space<hbm>> -> memref<10000x64xf32, #tpu.memory_space<hbm>>
      %dma_wait3A_1056 = arith.constant 0 : i32
      %dma_wait3A_1057 = arith.constant 0 : i32
      %dma_wait3A_1058 = tpu.memref_slice %dma_wait3A_1055[%dma_wait3A_1056, %dma_wait3A_1057] : memref<10000x64xf32, #tpu.memory_space<hbm>> -> memref<10000x64xf32, #tpu.memory_space<hbm>>
      tpu.wait_indirect_dma semaphore(%arg16 : memref<!tpu.dma_semaphore, #tpu.memory_space<semaphore_mem>>) src(%dma_wait3A_1058 : memref<10000x64xf32, #tpu.memory_space<hbm>>) dst(%dma_wait3A_1048 : memref<80x64xf32, #tpu.memory_space<vmem>>)
      %dma_wait3A_1059 = arith.constant 1 : i32
      %dma_wait3A_1060 = arith.constant 0 : i32
      %dma_wait3A_1061 = arith.constant 1 : i32
      %dma_wait3A_1062 = arith.constant 3 : i32
      %dma_wait3A_1063 = arith.constant 0 : i32
      %dma_wait3A_1064 = arith.constant 0 : i32
      %dma_wait3A_1065 = tpu.memref_slice %arg11[%dma_wait3A_1061, %dma_wait3A_1062, %dma_wait3A_1063, %dma_wait3A_1064] : memref<2x5x80x64xf32, #tpu.memory_space<vmem>> -> memref<1x1x80x64xf32, #tpu.memory_space<vmem>>
      %dma_wait3A_1066 = tpu.memref_squeeze %dma_wait3A_1065 : memref<1x1x80x64xf32, #tpu.memory_space<vmem>> -> memref<80x64xf32, #tpu.memory_space<vmem>>
      %dma_wait3A_1067 = arith.constant 0 : i32
      %dma_wait3A_1068 = tpu.memref_slice %arg9[%dma_wait3A_1059, %dma_wait3A_1060, %dma_wait3A_1067] : memref<2x5x80xi32, #tpu.memory_space<vmem>> -> memref<1x1x80xi32, #tpu.memory_space<vmem>>
      %dma_wait3A_1069 = tpu.memref_squeeze %dma_wait3A_1068 : memref<1x1x80xi32, #tpu.memory_space<vmem>> -> memref<80xi32, #tpu.memory_space<vmem>>
      %dma_wait3A_1070 = arith.constant 0 : i32
      %dma_wait3A_1071 = arith.constant 0 : i32
      %dma_wait3A_1072 = tpu.memref_slice %arg2[%arg0, %dma_wait3A_1070, %dma_wait3A_1071] : memref<2x10000x64xf32, #tpu.memory_space<hbm>> -> memref<1x10000x64xf32, #tpu.memory_space<hbm>>
      %dma_wait3A_1073 = tpu.memref_squeeze %dma_wait3A_1072 : memref<1x10000x64xf32, #tpu.memory_space<hbm>> -> memref<10000x64xf32, #tpu.memory_space<hbm>>
      %dma_wait3A_1074 = arith.constant 0 : i32
      %dma_wait3A_1075 = arith.constant 0 : i32
      %dma_wait3A_1076 = tpu.memref_slice %dma_wait3A_1073[%dma_wait3A_1074, %dma_wait3A_1075] : memref<10000x64xf32, #tpu.memory_space<hbm>> -> memref<10000x64xf32, #tpu.memory_space<hbm>>
      tpu.wait_indirect_dma semaphore(%arg16 : memref<!tpu.dma_semaphore, #tpu.memory_space<semaphore_mem>>) src(%dma_wait3A_1076 : memref<10000x64xf32, #tpu.memory_space<hbm>>) dst(%dma_wait3A_1066 : memref<80x64xf32, #tpu.memory_space<vmem>>)
      %dma_wait3A_1077 = arith.constant 1 : i32
      %dma_wait3A_1078 = arith.constant 0 : i32
      %dma_wait3A_1079 = arith.constant 1 : i32
      %dma_wait3A_1080 = arith.constant 4 : i32
      %dma_wait3A_1081 = arith.constant 0 : i32
      %dma_wait3A_1082 = arith.constant 0 : i32
      %dma_wait3A_1083 = tpu.memref_slice %arg11[%dma_wait3A_1079, %dma_wait3A_1080, %dma_wait3A_1081, %dma_wait3A_1082] : memref<2x5x80x64xf32, #tpu.memory_space<vmem>> -> memref<1x1x80x64xf32, #tpu.memory_space<vmem>>
      %dma_wait3A_1084 = tpu.memref_squeeze %dma_wait3A_1083 : memref<1x1x80x64xf32, #tpu.memory_space<vmem>> -> memref<80x64xf32, #tpu.memory_space<vmem>>
      %dma_wait3A_1085 = arith.constant 0 : i32
      %dma_wait3A_1086 = tpu.memref_slice %arg9[%dma_wait3A_1077, %dma_wait3A_1078, %dma_wait3A_1085] : memref<2x5x80xi32, #tpu.memory_space<vmem>> -> memref<1x1x80xi32, #tpu.memory_space<vmem>>
      %dma_wait3A_1087 = tpu.memref_squeeze %dma_wait3A_1086 : memref<1x1x80xi32, #tpu.memory_space<vmem>> -> memref<80xi32, #tpu.memory_space<vmem>>
      %dma_wait3A_1088 = arith.constant 0 : i32
      %dma_wait3A_1089 = arith.constant 0 : i32
      %dma_wait3A_1090 = tpu.memref_slice %arg2[%arg0, %dma_wait3A_1088, %dma_wait3A_1089] : memref<2x10000x64xf32, #tpu.memory_space<hbm>> -> memref<1x10000x64xf32, #tpu.memory_space<hbm>>
      %dma_wait3A_1091 = tpu.memref_squeeze %dma_wait3A_1090 : memref<1x10000x64xf32, #tpu.memory_space<hbm>> -> memref<10000x64xf32, #tpu.memory_space<hbm>>
      %dma_wait3A_1092 = arith.constant 0 : i32
      %dma_wait3A_1093 = arith.constant 0 : i32
      %dma_wait3A_1094 = tpu.memref_slice %dma_wait3A_1091[%dma_wait3A_1092, %dma_wait3A_1093] : memref<10000x64xf32, #tpu.memory_space<hbm>> -> memref<10000x64xf32, #tpu.memory_space<hbm>>
      tpu.wait_indirect_dma semaphore(%arg16 : memref<!tpu.dma_semaphore, #tpu.memory_space<semaphore_mem>>) src(%dma_wait3A_1094 : memref<10000x64xf32, #tpu.memory_space<hbm>>) dst(%dma_wait3A_1084 : memref<80x64xf32, #tpu.memory_space<vmem>>)
      %dma_start3A_1095 = arith.constant 1 : i32
      %dma_start3A_1096 = arith.constant 0 : i32
      %dma_start3A_1097 = arith.constant 1 : i32
      %dma_start3A_1098 = arith.constant 0 : i32
      %dma_start3A_1099 = arith.constant 0 : i32
      %dma_start3A_1100 = arith.constant 0 : i32
      %dma_start3A_1101 = tpu.memref_slice %arg11[%dma_start3A_1095, %dma_start3A_1096, %dma_start3A_1099, %dma_start3A_1100] : memref<2x5x80x64xf32, #tpu.memory_space<vmem>> -> memref<1x1x80x64xf32, #tpu.memory_space<vmem>>
      %dma_start3A_1102 = tpu.memref_squeeze %dma_start3A_1101 : memref<1x1x80x64xf32, #tpu.memory_space<vmem>> -> memref<80x64xf32, #tpu.memory_space<vmem>>
      %dma_start3A_1103 = arith.constant 0 : i32
      %dma_start3A_1104 = tpu.memref_slice %arg10[%dma_start3A_1097, %dma_start3A_1098, %dma_start3A_1103] : memref<2x5x80xi32, #tpu.memory_space<vmem>> -> memref<1x1x80xi32, #tpu.memory_space<vmem>>
      %dma_start3A_1105 = tpu.memref_squeeze %dma_start3A_1104 : memref<1x1x80xi32, #tpu.memory_space<vmem>> -> memref<80xi32, #tpu.memory_space<vmem>>
      %dma_start3A_1106 = arith.constant 0 : i32
      %dma_start3A_1107 = arith.constant 0 : i32
      %dma_start3A_1108 = tpu.memref_slice %arg12[%dma_start3A_1106, %dma_start3A_1107] : memref<10240x64xf32, #tpu.memory_space<vmem_shared>> -> memref<10240x64xf32, #tpu.memory_space<vmem_shared>>
      tpu.enqueue_indirect_dma source(%dma_start3A_1102 : memref<80x64xf32, #tpu.memory_space<vmem>>) target(%dma_start3A_1108 : memref<10240x64xf32, #tpu.memory_space<vmem_shared>>) offsets(%dma_start3A_1105 : memref<80xi32, #tpu.memory_space<vmem>>) semaphore(%arg18 : memref<!tpu.dma_semaphore, #tpu.memory_space<semaphore_mem>>) {add = true}
      %dma_start3A_1109 = arith.constant 1 : i32
      %dma_start3A_1110 = arith.constant 1 : i32
      %dma_start3A_1111 = arith.constant 1 : i32
      %dma_start3A_1112 = arith.constant 1 : i32
      %dma_start3A_1113 = arith.constant 0 : i32
      %dma_start3A_1114 = arith.constant 0 : i32
      %dma_start3A_1115 = tpu.memref_slice %arg11[%dma_start3A_1109, %dma_start3A_1110, %dma_start3A_1113, %dma_start3A_1114] : memref<2x5x80x64xf32, #tpu.memory_space<vmem>> -> memref<1x1x80x64xf32, #tpu.memory_space<vmem>>
      %dma_start3A_1116 = tpu.memref_squeeze %dma_start3A_1115 : memref<1x1x80x64xf32, #tpu.memory_space<vmem>> -> memref<80x64xf32, #tpu.memory_space<vmem>>
      %dma_start3A_1117 = arith.constant 0 : i32
      %dma_start3A_1118 = tpu.memref_slice %arg10[%dma_start3A_1111, %dma_start3A_1112, %dma_start3A_1117] : memref<2x5x80xi32, #tpu.memory_space<vmem>> -> memref<1x1x80xi32, #tpu.memory_space<vmem>>
      %dma_start3A_1119 = tpu.memref_squeeze %dma_start3A_1118 : memref<1x1x80xi32, #tpu.memory_space<vmem>> -> memref<80xi32, #tpu.memory_space<vmem>>
      %dma_start3A_1120 = arith.constant 0 : i32
      %dma_start3A_1121 = arith.constant 0 : i32
      %dma_start3A_1122 = tpu.memref_slice %arg12[%dma_start3A_1120, %dma_start3A_1121] : memref<10240x64xf32, #tpu.memory_space<vmem_shared>> -> memref<10240x64xf32, #tpu.memory_space<vmem_shared>>
      tpu.enqueue_indirect_dma source(%dma_start3A_1116 : memref<80x64xf32, #tpu.memory_space<vmem>>) target(%dma_start3A_1122 : memref<10240x64xf32, #tpu.memory_space<vmem_shared>>) offsets(%dma_start3A_1119 : memref<80xi32, #tpu.memory_space<vmem>>) semaphore(%arg18 : memref<!tpu.dma_semaphore, #tpu.memory_space<semaphore_mem>>) {add = true}
      %dma_start3A_1123 = arith.constant 1 : i32
      %dma_start3A_1124 = arith.constant 2 : i32
      %dma_start3A_1125 = arith.constant 1 : i32
      %dma_start3A_1126 = arith.constant 2 : i32
      %dma_start3A_1127 = arith.constant 0 : i32
      %dma_start3A_1128 = arith.constant 0 : i32
      %dma_start3A_1129 = tpu.memref_slice %arg11[%dma_start3A_1123, %dma_start3A_1124, %dma_start3A_1127, %dma_start3A_1128] : memref<2x5x80x64xf32, #tpu.memory_space<vmem>> -> memref<1x1x80x64xf32, #tpu.memory_space<vmem>>
      %dma_start3A_1130 = tpu.memref_squeeze %dma_start3A_1129 : memref<1x1x80x64xf32, #tpu.memory_space<vmem>> -> memref<80x64xf32, #tpu.memory_space<vmem>>
      %dma_start3A_1131 = arith.constant 0 : i32
      %dma_start3A_1132 = tpu.memref_slice %arg10[%dma_start3A_1125, %dma_start3A_1126, %dma_start3A_1131] : memref<2x5x80xi32, #tpu.memory_space<vmem>> -> memref<1x1x80xi32, #tpu.memory_space<vmem>>
      %dma_start3A_1133 = tpu.memref_squeeze %dma_start3A_1132 : memref<1x1x80xi32, #tpu.memory_space<vmem>> -> memref<80xi32, #tpu.memory_space<vmem>>
      %dma_start3A_1134 = arith.constant 0 : i32
      %dma_start3A_1135 = arith.constant 0 : i32
      %dma_start3A_1136 = tpu.memref_slice %arg12[%dma_start3A_1134, %dma_start3A_1135] : memref<10240x64xf32, #tpu.memory_space<vmem_shared>> -> memref<10240x64xf32, #tpu.memory_space<vmem_shared>>
      tpu.enqueue_indirect_dma source(%dma_start3A_1130 : memref<80x64xf32, #tpu.memory_space<vmem>>) target(%dma_start3A_1136 : memref<10240x64xf32, #tpu.memory_space<vmem_shared>>) offsets(%dma_start3A_1133 : memref<80xi32, #tpu.memory_space<vmem>>) semaphore(%arg18 : memref<!tpu.dma_semaphore, #tpu.memory_space<semaphore_mem>>) {add = true}
      %dma_start3A_1137 = arith.constant 1 : i32
      %dma_start3A_1138 = arith.constant 3 : i32
      %dma_start3A_1139 = arith.constant 1 : i32
      %dma_start3A_1140 = arith.constant 3 : i32
      %dma_start3A_1141 = arith.constant 0 : i32
      %dma_start3A_1142 = arith.constant 0 : i32
      %dma_start3A_1143 = tpu.memref_slice %arg11[%dma_start3A_1137, %dma_start3A_1138, %dma_start3A_1141, %dma_start3A_1142] : memref<2x5x80x64xf32, #tpu.memory_space<vmem>> -> memref<1x1x80x64xf32, #tpu.memory_space<vmem>>
      %dma_start3A_1144 = tpu.memref_squeeze %dma_start3A_1143 : memref<1x1x80x64xf32, #tpu.memory_space<vmem>> -> memref<80x64xf32, #tpu.memory_space<vmem>>
      %dma_start3A_1145 = arith.constant 0 : i32
      %dma_start3A_1146 = tpu.memref_slice %arg10[%dma_start3A_1139, %dma_start3A_1140, %dma_start3A_1145] : memref<2x5x80xi32, #tpu.memory_space<vmem>> -> memref<1x1x80xi32, #tpu.memory_space<vmem>>
      %dma_start3A_1147 = tpu.memref_squeeze %dma_start3A_1146 : memref<1x1x80xi32, #tpu.memory_space<vmem>> -> memref<80xi32, #tpu.memory_space<vmem>>
      %dma_start3A_1148 = arith.constant 0 : i32
      %dma_start3A_1149 = arith.constant 0 : i32
      %dma_start3A_1150 = tpu.memref_slice %arg12[%dma_start3A_1148, %dma_start3A_1149] : memref<10240x64xf32, #tpu.memory_space<vmem_shared>> -> memref<10240x64xf32, #tpu.memory_space<vmem_shared>>
      tpu.enqueue_indirect_dma source(%dma_start3A_1144 : memref<80x64xf32, #tpu.memory_space<vmem>>) target(%dma_start3A_1150 : memref<10240x64xf32, #tpu.memory_space<vmem_shared>>) offsets(%dma_start3A_1147 : memref<80xi32, #tpu.memory_space<vmem>>) semaphore(%arg18 : memref<!tpu.dma_semaphore, #tpu.memory_space<semaphore_mem>>) {add = true}
      %dma_start3A_1151 = arith.constant 1 : i32
      %dma_start3A_1152 = arith.constant 4 : i32
      %dma_start3A_1153 = arith.constant 1 : i32
      %dma_start3A_1154 = arith.constant 4 : i32
      %dma_start3A_1155 = arith.constant 0 : i32
      %dma_start3A_1156 = arith.constant 0 : i32
      %dma_start3A_1157 = tpu.memref_slice %arg11[%dma_start3A_1151, %dma_start3A_1152, %dma_start3A_1155, %dma_start3A_1156] : memref<2x5x80x64xf32, #tpu.memory_space<vmem>> -> memref<1x1x80x64xf32, #tpu.memory_space<vmem>>
      %dma_start3A_1158 = tpu.memref_squeeze %dma_start3A_1157 : memref<1x1x80x64xf32, #tpu.memory_space<vmem>> -> memref<80x64xf32, #tpu.memory_space<vmem>>
      %dma_start3A_1159 = arith.constant 0 : i32
      %dma_start3A_1160 = tpu.memref_slice %arg10[%dma_start3A_1153, %dma_start3A_1154, %dma_start3A_1159] : memref<2x5x80xi32, #tpu.memory_space<vmem>> -> memref<1x1x80xi32, #tpu.memory_space<vmem>>
      %dma_start3A_1161 = tpu.memref_squeeze %dma_start3A_1160 : memref<1x1x80xi32, #tpu.memory_space<vmem>> -> memref<80xi32, #tpu.memory_space<vmem>>
      %dma_start3A_1162 = arith.constant 0 : i32
      %dma_start3A_1163 = arith.constant 0 : i32
      %dma_start3A_1164 = tpu.memref_slice %arg12[%dma_start3A_1162, %dma_start3A_1163] : memref<10240x64xf32, #tpu.memory_space<vmem_shared>> -> memref<10240x64xf32, #tpu.memory_space<vmem_shared>>
      tpu.enqueue_indirect_dma source(%dma_start3A_1158 : memref<80x64xf32, #tpu.memory_space<vmem>>) target(%dma_start3A_1164 : memref<10240x64xf32, #tpu.memory_space<vmem_shared>>) offsets(%dma_start3A_1161 : memref<80xi32, #tpu.memory_space<vmem>>) semaphore(%arg18 : memref<!tpu.dma_semaphore, #tpu.memory_space<semaphore_mem>>) {add = true}
    }
    %scan3A_56 = arith.constant 25 : i32
    %dma_wait3A = arith.constant 1 : i32
    %dma_wait3A_57 = arith.constant 0 : i32
    %dma_wait3A_58 = arith.constant 1 : i32
    %dma_wait3A_59 = arith.constant 0 : i32
    %dma_wait3A_60 = arith.constant 0 : i32
    %dma_wait3A_61 = arith.constant 0 : i32
    %dma_wait3A_62 = tpu.memref_slice %arg11[%dma_wait3A, %dma_wait3A_57, %dma_wait3A_60, %dma_wait3A_61] : memref<2x5x80x64xf32, #tpu.memory_space<vmem>> -> memref<1x1x80x64xf32, #tpu.memory_space<vmem>>
    %dma_wait3A_63 = tpu.memref_squeeze %dma_wait3A_62 : memref<1x1x80x64xf32, #tpu.memory_space<vmem>> -> memref<80x64xf32, #tpu.memory_space<vmem>>
    %dma_wait3A_64 = arith.constant 0 : i32
    %dma_wait3A_65 = tpu.memref_slice %arg10[%dma_wait3A_58, %dma_wait3A_59, %dma_wait3A_64] : memref<2x5x80xi32, #tpu.memory_space<vmem>> -> memref<1x1x80xi32, #tpu.memory_space<vmem>>
    %dma_wait3A_66 = tpu.memref_squeeze %dma_wait3A_65 : memref<1x1x80xi32, #tpu.memory_space<vmem>> -> memref<80xi32, #tpu.memory_space<vmem>>
    %dma_wait3A_67 = arith.constant 0 : i32
    %dma_wait3A_68 = arith.constant 0 : i32
    %dma_wait3A_69 = tpu.memref_slice %arg12[%dma_wait3A_67, %dma_wait3A_68] : memref<10240x64xf32, #tpu.memory_space<vmem_shared>> -> memref<10240x64xf32, #tpu.memory_space<vmem_shared>>
    tpu.wait_indirect_dma semaphore(%arg18 : memref<!tpu.dma_semaphore, #tpu.memory_space<semaphore_mem>>) src(%dma_wait3A_63 : memref<80x64xf32, #tpu.memory_space<vmem>>) dst(%dma_wait3A_69 : memref<10240x64xf32, #tpu.memory_space<vmem_shared>>)
    %dma_wait3A_70 = arith.constant 1 : i32
    %dma_wait3A_71 = arith.constant 1 : i32
    %dma_wait3A_72 = arith.constant 1 : i32
    %dma_wait3A_73 = arith.constant 0 : i32
    %dma_wait3A_74 = arith.constant 0 : i32
    %dma_wait3A_75 = arith.constant 0 : i32
    %dma_wait3A_76 = tpu.memref_slice %arg11[%dma_wait3A_70, %dma_wait3A_71, %dma_wait3A_74, %dma_wait3A_75] : memref<2x5x80x64xf32, #tpu.memory_space<vmem>> -> memref<1x1x80x64xf32, #tpu.memory_space<vmem>>
    %dma_wait3A_77 = tpu.memref_squeeze %dma_wait3A_76 : memref<1x1x80x64xf32, #tpu.memory_space<vmem>> -> memref<80x64xf32, #tpu.memory_space<vmem>>
    %dma_wait3A_78 = arith.constant 0 : i32
    %dma_wait3A_79 = tpu.memref_slice %arg10[%dma_wait3A_72, %dma_wait3A_73, %dma_wait3A_78] : memref<2x5x80xi32, #tpu.memory_space<vmem>> -> memref<1x1x80xi32, #tpu.memory_space<vmem>>
    %dma_wait3A_80 = tpu.memref_squeeze %dma_wait3A_79 : memref<1x1x80xi32, #tpu.memory_space<vmem>> -> memref<80xi32, #tpu.memory_space<vmem>>
    %dma_wait3A_81 = arith.constant 0 : i32
    %dma_wait3A_82 = arith.constant 0 : i32
    %dma_wait3A_83 = tpu.memref_slice %arg12[%dma_wait3A_81, %dma_wait3A_82] : memref<10240x64xf32, #tpu.memory_space<vmem_shared>> -> memref<10240x64xf32, #tpu.memory_space<vmem_shared>>
    tpu.wait_indirect_dma semaphore(%arg18 : memref<!tpu.dma_semaphore, #tpu.memory_space<semaphore_mem>>) src(%dma_wait3A_77 : memref<80x64xf32, #tpu.memory_space<vmem>>) dst(%dma_wait3A_83 : memref<10240x64xf32, #tpu.memory_space<vmem_shared>>)
    %dma_wait3A_84 = arith.constant 1 : i32
    %dma_wait3A_85 = arith.constant 2 : i32
    %dma_wait3A_86 = arith.constant 1 : i32
    %dma_wait3A_87 = arith.constant 0 : i32
    %dma_wait3A_88 = arith.constant 0 : i32
    %dma_wait3A_89 = arith.constant 0 : i32
    %dma_wait3A_90 = tpu.memref_slice %arg11[%dma_wait3A_84, %dma_wait3A_85, %dma_wait3A_88, %dma_wait3A_89] : memref<2x5x80x64xf32, #tpu.memory_space<vmem>> -> memref<1x1x80x64xf32, #tpu.memory_space<vmem>>
    %dma_wait3A_91 = tpu.memref_squeeze %dma_wait3A_90 : memref<1x1x80x64xf32, #tpu.memory_space<vmem>> -> memref<80x64xf32, #tpu.memory_space<vmem>>
    %dma_wait3A_92 = arith.constant 0 : i32
    %dma_wait3A_93 = tpu.memref_slice %arg10[%dma_wait3A_86, %dma_wait3A_87, %dma_wait3A_92] : memref<2x5x80xi32, #tpu.memory_space<vmem>> -> memref<1x1x80xi32, #tpu.memory_space<vmem>>
    %dma_wait3A_94 = tpu.memref_squeeze %dma_wait3A_93 : memref<1x1x80xi32, #tpu.memory_space<vmem>> -> memref<80xi32, #tpu.memory_space<vmem>>
    %dma_wait3A_95 = arith.constant 0 : i32
    %dma_wait3A_96 = arith.constant 0 : i32
    %dma_wait3A_97 = tpu.memref_slice %arg12[%dma_wait3A_95, %dma_wait3A_96] : memref<10240x64xf32, #tpu.memory_space<vmem_shared>> -> memref<10240x64xf32, #tpu.memory_space<vmem_shared>>
    tpu.wait_indirect_dma semaphore(%arg18 : memref<!tpu.dma_semaphore, #tpu.memory_space<semaphore_mem>>) src(%dma_wait3A_91 : memref<80x64xf32, #tpu.memory_space<vmem>>) dst(%dma_wait3A_97 : memref<10240x64xf32, #tpu.memory_space<vmem_shared>>)
    %dma_wait3A_98 = arith.constant 1 : i32
    %dma_wait3A_99 = arith.constant 3 : i32
    %dma_wait3A_100 = arith.constant 1 : i32
    %dma_wait3A_101 = arith.constant 0 : i32
    %dma_wait3A_102 = arith.constant 0 : i32
    %dma_wait3A_103 = arith.constant 0 : i32
    %dma_wait3A_104 = tpu.memref_slice %arg11[%dma_wait3A_98, %dma_wait3A_99, %dma_wait3A_102, %dma_wait3A_103] : memref<2x5x80x64xf32, #tpu.memory_space<vmem>> -> memref<1x1x80x64xf32, #tpu.memory_space<vmem>>
    %dma_wait3A_105 = tpu.memref_squeeze %dma_wait3A_104 : memref<1x1x80x64xf32, #tpu.memory_space<vmem>> -> memref<80x64xf32, #tpu.memory_space<vmem>>
    %dma_wait3A_106 = arith.constant 0 : i32
    %dma_wait3A_107 = tpu.memref_slice %arg10[%dma_wait3A_100, %dma_wait3A_101, %dma_wait3A_106] : memref<2x5x80xi32, #tpu.memory_space<vmem>> -> memref<1x1x80xi32, #tpu.memory_space<vmem>>
    %dma_wait3A_108 = tpu.memref_squeeze %dma_wait3A_107 : memref<1x1x80xi32, #tpu.memory_space<vmem>> -> memref<80xi32, #tpu.memory_space<vmem>>
    %dma_wait3A_109 = arith.constant 0 : i32
    %dma_wait3A_110 = arith.constant 0 : i32
    %dma_wait3A_111 = tpu.memref_slice %arg12[%dma_wait3A_109, %dma_wait3A_110] : memref<10240x64xf32, #tpu.memory_space<vmem_shared>> -> memref<10240x64xf32, #tpu.memory_space<vmem_shared>>
    tpu.wait_indirect_dma semaphore(%arg18 : memref<!tpu.dma_semaphore, #tpu.memory_space<semaphore_mem>>) src(%dma_wait3A_105 : memref<80x64xf32, #tpu.memory_space<vmem>>) dst(%dma_wait3A_111 : memref<10240x64xf32, #tpu.memory_space<vmem_shared>>)
    %dma_wait3A_112 = arith.constant 1 : i32
    %dma_wait3A_113 = arith.constant 4 : i32
    %dma_wait3A_114 = arith.constant 1 : i32
    %dma_wait3A_115 = arith.constant 0 : i32
    %dma_wait3A_116 = arith.constant 0 : i32
    %dma_wait3A_117 = arith.constant 0 : i32
    %dma_wait3A_118 = tpu.memref_slice %arg11[%dma_wait3A_112, %dma_wait3A_113, %dma_wait3A_116, %dma_wait3A_117] : memref<2x5x80x64xf32, #tpu.memory_space<vmem>> -> memref<1x1x80x64xf32, #tpu.memory_space<vmem>>
    %dma_wait3A_119 = tpu.memref_squeeze %dma_wait3A_118 : memref<1x1x80x64xf32, #tpu.memory_space<vmem>> -> memref<80x64xf32, #tpu.memory_space<vmem>>
    %dma_wait3A_120 = arith.constant 0 : i32
    %dma_wait3A_121 = tpu.memref_slice %arg10[%dma_wait3A_114, %dma_wait3A_115, %dma_wait3A_120] : memref<2x5x80xi32, #tpu.memory_space<vmem>> -> memref<1x1x80xi32, #tpu.memory_space<vmem>>
    %dma_wait3A_122 = tpu.memref_squeeze %dma_wait3A_121 : memref<1x1x80xi32, #tpu.memory_space<vmem>> -> memref<80xi32, #tpu.memory_space<vmem>>
    %dma_wait3A_123 = arith.constant 0 : i32
    %dma_wait3A_124 = arith.constant 0 : i32
    %dma_wait3A_125 = tpu.memref_slice %arg12[%dma_wait3A_123, %dma_wait3A_124] : memref<10240x64xf32, #tpu.memory_space<vmem_shared>> -> memref<10240x64xf32, #tpu.memory_space<vmem_shared>>
    tpu.wait_indirect_dma semaphore(%arg18 : memref<!tpu.dma_semaphore, #tpu.memory_space<semaphore_mem>>) src(%dma_wait3A_119 : memref<80x64xf32, #tpu.memory_space<vmem>>) dst(%dma_wait3A_125 : memref<10240x64xf32, #tpu.memory_space<vmem_shared>>)
    %eq3A = arith.constant 0 : i32
    %eq3A_126 = arith.cmpi eq, %arg0, %eq3A : i32
    %convert_element_type3A = arith.extui %eq3A_126 : i1 to i32
    %cond3A = arith.constant 0 : i32
    %cond3A_127 = arith.cmpi ne, %convert_element_type3A, %cond3A : i32
    scf.if %cond3A_127 {
      "tpu.region"() ({
        %run_scoped3A = tpu.sem_alloc : memref<!tpu.dma_semaphore, #tpu.memory_space<semaphore_mem>>
        %dma_start3A_141 = arith.constant 0 : i32
        %dma_start3A_142 = tpu.memref_slice %arg8[%arg1, %dma_start3A_141] : memref<16x10240xf32, #tpu.memory_space<hbm>> -> memref<1x10240xf32, #tpu.memory_space<hbm>>
        %dma_start3A_143 = tpu.memref_squeeze %dma_start3A_142 : memref<1x10240xf32, #tpu.memory_space<hbm>> -> memref<10240xf32, #tpu.memory_space<hbm>>
        %dma_start3A_144 = arith.constant 0 : i32
        %dma_start3A_145 = tpu.memref_slice %arg8[%arg1, %dma_start3A_144] : memref<16x10240xf32, #tpu.memory_space<hbm>> -> memref<1x10240xf32, #tpu.memory_space<hbm>>
        %dma_start3A_146 = tpu.memref_squeeze %dma_start3A_145 : memref<1x10240xf32, #tpu.memory_space<hbm>> -> memref<10240xf32, #tpu.memory_space<hbm>>
        tpu.enqueue_dma source(%arg19 : memref<10240xf32, #tpu.memory_space<vmem>>) target(%dma_start3A_146 : memref<10240xf32, #tpu.memory_space<hbm>>) target_semaphore(%run_scoped3A : memref<!tpu.dma_semaphore, #tpu.memory_space<semaphore_mem>>)
        %dma_wait3A_147 = arith.constant 0 : i32
        %dma_wait3A_148 = tpu.memref_slice %arg8[%arg1, %dma_wait3A_147] : memref<16x10240xf32, #tpu.memory_space<hbm>> -> memref<1x10240xf32, #tpu.memory_space<hbm>>
        %dma_wait3A_149 = tpu.memref_squeeze %dma_wait3A_148 : memref<1x10240xf32, #tpu.memory_space<hbm>> -> memref<10240xf32, #tpu.memory_space<hbm>>
        %dma_wait3A_150 = arith.constant 0 : i32
        %dma_wait3A_151 = tpu.memref_slice %arg8[%arg1, %dma_wait3A_150] : memref<16x10240xf32, #tpu.memory_space<hbm>> -> memref<1x10240xf32, #tpu.memory_space<hbm>>
        %dma_wait3A_152 = tpu.memref_squeeze %dma_wait3A_151 : memref<1x10240xf32, #tpu.memory_space<hbm>> -> memref<10240xf32, #tpu.memory_space<hbm>>
        tpu.wait_dma2 semaphore(%run_scoped3A : memref<!tpu.dma_semaphore, #tpu.memory_space<semaphore_mem>>) src(%arg19 : memref<10240xf32, #tpu.memory_space<vmem>>) dst(%dma_wait3A_152 : memref<10240xf32, #tpu.memory_space<hbm>>)
        tpu.yield
      }) : () -> ()
    } else {
    }
    %barrier3A_128 = arith.constant 0 : index
    tpu.barrier barrier_id(%barrier3A_128)
    %mul3A_129 = arith.constant 640 : i32
    %mul3A_130 = arith.muli %arg1, %mul3A_129 : i32
    %eq3A_131 = arith.constant 0 : i32
    %eq3A_132 = arith.cmpi eq, %arg0, %eq3A_131 : i32
    %convert_element_type3A_133 = arith.extui %eq3A_132 : i1 to i32
    %cond3A_134 = arith.constant 0 : i32
    %cond3A_135 = arith.cmpi ne, %convert_element_type3A_133, %cond3A_134 : i32
    scf.if %cond3A_135 {
      "tpu.region"() ({
        %run_scoped3A = tpu.sem_alloc : memref<!tpu.dma_semaphore, #tpu.memory_space<semaphore_mem>>
        %dma_start3A_141 = arith.constant 0 : i32
        %dma_start3A_142 = tpu.memref_slice %arg6[%mul3A_130, %dma_start3A_141] : memref<10240x64xf32, #tpu.memory_space<hbm>> -> memref<640x64xf32, #tpu.memory_space<hbm>>
        %dma_start3A_143 = arith.constant 0 : i32
        %dma_start3A_144 = tpu.memref_slice %arg12[%mul3A_130, %dma_start3A_143] : memref<10240x64xf32, #tpu.memory_space<vmem_shared>> -> memref<640x64xf32, #tpu.memory_space<vmem_shared>>
        tpu.enqueue_dma source(%dma_start3A_144 : memref<640x64xf32, #tpu.memory_space<vmem_shared>>) target(%dma_start3A_142 : memref<640x64xf32, #tpu.memory_space<hbm>>) target_semaphore(%run_scoped3A : memref<!tpu.dma_semaphore, #tpu.memory_space<semaphore_mem>>)
        %dma_wait3A_145 = arith.constant 0 : i32
        %dma_wait3A_146 = tpu.memref_slice %arg6[%mul3A_130, %dma_wait3A_145] : memref<10240x64xf32, #tpu.memory_space<hbm>> -> memref<640x64xf32, #tpu.memory_space<hbm>>
        %dma_wait3A_147 = arith.constant 0 : i32
        %dma_wait3A_148 = tpu.memref_slice %arg12[%mul3A_130, %dma_wait3A_147] : memref<10240x64xf32, #tpu.memory_space<vmem_shared>> -> memref<640x64xf32, #tpu.memory_space<vmem_shared>>
        tpu.wait_dma2 semaphore(%run_scoped3A : memref<!tpu.dma_semaphore, #tpu.memory_space<semaphore_mem>>) src(%dma_wait3A_148 : memref<640x64xf32, #tpu.memory_space<vmem_shared>>) dst(%dma_wait3A_146 : memref<640x64xf32, #tpu.memory_space<hbm>>)
        tpu.yield
      }) : () -> ()
    } else {
    }
    %eq3A_136 = arith.constant 1 : i32
    %eq3A_137 = arith.cmpi eq, %arg0, %eq3A_136 : i32
    %convert_element_type3A_138 = arith.extui %eq3A_137 : i1 to i32
    %cond3A_139 = arith.constant 0 : i32
    %cond3A_140 = arith.cmpi ne, %convert_element_type3A_138, %cond3A_139 : i32
    scf.if %cond3A_140 {
      "tpu.region"() ({
        %run_scoped3A = tpu.sem_alloc : memref<!tpu.dma_semaphore, #tpu.memory_space<semaphore_mem>>
        %dma_start3A_141 = arith.constant 0 : i32
        %dma_start3A_142 = tpu.memref_slice %arg7[%mul3A_130, %dma_start3A_141] : memref<10240x64xf32, #tpu.memory_space<hbm>> -> memref<640x64xf32, #tpu.memory_space<hbm>>
        %dma_start3A_143 = arith.constant 0 : i32
        %dma_start3A_144 = tpu.memref_slice %arg12[%mul3A_130, %dma_start3A_143] : memref<10240x64xf32, #tpu.memory_space<vmem_shared>> -> memref<640x64xf32, #tpu.memory_space<vmem_shared>>
        tpu.enqueue_dma source(%dma_start3A_144 : memref<640x64xf32, #tpu.memory_space<vmem_shared>>) target(%dma_start3A_142 : memref<640x64xf32, #tpu.memory_space<hbm>>) target_semaphore(%run_scoped3A : memref<!tpu.dma_semaphore, #tpu.memory_space<semaphore_mem>>)
        %dma_wait3A_145 = arith.constant 0 : i32
        %dma_wait3A_146 = tpu.memref_slice %arg7[%mul3A_130, %dma_wait3A_145] : memref<10240x64xf32, #tpu.memory_space<hbm>> -> memref<640x64xf32, #tpu.memory_space<hbm>>
        %dma_wait3A_147 = arith.constant 0 : i32
        %dma_wait3A_148 = tpu.memref_slice %arg12[%mul3A_130, %dma_wait3A_147] : memref<10240x64xf32, #tpu.memory_space<vmem_shared>> -> memref<640x64xf32, #tpu.memory_space<vmem_shared>>
        tpu.wait_dma2 semaphore(%run_scoped3A : memref<!tpu.dma_semaphore, #tpu.memory_space<semaphore_mem>>) src(%dma_wait3A_148 : memref<640x64xf32, #tpu.memory_space<vmem_shared>>) dst(%dma_wait3A_146 : memref<640x64xf32, #tpu.memory_space<hbm>>)
        tpu.yield
      }) : () -> ()
    } else {
    }
    return
  }
}

#map = affine_map<(d0, d1) -> (0, 0, 0)>
#map1 = affine_map<(d0, d1) -> (0, 0)>
module attributes {stable_mosaic.version = 14 : i64} {
  func.func @body(%arg0: i32, %arg1: i32, %arg2: memref<2x320000x32xf32, #tpu.memory_space<hbm>>, %arg3: memref<16x250x80xi32, #tpu.memory_space<hbm>>, %arg4: memref<16x250x80xi32, #tpu.memory_space<hbm>>, %arg5: memref<640x32xf32, #tpu.memory_space<hbm>>, %arg6: memref<10240x32xf32, #tpu.memory_space<hbm>>, %arg7: memref<10240x32xf32, #tpu.memory_space<hbm>>, %arg8: memref<250x80xi32, #tpu.memory_space<vmem>>, %arg9: memref<250x80xi32, #tpu.memory_space<vmem>>, %arg10: memref<2x400x32xf32, #tpu.memory_space<vmem>>, %arg11: memref<10240x32xf32, #tpu.memory_space<vmem_shared>>, %arg12: memref<!tpu.dma_semaphore, #tpu.memory_space<semaphore_mem>>, %arg13: memref<!tpu.dma_semaphore, #tpu.memory_space<semaphore_mem>>, %arg14: memref<!tpu.dma_semaphore, #tpu.memory_space<semaphore_mem>>, %arg15: memref<!tpu.dma_semaphore, #tpu.memory_space<semaphore_mem>>) attributes {dimension_semantics = [#tpu.dimension_semantics<core_parallel>, #tpu.dimension_semantics<subcore_parallel>], iteration_bounds = array<i64: 2, 16>, scalar_prefetch = 0 : i64, scratch_operands = 8 : i64, tpu.core_type = #tpu.core_type<sc_vector_subcore>, window_params = [{transform_indices = #map}, {transform_indices = #map}, {transform_indices = #map}, {transform_indices = #map1}, {transform_indices = #map1}, {transform_indices = #map1}]} {
    %mul3A = arith.constant 640 : i32
    %mul3A_0 = arith.muli %arg1, %mul3A : i32
    "tpu.region"() ({
      %run_scoped3A = tpu.sem_alloc : memref<!tpu.dma_semaphore, #tpu.memory_space<semaphore_mem>>
      %dma_start3A_188 = arith.constant 0 : i32
      %dma_start3A_189 = tpu.memref_slice %arg11[%mul3A_0, %dma_start3A_188] : memref<10240x32xf32, #tpu.memory_space<vmem_shared>> -> memref<640x32xf32, #tpu.memory_space<vmem_shared>>
      tpu.enqueue_dma source(%arg5 : memref<640x32xf32, #tpu.memory_space<hbm>>) target(%dma_start3A_189 : memref<640x32xf32, #tpu.memory_space<vmem_shared>>) target_semaphore(%run_scoped3A : memref<!tpu.dma_semaphore, #tpu.memory_space<semaphore_mem>>)
      %dma_wait3A_190 = arith.constant 0 : i32
      %dma_wait3A_191 = tpu.memref_slice %arg11[%mul3A_0, %dma_wait3A_190] : memref<10240x32xf32, #tpu.memory_space<vmem_shared>> -> memref<640x32xf32, #tpu.memory_space<vmem_shared>>
      tpu.wait_dma2 semaphore(%run_scoped3A : memref<!tpu.dma_semaphore, #tpu.memory_space<semaphore_mem>>) src(%arg5 : memref<640x32xf32, #tpu.memory_space<hbm>>) dst(%dma_wait3A_191 : memref<640x32xf32, #tpu.memory_space<vmem_shared>>)
      tpu.yield
    }) : () -> ()
    "tpu.region"() ({
      %run_scoped3A = tpu.sem_alloc : memref<!tpu.dma_semaphore, #tpu.memory_space<semaphore_mem>>
      %dma_start3A_188 = arith.constant 0 : i32
      %dma_start3A_189 = arith.constant 0 : i32
      %dma_start3A_190 = tpu.memref_slice %arg3[%arg1, %dma_start3A_188, %dma_start3A_189] : memref<16x250x80xi32, #tpu.memory_space<hbm>> -> memref<1x250x80xi32, #tpu.memory_space<hbm>>
      %dma_start3A_191 = tpu.memref_squeeze %dma_start3A_190 : memref<1x250x80xi32, #tpu.memory_space<hbm>> -> memref<250x80xi32, #tpu.memory_space<hbm>>
      %dma_start3A_192 = arith.constant 0 : i32
      %dma_start3A_193 = arith.constant 0 : i32
      %dma_start3A_194 = tpu.memref_slice %arg3[%arg1, %dma_start3A_192, %dma_start3A_193] : memref<16x250x80xi32, #tpu.memory_space<hbm>> -> memref<1x250x80xi32, #tpu.memory_space<hbm>>
      %dma_start3A_195 = tpu.memref_squeeze %dma_start3A_194 : memref<1x250x80xi32, #tpu.memory_space<hbm>> -> memref<250x80xi32, #tpu.memory_space<hbm>>
      tpu.enqueue_dma source(%dma_start3A_195 : memref<250x80xi32, #tpu.memory_space<hbm>>) target(%arg8 : memref<250x80xi32, #tpu.memory_space<vmem>>) target_semaphore(%run_scoped3A : memref<!tpu.dma_semaphore, #tpu.memory_space<semaphore_mem>>)
      %dma_wait3A_196 = arith.constant 0 : i32
      %dma_wait3A_197 = arith.constant 0 : i32
      %dma_wait3A_198 = tpu.memref_slice %arg3[%arg1, %dma_wait3A_196, %dma_wait3A_197] : memref<16x250x80xi32, #tpu.memory_space<hbm>> -> memref<1x250x80xi32, #tpu.memory_space<hbm>>
      %dma_wait3A_199 = tpu.memref_squeeze %dma_wait3A_198 : memref<1x250x80xi32, #tpu.memory_space<hbm>> -> memref<250x80xi32, #tpu.memory_space<hbm>>
      %dma_wait3A_200 = arith.constant 0 : i32
      %dma_wait3A_201 = arith.constant 0 : i32
      %dma_wait3A_202 = tpu.memref_slice %arg3[%arg1, %dma_wait3A_200, %dma_wait3A_201] : memref<16x250x80xi32, #tpu.memory_space<hbm>> -> memref<1x250x80xi32, #tpu.memory_space<hbm>>
      %dma_wait3A_203 = tpu.memref_squeeze %dma_wait3A_202 : memref<1x250x80xi32, #tpu.memory_space<hbm>> -> memref<250x80xi32, #tpu.memory_space<hbm>>
      tpu.wait_dma2 semaphore(%run_scoped3A : memref<!tpu.dma_semaphore, #tpu.memory_space<semaphore_mem>>) src(%dma_wait3A_203 : memref<250x80xi32, #tpu.memory_space<hbm>>) dst(%arg8 : memref<250x80xi32, #tpu.memory_space<vmem>>)
      tpu.yield
    }) : () -> ()
    "tpu.region"() ({
      %run_scoped3A = tpu.sem_alloc : memref<!tpu.dma_semaphore, #tpu.memory_space<semaphore_mem>>
      %dma_start3A_188 = arith.constant 0 : i32
      %dma_start3A_189 = arith.constant 0 : i32
      %dma_start3A_190 = tpu.memref_slice %arg4[%arg1, %dma_start3A_188, %dma_start3A_189] : memref<16x250x80xi32, #tpu.memory_space<hbm>> -> memref<1x250x80xi32, #tpu.memory_space<hbm>>
      %dma_start3A_191 = tpu.memref_squeeze %dma_start3A_190 : memref<1x250x80xi32, #tpu.memory_space<hbm>> -> memref<250x80xi32, #tpu.memory_space<hbm>>
      %dma_start3A_192 = arith.constant 0 : i32
      %dma_start3A_193 = arith.constant 0 : i32
      %dma_start3A_194 = tpu.memref_slice %arg4[%arg1, %dma_start3A_192, %dma_start3A_193] : memref<16x250x80xi32, #tpu.memory_space<hbm>> -> memref<1x250x80xi32, #tpu.memory_space<hbm>>
      %dma_start3A_195 = tpu.memref_squeeze %dma_start3A_194 : memref<1x250x80xi32, #tpu.memory_space<hbm>> -> memref<250x80xi32, #tpu.memory_space<hbm>>
      tpu.enqueue_dma source(%dma_start3A_195 : memref<250x80xi32, #tpu.memory_space<hbm>>) target(%arg9 : memref<250x80xi32, #tpu.memory_space<vmem>>) target_semaphore(%run_scoped3A : memref<!tpu.dma_semaphore, #tpu.memory_space<semaphore_mem>>)
      %dma_wait3A_196 = arith.constant 0 : i32
      %dma_wait3A_197 = arith.constant 0 : i32
      %dma_wait3A_198 = tpu.memref_slice %arg4[%arg1, %dma_wait3A_196, %dma_wait3A_197] : memref<16x250x80xi32, #tpu.memory_space<hbm>> -> memref<1x250x80xi32, #tpu.memory_space<hbm>>
      %dma_wait3A_199 = tpu.memref_squeeze %dma_wait3A_198 : memref<1x250x80xi32, #tpu.memory_space<hbm>> -> memref<250x80xi32, #tpu.memory_space<hbm>>
      %dma_wait3A_200 = arith.constant 0 : i32
      %dma_wait3A_201 = arith.constant 0 : i32
      %dma_wait3A_202 = tpu.memref_slice %arg4[%arg1, %dma_wait3A_200, %dma_wait3A_201] : memref<16x250x80xi32, #tpu.memory_space<hbm>> -> memref<1x250x80xi32, #tpu.memory_space<hbm>>
      %dma_wait3A_203 = tpu.memref_squeeze %dma_wait3A_202 : memref<1x250x80xi32, #tpu.memory_space<hbm>> -> memref<250x80xi32, #tpu.memory_space<hbm>>
      tpu.wait_dma2 semaphore(%run_scoped3A : memref<!tpu.dma_semaphore, #tpu.memory_space<semaphore_mem>>) src(%dma_wait3A_203 : memref<250x80xi32, #tpu.memory_space<hbm>>) dst(%arg9 : memref<250x80xi32, #tpu.memory_space<vmem>>)
      tpu.yield
    }) : () -> ()
    %barrier3A = arith.constant 0 : index
    tpu.barrier barrier_id(%barrier3A)
    %mul3A_1 = arith.constant 20000 : i32
    %mul3A_2 = arith.muli %arg1, %mul3A_1 : i32
    %add3A = arith.constant 0 : i32
    %add3A_3 = arith.addi %mul3A_2, %add3A : i32
    %dma_start3A = arith.constant 0 : i32
    %dma_start3A_4 = arith.constant 0 : i32
    %dma_start3A_5 = arith.constant 0 : i32
    %dma_start3A_6 = tpu.memref_slice %arg10[%dma_start3A, %dma_start3A_4, %dma_start3A_5] : memref<2x400x32xf32, #tpu.memory_space<vmem>> -> memref<1x400x32xf32, #tpu.memory_space<vmem>>
    %dma_start3A_7 = tpu.memref_squeeze %dma_start3A_6 : memref<1x400x32xf32, #tpu.memory_space<vmem>> -> memref<400x32xf32, #tpu.memory_space<vmem>>
    %dma_start3A_8 = arith.constant 0 : i32
    %dma_start3A_9 = arith.constant 0 : i32
    %dma_start3A_10 = tpu.memref_slice %arg2[%arg0, %dma_start3A_8, %dma_start3A_9] : memref<2x320000x32xf32, #tpu.memory_space<hbm>> -> memref<1x320000x32xf32, #tpu.memory_space<hbm>>
    %dma_start3A_11 = tpu.memref_squeeze %dma_start3A_10 : memref<1x320000x32xf32, #tpu.memory_space<hbm>> -> memref<320000x32xf32, #tpu.memory_space<hbm>>
    %dma_start3A_12 = arith.constant 0 : i32
    %dma_start3A_13 = tpu.memref_slice %dma_start3A_11[%add3A_3, %dma_start3A_12] : memref<320000x32xf32, #tpu.memory_space<hbm>> -> memref<400x32xf32, #tpu.memory_space<hbm>>
    %dma_start3A_14 = arith.constant 0 : i32
    %dma_start3A_15 = arith.constant 0 : i32
    %dma_start3A_16 = tpu.memref_slice %arg10[%dma_start3A, %dma_start3A_14, %dma_start3A_15] : memref<2x400x32xf32, #tpu.memory_space<vmem>> -> memref<1x400x32xf32, #tpu.memory_space<vmem>>
    %dma_start3A_17 = tpu.memref_squeeze %dma_start3A_16 : memref<1x400x32xf32, #tpu.memory_space<vmem>> -> memref<400x32xf32, #tpu.memory_space<vmem>>
    %dma_start3A_18 = arith.constant 0 : i32
    %dma_start3A_19 = arith.constant 0 : i32
    %dma_start3A_20 = tpu.memref_slice %arg2[%arg0, %dma_start3A_18, %dma_start3A_19] : memref<2x320000x32xf32, #tpu.memory_space<hbm>> -> memref<1x320000x32xf32, #tpu.memory_space<hbm>>
    %dma_start3A_21 = tpu.memref_squeeze %dma_start3A_20 : memref<1x320000x32xf32, #tpu.memory_space<hbm>> -> memref<320000x32xf32, #tpu.memory_space<hbm>>
    %dma_start3A_22 = arith.constant 0 : i32
    %dma_start3A_23 = tpu.memref_slice %dma_start3A_21[%add3A_3, %dma_start3A_22] : memref<320000x32xf32, #tpu.memory_space<hbm>> -> memref<400x32xf32, #tpu.memory_space<hbm>>
    tpu.enqueue_dma source(%dma_start3A_23 : memref<400x32xf32, #tpu.memory_space<hbm>>) target(%dma_start3A_17 : memref<400x32xf32, #tpu.memory_space<vmem>>) target_semaphore(%arg12 : memref<!tpu.dma_semaphore, #tpu.memory_space<semaphore_mem>>)
    %scan3A = arith.constant 0 : i32
    %scan3A_24 = arith.constant 0 : i32
    %scan3A_25 = arith.constant 25 : i32
    %scan3A_26 = arith.addi %scan3A_24, %scan3A_25 : i32
    %scan3A_27 = arith.constant 1 : i32
    scf.for %scan3A_188 = %scan3A_24 to %scan3A_26 step %scan3A_27  : i32 {
      %mul3A_189 = arith.constant 2 : i32
      %mul3A_190 = arith.muli %mul3A_189, %scan3A_188 : i32
      %mul3A_191 = arith.constant 2 : i32
      %mul3A_192 = arith.muli %mul3A_191, %scan3A_188 : i32
      %add3A_193 = arith.constant 1 : i32
      %add3A_194 = arith.addi %mul3A_192, %add3A_193 : i32
      %dma_wait3A_195 = arith.constant 0 : i32
      %dma_wait3A_196 = arith.constant 0 : i32
      %dma_wait3A_197 = arith.constant 0 : i32
      %dma_wait3A_198 = tpu.memref_slice %arg10[%dma_wait3A_195, %dma_wait3A_196, %dma_wait3A_197] : memref<2x400x32xf32, #tpu.memory_space<vmem>> -> memref<1x400x32xf32, #tpu.memory_space<vmem>>
      %dma_wait3A_199 = tpu.memref_squeeze %dma_wait3A_198 : memref<1x400x32xf32, #tpu.memory_space<vmem>> -> memref<400x32xf32, #tpu.memory_space<vmem>>
      %dma_wait3A_200 = arith.constant 0 : i32
      %dma_wait3A_201 = arith.constant 0 : i32
      %dma_wait3A_202 = tpu.memref_slice %arg2[%arg0, %dma_wait3A_200, %dma_wait3A_201] : memref<2x320000x32xf32, #tpu.memory_space<hbm>> -> memref<1x320000x32xf32, #tpu.memory_space<hbm>>
      %dma_wait3A_203 = tpu.memref_squeeze %dma_wait3A_202 : memref<1x320000x32xf32, #tpu.memory_space<hbm>> -> memref<320000x32xf32, #tpu.memory_space<hbm>>
      %dma_wait3A_204 = arith.constant 0 : i32
      %dma_wait3A_205 = tpu.memref_slice %dma_wait3A_203[%mul3A_2, %dma_wait3A_204] : memref<320000x32xf32, #tpu.memory_space<hbm>> -> memref<400x32xf32, #tpu.memory_space<hbm>>
      %dma_wait3A_206 = arith.constant 0 : i32
      %dma_wait3A_207 = arith.constant 0 : i32
      %dma_wait3A_208 = tpu.memref_slice %arg10[%dma_wait3A_195, %dma_wait3A_206, %dma_wait3A_207] : memref<2x400x32xf32, #tpu.memory_space<vmem>> -> memref<1x400x32xf32, #tpu.memory_space<vmem>>
      %dma_wait3A_209 = tpu.memref_squeeze %dma_wait3A_208 : memref<1x400x32xf32, #tpu.memory_space<vmem>> -> memref<400x32xf32, #tpu.memory_space<vmem>>
      %dma_wait3A_210 = arith.constant 0 : i32
      %dma_wait3A_211 = arith.constant 0 : i32
      %dma_wait3A_212 = tpu.memref_slice %arg2[%arg0, %dma_wait3A_210, %dma_wait3A_211] : memref<2x320000x32xf32, #tpu.memory_space<hbm>> -> memref<1x320000x32xf32, #tpu.memory_space<hbm>>
      %dma_wait3A_213 = tpu.memref_squeeze %dma_wait3A_212 : memref<1x320000x32xf32, #tpu.memory_space<hbm>> -> memref<320000x32xf32, #tpu.memory_space<hbm>>
      %dma_wait3A_214 = arith.constant 0 : i32
      %dma_wait3A_215 = tpu.memref_slice %dma_wait3A_213[%mul3A_2, %dma_wait3A_214] : memref<320000x32xf32, #tpu.memory_space<hbm>> -> memref<400x32xf32, #tpu.memory_space<hbm>>
      tpu.wait_dma2 semaphore(%arg12 : memref<!tpu.dma_semaphore, #tpu.memory_space<semaphore_mem>>) src(%dma_wait3A_215 : memref<400x32xf32, #tpu.memory_space<hbm>>) dst(%dma_wait3A_209 : memref<400x32xf32, #tpu.memory_space<vmem>>)
      %mul3A_216 = arith.constant 5 : i32
      %mul3A_217 = arith.muli %mul3A_190, %mul3A_216 : i32
      %add3A_218 = arith.constant 0 : i32
      %add3A_219 = arith.addi %mul3A_217, %add3A_218 : i32
      %dma_start3A_220 = arith.constant 0 : i32
      %dma_start3A_221 = arith.constant 0 : i32
      %dma_start3A_222 = arith.constant 0 : i32
      %dma_start3A_223 = tpu.memref_slice %arg10[%dma_start3A_220, %dma_start3A_221, %dma_start3A_222] : memref<2x400x32xf32, #tpu.memory_space<vmem>> -> memref<1x400x32xf32, #tpu.memory_space<vmem>>
      %dma_start3A_224 = tpu.memref_squeeze %dma_start3A_223 : memref<1x400x32xf32, #tpu.memory_space<vmem>> -> memref<400x32xf32, #tpu.memory_space<vmem>>
      %dma_start3A_225 = arith.constant 0 : i32
      %dma_start3A_226 = arith.constant 0 : i32
      %dma_start3A_227 = tpu.memref_slice %dma_start3A_224[%dma_start3A_225, %dma_start3A_226] : memref<400x32xf32, #tpu.memory_space<vmem>> -> memref<80x32xf32, #tpu.memory_space<vmem>>
      %dma_start3A_228 = arith.constant 0 : i32
      %dma_start3A_229 = tpu.memref_slice %arg8[%add3A_219, %dma_start3A_228] : memref<250x80xi32, #tpu.memory_space<vmem>> -> memref<1x80xi32, #tpu.memory_space<vmem>>
      %dma_start3A_230 = tpu.memref_squeeze %dma_start3A_229 : memref<1x80xi32, #tpu.memory_space<vmem>> -> memref<80xi32, #tpu.memory_space<vmem>>
      %dma_start3A_231 = arith.constant 0 : i32
      %dma_start3A_232 = arith.constant 0 : i32
      %dma_start3A_233 = tpu.memref_slice %arg11[%dma_start3A_231, %dma_start3A_232] : memref<10240x32xf32, #tpu.memory_space<vmem_shared>> -> memref<10240x32xf32, #tpu.memory_space<vmem_shared>>
      tpu.enqueue_indirect_dma source(%dma_start3A_227 : memref<80x32xf32, #tpu.memory_space<vmem>>) target(%dma_start3A_233 : memref<10240x32xf32, #tpu.memory_space<vmem_shared>>) offsets(%dma_start3A_230 : memref<80xi32, #tpu.memory_space<vmem>>) semaphore(%arg14 : memref<!tpu.dma_semaphore, #tpu.memory_space<semaphore_mem>>) {add = true}
      %mul3A_234 = arith.constant 5 : i32
      %mul3A_235 = arith.muli %mul3A_190, %mul3A_234 : i32
      %add3A_236 = arith.constant 0 : i32
      %add3A_237 = arith.addi %mul3A_235, %add3A_236 : i32
      %dma_start3A_238 = arith.constant 0 : i32
      %dma_start3A_239 = arith.constant 0 : i32
      %dma_start3A_240 = arith.constant 0 : i32
      %dma_start3A_241 = tpu.memref_slice %arg10[%dma_start3A_238, %dma_start3A_239, %dma_start3A_240] : memref<2x400x32xf32, #tpu.memory_space<vmem>> -> memref<1x400x32xf32, #tpu.memory_space<vmem>>
      %dma_start3A_242 = tpu.memref_squeeze %dma_start3A_241 : memref<1x400x32xf32, #tpu.memory_space<vmem>> -> memref<400x32xf32, #tpu.memory_space<vmem>>
      %dma_start3A_243 = arith.constant 0 : i32
      %dma_start3A_244 = arith.constant 0 : i32
      %dma_start3A_245 = tpu.memref_slice %dma_start3A_242[%dma_start3A_243, %dma_start3A_244] : memref<400x32xf32, #tpu.memory_space<vmem>> -> memref<80x32xf32, #tpu.memory_space<vmem>>
      %dma_start3A_246 = arith.constant 0 : i32
      %dma_start3A_247 = tpu.memref_slice %arg9[%add3A_237, %dma_start3A_246] : memref<250x80xi32, #tpu.memory_space<vmem>> -> memref<1x80xi32, #tpu.memory_space<vmem>>
      %dma_start3A_248 = tpu.memref_squeeze %dma_start3A_247 : memref<1x80xi32, #tpu.memory_space<vmem>> -> memref<80xi32, #tpu.memory_space<vmem>>
      %dma_start3A_249 = arith.constant 0 : i32
      %dma_start3A_250 = arith.constant 0 : i32
      %dma_start3A_251 = tpu.memref_slice %arg11[%dma_start3A_249, %dma_start3A_250] : memref<10240x32xf32, #tpu.memory_space<vmem_shared>> -> memref<10240x32xf32, #tpu.memory_space<vmem_shared>>
      tpu.enqueue_indirect_dma source(%dma_start3A_245 : memref<80x32xf32, #tpu.memory_space<vmem>>) target(%dma_start3A_251 : memref<10240x32xf32, #tpu.memory_space<vmem_shared>>) offsets(%dma_start3A_248 : memref<80xi32, #tpu.memory_space<vmem>>) semaphore(%arg14 : memref<!tpu.dma_semaphore, #tpu.memory_space<semaphore_mem>>) {add = true}
      %mul3A_252 = arith.constant 5 : i32
      %mul3A_253 = arith.muli %mul3A_190, %mul3A_252 : i32
      %add3A_254 = arith.constant 1 : i32
      %add3A_255 = arith.addi %mul3A_253, %add3A_254 : i32
      %dma_start3A_256 = arith.constant 0 : i32
      %dma_start3A_257 = arith.constant 0 : i32
      %dma_start3A_258 = arith.constant 0 : i32
      %dma_start3A_259 = tpu.memref_slice %arg10[%dma_start3A_256, %dma_start3A_257, %dma_start3A_258] : memref<2x400x32xf32, #tpu.memory_space<vmem>> -> memref<1x400x32xf32, #tpu.memory_space<vmem>>
      %dma_start3A_260 = tpu.memref_squeeze %dma_start3A_259 : memref<1x400x32xf32, #tpu.memory_space<vmem>> -> memref<400x32xf32, #tpu.memory_space<vmem>>
      %dma_start3A_261 = arith.constant 80 : i32
      %dma_start3A_262 = arith.constant 0 : i32
      %dma_start3A_263 = tpu.memref_slice %dma_start3A_260[%dma_start3A_261, %dma_start3A_262] : memref<400x32xf32, #tpu.memory_space<vmem>> -> memref<80x32xf32, #tpu.memory_space<vmem>>
      %dma_start3A_264 = arith.constant 0 : i32
      %dma_start3A_265 = tpu.memref_slice %arg8[%add3A_255, %dma_start3A_264] : memref<250x80xi32, #tpu.memory_space<vmem>> -> memref<1x80xi32, #tpu.memory_space<vmem>>
      %dma_start3A_266 = tpu.memref_squeeze %dma_start3A_265 : memref<1x80xi32, #tpu.memory_space<vmem>> -> memref<80xi32, #tpu.memory_space<vmem>>
      %dma_start3A_267 = arith.constant 0 : i32
      %dma_start3A_268 = arith.constant 0 : i32
      %dma_start3A_269 = tpu.memref_slice %arg11[%dma_start3A_267, %dma_start3A_268] : memref<10240x32xf32, #tpu.memory_space<vmem_shared>> -> memref<10240x32xf32, #tpu.memory_space<vmem_shared>>
      tpu.enqueue_indirect_dma source(%dma_start3A_263 : memref<80x32xf32, #tpu.memory_space<vmem>>) target(%dma_start3A_269 : memref<10240x32xf32, #tpu.memory_space<vmem_shared>>) offsets(%dma_start3A_266 : memref<80xi32, #tpu.memory_space<vmem>>) semaphore(%arg14 : memref<!tpu.dma_semaphore, #tpu.memory_space<semaphore_mem>>) {add = true}
      %mul3A_270 = arith.constant 5 : i32
      %mul3A_271 = arith.muli %mul3A_190, %mul3A_270 : i32
      %add3A_272 = arith.constant 1 : i32
      %add3A_273 = arith.addi %mul3A_271, %add3A_272 : i32
      %dma_start3A_274 = arith.constant 0 : i32
      %dma_start3A_275 = arith.constant 0 : i32
      %dma_start3A_276 = arith.constant 0 : i32
      %dma_start3A_277 = tpu.memref_slice %arg10[%dma_start3A_274, %dma_start3A_275, %dma_start3A_276] : memref<2x400x32xf32, #tpu.memory_space<vmem>> -> memref<1x400x32xf32, #tpu.memory_space<vmem>>
      %dma_start3A_278 = tpu.memref_squeeze %dma_start3A_277 : memref<1x400x32xf32, #tpu.memory_space<vmem>> -> memref<400x32xf32, #tpu.memory_space<vmem>>
      %dma_start3A_279 = arith.constant 80 : i32
      %dma_start3A_280 = arith.constant 0 : i32
      %dma_start3A_281 = tpu.memref_slice %dma_start3A_278[%dma_start3A_279, %dma_start3A_280] : memref<400x32xf32, #tpu.memory_space<vmem>> -> memref<80x32xf32, #tpu.memory_space<vmem>>
      %dma_start3A_282 = arith.constant 0 : i32
      %dma_start3A_283 = tpu.memref_slice %arg9[%add3A_273, %dma_start3A_282] : memref<250x80xi32, #tpu.memory_space<vmem>> -> memref<1x80xi32, #tpu.memory_space<vmem>>
      %dma_start3A_284 = tpu.memref_squeeze %dma_start3A_283 : memref<1x80xi32, #tpu.memory_space<vmem>> -> memref<80xi32, #tpu.memory_space<vmem>>
      %dma_start3A_285 = arith.constant 0 : i32
      %dma_start3A_286 = arith.constant 0 : i32
      %dma_start3A_287 = tpu.memref_slice %arg11[%dma_start3A_285, %dma_start3A_286] : memref<10240x32xf32, #tpu.memory_space<vmem_shared>> -> memref<10240x32xf32, #tpu.memory_space<vmem_shared>>
      tpu.enqueue_indirect_dma source(%dma_start3A_281 : memref<80x32xf32, #tpu.memory_space<vmem>>) target(%dma_start3A_287 : memref<10240x32xf32, #tpu.memory_space<vmem_shared>>) offsets(%dma_start3A_284 : memref<80xi32, #tpu.memory_space<vmem>>) semaphore(%arg14 : memref<!tpu.dma_semaphore, #tpu.memory_space<semaphore_mem>>) {add = true}
      %mul3A_288 = arith.constant 5 : i32
      %mul3A_289 = arith.muli %mul3A_190, %mul3A_288 : i32
      %add3A_290 = arith.constant 2 : i32
      %add3A_291 = arith.addi %mul3A_289, %add3A_290 : i32
      %dma_start3A_292 = arith.constant 0 : i32
      %dma_start3A_293 = arith.constant 0 : i32
      %dma_start3A_294 = arith.constant 0 : i32
      %dma_start3A_295 = tpu.memref_slice %arg10[%dma_start3A_292, %dma_start3A_293, %dma_start3A_294] : memref<2x400x32xf32, #tpu.memory_space<vmem>> -> memref<1x400x32xf32, #tpu.memory_space<vmem>>
      %dma_start3A_296 = tpu.memref_squeeze %dma_start3A_295 : memref<1x400x32xf32, #tpu.memory_space<vmem>> -> memref<400x32xf32, #tpu.memory_space<vmem>>
      %dma_start3A_297 = arith.constant 160 : i32
      %dma_start3A_298 = arith.constant 0 : i32
      %dma_start3A_299 = tpu.memref_slice %dma_start3A_296[%dma_start3A_297, %dma_start3A_298] : memref<400x32xf32, #tpu.memory_space<vmem>> -> memref<80x32xf32, #tpu.memory_space<vmem>>
      %dma_start3A_300 = arith.constant 0 : i32
      %dma_start3A_301 = tpu.memref_slice %arg8[%add3A_291, %dma_start3A_300] : memref<250x80xi32, #tpu.memory_space<vmem>> -> memref<1x80xi32, #tpu.memory_space<vmem>>
      %dma_start3A_302 = tpu.memref_squeeze %dma_start3A_301 : memref<1x80xi32, #tpu.memory_space<vmem>> -> memref<80xi32, #tpu.memory_space<vmem>>
      %dma_start3A_303 = arith.constant 0 : i32
      %dma_start3A_304 = arith.constant 0 : i32
      %dma_start3A_305 = tpu.memref_slice %arg11[%dma_start3A_303, %dma_start3A_304] : memref<10240x32xf32, #tpu.memory_space<vmem_shared>> -> memref<10240x32xf32, #tpu.memory_space<vmem_shared>>
      tpu.enqueue_indirect_dma source(%dma_start3A_299 : memref<80x32xf32, #tpu.memory_space<vmem>>) target(%dma_start3A_305 : memref<10240x32xf32, #tpu.memory_space<vmem_shared>>) offsets(%dma_start3A_302 : memref<80xi32, #tpu.memory_space<vmem>>) semaphore(%arg14 : memref<!tpu.dma_semaphore, #tpu.memory_space<semaphore_mem>>) {add = true}
      %mul3A_306 = arith.constant 5 : i32
      %mul3A_307 = arith.muli %mul3A_190, %mul3A_306 : i32
      %add3A_308 = arith.constant 2 : i32
      %add3A_309 = arith.addi %mul3A_307, %add3A_308 : i32
      %dma_start3A_310 = arith.constant 0 : i32
      %dma_start3A_311 = arith.constant 0 : i32
      %dma_start3A_312 = arith.constant 0 : i32
      %dma_start3A_313 = tpu.memref_slice %arg10[%dma_start3A_310, %dma_start3A_311, %dma_start3A_312] : memref<2x400x32xf32, #tpu.memory_space<vmem>> -> memref<1x400x32xf32, #tpu.memory_space<vmem>>
      %dma_start3A_314 = tpu.memref_squeeze %dma_start3A_313 : memref<1x400x32xf32, #tpu.memory_space<vmem>> -> memref<400x32xf32, #tpu.memory_space<vmem>>
      %dma_start3A_315 = arith.constant 160 : i32
      %dma_start3A_316 = arith.constant 0 : i32
      %dma_start3A_317 = tpu.memref_slice %dma_start3A_314[%dma_start3A_315, %dma_start3A_316] : memref<400x32xf32, #tpu.memory_space<vmem>> -> memref<80x32xf32, #tpu.memory_space<vmem>>
      %dma_start3A_318 = arith.constant 0 : i32
      %dma_start3A_319 = tpu.memref_slice %arg9[%add3A_309, %dma_start3A_318] : memref<250x80xi32, #tpu.memory_space<vmem>> -> memref<1x80xi32, #tpu.memory_space<vmem>>
      %dma_start3A_320 = tpu.memref_squeeze %dma_start3A_319 : memref<1x80xi32, #tpu.memory_space<vmem>> -> memref<80xi32, #tpu.memory_space<vmem>>
      %dma_start3A_321 = arith.constant 0 : i32
      %dma_start3A_322 = arith.constant 0 : i32
      %dma_start3A_323 = tpu.memref_slice %arg11[%dma_start3A_321, %dma_start3A_322] : memref<10240x32xf32, #tpu.memory_space<vmem_shared>> -> memref<10240x32xf32, #tpu.memory_space<vmem_shared>>
      tpu.enqueue_indirect_dma source(%dma_start3A_317 : memref<80x32xf32, #tpu.memory_space<vmem>>) target(%dma_start3A_323 : memref<10240x32xf32, #tpu.memory_space<vmem_shared>>) offsets(%dma_start3A_320 : memref<80xi32, #tpu.memory_space<vmem>>) semaphore(%arg14 : memref<!tpu.dma_semaphore, #tpu.memory_space<semaphore_mem>>) {add = true}
      %mul3A_324 = arith.constant 5 : i32
      %mul3A_325 = arith.muli %mul3A_190, %mul3A_324 : i32
      %add3A_326 = arith.constant 3 : i32
      %add3A_327 = arith.addi %mul3A_325, %add3A_326 : i32
      %dma_start3A_328 = arith.constant 0 : i32
      %dma_start3A_329 = arith.constant 0 : i32
      %dma_start3A_330 = arith.constant 0 : i32
      %dma_start3A_331 = tpu.memref_slice %arg10[%dma_start3A_328, %dma_start3A_329, %dma_start3A_330] : memref<2x400x32xf32, #tpu.memory_space<vmem>> -> memref<1x400x32xf32, #tpu.memory_space<vmem>>
      %dma_start3A_332 = tpu.memref_squeeze %dma_start3A_331 : memref<1x400x32xf32, #tpu.memory_space<vmem>> -> memref<400x32xf32, #tpu.memory_space<vmem>>
      %dma_start3A_333 = arith.constant 240 : i32
      %dma_start3A_334 = arith.constant 0 : i32
      %dma_start3A_335 = tpu.memref_slice %dma_start3A_332[%dma_start3A_333, %dma_start3A_334] : memref<400x32xf32, #tpu.memory_space<vmem>> -> memref<80x32xf32, #tpu.memory_space<vmem>>
      %dma_start3A_336 = arith.constant 0 : i32
      %dma_start3A_337 = tpu.memref_slice %arg8[%add3A_327, %dma_start3A_336] : memref<250x80xi32, #tpu.memory_space<vmem>> -> memref<1x80xi32, #tpu.memory_space<vmem>>
      %dma_start3A_338 = tpu.memref_squeeze %dma_start3A_337 : memref<1x80xi32, #tpu.memory_space<vmem>> -> memref<80xi32, #tpu.memory_space<vmem>>
      %dma_start3A_339 = arith.constant 0 : i32
      %dma_start3A_340 = arith.constant 0 : i32
      %dma_start3A_341 = tpu.memref_slice %arg11[%dma_start3A_339, %dma_start3A_340] : memref<10240x32xf32, #tpu.memory_space<vmem_shared>> -> memref<10240x32xf32, #tpu.memory_space<vmem_shared>>
      tpu.enqueue_indirect_dma source(%dma_start3A_335 : memref<80x32xf32, #tpu.memory_space<vmem>>) target(%dma_start3A_341 : memref<10240x32xf32, #tpu.memory_space<vmem_shared>>) offsets(%dma_start3A_338 : memref<80xi32, #tpu.memory_space<vmem>>) semaphore(%arg14 : memref<!tpu.dma_semaphore, #tpu.memory_space<semaphore_mem>>) {add = true}
      %mul3A_342 = arith.constant 5 : i32
      %mul3A_343 = arith.muli %mul3A_190, %mul3A_342 : i32
      %add3A_344 = arith.constant 3 : i32
      %add3A_345 = arith.addi %mul3A_343, %add3A_344 : i32
      %dma_start3A_346 = arith.constant 0 : i32
      %dma_start3A_347 = arith.constant 0 : i32
      %dma_start3A_348 = arith.constant 0 : i32
      %dma_start3A_349 = tpu.memref_slice %arg10[%dma_start3A_346, %dma_start3A_347, %dma_start3A_348] : memref<2x400x32xf32, #tpu.memory_space<vmem>> -> memref<1x400x32xf32, #tpu.memory_space<vmem>>
      %dma_start3A_350 = tpu.memref_squeeze %dma_start3A_349 : memref<1x400x32xf32, #tpu.memory_space<vmem>> -> memref<400x32xf32, #tpu.memory_space<vmem>>
      %dma_start3A_351 = arith.constant 240 : i32
      %dma_start3A_352 = arith.constant 0 : i32
      %dma_start3A_353 = tpu.memref_slice %dma_start3A_350[%dma_start3A_351, %dma_start3A_352] : memref<400x32xf32, #tpu.memory_space<vmem>> -> memref<80x32xf32, #tpu.memory_space<vmem>>
      %dma_start3A_354 = arith.constant 0 : i32
      %dma_start3A_355 = tpu.memref_slice %arg9[%add3A_345, %dma_start3A_354] : memref<250x80xi32, #tpu.memory_space<vmem>> -> memref<1x80xi32, #tpu.memory_space<vmem>>
      %dma_start3A_356 = tpu.memref_squeeze %dma_start3A_355 : memref<1x80xi32, #tpu.memory_space<vmem>> -> memref<80xi32, #tpu.memory_space<vmem>>
      %dma_start3A_357 = arith.constant 0 : i32
      %dma_start3A_358 = arith.constant 0 : i32
      %dma_start3A_359 = tpu.memref_slice %arg11[%dma_start3A_357, %dma_start3A_358] : memref<10240x32xf32, #tpu.memory_space<vmem_shared>> -> memref<10240x32xf32, #tpu.memory_space<vmem_shared>>
      tpu.enqueue_indirect_dma source(%dma_start3A_353 : memref<80x32xf32, #tpu.memory_space<vmem>>) target(%dma_start3A_359 : memref<10240x32xf32, #tpu.memory_space<vmem_shared>>) offsets(%dma_start3A_356 : memref<80xi32, #tpu.memory_space<vmem>>) semaphore(%arg14 : memref<!tpu.dma_semaphore, #tpu.memory_space<semaphore_mem>>) {add = true}
      %mul3A_360 = arith.constant 5 : i32
      %mul3A_361 = arith.muli %mul3A_190, %mul3A_360 : i32
      %add3A_362 = arith.constant 4 : i32
      %add3A_363 = arith.addi %mul3A_361, %add3A_362 : i32
      %dma_start3A_364 = arith.constant 0 : i32
      %dma_start3A_365 = arith.constant 0 : i32
      %dma_start3A_366 = arith.constant 0 : i32
      %dma_start3A_367 = tpu.memref_slice %arg10[%dma_start3A_364, %dma_start3A_365, %dma_start3A_366] : memref<2x400x32xf32, #tpu.memory_space<vmem>> -> memref<1x400x32xf32, #tpu.memory_space<vmem>>
      %dma_start3A_368 = tpu.memref_squeeze %dma_start3A_367 : memref<1x400x32xf32, #tpu.memory_space<vmem>> -> memref<400x32xf32, #tpu.memory_space<vmem>>
      %dma_start3A_369 = arith.constant 320 : i32
      %dma_start3A_370 = arith.constant 0 : i32
      %dma_start3A_371 = tpu.memref_slice %dma_start3A_368[%dma_start3A_369, %dma_start3A_370] : memref<400x32xf32, #tpu.memory_space<vmem>> -> memref<80x32xf32, #tpu.memory_space<vmem>>
      %dma_start3A_372 = arith.constant 0 : i32
      %dma_start3A_373 = tpu.memref_slice %arg8[%add3A_363, %dma_start3A_372] : memref<250x80xi32, #tpu.memory_space<vmem>> -> memref<1x80xi32, #tpu.memory_space<vmem>>
      %dma_start3A_374 = tpu.memref_squeeze %dma_start3A_373 : memref<1x80xi32, #tpu.memory_space<vmem>> -> memref<80xi32, #tpu.memory_space<vmem>>
      %dma_start3A_375 = arith.constant 0 : i32
      %dma_start3A_376 = arith.constant 0 : i32
      %dma_start3A_377 = tpu.memref_slice %arg11[%dma_start3A_375, %dma_start3A_376] : memref<10240x32xf32, #tpu.memory_space<vmem_shared>> -> memref<10240x32xf32, #tpu.memory_space<vmem_shared>>
      tpu.enqueue_indirect_dma source(%dma_start3A_371 : memref<80x32xf32, #tpu.memory_space<vmem>>) target(%dma_start3A_377 : memref<10240x32xf32, #tpu.memory_space<vmem_shared>>) offsets(%dma_start3A_374 : memref<80xi32, #tpu.memory_space<vmem>>) semaphore(%arg14 : memref<!tpu.dma_semaphore, #tpu.memory_space<semaphore_mem>>) {add = true}
      %mul3A_378 = arith.constant 5 : i32
      %mul3A_379 = arith.muli %mul3A_190, %mul3A_378 : i32
      %add3A_380 = arith.constant 4 : i32
      %add3A_381 = arith.addi %mul3A_379, %add3A_380 : i32
      %dma_start3A_382 = arith.constant 0 : i32
      %dma_start3A_383 = arith.constant 0 : i32
      %dma_start3A_384 = arith.constant 0 : i32
      %dma_start3A_385 = tpu.memref_slice %arg10[%dma_start3A_382, %dma_start3A_383, %dma_start3A_384] : memref<2x400x32xf32, #tpu.memory_space<vmem>> -> memref<1x400x32xf32, #tpu.memory_space<vmem>>
      %dma_start3A_386 = tpu.memref_squeeze %dma_start3A_385 : memref<1x400x32xf32, #tpu.memory_space<vmem>> -> memref<400x32xf32, #tpu.memory_space<vmem>>
      %dma_start3A_387 = arith.constant 320 : i32
      %dma_start3A_388 = arith.constant 0 : i32
      %dma_start3A_389 = tpu.memref_slice %dma_start3A_386[%dma_start3A_387, %dma_start3A_388] : memref<400x32xf32, #tpu.memory_space<vmem>> -> memref<80x32xf32, #tpu.memory_space<vmem>>
      %dma_start3A_390 = arith.constant 0 : i32
      %dma_start3A_391 = tpu.memref_slice %arg9[%add3A_381, %dma_start3A_390] : memref<250x80xi32, #tpu.memory_space<vmem>> -> memref<1x80xi32, #tpu.memory_space<vmem>>
      %dma_start3A_392 = tpu.memref_squeeze %dma_start3A_391 : memref<1x80xi32, #tpu.memory_space<vmem>> -> memref<80xi32, #tpu.memory_space<vmem>>
      %dma_start3A_393 = arith.constant 0 : i32
      %dma_start3A_394 = arith.constant 0 : i32
      %dma_start3A_395 = tpu.memref_slice %arg11[%dma_start3A_393, %dma_start3A_394] : memref<10240x32xf32, #tpu.memory_space<vmem_shared>> -> memref<10240x32xf32, #tpu.memory_space<vmem_shared>>
      tpu.enqueue_indirect_dma source(%dma_start3A_389 : memref<80x32xf32, #tpu.memory_space<vmem>>) target(%dma_start3A_395 : memref<10240x32xf32, #tpu.memory_space<vmem_shared>>) offsets(%dma_start3A_392 : memref<80xi32, #tpu.memory_space<vmem>>) semaphore(%arg14 : memref<!tpu.dma_semaphore, #tpu.memory_space<semaphore_mem>>) {add = true}
      %gt3A = arith.constant 0 : i32
      %gt3A_396 = arith.cmpi sgt, %scan3A_188, %gt3A : i32
      %convert_element_type3A_397 = arith.extui %gt3A_396 : i1 to i32
      %cond3A_398 = arith.constant 0 : i32
      %cond3A_399 = arith.cmpi ne, %convert_element_type3A_397, %cond3A_398 : i32
      scf.if %cond3A_399 {
        %dma_wait3A_779 = arith.constant 1 : i32
        %dma_wait3A_780 = arith.constant 0 : i32
        %dma_wait3A_781 = arith.constant 0 : i32
        %dma_wait3A_782 = arith.constant 0 : i32
        %dma_wait3A_783 = tpu.memref_slice %arg10[%dma_wait3A_779, %dma_wait3A_781, %dma_wait3A_782] : memref<2x400x32xf32, #tpu.memory_space<vmem>> -> memref<1x400x32xf32, #tpu.memory_space<vmem>>
        %dma_wait3A_784 = tpu.memref_squeeze %dma_wait3A_783 : memref<1x400x32xf32, #tpu.memory_space<vmem>> -> memref<400x32xf32, #tpu.memory_space<vmem>>
        %dma_wait3A_785 = arith.constant 0 : i32
        %dma_wait3A_786 = arith.constant 0 : i32
        %dma_wait3A_787 = tpu.memref_slice %dma_wait3A_784[%dma_wait3A_785, %dma_wait3A_786] : memref<400x32xf32, #tpu.memory_space<vmem>> -> memref<80x32xf32, #tpu.memory_space<vmem>>
        %dma_wait3A_788 = arith.constant 0 : i32
        %dma_wait3A_789 = tpu.memref_slice %arg8[%dma_wait3A_780, %dma_wait3A_788] : memref<250x80xi32, #tpu.memory_space<vmem>> -> memref<1x80xi32, #tpu.memory_space<vmem>>
        %dma_wait3A_790 = tpu.memref_squeeze %dma_wait3A_789 : memref<1x80xi32, #tpu.memory_space<vmem>> -> memref<80xi32, #tpu.memory_space<vmem>>
        %dma_wait3A_791 = arith.constant 0 : i32
        %dma_wait3A_792 = arith.constant 0 : i32
        %dma_wait3A_793 = tpu.memref_slice %arg11[%dma_wait3A_791, %dma_wait3A_792] : memref<10240x32xf32, #tpu.memory_space<vmem_shared>> -> memref<10240x32xf32, #tpu.memory_space<vmem_shared>>
        tpu.wait_indirect_dma semaphore(%arg15 : memref<!tpu.dma_semaphore, #tpu.memory_space<semaphore_mem>>) src(%dma_wait3A_787 : memref<80x32xf32, #tpu.memory_space<vmem>>) dst(%dma_wait3A_793 : memref<10240x32xf32, #tpu.memory_space<vmem_shared>>)
        %dma_wait3A_794 = arith.constant 1 : i32
        %dma_wait3A_795 = arith.constant 0 : i32
        %dma_wait3A_796 = arith.constant 0 : i32
        %dma_wait3A_797 = arith.constant 0 : i32
        %dma_wait3A_798 = tpu.memref_slice %arg10[%dma_wait3A_794, %dma_wait3A_796, %dma_wait3A_797] : memref<2x400x32xf32, #tpu.memory_space<vmem>> -> memref<1x400x32xf32, #tpu.memory_space<vmem>>
        %dma_wait3A_799 = tpu.memref_squeeze %dma_wait3A_798 : memref<1x400x32xf32, #tpu.memory_space<vmem>> -> memref<400x32xf32, #tpu.memory_space<vmem>>
        %dma_wait3A_800 = arith.constant 0 : i32
        %dma_wait3A_801 = arith.constant 0 : i32
        %dma_wait3A_802 = tpu.memref_slice %dma_wait3A_799[%dma_wait3A_800, %dma_wait3A_801] : memref<400x32xf32, #tpu.memory_space<vmem>> -> memref<80x32xf32, #tpu.memory_space<vmem>>
        %dma_wait3A_803 = arith.constant 0 : i32
        %dma_wait3A_804 = tpu.memref_slice %arg9[%dma_wait3A_795, %dma_wait3A_803] : memref<250x80xi32, #tpu.memory_space<vmem>> -> memref<1x80xi32, #tpu.memory_space<vmem>>
        %dma_wait3A_805 = tpu.memref_squeeze %dma_wait3A_804 : memref<1x80xi32, #tpu.memory_space<vmem>> -> memref<80xi32, #tpu.memory_space<vmem>>
        %dma_wait3A_806 = arith.constant 0 : i32
        %dma_wait3A_807 = arith.constant 0 : i32
        %dma_wait3A_808 = tpu.memref_slice %arg11[%dma_wait3A_806, %dma_wait3A_807] : memref<10240x32xf32, #tpu.memory_space<vmem_shared>> -> memref<10240x32xf32, #tpu.memory_space<vmem_shared>>
        tpu.wait_indirect_dma semaphore(%arg15 : memref<!tpu.dma_semaphore, #tpu.memory_space<semaphore_mem>>) src(%dma_wait3A_802 : memref<80x32xf32, #tpu.memory_space<vmem>>) dst(%dma_wait3A_808 : memref<10240x32xf32, #tpu.memory_space<vmem_shared>>)
        %dma_wait3A_809 = arith.constant 1 : i32
        %dma_wait3A_810 = arith.constant 0 : i32
        %dma_wait3A_811 = arith.constant 0 : i32
        %dma_wait3A_812 = arith.constant 0 : i32
        %dma_wait3A_813 = tpu.memref_slice %arg10[%dma_wait3A_809, %dma_wait3A_811, %dma_wait3A_812] : memref<2x400x32xf32, #tpu.memory_space<vmem>> -> memref<1x400x32xf32, #tpu.memory_space<vmem>>
        %dma_wait3A_814 = tpu.memref_squeeze %dma_wait3A_813 : memref<1x400x32xf32, #tpu.memory_space<vmem>> -> memref<400x32xf32, #tpu.memory_space<vmem>>
        %dma_wait3A_815 = arith.constant 80 : i32
        %dma_wait3A_816 = arith.constant 0 : i32
        %dma_wait3A_817 = tpu.memref_slice %dma_wait3A_814[%dma_wait3A_815, %dma_wait3A_816] : memref<400x32xf32, #tpu.memory_space<vmem>> -> memref<80x32xf32, #tpu.memory_space<vmem>>
        %dma_wait3A_818 = arith.constant 0 : i32
        %dma_wait3A_819 = tpu.memref_slice %arg8[%dma_wait3A_810, %dma_wait3A_818] : memref<250x80xi32, #tpu.memory_space<vmem>> -> memref<1x80xi32, #tpu.memory_space<vmem>>
        %dma_wait3A_820 = tpu.memref_squeeze %dma_wait3A_819 : memref<1x80xi32, #tpu.memory_space<vmem>> -> memref<80xi32, #tpu.memory_space<vmem>>
        %dma_wait3A_821 = arith.constant 0 : i32
        %dma_wait3A_822 = arith.constant 0 : i32
        %dma_wait3A_823 = tpu.memref_slice %arg11[%dma_wait3A_821, %dma_wait3A_822] : memref<10240x32xf32, #tpu.memory_space<vmem_shared>> -> memref<10240x32xf32, #tpu.memory_space<vmem_shared>>
        tpu.wait_indirect_dma semaphore(%arg15 : memref<!tpu.dma_semaphore, #tpu.memory_space<semaphore_mem>>) src(%dma_wait3A_817 : memref<80x32xf32, #tpu.memory_space<vmem>>) dst(%dma_wait3A_823 : memref<10240x32xf32, #tpu.memory_space<vmem_shared>>)
        %dma_wait3A_824 = arith.constant 1 : i32
        %dma_wait3A_825 = arith.constant 0 : i32
        %dma_wait3A_826 = arith.constant 0 : i32
        %dma_wait3A_827 = arith.constant 0 : i32
        %dma_wait3A_828 = tpu.memref_slice %arg10[%dma_wait3A_824, %dma_wait3A_826, %dma_wait3A_827] : memref<2x400x32xf32, #tpu.memory_space<vmem>> -> memref<1x400x32xf32, #tpu.memory_space<vmem>>
        %dma_wait3A_829 = tpu.memref_squeeze %dma_wait3A_828 : memref<1x400x32xf32, #tpu.memory_space<vmem>> -> memref<400x32xf32, #tpu.memory_space<vmem>>
        %dma_wait3A_830 = arith.constant 80 : i32
        %dma_wait3A_831 = arith.constant 0 : i32
        %dma_wait3A_832 = tpu.memref_slice %dma_wait3A_829[%dma_wait3A_830, %dma_wait3A_831] : memref<400x32xf32, #tpu.memory_space<vmem>> -> memref<80x32xf32, #tpu.memory_space<vmem>>
        %dma_wait3A_833 = arith.constant 0 : i32
        %dma_wait3A_834 = tpu.memref_slice %arg9[%dma_wait3A_825, %dma_wait3A_833] : memref<250x80xi32, #tpu.memory_space<vmem>> -> memref<1x80xi32, #tpu.memory_space<vmem>>
        %dma_wait3A_835 = tpu.memref_squeeze %dma_wait3A_834 : memref<1x80xi32, #tpu.memory_space<vmem>> -> memref<80xi32, #tpu.memory_space<vmem>>
        %dma_wait3A_836 = arith.constant 0 : i32
        %dma_wait3A_837 = arith.constant 0 : i32
        %dma_wait3A_838 = tpu.memref_slice %arg11[%dma_wait3A_836, %dma_wait3A_837] : memref<10240x32xf32, #tpu.memory_space<vmem_shared>> -> memref<10240x32xf32, #tpu.memory_space<vmem_shared>>
        tpu.wait_indirect_dma semaphore(%arg15 : memref<!tpu.dma_semaphore, #tpu.memory_space<semaphore_mem>>) src(%dma_wait3A_832 : memref<80x32xf32, #tpu.memory_space<vmem>>) dst(%dma_wait3A_838 : memref<10240x32xf32, #tpu.memory_space<vmem_shared>>)
        %dma_wait3A_839 = arith.constant 1 : i32
        %dma_wait3A_840 = arith.constant 0 : i32
        %dma_wait3A_841 = arith.constant 0 : i32
        %dma_wait3A_842 = arith.constant 0 : i32
        %dma_wait3A_843 = tpu.memref_slice %arg10[%dma_wait3A_839, %dma_wait3A_841, %dma_wait3A_842] : memref<2x400x32xf32, #tpu.memory_space<vmem>> -> memref<1x400x32xf32, #tpu.memory_space<vmem>>
        %dma_wait3A_844 = tpu.memref_squeeze %dma_wait3A_843 : memref<1x400x32xf32, #tpu.memory_space<vmem>> -> memref<400x32xf32, #tpu.memory_space<vmem>>
        %dma_wait3A_845 = arith.constant 160 : i32
        %dma_wait3A_846 = arith.constant 0 : i32
        %dma_wait3A_847 = tpu.memref_slice %dma_wait3A_844[%dma_wait3A_845, %dma_wait3A_846] : memref<400x32xf32, #tpu.memory_space<vmem>> -> memref<80x32xf32, #tpu.memory_space<vmem>>
        %dma_wait3A_848 = arith.constant 0 : i32
        %dma_wait3A_849 = tpu.memref_slice %arg8[%dma_wait3A_840, %dma_wait3A_848] : memref<250x80xi32, #tpu.memory_space<vmem>> -> memref<1x80xi32, #tpu.memory_space<vmem>>
        %dma_wait3A_850 = tpu.memref_squeeze %dma_wait3A_849 : memref<1x80xi32, #tpu.memory_space<vmem>> -> memref<80xi32, #tpu.memory_space<vmem>>
        %dma_wait3A_851 = arith.constant 0 : i32
        %dma_wait3A_852 = arith.constant 0 : i32
        %dma_wait3A_853 = tpu.memref_slice %arg11[%dma_wait3A_851, %dma_wait3A_852] : memref<10240x32xf32, #tpu.memory_space<vmem_shared>> -> memref<10240x32xf32, #tpu.memory_space<vmem_shared>>
        tpu.wait_indirect_dma semaphore(%arg15 : memref<!tpu.dma_semaphore, #tpu.memory_space<semaphore_mem>>) src(%dma_wait3A_847 : memref<80x32xf32, #tpu.memory_space<vmem>>) dst(%dma_wait3A_853 : memref<10240x32xf32, #tpu.memory_space<vmem_shared>>)
        %dma_wait3A_854 = arith.constant 1 : i32
        %dma_wait3A_855 = arith.constant 0 : i32
        %dma_wait3A_856 = arith.constant 0 : i32
        %dma_wait3A_857 = arith.constant 0 : i32
        %dma_wait3A_858 = tpu.memref_slice %arg10[%dma_wait3A_854, %dma_wait3A_856, %dma_wait3A_857] : memref<2x400x32xf32, #tpu.memory_space<vmem>> -> memref<1x400x32xf32, #tpu.memory_space<vmem>>
        %dma_wait3A_859 = tpu.memref_squeeze %dma_wait3A_858 : memref<1x400x32xf32, #tpu.memory_space<vmem>> -> memref<400x32xf32, #tpu.memory_space<vmem>>
        %dma_wait3A_860 = arith.constant 160 : i32
        %dma_wait3A_861 = arith.constant 0 : i32
        %dma_wait3A_862 = tpu.memref_slice %dma_wait3A_859[%dma_wait3A_860, %dma_wait3A_861] : memref<400x32xf32, #tpu.memory_space<vmem>> -> memref<80x32xf32, #tpu.memory_space<vmem>>
        %dma_wait3A_863 = arith.constant 0 : i32
        %dma_wait3A_864 = tpu.memref_slice %arg9[%dma_wait3A_855, %dma_wait3A_863] : memref<250x80xi32, #tpu.memory_space<vmem>> -> memref<1x80xi32, #tpu.memory_space<vmem>>
        %dma_wait3A_865 = tpu.memref_squeeze %dma_wait3A_864 : memref<1x80xi32, #tpu.memory_space<vmem>> -> memref<80xi32, #tpu.memory_space<vmem>>
        %dma_wait3A_866 = arith.constant 0 : i32
        %dma_wait3A_867 = arith.constant 0 : i32
        %dma_wait3A_868 = tpu.memref_slice %arg11[%dma_wait3A_866, %dma_wait3A_867] : memref<10240x32xf32, #tpu.memory_space<vmem_shared>> -> memref<10240x32xf32, #tpu.memory_space<vmem_shared>>
        tpu.wait_indirect_dma semaphore(%arg15 : memref<!tpu.dma_semaphore, #tpu.memory_space<semaphore_mem>>) src(%dma_wait3A_862 : memref<80x32xf32, #tpu.memory_space<vmem>>) dst(%dma_wait3A_868 : memref<10240x32xf32, #tpu.memory_space<vmem_shared>>)
        %dma_wait3A_869 = arith.constant 1 : i32
        %dma_wait3A_870 = arith.constant 0 : i32
        %dma_wait3A_871 = arith.constant 0 : i32
        %dma_wait3A_872 = arith.constant 0 : i32
        %dma_wait3A_873 = tpu.memref_slice %arg10[%dma_wait3A_869, %dma_wait3A_871, %dma_wait3A_872] : memref<2x400x32xf32, #tpu.memory_space<vmem>> -> memref<1x400x32xf32, #tpu.memory_space<vmem>>
        %dma_wait3A_874 = tpu.memref_squeeze %dma_wait3A_873 : memref<1x400x32xf32, #tpu.memory_space<vmem>> -> memref<400x32xf32, #tpu.memory_space<vmem>>
        %dma_wait3A_875 = arith.constant 240 : i32
        %dma_wait3A_876 = arith.constant 0 : i32
        %dma_wait3A_877 = tpu.memref_slice %dma_wait3A_874[%dma_wait3A_875, %dma_wait3A_876] : memref<400x32xf32, #tpu.memory_space<vmem>> -> memref<80x32xf32, #tpu.memory_space<vmem>>
        %dma_wait3A_878 = arith.constant 0 : i32
        %dma_wait3A_879 = tpu.memref_slice %arg8[%dma_wait3A_870, %dma_wait3A_878] : memref<250x80xi32, #tpu.memory_space<vmem>> -> memref<1x80xi32, #tpu.memory_space<vmem>>
        %dma_wait3A_880 = tpu.memref_squeeze %dma_wait3A_879 : memref<1x80xi32, #tpu.memory_space<vmem>> -> memref<80xi32, #tpu.memory_space<vmem>>
        %dma_wait3A_881 = arith.constant 0 : i32
        %dma_wait3A_882 = arith.constant 0 : i32
        %dma_wait3A_883 = tpu.memref_slice %arg11[%dma_wait3A_881, %dma_wait3A_882] : memref<10240x32xf32, #tpu.memory_space<vmem_shared>> -> memref<10240x32xf32, #tpu.memory_space<vmem_shared>>
        tpu.wait_indirect_dma semaphore(%arg15 : memref<!tpu.dma_semaphore, #tpu.memory_space<semaphore_mem>>) src(%dma_wait3A_877 : memref<80x32xf32, #tpu.memory_space<vmem>>) dst(%dma_wait3A_883 : memref<10240x32xf32, #tpu.memory_space<vmem_shared>>)
        %dma_wait3A_884 = arith.constant 1 : i32
        %dma_wait3A_885 = arith.constant 0 : i32
        %dma_wait3A_886 = arith.constant 0 : i32
        %dma_wait3A_887 = arith.constant 0 : i32
        %dma_wait3A_888 = tpu.memref_slice %arg10[%dma_wait3A_884, %dma_wait3A_886, %dma_wait3A_887] : memref<2x400x32xf32, #tpu.memory_space<vmem>> -> memref<1x400x32xf32, #tpu.memory_space<vmem>>
        %dma_wait3A_889 = tpu.memref_squeeze %dma_wait3A_888 : memref<1x400x32xf32, #tpu.memory_space<vmem>> -> memref<400x32xf32, #tpu.memory_space<vmem>>
        %dma_wait3A_890 = arith.constant 240 : i32
        %dma_wait3A_891 = arith.constant 0 : i32
        %dma_wait3A_892 = tpu.memref_slice %dma_wait3A_889[%dma_wait3A_890, %dma_wait3A_891] : memref<400x32xf32, #tpu.memory_space<vmem>> -> memref<80x32xf32, #tpu.memory_space<vmem>>
        %dma_wait3A_893 = arith.constant 0 : i32
        %dma_wait3A_894 = tpu.memref_slice %arg9[%dma_wait3A_885, %dma_wait3A_893] : memref<250x80xi32, #tpu.memory_space<vmem>> -> memref<1x80xi32, #tpu.memory_space<vmem>>
        %dma_wait3A_895 = tpu.memref_squeeze %dma_wait3A_894 : memref<1x80xi32, #tpu.memory_space<vmem>> -> memref<80xi32, #tpu.memory_space<vmem>>
        %dma_wait3A_896 = arith.constant 0 : i32
        %dma_wait3A_897 = arith.constant 0 : i32
        %dma_wait3A_898 = tpu.memref_slice %arg11[%dma_wait3A_896, %dma_wait3A_897] : memref<10240x32xf32, #tpu.memory_space<vmem_shared>> -> memref<10240x32xf32, #tpu.memory_space<vmem_shared>>
        tpu.wait_indirect_dma semaphore(%arg15 : memref<!tpu.dma_semaphore, #tpu.memory_space<semaphore_mem>>) src(%dma_wait3A_892 : memref<80x32xf32, #tpu.memory_space<vmem>>) dst(%dma_wait3A_898 : memref<10240x32xf32, #tpu.memory_space<vmem_shared>>)
        %dma_wait3A_899 = arith.constant 1 : i32
        %dma_wait3A_900 = arith.constant 0 : i32
        %dma_wait3A_901 = arith.constant 0 : i32
        %dma_wait3A_902 = arith.constant 0 : i32
        %dma_wait3A_903 = tpu.memref_slice %arg10[%dma_wait3A_899, %dma_wait3A_901, %dma_wait3A_902] : memref<2x400x32xf32, #tpu.memory_space<vmem>> -> memref<1x400x32xf32, #tpu.memory_space<vmem>>
        %dma_wait3A_904 = tpu.memref_squeeze %dma_wait3A_903 : memref<1x400x32xf32, #tpu.memory_space<vmem>> -> memref<400x32xf32, #tpu.memory_space<vmem>>
        %dma_wait3A_905 = arith.constant 320 : i32
        %dma_wait3A_906 = arith.constant 0 : i32
        %dma_wait3A_907 = tpu.memref_slice %dma_wait3A_904[%dma_wait3A_905, %dma_wait3A_906] : memref<400x32xf32, #tpu.memory_space<vmem>> -> memref<80x32xf32, #tpu.memory_space<vmem>>
        %dma_wait3A_908 = arith.constant 0 : i32
        %dma_wait3A_909 = tpu.memref_slice %arg8[%dma_wait3A_900, %dma_wait3A_908] : memref<250x80xi32, #tpu.memory_space<vmem>> -> memref<1x80xi32, #tpu.memory_space<vmem>>
        %dma_wait3A_910 = tpu.memref_squeeze %dma_wait3A_909 : memref<1x80xi32, #tpu.memory_space<vmem>> -> memref<80xi32, #tpu.memory_space<vmem>>
        %dma_wait3A_911 = arith.constant 0 : i32
        %dma_wait3A_912 = arith.constant 0 : i32
        %dma_wait3A_913 = tpu.memref_slice %arg11[%dma_wait3A_911, %dma_wait3A_912] : memref<10240x32xf32, #tpu.memory_space<vmem_shared>> -> memref<10240x32xf32, #tpu.memory_space<vmem_shared>>
        tpu.wait_indirect_dma semaphore(%arg15 : memref<!tpu.dma_semaphore, #tpu.memory_space<semaphore_mem>>) src(%dma_wait3A_907 : memref<80x32xf32, #tpu.memory_space<vmem>>) dst(%dma_wait3A_913 : memref<10240x32xf32, #tpu.memory_space<vmem_shared>>)
        %dma_wait3A_914 = arith.constant 1 : i32
        %dma_wait3A_915 = arith.constant 0 : i32
        %dma_wait3A_916 = arith.constant 0 : i32
        %dma_wait3A_917 = arith.constant 0 : i32
        %dma_wait3A_918 = tpu.memref_slice %arg10[%dma_wait3A_914, %dma_wait3A_916, %dma_wait3A_917] : memref<2x400x32xf32, #tpu.memory_space<vmem>> -> memref<1x400x32xf32, #tpu.memory_space<vmem>>
        %dma_wait3A_919 = tpu.memref_squeeze %dma_wait3A_918 : memref<1x400x32xf32, #tpu.memory_space<vmem>> -> memref<400x32xf32, #tpu.memory_space<vmem>>
        %dma_wait3A_920 = arith.constant 320 : i32
        %dma_wait3A_921 = arith.constant 0 : i32
        %dma_wait3A_922 = tpu.memref_slice %dma_wait3A_919[%dma_wait3A_920, %dma_wait3A_921] : memref<400x32xf32, #tpu.memory_space<vmem>> -> memref<80x32xf32, #tpu.memory_space<vmem>>
        %dma_wait3A_923 = arith.constant 0 : i32
        %dma_wait3A_924 = tpu.memref_slice %arg9[%dma_wait3A_915, %dma_wait3A_923] : memref<250x80xi32, #tpu.memory_space<vmem>> -> memref<1x80xi32, #tpu.memory_space<vmem>>
        %dma_wait3A_925 = tpu.memref_squeeze %dma_wait3A_924 : memref<1x80xi32, #tpu.memory_space<vmem>> -> memref<80xi32, #tpu.memory_space<vmem>>
        %dma_wait3A_926 = arith.constant 0 : i32
        %dma_wait3A_927 = arith.constant 0 : i32
        %dma_wait3A_928 = tpu.memref_slice %arg11[%dma_wait3A_926, %dma_wait3A_927] : memref<10240x32xf32, #tpu.memory_space<vmem_shared>> -> memref<10240x32xf32, #tpu.memory_space<vmem_shared>>
        tpu.wait_indirect_dma semaphore(%arg15 : memref<!tpu.dma_semaphore, #tpu.memory_space<semaphore_mem>>) src(%dma_wait3A_922 : memref<80x32xf32, #tpu.memory_space<vmem>>) dst(%dma_wait3A_928 : memref<10240x32xf32, #tpu.memory_space<vmem_shared>>)
      } else {
      }
      %mul3A_400 = arith.constant 400 : i32
      %mul3A_401 = arith.muli %add3A_194, %mul3A_400 : i32
      %add3A_402 = arith.addi %mul3A_2, %mul3A_401 : i32
      %dma_start3A_403 = arith.constant 1 : i32
      %dma_start3A_404 = arith.constant 0 : i32
      %dma_start3A_405 = arith.constant 0 : i32
      %dma_start3A_406 = tpu.memref_slice %arg10[%dma_start3A_403, %dma_start3A_404, %dma_start3A_405] : memref<2x400x32xf32, #tpu.memory_space<vmem>> -> memref<1x400x32xf32, #tpu.memory_space<vmem>>
      %dma_start3A_407 = tpu.memref_squeeze %dma_start3A_406 : memref<1x400x32xf32, #tpu.memory_space<vmem>> -> memref<400x32xf32, #tpu.memory_space<vmem>>
      %dma_start3A_408 = arith.constant 0 : i32
      %dma_start3A_409 = arith.constant 0 : i32
      %dma_start3A_410 = tpu.memref_slice %arg2[%arg0, %dma_start3A_408, %dma_start3A_409] : memref<2x320000x32xf32, #tpu.memory_space<hbm>> -> memref<1x320000x32xf32, #tpu.memory_space<hbm>>
      %dma_start3A_411 = tpu.memref_squeeze %dma_start3A_410 : memref<1x320000x32xf32, #tpu.memory_space<hbm>> -> memref<320000x32xf32, #tpu.memory_space<hbm>>
      %dma_start3A_412 = arith.constant 0 : i32
      %dma_start3A_413 = tpu.memref_slice %dma_start3A_411[%add3A_402, %dma_start3A_412] : memref<320000x32xf32, #tpu.memory_space<hbm>> -> memref<400x32xf32, #tpu.memory_space<hbm>>
      %dma_start3A_414 = arith.constant 0 : i32
      %dma_start3A_415 = arith.constant 0 : i32
      %dma_start3A_416 = tpu.memref_slice %arg10[%dma_start3A_403, %dma_start3A_414, %dma_start3A_415] : memref<2x400x32xf32, #tpu.memory_space<vmem>> -> memref<1x400x32xf32, #tpu.memory_space<vmem>>
      %dma_start3A_417 = tpu.memref_squeeze %dma_start3A_416 : memref<1x400x32xf32, #tpu.memory_space<vmem>> -> memref<400x32xf32, #tpu.memory_space<vmem>>
      %dma_start3A_418 = arith.constant 0 : i32
      %dma_start3A_419 = arith.constant 0 : i32
      %dma_start3A_420 = tpu.memref_slice %arg2[%arg0, %dma_start3A_418, %dma_start3A_419] : memref<2x320000x32xf32, #tpu.memory_space<hbm>> -> memref<1x320000x32xf32, #tpu.memory_space<hbm>>
      %dma_start3A_421 = tpu.memref_squeeze %dma_start3A_420 : memref<1x320000x32xf32, #tpu.memory_space<hbm>> -> memref<320000x32xf32, #tpu.memory_space<hbm>>
      %dma_start3A_422 = arith.constant 0 : i32
      %dma_start3A_423 = tpu.memref_slice %dma_start3A_421[%add3A_402, %dma_start3A_422] : memref<320000x32xf32, #tpu.memory_space<hbm>> -> memref<400x32xf32, #tpu.memory_space<hbm>>
      tpu.enqueue_dma source(%dma_start3A_423 : memref<400x32xf32, #tpu.memory_space<hbm>>) target(%dma_start3A_417 : memref<400x32xf32, #tpu.memory_space<vmem>>) target_semaphore(%arg13 : memref<!tpu.dma_semaphore, #tpu.memory_space<semaphore_mem>>)
      %dma_wait3A_424 = arith.constant 0 : i32
      %dma_wait3A_425 = arith.constant 0 : i32
      %dma_wait3A_426 = arith.constant 0 : i32
      %dma_wait3A_427 = arith.constant 0 : i32
      %dma_wait3A_428 = tpu.memref_slice %arg10[%dma_wait3A_424, %dma_wait3A_426, %dma_wait3A_427] : memref<2x400x32xf32, #tpu.memory_space<vmem>> -> memref<1x400x32xf32, #tpu.memory_space<vmem>>
      %dma_wait3A_429 = tpu.memref_squeeze %dma_wait3A_428 : memref<1x400x32xf32, #tpu.memory_space<vmem>> -> memref<400x32xf32, #tpu.memory_space<vmem>>
      %dma_wait3A_430 = arith.constant 0 : i32
      %dma_wait3A_431 = arith.constant 0 : i32
      %dma_wait3A_432 = tpu.memref_slice %dma_wait3A_429[%dma_wait3A_430, %dma_wait3A_431] : memref<400x32xf32, #tpu.memory_space<vmem>> -> memref<80x32xf32, #tpu.memory_space<vmem>>
      %dma_wait3A_433 = arith.constant 0 : i32
      %dma_wait3A_434 = tpu.memref_slice %arg8[%dma_wait3A_425, %dma_wait3A_433] : memref<250x80xi32, #tpu.memory_space<vmem>> -> memref<1x80xi32, #tpu.memory_space<vmem>>
      %dma_wait3A_435 = tpu.memref_squeeze %dma_wait3A_434 : memref<1x80xi32, #tpu.memory_space<vmem>> -> memref<80xi32, #tpu.memory_space<vmem>>
      %dma_wait3A_436 = arith.constant 0 : i32
      %dma_wait3A_437 = arith.constant 0 : i32
      %dma_wait3A_438 = tpu.memref_slice %arg11[%dma_wait3A_436, %dma_wait3A_437] : memref<10240x32xf32, #tpu.memory_space<vmem_shared>> -> memref<10240x32xf32, #tpu.memory_space<vmem_shared>>
      tpu.wait_indirect_dma semaphore(%arg14 : memref<!tpu.dma_semaphore, #tpu.memory_space<semaphore_mem>>) src(%dma_wait3A_432 : memref<80x32xf32, #tpu.memory_space<vmem>>) dst(%dma_wait3A_438 : memref<10240x32xf32, #tpu.memory_space<vmem_shared>>)
      %dma_wait3A_439 = arith.constant 0 : i32
      %dma_wait3A_440 = arith.constant 0 : i32
      %dma_wait3A_441 = arith.constant 0 : i32
      %dma_wait3A_442 = arith.constant 0 : i32
      %dma_wait3A_443 = tpu.memref_slice %arg10[%dma_wait3A_439, %dma_wait3A_441, %dma_wait3A_442] : memref<2x400x32xf32, #tpu.memory_space<vmem>> -> memref<1x400x32xf32, #tpu.memory_space<vmem>>
      %dma_wait3A_444 = tpu.memref_squeeze %dma_wait3A_443 : memref<1x400x32xf32, #tpu.memory_space<vmem>> -> memref<400x32xf32, #tpu.memory_space<vmem>>
      %dma_wait3A_445 = arith.constant 0 : i32
      %dma_wait3A_446 = arith.constant 0 : i32
      %dma_wait3A_447 = tpu.memref_slice %dma_wait3A_444[%dma_wait3A_445, %dma_wait3A_446] : memref<400x32xf32, #tpu.memory_space<vmem>> -> memref<80x32xf32, #tpu.memory_space<vmem>>
      %dma_wait3A_448 = arith.constant 0 : i32
      %dma_wait3A_449 = tpu.memref_slice %arg9[%dma_wait3A_440, %dma_wait3A_448] : memref<250x80xi32, #tpu.memory_space<vmem>> -> memref<1x80xi32, #tpu.memory_space<vmem>>
      %dma_wait3A_450 = tpu.memref_squeeze %dma_wait3A_449 : memref<1x80xi32, #tpu.memory_space<vmem>> -> memref<80xi32, #tpu.memory_space<vmem>>
      %dma_wait3A_451 = arith.constant 0 : i32
      %dma_wait3A_452 = arith.constant 0 : i32
      %dma_wait3A_453 = tpu.memref_slice %arg11[%dma_wait3A_451, %dma_wait3A_452] : memref<10240x32xf32, #tpu.memory_space<vmem_shared>> -> memref<10240x32xf32, #tpu.memory_space<vmem_shared>>
      tpu.wait_indirect_dma semaphore(%arg14 : memref<!tpu.dma_semaphore, #tpu.memory_space<semaphore_mem>>) src(%dma_wait3A_447 : memref<80x32xf32, #tpu.memory_space<vmem>>) dst(%dma_wait3A_453 : memref<10240x32xf32, #tpu.memory_space<vmem_shared>>)
      %dma_wait3A_454 = arith.constant 0 : i32
      %dma_wait3A_455 = arith.constant 0 : i32
      %dma_wait3A_456 = arith.constant 0 : i32
      %dma_wait3A_457 = arith.constant 0 : i32
      %dma_wait3A_458 = tpu.memref_slice %arg10[%dma_wait3A_454, %dma_wait3A_456, %dma_wait3A_457] : memref<2x400x32xf32, #tpu.memory_space<vmem>> -> memref<1x400x32xf32, #tpu.memory_space<vmem>>
      %dma_wait3A_459 = tpu.memref_squeeze %dma_wait3A_458 : memref<1x400x32xf32, #tpu.memory_space<vmem>> -> memref<400x32xf32, #tpu.memory_space<vmem>>
      %dma_wait3A_460 = arith.constant 80 : i32
      %dma_wait3A_461 = arith.constant 0 : i32
      %dma_wait3A_462 = tpu.memref_slice %dma_wait3A_459[%dma_wait3A_460, %dma_wait3A_461] : memref<400x32xf32, #tpu.memory_space<vmem>> -> memref<80x32xf32, #tpu.memory_space<vmem>>
      %dma_wait3A_463 = arith.constant 0 : i32
      %dma_wait3A_464 = tpu.memref_slice %arg8[%dma_wait3A_455, %dma_wait3A_463] : memref<250x80xi32, #tpu.memory_space<vmem>> -> memref<1x80xi32, #tpu.memory_space<vmem>>
      %dma_wait3A_465 = tpu.memref_squeeze %dma_wait3A_464 : memref<1x80xi32, #tpu.memory_space<vmem>> -> memref<80xi32, #tpu.memory_space<vmem>>
      %dma_wait3A_466 = arith.constant 0 : i32
      %dma_wait3A_467 = arith.constant 0 : i32
      %dma_wait3A_468 = tpu.memref_slice %arg11[%dma_wait3A_466, %dma_wait3A_467] : memref<10240x32xf32, #tpu.memory_space<vmem_shared>> -> memref<10240x32xf32, #tpu.memory_space<vmem_shared>>
      tpu.wait_indirect_dma semaphore(%arg14 : memref<!tpu.dma_semaphore, #tpu.memory_space<semaphore_mem>>) src(%dma_wait3A_462 : memref<80x32xf32, #tpu.memory_space<vmem>>) dst(%dma_wait3A_468 : memref<10240x32xf32, #tpu.memory_space<vmem_shared>>)
      %dma_wait3A_469 = arith.constant 0 : i32
      %dma_wait3A_470 = arith.constant 0 : i32
      %dma_wait3A_471 = arith.constant 0 : i32
      %dma_wait3A_472 = arith.constant 0 : i32
      %dma_wait3A_473 = tpu.memref_slice %arg10[%dma_wait3A_469, %dma_wait3A_471, %dma_wait3A_472] : memref<2x400x32xf32, #tpu.memory_space<vmem>> -> memref<1x400x32xf32, #tpu.memory_space<vmem>>
      %dma_wait3A_474 = tpu.memref_squeeze %dma_wait3A_473 : memref<1x400x32xf32, #tpu.memory_space<vmem>> -> memref<400x32xf32, #tpu.memory_space<vmem>>
      %dma_wait3A_475 = arith.constant 80 : i32
      %dma_wait3A_476 = arith.constant 0 : i32
      %dma_wait3A_477 = tpu.memref_slice %dma_wait3A_474[%dma_wait3A_475, %dma_wait3A_476] : memref<400x32xf32, #tpu.memory_space<vmem>> -> memref<80x32xf32, #tpu.memory_space<vmem>>
      %dma_wait3A_478 = arith.constant 0 : i32
      %dma_wait3A_479 = tpu.memref_slice %arg9[%dma_wait3A_470, %dma_wait3A_478] : memref<250x80xi32, #tpu.memory_space<vmem>> -> memref<1x80xi32, #tpu.memory_space<vmem>>
      %dma_wait3A_480 = tpu.memref_squeeze %dma_wait3A_479 : memref<1x80xi32, #tpu.memory_space<vmem>> -> memref<80xi32, #tpu.memory_space<vmem>>
      %dma_wait3A_481 = arith.constant 0 : i32
      %dma_wait3A_482 = arith.constant 0 : i32
      %dma_wait3A_483 = tpu.memref_slice %arg11[%dma_wait3A_481, %dma_wait3A_482] : memref<10240x32xf32, #tpu.memory_space<vmem_shared>> -> memref<10240x32xf32, #tpu.memory_space<vmem_shared>>
      tpu.wait_indirect_dma semaphore(%arg14 : memref<!tpu.dma_semaphore, #tpu.memory_space<semaphore_mem>>) src(%dma_wait3A_477 : memref<80x32xf32, #tpu.memory_space<vmem>>) dst(%dma_wait3A_483 : memref<10240x32xf32, #tpu.memory_space<vmem_shared>>)
      %dma_wait3A_484 = arith.constant 0 : i32
      %dma_wait3A_485 = arith.constant 0 : i32
      %dma_wait3A_486 = arith.constant 0 : i32
      %dma_wait3A_487 = arith.constant 0 : i32
      %dma_wait3A_488 = tpu.memref_slice %arg10[%dma_wait3A_484, %dma_wait3A_486, %dma_wait3A_487] : memref<2x400x32xf32, #tpu.memory_space<vmem>> -> memref<1x400x32xf32, #tpu.memory_space<vmem>>
      %dma_wait3A_489 = tpu.memref_squeeze %dma_wait3A_488 : memref<1x400x32xf32, #tpu.memory_space<vmem>> -> memref<400x32xf32, #tpu.memory_space<vmem>>
      %dma_wait3A_490 = arith.constant 160 : i32
      %dma_wait3A_491 = arith.constant 0 : i32
      %dma_wait3A_492 = tpu.memref_slice %dma_wait3A_489[%dma_wait3A_490, %dma_wait3A_491] : memref<400x32xf32, #tpu.memory_space<vmem>> -> memref<80x32xf32, #tpu.memory_space<vmem>>
      %dma_wait3A_493 = arith.constant 0 : i32
      %dma_wait3A_494 = tpu.memref_slice %arg8[%dma_wait3A_485, %dma_wait3A_493] : memref<250x80xi32, #tpu.memory_space<vmem>> -> memref<1x80xi32, #tpu.memory_space<vmem>>
      %dma_wait3A_495 = tpu.memref_squeeze %dma_wait3A_494 : memref<1x80xi32, #tpu.memory_space<vmem>> -> memref<80xi32, #tpu.memory_space<vmem>>
      %dma_wait3A_496 = arith.constant 0 : i32
      %dma_wait3A_497 = arith.constant 0 : i32
      %dma_wait3A_498 = tpu.memref_slice %arg11[%dma_wait3A_496, %dma_wait3A_497] : memref<10240x32xf32, #tpu.memory_space<vmem_shared>> -> memref<10240x32xf32, #tpu.memory_space<vmem_shared>>
      tpu.wait_indirect_dma semaphore(%arg14 : memref<!tpu.dma_semaphore, #tpu.memory_space<semaphore_mem>>) src(%dma_wait3A_492 : memref<80x32xf32, #tpu.memory_space<vmem>>) dst(%dma_wait3A_498 : memref<10240x32xf32, #tpu.memory_space<vmem_shared>>)
      %dma_wait3A_499 = arith.constant 0 : i32
      %dma_wait3A_500 = arith.constant 0 : i32
      %dma_wait3A_501 = arith.constant 0 : i32
      %dma_wait3A_502 = arith.constant 0 : i32
      %dma_wait3A_503 = tpu.memref_slice %arg10[%dma_wait3A_499, %dma_wait3A_501, %dma_wait3A_502] : memref<2x400x32xf32, #tpu.memory_space<vmem>> -> memref<1x400x32xf32, #tpu.memory_space<vmem>>
      %dma_wait3A_504 = tpu.memref_squeeze %dma_wait3A_503 : memref<1x400x32xf32, #tpu.memory_space<vmem>> -> memref<400x32xf32, #tpu.memory_space<vmem>>
      %dma_wait3A_505 = arith.constant 160 : i32
      %dma_wait3A_506 = arith.constant 0 : i32
      %dma_wait3A_507 = tpu.memref_slice %dma_wait3A_504[%dma_wait3A_505, %dma_wait3A_506] : memref<400x32xf32, #tpu.memory_space<vmem>> -> memref<80x32xf32, #tpu.memory_space<vmem>>
      %dma_wait3A_508 = arith.constant 0 : i32
      %dma_wait3A_509 = tpu.memref_slice %arg9[%dma_wait3A_500, %dma_wait3A_508] : memref<250x80xi32, #tpu.memory_space<vmem>> -> memref<1x80xi32, #tpu.memory_space<vmem>>
      %dma_wait3A_510 = tpu.memref_squeeze %dma_wait3A_509 : memref<1x80xi32, #tpu.memory_space<vmem>> -> memref<80xi32, #tpu.memory_space<vmem>>
      %dma_wait3A_511 = arith.constant 0 : i32
      %dma_wait3A_512 = arith.constant 0 : i32
      %dma_wait3A_513 = tpu.memref_slice %arg11[%dma_wait3A_511, %dma_wait3A_512] : memref<10240x32xf32, #tpu.memory_space<vmem_shared>> -> memref<10240x32xf32, #tpu.memory_space<vmem_shared>>
      tpu.wait_indirect_dma semaphore(%arg14 : memref<!tpu.dma_semaphore, #tpu.memory_space<semaphore_mem>>) src(%dma_wait3A_507 : memref<80x32xf32, #tpu.memory_space<vmem>>) dst(%dma_wait3A_513 : memref<10240x32xf32, #tpu.memory_space<vmem_shared>>)
      %dma_wait3A_514 = arith.constant 0 : i32
      %dma_wait3A_515 = arith.constant 0 : i32
      %dma_wait3A_516 = arith.constant 0 : i32
      %dma_wait3A_517 = arith.constant 0 : i32
      %dma_wait3A_518 = tpu.memref_slice %arg10[%dma_wait3A_514, %dma_wait3A_516, %dma_wait3A_517] : memref<2x400x32xf32, #tpu.memory_space<vmem>> -> memref<1x400x32xf32, #tpu.memory_space<vmem>>
      %dma_wait3A_519 = tpu.memref_squeeze %dma_wait3A_518 : memref<1x400x32xf32, #tpu.memory_space<vmem>> -> memref<400x32xf32, #tpu.memory_space<vmem>>
      %dma_wait3A_520 = arith.constant 240 : i32
      %dma_wait3A_521 = arith.constant 0 : i32
      %dma_wait3A_522 = tpu.memref_slice %dma_wait3A_519[%dma_wait3A_520, %dma_wait3A_521] : memref<400x32xf32, #tpu.memory_space<vmem>> -> memref<80x32xf32, #tpu.memory_space<vmem>>
      %dma_wait3A_523 = arith.constant 0 : i32
      %dma_wait3A_524 = tpu.memref_slice %arg8[%dma_wait3A_515, %dma_wait3A_523] : memref<250x80xi32, #tpu.memory_space<vmem>> -> memref<1x80xi32, #tpu.memory_space<vmem>>
      %dma_wait3A_525 = tpu.memref_squeeze %dma_wait3A_524 : memref<1x80xi32, #tpu.memory_space<vmem>> -> memref<80xi32, #tpu.memory_space<vmem>>
      %dma_wait3A_526 = arith.constant 0 : i32
      %dma_wait3A_527 = arith.constant 0 : i32
      %dma_wait3A_528 = tpu.memref_slice %arg11[%dma_wait3A_526, %dma_wait3A_527] : memref<10240x32xf32, #tpu.memory_space<vmem_shared>> -> memref<10240x32xf32, #tpu.memory_space<vmem_shared>>
      tpu.wait_indirect_dma semaphore(%arg14 : memref<!tpu.dma_semaphore, #tpu.memory_space<semaphore_mem>>) src(%dma_wait3A_522 : memref<80x32xf32, #tpu.memory_space<vmem>>) dst(%dma_wait3A_528 : memref<10240x32xf32, #tpu.memory_space<vmem_shared>>)
      %dma_wait3A_529 = arith.constant 0 : i32
      %dma_wait3A_530 = arith.constant 0 : i32
      %dma_wait3A_531 = arith.constant 0 : i32
      %dma_wait3A_532 = arith.constant 0 : i32
      %dma_wait3A_533 = tpu.memref_slice %arg10[%dma_wait3A_529, %dma_wait3A_531, %dma_wait3A_532] : memref<2x400x32xf32, #tpu.memory_space<vmem>> -> memref<1x400x32xf32, #tpu.memory_space<vmem>>
      %dma_wait3A_534 = tpu.memref_squeeze %dma_wait3A_533 : memref<1x400x32xf32, #tpu.memory_space<vmem>> -> memref<400x32xf32, #tpu.memory_space<vmem>>
      %dma_wait3A_535 = arith.constant 240 : i32
      %dma_wait3A_536 = arith.constant 0 : i32
      %dma_wait3A_537 = tpu.memref_slice %dma_wait3A_534[%dma_wait3A_535, %dma_wait3A_536] : memref<400x32xf32, #tpu.memory_space<vmem>> -> memref<80x32xf32, #tpu.memory_space<vmem>>
      %dma_wait3A_538 = arith.constant 0 : i32
      %dma_wait3A_539 = tpu.memref_slice %arg9[%dma_wait3A_530, %dma_wait3A_538] : memref<250x80xi32, #tpu.memory_space<vmem>> -> memref<1x80xi32, #tpu.memory_space<vmem>>
      %dma_wait3A_540 = tpu.memref_squeeze %dma_wait3A_539 : memref<1x80xi32, #tpu.memory_space<vmem>> -> memref<80xi32, #tpu.memory_space<vmem>>
      %dma_wait3A_541 = arith.constant 0 : i32
      %dma_wait3A_542 = arith.constant 0 : i32
      %dma_wait3A_543 = tpu.memref_slice %arg11[%dma_wait3A_541, %dma_wait3A_542] : memref<10240x32xf32, #tpu.memory_space<vmem_shared>> -> memref<10240x32xf32, #tpu.memory_space<vmem_shared>>
      tpu.wait_indirect_dma semaphore(%arg14 : memref<!tpu.dma_semaphore, #tpu.memory_space<semaphore_mem>>) src(%dma_wait3A_537 : memref<80x32xf32, #tpu.memory_space<vmem>>) dst(%dma_wait3A_543 : memref<10240x32xf32, #tpu.memory_space<vmem_shared>>)
      %dma_wait3A_544 = arith.constant 0 : i32
      %dma_wait3A_545 = arith.constant 0 : i32
      %dma_wait3A_546 = arith.constant 0 : i32
      %dma_wait3A_547 = arith.constant 0 : i32
      %dma_wait3A_548 = tpu.memref_slice %arg10[%dma_wait3A_544, %dma_wait3A_546, %dma_wait3A_547] : memref<2x400x32xf32, #tpu.memory_space<vmem>> -> memref<1x400x32xf32, #tpu.memory_space<vmem>>
      %dma_wait3A_549 = tpu.memref_squeeze %dma_wait3A_548 : memref<1x400x32xf32, #tpu.memory_space<vmem>> -> memref<400x32xf32, #tpu.memory_space<vmem>>
      %dma_wait3A_550 = arith.constant 320 : i32
      %dma_wait3A_551 = arith.constant 0 : i32
      %dma_wait3A_552 = tpu.memref_slice %dma_wait3A_549[%dma_wait3A_550, %dma_wait3A_551] : memref<400x32xf32, #tpu.memory_space<vmem>> -> memref<80x32xf32, #tpu.memory_space<vmem>>
      %dma_wait3A_553 = arith.constant 0 : i32
      %dma_wait3A_554 = tpu.memref_slice %arg8[%dma_wait3A_545, %dma_wait3A_553] : memref<250x80xi32, #tpu.memory_space<vmem>> -> memref<1x80xi32, #tpu.memory_space<vmem>>
      %dma_wait3A_555 = tpu.memref_squeeze %dma_wait3A_554 : memref<1x80xi32, #tpu.memory_space<vmem>> -> memref<80xi32, #tpu.memory_space<vmem>>
      %dma_wait3A_556 = arith.constant 0 : i32
      %dma_wait3A_557 = arith.constant 0 : i32
      %dma_wait3A_558 = tpu.memref_slice %arg11[%dma_wait3A_556, %dma_wait3A_557] : memref<10240x32xf32, #tpu.memory_space<vmem_shared>> -> memref<10240x32xf32, #tpu.memory_space<vmem_shared>>
      tpu.wait_indirect_dma semaphore(%arg14 : memref<!tpu.dma_semaphore, #tpu.memory_space<semaphore_mem>>) src(%dma_wait3A_552 : memref<80x32xf32, #tpu.memory_space<vmem>>) dst(%dma_wait3A_558 : memref<10240x32xf32, #tpu.memory_space<vmem_shared>>)
      %dma_wait3A_559 = arith.constant 0 : i32
      %dma_wait3A_560 = arith.constant 0 : i32
      %dma_wait3A_561 = arith.constant 0 : i32
      %dma_wait3A_562 = arith.constant 0 : i32
      %dma_wait3A_563 = tpu.memref_slice %arg10[%dma_wait3A_559, %dma_wait3A_561, %dma_wait3A_562] : memref<2x400x32xf32, #tpu.memory_space<vmem>> -> memref<1x400x32xf32, #tpu.memory_space<vmem>>
      %dma_wait3A_564 = tpu.memref_squeeze %dma_wait3A_563 : memref<1x400x32xf32, #tpu.memory_space<vmem>> -> memref<400x32xf32, #tpu.memory_space<vmem>>
      %dma_wait3A_565 = arith.constant 320 : i32
      %dma_wait3A_566 = arith.constant 0 : i32
      %dma_wait3A_567 = tpu.memref_slice %dma_wait3A_564[%dma_wait3A_565, %dma_wait3A_566] : memref<400x32xf32, #tpu.memory_space<vmem>> -> memref<80x32xf32, #tpu.memory_space<vmem>>
      %dma_wait3A_568 = arith.constant 0 : i32
      %dma_wait3A_569 = tpu.memref_slice %arg9[%dma_wait3A_560, %dma_wait3A_568] : memref<250x80xi32, #tpu.memory_space<vmem>> -> memref<1x80xi32, #tpu.memory_space<vmem>>
      %dma_wait3A_570 = tpu.memref_squeeze %dma_wait3A_569 : memref<1x80xi32, #tpu.memory_space<vmem>> -> memref<80xi32, #tpu.memory_space<vmem>>
      %dma_wait3A_571 = arith.constant 0 : i32
      %dma_wait3A_572 = arith.constant 0 : i32
      %dma_wait3A_573 = tpu.memref_slice %arg11[%dma_wait3A_571, %dma_wait3A_572] : memref<10240x32xf32, #tpu.memory_space<vmem_shared>> -> memref<10240x32xf32, #tpu.memory_space<vmem_shared>>
      tpu.wait_indirect_dma semaphore(%arg14 : memref<!tpu.dma_semaphore, #tpu.memory_space<semaphore_mem>>) src(%dma_wait3A_567 : memref<80x32xf32, #tpu.memory_space<vmem>>) dst(%dma_wait3A_573 : memref<10240x32xf32, #tpu.memory_space<vmem_shared>>)
      %lt3A = arith.constant 24 : i32
      %lt3A_574 = arith.cmpi slt, %scan3A_188, %lt3A : i32
      %convert_element_type3A_575 = arith.extui %lt3A_574 : i1 to i32
      %cond3A_576 = arith.constant 0 : i32
      %cond3A_577 = arith.cmpi ne, %convert_element_type3A_575, %cond3A_576 : i32
      scf.if %cond3A_577 {
        %add3A_779 = arith.constant 2 : i32
        %add3A_780 = arith.addi %mul3A_190, %add3A_779 : i32
        %mul3A_781 = arith.constant 400 : i32
        %mul3A_782 = arith.muli %add3A_780, %mul3A_781 : i32
        %add3A_783 = arith.addi %mul3A_2, %mul3A_782 : i32
        %dma_start3A_784 = arith.constant 0 : i32
        %dma_start3A_785 = arith.constant 0 : i32
        %dma_start3A_786 = arith.constant 0 : i32
        %dma_start3A_787 = tpu.memref_slice %arg10[%dma_start3A_784, %dma_start3A_785, %dma_start3A_786] : memref<2x400x32xf32, #tpu.memory_space<vmem>> -> memref<1x400x32xf32, #tpu.memory_space<vmem>>
        %dma_start3A_788 = tpu.memref_squeeze %dma_start3A_787 : memref<1x400x32xf32, #tpu.memory_space<vmem>> -> memref<400x32xf32, #tpu.memory_space<vmem>>
        %dma_start3A_789 = arith.constant 0 : i32
        %dma_start3A_790 = arith.constant 0 : i32
        %dma_start3A_791 = tpu.memref_slice %arg2[%arg0, %dma_start3A_789, %dma_start3A_790] : memref<2x320000x32xf32, #tpu.memory_space<hbm>> -> memref<1x320000x32xf32, #tpu.memory_space<hbm>>
        %dma_start3A_792 = tpu.memref_squeeze %dma_start3A_791 : memref<1x320000x32xf32, #tpu.memory_space<hbm>> -> memref<320000x32xf32, #tpu.memory_space<hbm>>
        %dma_start3A_793 = arith.constant 0 : i32
        %dma_start3A_794 = tpu.memref_slice %dma_start3A_792[%add3A_783, %dma_start3A_793] : memref<320000x32xf32, #tpu.memory_space<hbm>> -> memref<400x32xf32, #tpu.memory_space<hbm>>
        %dma_start3A_795 = arith.constant 0 : i32
        %dma_start3A_796 = arith.constant 0 : i32
        %dma_start3A_797 = tpu.memref_slice %arg10[%dma_start3A_784, %dma_start3A_795, %dma_start3A_796] : memref<2x400x32xf32, #tpu.memory_space<vmem>> -> memref<1x400x32xf32, #tpu.memory_space<vmem>>
        %dma_start3A_798 = tpu.memref_squeeze %dma_start3A_797 : memref<1x400x32xf32, #tpu.memory_space<vmem>> -> memref<400x32xf32, #tpu.memory_space<vmem>>
        %dma_start3A_799 = arith.constant 0 : i32
        %dma_start3A_800 = arith.constant 0 : i32
        %dma_start3A_801 = tpu.memref_slice %arg2[%arg0, %dma_start3A_799, %dma_start3A_800] : memref<2x320000x32xf32, #tpu.memory_space<hbm>> -> memref<1x320000x32xf32, #tpu.memory_space<hbm>>
        %dma_start3A_802 = tpu.memref_squeeze %dma_start3A_801 : memref<1x320000x32xf32, #tpu.memory_space<hbm>> -> memref<320000x32xf32, #tpu.memory_space<hbm>>
        %dma_start3A_803 = arith.constant 0 : i32
        %dma_start3A_804 = tpu.memref_slice %dma_start3A_802[%add3A_783, %dma_start3A_803] : memref<320000x32xf32, #tpu.memory_space<hbm>> -> memref<400x32xf32, #tpu.memory_space<hbm>>
        tpu.enqueue_dma source(%dma_start3A_804 : memref<400x32xf32, #tpu.memory_space<hbm>>) target(%dma_start3A_798 : memref<400x32xf32, #tpu.memory_space<vmem>>) target_semaphore(%arg12 : memref<!tpu.dma_semaphore, #tpu.memory_space<semaphore_mem>>)
      } else {
      }
      %dma_wait3A_578 = arith.constant 1 : i32
      %dma_wait3A_579 = arith.constant 0 : i32
      %dma_wait3A_580 = arith.constant 0 : i32
      %dma_wait3A_581 = tpu.memref_slice %arg10[%dma_wait3A_578, %dma_wait3A_579, %dma_wait3A_580] : memref<2x400x32xf32, #tpu.memory_space<vmem>> -> memref<1x400x32xf32, #tpu.memory_space<vmem>>
      %dma_wait3A_582 = tpu.memref_squeeze %dma_wait3A_581 : memref<1x400x32xf32, #tpu.memory_space<vmem>> -> memref<400x32xf32, #tpu.memory_space<vmem>>
      %dma_wait3A_583 = arith.constant 0 : i32
      %dma_wait3A_584 = arith.constant 0 : i32
      %dma_wait3A_585 = tpu.memref_slice %arg2[%arg0, %dma_wait3A_583, %dma_wait3A_584] : memref<2x320000x32xf32, #tpu.memory_space<hbm>> -> memref<1x320000x32xf32, #tpu.memory_space<hbm>>
      %dma_wait3A_586 = tpu.memref_squeeze %dma_wait3A_585 : memref<1x320000x32xf32, #tpu.memory_space<hbm>> -> memref<320000x32xf32, #tpu.memory_space<hbm>>
      %dma_wait3A_587 = arith.constant 0 : i32
      %dma_wait3A_588 = tpu.memref_slice %dma_wait3A_586[%mul3A_2, %dma_wait3A_587] : memref<320000x32xf32, #tpu.memory_space<hbm>> -> memref<400x32xf32, #tpu.memory_space<hbm>>
      %dma_wait3A_589 = arith.constant 0 : i32
      %dma_wait3A_590 = arith.constant 0 : i32
      %dma_wait3A_591 = tpu.memref_slice %arg10[%dma_wait3A_578, %dma_wait3A_589, %dma_wait3A_590] : memref<2x400x32xf32, #tpu.memory_space<vmem>> -> memref<1x400x32xf32, #tpu.memory_space<vmem>>
      %dma_wait3A_592 = tpu.memref_squeeze %dma_wait3A_591 : memref<1x400x32xf32, #tpu.memory_space<vmem>> -> memref<400x32xf32, #tpu.memory_space<vmem>>
      %dma_wait3A_593 = arith.constant 0 : i32
      %dma_wait3A_594 = arith.constant 0 : i32
      %dma_wait3A_595 = tpu.memref_slice %arg2[%arg0, %dma_wait3A_593, %dma_wait3A_594] : memref<2x320000x32xf32, #tpu.memory_space<hbm>> -> memref<1x320000x32xf32, #tpu.memory_space<hbm>>
      %dma_wait3A_596 = tpu.memref_squeeze %dma_wait3A_595 : memref<1x320000x32xf32, #tpu.memory_space<hbm>> -> memref<320000x32xf32, #tpu.memory_space<hbm>>
      %dma_wait3A_597 = arith.constant 0 : i32
      %dma_wait3A_598 = tpu.memref_slice %dma_wait3A_596[%mul3A_2, %dma_wait3A_597] : memref<320000x32xf32, #tpu.memory_space<hbm>> -> memref<400x32xf32, #tpu.memory_space<hbm>>
      tpu.wait_dma2 semaphore(%arg13 : memref<!tpu.dma_semaphore, #tpu.memory_space<semaphore_mem>>) src(%dma_wait3A_598 : memref<400x32xf32, #tpu.memory_space<hbm>>) dst(%dma_wait3A_592 : memref<400x32xf32, #tpu.memory_space<vmem>>)
      %mul3A_599 = arith.constant 5 : i32
      %mul3A_600 = arith.muli %add3A_194, %mul3A_599 : i32
      %add3A_601 = arith.constant 0 : i32
      %add3A_602 = arith.addi %mul3A_600, %add3A_601 : i32
      %dma_start3A_603 = arith.constant 1 : i32
      %dma_start3A_604 = arith.constant 0 : i32
      %dma_start3A_605 = arith.constant 0 : i32
      %dma_start3A_606 = tpu.memref_slice %arg10[%dma_start3A_603, %dma_start3A_604, %dma_start3A_605] : memref<2x400x32xf32, #tpu.memory_space<vmem>> -> memref<1x400x32xf32, #tpu.memory_space<vmem>>
      %dma_start3A_607 = tpu.memref_squeeze %dma_start3A_606 : memref<1x400x32xf32, #tpu.memory_space<vmem>> -> memref<400x32xf32, #tpu.memory_space<vmem>>
      %dma_start3A_608 = arith.constant 0 : i32
      %dma_start3A_609 = arith.constant 0 : i32
      %dma_start3A_610 = tpu.memref_slice %dma_start3A_607[%dma_start3A_608, %dma_start3A_609] : memref<400x32xf32, #tpu.memory_space<vmem>> -> memref<80x32xf32, #tpu.memory_space<vmem>>
      %dma_start3A_611 = arith.constant 0 : i32
      %dma_start3A_612 = tpu.memref_slice %arg8[%add3A_602, %dma_start3A_611] : memref<250x80xi32, #tpu.memory_space<vmem>> -> memref<1x80xi32, #tpu.memory_space<vmem>>
      %dma_start3A_613 = tpu.memref_squeeze %dma_start3A_612 : memref<1x80xi32, #tpu.memory_space<vmem>> -> memref<80xi32, #tpu.memory_space<vmem>>
      %dma_start3A_614 = arith.constant 0 : i32
      %dma_start3A_615 = arith.constant 0 : i32
      %dma_start3A_616 = tpu.memref_slice %arg11[%dma_start3A_614, %dma_start3A_615] : memref<10240x32xf32, #tpu.memory_space<vmem_shared>> -> memref<10240x32xf32, #tpu.memory_space<vmem_shared>>
      tpu.enqueue_indirect_dma source(%dma_start3A_610 : memref<80x32xf32, #tpu.memory_space<vmem>>) target(%dma_start3A_616 : memref<10240x32xf32, #tpu.memory_space<vmem_shared>>) offsets(%dma_start3A_613 : memref<80xi32, #tpu.memory_space<vmem>>) semaphore(%arg15 : memref<!tpu.dma_semaphore, #tpu.memory_space<semaphore_mem>>) {add = true}
      %mul3A_617 = arith.constant 5 : i32
      %mul3A_618 = arith.muli %add3A_194, %mul3A_617 : i32
      %add3A_619 = arith.constant 0 : i32
      %add3A_620 = arith.addi %mul3A_618, %add3A_619 : i32
      %dma_start3A_621 = arith.constant 1 : i32
      %dma_start3A_622 = arith.constant 0 : i32
      %dma_start3A_623 = arith.constant 0 : i32
      %dma_start3A_624 = tpu.memref_slice %arg10[%dma_start3A_621, %dma_start3A_622, %dma_start3A_623] : memref<2x400x32xf32, #tpu.memory_space<vmem>> -> memref<1x400x32xf32, #tpu.memory_space<vmem>>
      %dma_start3A_625 = tpu.memref_squeeze %dma_start3A_624 : memref<1x400x32xf32, #tpu.memory_space<vmem>> -> memref<400x32xf32, #tpu.memory_space<vmem>>
      %dma_start3A_626 = arith.constant 0 : i32
      %dma_start3A_627 = arith.constant 0 : i32
      %dma_start3A_628 = tpu.memref_slice %dma_start3A_625[%dma_start3A_626, %dma_start3A_627] : memref<400x32xf32, #tpu.memory_space<vmem>> -> memref<80x32xf32, #tpu.memory_space<vmem>>
      %dma_start3A_629 = arith.constant 0 : i32
      %dma_start3A_630 = tpu.memref_slice %arg9[%add3A_620, %dma_start3A_629] : memref<250x80xi32, #tpu.memory_space<vmem>> -> memref<1x80xi32, #tpu.memory_space<vmem>>
      %dma_start3A_631 = tpu.memref_squeeze %dma_start3A_630 : memref<1x80xi32, #tpu.memory_space<vmem>> -> memref<80xi32, #tpu.memory_space<vmem>>
      %dma_start3A_632 = arith.constant 0 : i32
      %dma_start3A_633 = arith.constant 0 : i32
      %dma_start3A_634 = tpu.memref_slice %arg11[%dma_start3A_632, %dma_start3A_633] : memref<10240x32xf32, #tpu.memory_space<vmem_shared>> -> memref<10240x32xf32, #tpu.memory_space<vmem_shared>>
      tpu.enqueue_indirect_dma source(%dma_start3A_628 : memref<80x32xf32, #tpu.memory_space<vmem>>) target(%dma_start3A_634 : memref<10240x32xf32, #tpu.memory_space<vmem_shared>>) offsets(%dma_start3A_631 : memref<80xi32, #tpu.memory_space<vmem>>) semaphore(%arg15 : memref<!tpu.dma_semaphore, #tpu.memory_space<semaphore_mem>>) {add = true}
      %mul3A_635 = arith.constant 5 : i32
      %mul3A_636 = arith.muli %add3A_194, %mul3A_635 : i32
      %add3A_637 = arith.constant 1 : i32
      %add3A_638 = arith.addi %mul3A_636, %add3A_637 : i32
      %dma_start3A_639 = arith.constant 1 : i32
      %dma_start3A_640 = arith.constant 0 : i32
      %dma_start3A_641 = arith.constant 0 : i32
      %dma_start3A_642 = tpu.memref_slice %arg10[%dma_start3A_639, %dma_start3A_640, %dma_start3A_641] : memref<2x400x32xf32, #tpu.memory_space<vmem>> -> memref<1x400x32xf32, #tpu.memory_space<vmem>>
      %dma_start3A_643 = tpu.memref_squeeze %dma_start3A_642 : memref<1x400x32xf32, #tpu.memory_space<vmem>> -> memref<400x32xf32, #tpu.memory_space<vmem>>
      %dma_start3A_644 = arith.constant 80 : i32
      %dma_start3A_645 = arith.constant 0 : i32
      %dma_start3A_646 = tpu.memref_slice %dma_start3A_643[%dma_start3A_644, %dma_start3A_645] : memref<400x32xf32, #tpu.memory_space<vmem>> -> memref<80x32xf32, #tpu.memory_space<vmem>>
      %dma_start3A_647 = arith.constant 0 : i32
      %dma_start3A_648 = tpu.memref_slice %arg8[%add3A_638, %dma_start3A_647] : memref<250x80xi32, #tpu.memory_space<vmem>> -> memref<1x80xi32, #tpu.memory_space<vmem>>
      %dma_start3A_649 = tpu.memref_squeeze %dma_start3A_648 : memref<1x80xi32, #tpu.memory_space<vmem>> -> memref<80xi32, #tpu.memory_space<vmem>>
      %dma_start3A_650 = arith.constant 0 : i32
      %dma_start3A_651 = arith.constant 0 : i32
      %dma_start3A_652 = tpu.memref_slice %arg11[%dma_start3A_650, %dma_start3A_651] : memref<10240x32xf32, #tpu.memory_space<vmem_shared>> -> memref<10240x32xf32, #tpu.memory_space<vmem_shared>>
      tpu.enqueue_indirect_dma source(%dma_start3A_646 : memref<80x32xf32, #tpu.memory_space<vmem>>) target(%dma_start3A_652 : memref<10240x32xf32, #tpu.memory_space<vmem_shared>>) offsets(%dma_start3A_649 : memref<80xi32, #tpu.memory_space<vmem>>) semaphore(%arg15 : memref<!tpu.dma_semaphore, #tpu.memory_space<semaphore_mem>>) {add = true}
      %mul3A_653 = arith.constant 5 : i32
      %mul3A_654 = arith.muli %add3A_194, %mul3A_653 : i32
      %add3A_655 = arith.constant 1 : i32
      %add3A_656 = arith.addi %mul3A_654, %add3A_655 : i32
      %dma_start3A_657 = arith.constant 1 : i32
      %dma_start3A_658 = arith.constant 0 : i32
      %dma_start3A_659 = arith.constant 0 : i32
      %dma_start3A_660 = tpu.memref_slice %arg10[%dma_start3A_657, %dma_start3A_658, %dma_start3A_659] : memref<2x400x32xf32, #tpu.memory_space<vmem>> -> memref<1x400x32xf32, #tpu.memory_space<vmem>>
      %dma_start3A_661 = tpu.memref_squeeze %dma_start3A_660 : memref<1x400x32xf32, #tpu.memory_space<vmem>> -> memref<400x32xf32, #tpu.memory_space<vmem>>
      %dma_start3A_662 = arith.constant 80 : i32
      %dma_start3A_663 = arith.constant 0 : i32
      %dma_start3A_664 = tpu.memref_slice %dma_start3A_661[%dma_start3A_662, %dma_start3A_663] : memref<400x32xf32, #tpu.memory_space<vmem>> -> memref<80x32xf32, #tpu.memory_space<vmem>>
      %dma_start3A_665 = arith.constant 0 : i32
      %dma_start3A_666 = tpu.memref_slice %arg9[%add3A_656, %dma_start3A_665] : memref<250x80xi32, #tpu.memory_space<vmem>> -> memref<1x80xi32, #tpu.memory_space<vmem>>
      %dma_start3A_667 = tpu.memref_squeeze %dma_start3A_666 : memref<1x80xi32, #tpu.memory_space<vmem>> -> memref<80xi32, #tpu.memory_space<vmem>>
      %dma_start3A_668 = arith.constant 0 : i32
      %dma_start3A_669 = arith.constant 0 : i32
      %dma_start3A_670 = tpu.memref_slice %arg11[%dma_start3A_668, %dma_start3A_669] : memref<10240x32xf32, #tpu.memory_space<vmem_shared>> -> memref<10240x32xf32, #tpu.memory_space<vmem_shared>>
      tpu.enqueue_indirect_dma source(%dma_start3A_664 : memref<80x32xf32, #tpu.memory_space<vmem>>) target(%dma_start3A_670 : memref<10240x32xf32, #tpu.memory_space<vmem_shared>>) offsets(%dma_start3A_667 : memref<80xi32, #tpu.memory_space<vmem>>) semaphore(%arg15 : memref<!tpu.dma_semaphore, #tpu.memory_space<semaphore_mem>>) {add = true}
      %mul3A_671 = arith.constant 5 : i32
      %mul3A_672 = arith.muli %add3A_194, %mul3A_671 : i32
      %add3A_673 = arith.constant 2 : i32
      %add3A_674 = arith.addi %mul3A_672, %add3A_673 : i32
      %dma_start3A_675 = arith.constant 1 : i32
      %dma_start3A_676 = arith.constant 0 : i32
      %dma_start3A_677 = arith.constant 0 : i32
      %dma_start3A_678 = tpu.memref_slice %arg10[%dma_start3A_675, %dma_start3A_676, %dma_start3A_677] : memref<2x400x32xf32, #tpu.memory_space<vmem>> -> memref<1x400x32xf32, #tpu.memory_space<vmem>>
      %dma_start3A_679 = tpu.memref_squeeze %dma_start3A_678 : memref<1x400x32xf32, #tpu.memory_space<vmem>> -> memref<400x32xf32, #tpu.memory_space<vmem>>
      %dma_start3A_680 = arith.constant 160 : i32
      %dma_start3A_681 = arith.constant 0 : i32
      %dma_start3A_682 = tpu.memref_slice %dma_start3A_679[%dma_start3A_680, %dma_start3A_681] : memref<400x32xf32, #tpu.memory_space<vmem>> -> memref<80x32xf32, #tpu.memory_space<vmem>>
      %dma_start3A_683 = arith.constant 0 : i32
      %dma_start3A_684 = tpu.memref_slice %arg8[%add3A_674, %dma_start3A_683] : memref<250x80xi32, #tpu.memory_space<vmem>> -> memref<1x80xi32, #tpu.memory_space<vmem>>
      %dma_start3A_685 = tpu.memref_squeeze %dma_start3A_684 : memref<1x80xi32, #tpu.memory_space<vmem>> -> memref<80xi32, #tpu.memory_space<vmem>>
      %dma_start3A_686 = arith.constant 0 : i32
      %dma_start3A_687 = arith.constant 0 : i32
      %dma_start3A_688 = tpu.memref_slice %arg11[%dma_start3A_686, %dma_start3A_687] : memref<10240x32xf32, #tpu.memory_space<vmem_shared>> -> memref<10240x32xf32, #tpu.memory_space<vmem_shared>>
      tpu.enqueue_indirect_dma source(%dma_start3A_682 : memref<80x32xf32, #tpu.memory_space<vmem>>) target(%dma_start3A_688 : memref<10240x32xf32, #tpu.memory_space<vmem_shared>>) offsets(%dma_start3A_685 : memref<80xi32, #tpu.memory_space<vmem>>) semaphore(%arg15 : memref<!tpu.dma_semaphore, #tpu.memory_space<semaphore_mem>>) {add = true}
      %mul3A_689 = arith.constant 5 : i32
      %mul3A_690 = arith.muli %add3A_194, %mul3A_689 : i32
      %add3A_691 = arith.constant 2 : i32
      %add3A_692 = arith.addi %mul3A_690, %add3A_691 : i32
      %dma_start3A_693 = arith.constant 1 : i32
      %dma_start3A_694 = arith.constant 0 : i32
      %dma_start3A_695 = arith.constant 0 : i32
      %dma_start3A_696 = tpu.memref_slice %arg10[%dma_start3A_693, %dma_start3A_694, %dma_start3A_695] : memref<2x400x32xf32, #tpu.memory_space<vmem>> -> memref<1x400x32xf32, #tpu.memory_space<vmem>>
      %dma_start3A_697 = tpu.memref_squeeze %dma_start3A_696 : memref<1x400x32xf32, #tpu.memory_space<vmem>> -> memref<400x32xf32, #tpu.memory_space<vmem>>
      %dma_start3A_698 = arith.constant 160 : i32
      %dma_start3A_699 = arith.constant 0 : i32
      %dma_start3A_700 = tpu.memref_slice %dma_start3A_697[%dma_start3A_698, %dma_start3A_699] : memref<400x32xf32, #tpu.memory_space<vmem>> -> memref<80x32xf32, #tpu.memory_space<vmem>>
      %dma_start3A_701 = arith.constant 0 : i32
      %dma_start3A_702 = tpu.memref_slice %arg9[%add3A_692, %dma_start3A_701] : memref<250x80xi32, #tpu.memory_space<vmem>> -> memref<1x80xi32, #tpu.memory_space<vmem>>
      %dma_start3A_703 = tpu.memref_squeeze %dma_start3A_702 : memref<1x80xi32, #tpu.memory_space<vmem>> -> memref<80xi32, #tpu.memory_space<vmem>>
      %dma_start3A_704 = arith.constant 0 : i32
      %dma_start3A_705 = arith.constant 0 : i32
      %dma_start3A_706 = tpu.memref_slice %arg11[%dma_start3A_704, %dma_start3A_705] : memref<10240x32xf32, #tpu.memory_space<vmem_shared>> -> memref<10240x32xf32, #tpu.memory_space<vmem_shared>>
      tpu.enqueue_indirect_dma source(%dma_start3A_700 : memref<80x32xf32, #tpu.memory_space<vmem>>) target(%dma_start3A_706 : memref<10240x32xf32, #tpu.memory_space<vmem_shared>>) offsets(%dma_start3A_703 : memref<80xi32, #tpu.memory_space<vmem>>) semaphore(%arg15 : memref<!tpu.dma_semaphore, #tpu.memory_space<semaphore_mem>>) {add = true}
      %mul3A_707 = arith.constant 5 : i32
      %mul3A_708 = arith.muli %add3A_194, %mul3A_707 : i32
      %add3A_709 = arith.constant 3 : i32
      %add3A_710 = arith.addi %mul3A_708, %add3A_709 : i32
      %dma_start3A_711 = arith.constant 1 : i32
      %dma_start3A_712 = arith.constant 0 : i32
      %dma_start3A_713 = arith.constant 0 : i32
      %dma_start3A_714 = tpu.memref_slice %arg10[%dma_start3A_711, %dma_start3A_712, %dma_start3A_713] : memref<2x400x32xf32, #tpu.memory_space<vmem>> -> memref<1x400x32xf32, #tpu.memory_space<vmem>>
      %dma_start3A_715 = tpu.memref_squeeze %dma_start3A_714 : memref<1x400x32xf32, #tpu.memory_space<vmem>> -> memref<400x32xf32, #tpu.memory_space<vmem>>
      %dma_start3A_716 = arith.constant 240 : i32
      %dma_start3A_717 = arith.constant 0 : i32
      %dma_start3A_718 = tpu.memref_slice %dma_start3A_715[%dma_start3A_716, %dma_start3A_717] : memref<400x32xf32, #tpu.memory_space<vmem>> -> memref<80x32xf32, #tpu.memory_space<vmem>>
      %dma_start3A_719 = arith.constant 0 : i32
      %dma_start3A_720 = tpu.memref_slice %arg8[%add3A_710, %dma_start3A_719] : memref<250x80xi32, #tpu.memory_space<vmem>> -> memref<1x80xi32, #tpu.memory_space<vmem>>
      %dma_start3A_721 = tpu.memref_squeeze %dma_start3A_720 : memref<1x80xi32, #tpu.memory_space<vmem>> -> memref<80xi32, #tpu.memory_space<vmem>>
      %dma_start3A_722 = arith.constant 0 : i32
      %dma_start3A_723 = arith.constant 0 : i32
      %dma_start3A_724 = tpu.memref_slice %arg11[%dma_start3A_722, %dma_start3A_723] : memref<10240x32xf32, #tpu.memory_space<vmem_shared>> -> memref<10240x32xf32, #tpu.memory_space<vmem_shared>>
      tpu.enqueue_indirect_dma source(%dma_start3A_718 : memref<80x32xf32, #tpu.memory_space<vmem>>) target(%dma_start3A_724 : memref<10240x32xf32, #tpu.memory_space<vmem_shared>>) offsets(%dma_start3A_721 : memref<80xi32, #tpu.memory_space<vmem>>) semaphore(%arg15 : memref<!tpu.dma_semaphore, #tpu.memory_space<semaphore_mem>>) {add = true}
      %mul3A_725 = arith.constant 5 : i32
      %mul3A_726 = arith.muli %add3A_194, %mul3A_725 : i32
      %add3A_727 = arith.constant 3 : i32
      %add3A_728 = arith.addi %mul3A_726, %add3A_727 : i32
      %dma_start3A_729 = arith.constant 1 : i32
      %dma_start3A_730 = arith.constant 0 : i32
      %dma_start3A_731 = arith.constant 0 : i32
      %dma_start3A_732 = tpu.memref_slice %arg10[%dma_start3A_729, %dma_start3A_730, %dma_start3A_731] : memref<2x400x32xf32, #tpu.memory_space<vmem>> -> memref<1x400x32xf32, #tpu.memory_space<vmem>>
      %dma_start3A_733 = tpu.memref_squeeze %dma_start3A_732 : memref<1x400x32xf32, #tpu.memory_space<vmem>> -> memref<400x32xf32, #tpu.memory_space<vmem>>
      %dma_start3A_734 = arith.constant 240 : i32
      %dma_start3A_735 = arith.constant 0 : i32
      %dma_start3A_736 = tpu.memref_slice %dma_start3A_733[%dma_start3A_734, %dma_start3A_735] : memref<400x32xf32, #tpu.memory_space<vmem>> -> memref<80x32xf32, #tpu.memory_space<vmem>>
      %dma_start3A_737 = arith.constant 0 : i32
      %dma_start3A_738 = tpu.memref_slice %arg9[%add3A_728, %dma_start3A_737] : memref<250x80xi32, #tpu.memory_space<vmem>> -> memref<1x80xi32, #tpu.memory_space<vmem>>
      %dma_start3A_739 = tpu.memref_squeeze %dma_start3A_738 : memref<1x80xi32, #tpu.memory_space<vmem>> -> memref<80xi32, #tpu.memory_space<vmem>>
      %dma_start3A_740 = arith.constant 0 : i32
      %dma_start3A_741 = arith.constant 0 : i32
      %dma_start3A_742 = tpu.memref_slice %arg11[%dma_start3A_740, %dma_start3A_741] : memref<10240x32xf32, #tpu.memory_space<vmem_shared>> -> memref<10240x32xf32, #tpu.memory_space<vmem_shared>>
      tpu.enqueue_indirect_dma source(%dma_start3A_736 : memref<80x32xf32, #tpu.memory_space<vmem>>) target(%dma_start3A_742 : memref<10240x32xf32, #tpu.memory_space<vmem_shared>>) offsets(%dma_start3A_739 : memref<80xi32, #tpu.memory_space<vmem>>) semaphore(%arg15 : memref<!tpu.dma_semaphore, #tpu.memory_space<semaphore_mem>>) {add = true}
      %mul3A_743 = arith.constant 5 : i32
      %mul3A_744 = arith.muli %add3A_194, %mul3A_743 : i32
      %add3A_745 = arith.constant 4 : i32
      %add3A_746 = arith.addi %mul3A_744, %add3A_745 : i32
      %dma_start3A_747 = arith.constant 1 : i32
      %dma_start3A_748 = arith.constant 0 : i32
      %dma_start3A_749 = arith.constant 0 : i32
      %dma_start3A_750 = tpu.memref_slice %arg10[%dma_start3A_747, %dma_start3A_748, %dma_start3A_749] : memref<2x400x32xf32, #tpu.memory_space<vmem>> -> memref<1x400x32xf32, #tpu.memory_space<vmem>>
      %dma_start3A_751 = tpu.memref_squeeze %dma_start3A_750 : memref<1x400x32xf32, #tpu.memory_space<vmem>> -> memref<400x32xf32, #tpu.memory_space<vmem>>
      %dma_start3A_752 = arith.constant 320 : i32
      %dma_start3A_753 = arith.constant 0 : i32
      %dma_start3A_754 = tpu.memref_slice %dma_start3A_751[%dma_start3A_752, %dma_start3A_753] : memref<400x32xf32, #tpu.memory_space<vmem>> -> memref<80x32xf32, #tpu.memory_space<vmem>>
      %dma_start3A_755 = arith.constant 0 : i32
      %dma_start3A_756 = tpu.memref_slice %arg8[%add3A_746, %dma_start3A_755] : memref<250x80xi32, #tpu.memory_space<vmem>> -> memref<1x80xi32, #tpu.memory_space<vmem>>
      %dma_start3A_757 = tpu.memref_squeeze %dma_start3A_756 : memref<1x80xi32, #tpu.memory_space<vmem>> -> memref<80xi32, #tpu.memory_space<vmem>>
      %dma_start3A_758 = arith.constant 0 : i32
      %dma_start3A_759 = arith.constant 0 : i32
      %dma_start3A_760 = tpu.memref_slice %arg11[%dma_start3A_758, %dma_start3A_759] : memref<10240x32xf32, #tpu.memory_space<vmem_shared>> -> memref<10240x32xf32, #tpu.memory_space<vmem_shared>>
      tpu.enqueue_indirect_dma source(%dma_start3A_754 : memref<80x32xf32, #tpu.memory_space<vmem>>) target(%dma_start3A_760 : memref<10240x32xf32, #tpu.memory_space<vmem_shared>>) offsets(%dma_start3A_757 : memref<80xi32, #tpu.memory_space<vmem>>) semaphore(%arg15 : memref<!tpu.dma_semaphore, #tpu.memory_space<semaphore_mem>>) {add = true}
      %mul3A_761 = arith.constant 5 : i32
      %mul3A_762 = arith.muli %add3A_194, %mul3A_761 : i32
      %add3A_763 = arith.constant 4 : i32
      %add3A_764 = arith.addi %mul3A_762, %add3A_763 : i32
      %dma_start3A_765 = arith.constant 1 : i32
      %dma_start3A_766 = arith.constant 0 : i32
      %dma_start3A_767 = arith.constant 0 : i32
      %dma_start3A_768 = tpu.memref_slice %arg10[%dma_start3A_765, %dma_start3A_766, %dma_start3A_767] : memref<2x400x32xf32, #tpu.memory_space<vmem>> -> memref<1x400x32xf32, #tpu.memory_space<vmem>>
      %dma_start3A_769 = tpu.memref_squeeze %dma_start3A_768 : memref<1x400x32xf32, #tpu.memory_space<vmem>> -> memref<400x32xf32, #tpu.memory_space<vmem>>
      %dma_start3A_770 = arith.constant 320 : i32
      %dma_start3A_771 = arith.constant 0 : i32
      %dma_start3A_772 = tpu.memref_slice %dma_start3A_769[%dma_start3A_770, %dma_start3A_771] : memref<400x32xf32, #tpu.memory_space<vmem>> -> memref<80x32xf32, #tpu.memory_space<vmem>>
      %dma_start3A_773 = arith.constant 0 : i32
      %dma_start3A_774 = tpu.memref_slice %arg9[%add3A_764, %dma_start3A_773] : memref<250x80xi32, #tpu.memory_space<vmem>> -> memref<1x80xi32, #tpu.memory_space<vmem>>
      %dma_start3A_775 = tpu.memref_squeeze %dma_start3A_774 : memref<1x80xi32, #tpu.memory_space<vmem>> -> memref<80xi32, #tpu.memory_space<vmem>>
      %dma_start3A_776 = arith.constant 0 : i32
      %dma_start3A_777 = arith.constant 0 : i32
      %dma_start3A_778 = tpu.memref_slice %arg11[%dma_start3A_776, %dma_start3A_777] : memref<10240x32xf32, #tpu.memory_space<vmem_shared>> -> memref<10240x32xf32, #tpu.memory_space<vmem_shared>>
      tpu.enqueue_indirect_dma source(%dma_start3A_772 : memref<80x32xf32, #tpu.memory_space<vmem>>) target(%dma_start3A_778 : memref<10240x32xf32, #tpu.memory_space<vmem_shared>>) offsets(%dma_start3A_775 : memref<80xi32, #tpu.memory_space<vmem>>) semaphore(%arg15 : memref<!tpu.dma_semaphore, #tpu.memory_space<semaphore_mem>>) {add = true}
    }
    %scan3A_28 = arith.constant 25 : i32
    %dma_wait3A = arith.constant 1 : i32
    %dma_wait3A_29 = arith.constant 0 : i32
    %dma_wait3A_30 = arith.constant 0 : i32
    %dma_wait3A_31 = arith.constant 0 : i32
    %dma_wait3A_32 = tpu.memref_slice %arg10[%dma_wait3A, %dma_wait3A_30, %dma_wait3A_31] : memref<2x400x32xf32, #tpu.memory_space<vmem>> -> memref<1x400x32xf32, #tpu.memory_space<vmem>>
    %dma_wait3A_33 = tpu.memref_squeeze %dma_wait3A_32 : memref<1x400x32xf32, #tpu.memory_space<vmem>> -> memref<400x32xf32, #tpu.memory_space<vmem>>
    %dma_wait3A_34 = arith.constant 0 : i32
    %dma_wait3A_35 = arith.constant 0 : i32
    %dma_wait3A_36 = tpu.memref_slice %dma_wait3A_33[%dma_wait3A_34, %dma_wait3A_35] : memref<400x32xf32, #tpu.memory_space<vmem>> -> memref<80x32xf32, #tpu.memory_space<vmem>>
    %dma_wait3A_37 = arith.constant 0 : i32
    %dma_wait3A_38 = tpu.memref_slice %arg8[%dma_wait3A_29, %dma_wait3A_37] : memref<250x80xi32, #tpu.memory_space<vmem>> -> memref<1x80xi32, #tpu.memory_space<vmem>>
    %dma_wait3A_39 = tpu.memref_squeeze %dma_wait3A_38 : memref<1x80xi32, #tpu.memory_space<vmem>> -> memref<80xi32, #tpu.memory_space<vmem>>
    %dma_wait3A_40 = arith.constant 0 : i32
    %dma_wait3A_41 = arith.constant 0 : i32
    %dma_wait3A_42 = tpu.memref_slice %arg11[%dma_wait3A_40, %dma_wait3A_41] : memref<10240x32xf32, #tpu.memory_space<vmem_shared>> -> memref<10240x32xf32, #tpu.memory_space<vmem_shared>>
    tpu.wait_indirect_dma semaphore(%arg15 : memref<!tpu.dma_semaphore, #tpu.memory_space<semaphore_mem>>) src(%dma_wait3A_36 : memref<80x32xf32, #tpu.memory_space<vmem>>) dst(%dma_wait3A_42 : memref<10240x32xf32, #tpu.memory_space<vmem_shared>>)
    %dma_wait3A_43 = arith.constant 1 : i32
    %dma_wait3A_44 = arith.constant 0 : i32
    %dma_wait3A_45 = arith.constant 0 : i32
    %dma_wait3A_46 = arith.constant 0 : i32
    %dma_wait3A_47 = tpu.memref_slice %arg10[%dma_wait3A_43, %dma_wait3A_45, %dma_wait3A_46] : memref<2x400x32xf32, #tpu.memory_space<vmem>> -> memref<1x400x32xf32, #tpu.memory_space<vmem>>
    %dma_wait3A_48 = tpu.memref_squeeze %dma_wait3A_47 : memref<1x400x32xf32, #tpu.memory_space<vmem>> -> memref<400x32xf32, #tpu.memory_space<vmem>>
    %dma_wait3A_49 = arith.constant 0 : i32
    %dma_wait3A_50 = arith.constant 0 : i32
    %dma_wait3A_51 = tpu.memref_slice %dma_wait3A_48[%dma_wait3A_49, %dma_wait3A_50] : memref<400x32xf32, #tpu.memory_space<vmem>> -> memref<80x32xf32, #tpu.memory_space<vmem>>
    %dma_wait3A_52 = arith.constant 0 : i32
    %dma_wait3A_53 = tpu.memref_slice %arg9[%dma_wait3A_44, %dma_wait3A_52] : memref<250x80xi32, #tpu.memory_space<vmem>> -> memref<1x80xi32, #tpu.memory_space<vmem>>
    %dma_wait3A_54 = tpu.memref_squeeze %dma_wait3A_53 : memref<1x80xi32, #tpu.memory_space<vmem>> -> memref<80xi32, #tpu.memory_space<vmem>>
    %dma_wait3A_55 = arith.constant 0 : i32
    %dma_wait3A_56 = arith.constant 0 : i32
    %dma_wait3A_57 = tpu.memref_slice %arg11[%dma_wait3A_55, %dma_wait3A_56] : memref<10240x32xf32, #tpu.memory_space<vmem_shared>> -> memref<10240x32xf32, #tpu.memory_space<vmem_shared>>
    tpu.wait_indirect_dma semaphore(%arg15 : memref<!tpu.dma_semaphore, #tpu.memory_space<semaphore_mem>>) src(%dma_wait3A_51 : memref<80x32xf32, #tpu.memory_space<vmem>>) dst(%dma_wait3A_57 : memref<10240x32xf32, #tpu.memory_space<vmem_shared>>)
    %dma_wait3A_58 = arith.constant 1 : i32
    %dma_wait3A_59 = arith.constant 0 : i32
    %dma_wait3A_60 = arith.constant 0 : i32
    %dma_wait3A_61 = arith.constant 0 : i32
    %dma_wait3A_62 = tpu.memref_slice %arg10[%dma_wait3A_58, %dma_wait3A_60, %dma_wait3A_61] : memref<2x400x32xf32, #tpu.memory_space<vmem>> -> memref<1x400x32xf32, #tpu.memory_space<vmem>>
    %dma_wait3A_63 = tpu.memref_squeeze %dma_wait3A_62 : memref<1x400x32xf32, #tpu.memory_space<vmem>> -> memref<400x32xf32, #tpu.memory_space<vmem>>
    %dma_wait3A_64 = arith.constant 80 : i32
    %dma_wait3A_65 = arith.constant 0 : i32
    %dma_wait3A_66 = tpu.memref_slice %dma_wait3A_63[%dma_wait3A_64, %dma_wait3A_65] : memref<400x32xf32, #tpu.memory_space<vmem>> -> memref<80x32xf32, #tpu.memory_space<vmem>>
    %dma_wait3A_67 = arith.constant 0 : i32
    %dma_wait3A_68 = tpu.memref_slice %arg8[%dma_wait3A_59, %dma_wait3A_67] : memref<250x80xi32, #tpu.memory_space<vmem>> -> memref<1x80xi32, #tpu.memory_space<vmem>>
    %dma_wait3A_69 = tpu.memref_squeeze %dma_wait3A_68 : memref<1x80xi32, #tpu.memory_space<vmem>> -> memref<80xi32, #tpu.memory_space<vmem>>
    %dma_wait3A_70 = arith.constant 0 : i32
    %dma_wait3A_71 = arith.constant 0 : i32
    %dma_wait3A_72 = tpu.memref_slice %arg11[%dma_wait3A_70, %dma_wait3A_71] : memref<10240x32xf32, #tpu.memory_space<vmem_shared>> -> memref<10240x32xf32, #tpu.memory_space<vmem_shared>>
    tpu.wait_indirect_dma semaphore(%arg15 : memref<!tpu.dma_semaphore, #tpu.memory_space<semaphore_mem>>) src(%dma_wait3A_66 : memref<80x32xf32, #tpu.memory_space<vmem>>) dst(%dma_wait3A_72 : memref<10240x32xf32, #tpu.memory_space<vmem_shared>>)
    %dma_wait3A_73 = arith.constant 1 : i32
    %dma_wait3A_74 = arith.constant 0 : i32
    %dma_wait3A_75 = arith.constant 0 : i32
    %dma_wait3A_76 = arith.constant 0 : i32
    %dma_wait3A_77 = tpu.memref_slice %arg10[%dma_wait3A_73, %dma_wait3A_75, %dma_wait3A_76] : memref<2x400x32xf32, #tpu.memory_space<vmem>> -> memref<1x400x32xf32, #tpu.memory_space<vmem>>
    %dma_wait3A_78 = tpu.memref_squeeze %dma_wait3A_77 : memref<1x400x32xf32, #tpu.memory_space<vmem>> -> memref<400x32xf32, #tpu.memory_space<vmem>>
    %dma_wait3A_79 = arith.constant 80 : i32
    %dma_wait3A_80 = arith.constant 0 : i32
    %dma_wait3A_81 = tpu.memref_slice %dma_wait3A_78[%dma_wait3A_79, %dma_wait3A_80] : memref<400x32xf32, #tpu.memory_space<vmem>> -> memref<80x32xf32, #tpu.memory_space<vmem>>
    %dma_wait3A_82 = arith.constant 0 : i32
    %dma_wait3A_83 = tpu.memref_slice %arg9[%dma_wait3A_74, %dma_wait3A_82] : memref<250x80xi32, #tpu.memory_space<vmem>> -> memref<1x80xi32, #tpu.memory_space<vmem>>
    %dma_wait3A_84 = tpu.memref_squeeze %dma_wait3A_83 : memref<1x80xi32, #tpu.memory_space<vmem>> -> memref<80xi32, #tpu.memory_space<vmem>>
    %dma_wait3A_85 = arith.constant 0 : i32
    %dma_wait3A_86 = arith.constant 0 : i32
    %dma_wait3A_87 = tpu.memref_slice %arg11[%dma_wait3A_85, %dma_wait3A_86] : memref<10240x32xf32, #tpu.memory_space<vmem_shared>> -> memref<10240x32xf32, #tpu.memory_space<vmem_shared>>
    tpu.wait_indirect_dma semaphore(%arg15 : memref<!tpu.dma_semaphore, #tpu.memory_space<semaphore_mem>>) src(%dma_wait3A_81 : memref<80x32xf32, #tpu.memory_space<vmem>>) dst(%dma_wait3A_87 : memref<10240x32xf32, #tpu.memory_space<vmem_shared>>)
    %dma_wait3A_88 = arith.constant 1 : i32
    %dma_wait3A_89 = arith.constant 0 : i32
    %dma_wait3A_90 = arith.constant 0 : i32
    %dma_wait3A_91 = arith.constant 0 : i32
    %dma_wait3A_92 = tpu.memref_slice %arg10[%dma_wait3A_88, %dma_wait3A_90, %dma_wait3A_91] : memref<2x400x32xf32, #tpu.memory_space<vmem>> -> memref<1x400x32xf32, #tpu.memory_space<vmem>>
    %dma_wait3A_93 = tpu.memref_squeeze %dma_wait3A_92 : memref<1x400x32xf32, #tpu.memory_space<vmem>> -> memref<400x32xf32, #tpu.memory_space<vmem>>
    %dma_wait3A_94 = arith.constant 160 : i32
    %dma_wait3A_95 = arith.constant 0 : i32
    %dma_wait3A_96 = tpu.memref_slice %dma_wait3A_93[%dma_wait3A_94, %dma_wait3A_95] : memref<400x32xf32, #tpu.memory_space<vmem>> -> memref<80x32xf32, #tpu.memory_space<vmem>>
    %dma_wait3A_97 = arith.constant 0 : i32
    %dma_wait3A_98 = tpu.memref_slice %arg8[%dma_wait3A_89, %dma_wait3A_97] : memref<250x80xi32, #tpu.memory_space<vmem>> -> memref<1x80xi32, #tpu.memory_space<vmem>>
    %dma_wait3A_99 = tpu.memref_squeeze %dma_wait3A_98 : memref<1x80xi32, #tpu.memory_space<vmem>> -> memref<80xi32, #tpu.memory_space<vmem>>
    %dma_wait3A_100 = arith.constant 0 : i32
    %dma_wait3A_101 = arith.constant 0 : i32
    %dma_wait3A_102 = tpu.memref_slice %arg11[%dma_wait3A_100, %dma_wait3A_101] : memref<10240x32xf32, #tpu.memory_space<vmem_shared>> -> memref<10240x32xf32, #tpu.memory_space<vmem_shared>>
    tpu.wait_indirect_dma semaphore(%arg15 : memref<!tpu.dma_semaphore, #tpu.memory_space<semaphore_mem>>) src(%dma_wait3A_96 : memref<80x32xf32, #tpu.memory_space<vmem>>) dst(%dma_wait3A_102 : memref<10240x32xf32, #tpu.memory_space<vmem_shared>>)
    %dma_wait3A_103 = arith.constant 1 : i32
    %dma_wait3A_104 = arith.constant 0 : i32
    %dma_wait3A_105 = arith.constant 0 : i32
    %dma_wait3A_106 = arith.constant 0 : i32
    %dma_wait3A_107 = tpu.memref_slice %arg10[%dma_wait3A_103, %dma_wait3A_105, %dma_wait3A_106] : memref<2x400x32xf32, #tpu.memory_space<vmem>> -> memref<1x400x32xf32, #tpu.memory_space<vmem>>
    %dma_wait3A_108 = tpu.memref_squeeze %dma_wait3A_107 : memref<1x400x32xf32, #tpu.memory_space<vmem>> -> memref<400x32xf32, #tpu.memory_space<vmem>>
    %dma_wait3A_109 = arith.constant 160 : i32
    %dma_wait3A_110 = arith.constant 0 : i32
    %dma_wait3A_111 = tpu.memref_slice %dma_wait3A_108[%dma_wait3A_109, %dma_wait3A_110] : memref<400x32xf32, #tpu.memory_space<vmem>> -> memref<80x32xf32, #tpu.memory_space<vmem>>
    %dma_wait3A_112 = arith.constant 0 : i32
    %dma_wait3A_113 = tpu.memref_slice %arg9[%dma_wait3A_104, %dma_wait3A_112] : memref<250x80xi32, #tpu.memory_space<vmem>> -> memref<1x80xi32, #tpu.memory_space<vmem>>
    %dma_wait3A_114 = tpu.memref_squeeze %dma_wait3A_113 : memref<1x80xi32, #tpu.memory_space<vmem>> -> memref<80xi32, #tpu.memory_space<vmem>>
    %dma_wait3A_115 = arith.constant 0 : i32
    %dma_wait3A_116 = arith.constant 0 : i32
    %dma_wait3A_117 = tpu.memref_slice %arg11[%dma_wait3A_115, %dma_wait3A_116] : memref<10240x32xf32, #tpu.memory_space<vmem_shared>> -> memref<10240x32xf32, #tpu.memory_space<vmem_shared>>
    tpu.wait_indirect_dma semaphore(%arg15 : memref<!tpu.dma_semaphore, #tpu.memory_space<semaphore_mem>>) src(%dma_wait3A_111 : memref<80x32xf32, #tpu.memory_space<vmem>>) dst(%dma_wait3A_117 : memref<10240x32xf32, #tpu.memory_space<vmem_shared>>)
    %dma_wait3A_118 = arith.constant 1 : i32
    %dma_wait3A_119 = arith.constant 0 : i32
    %dma_wait3A_120 = arith.constant 0 : i32
    %dma_wait3A_121 = arith.constant 0 : i32
    %dma_wait3A_122 = tpu.memref_slice %arg10[%dma_wait3A_118, %dma_wait3A_120, %dma_wait3A_121] : memref<2x400x32xf32, #tpu.memory_space<vmem>> -> memref<1x400x32xf32, #tpu.memory_space<vmem>>
    %dma_wait3A_123 = tpu.memref_squeeze %dma_wait3A_122 : memref<1x400x32xf32, #tpu.memory_space<vmem>> -> memref<400x32xf32, #tpu.memory_space<vmem>>
    %dma_wait3A_124 = arith.constant 240 : i32
    %dma_wait3A_125 = arith.constant 0 : i32
    %dma_wait3A_126 = tpu.memref_slice %dma_wait3A_123[%dma_wait3A_124, %dma_wait3A_125] : memref<400x32xf32, #tpu.memory_space<vmem>> -> memref<80x32xf32, #tpu.memory_space<vmem>>
    %dma_wait3A_127 = arith.constant 0 : i32
    %dma_wait3A_128 = tpu.memref_slice %arg8[%dma_wait3A_119, %dma_wait3A_127] : memref<250x80xi32, #tpu.memory_space<vmem>> -> memref<1x80xi32, #tpu.memory_space<vmem>>
    %dma_wait3A_129 = tpu.memref_squeeze %dma_wait3A_128 : memref<1x80xi32, #tpu.memory_space<vmem>> -> memref<80xi32, #tpu.memory_space<vmem>>
    %dma_wait3A_130 = arith.constant 0 : i32
    %dma_wait3A_131 = arith.constant 0 : i32
    %dma_wait3A_132 = tpu.memref_slice %arg11[%dma_wait3A_130, %dma_wait3A_131] : memref<10240x32xf32, #tpu.memory_space<vmem_shared>> -> memref<10240x32xf32, #tpu.memory_space<vmem_shared>>
    tpu.wait_indirect_dma semaphore(%arg15 : memref<!tpu.dma_semaphore, #tpu.memory_space<semaphore_mem>>) src(%dma_wait3A_126 : memref<80x32xf32, #tpu.memory_space<vmem>>) dst(%dma_wait3A_132 : memref<10240x32xf32, #tpu.memory_space<vmem_shared>>)
    %dma_wait3A_133 = arith.constant 1 : i32
    %dma_wait3A_134 = arith.constant 0 : i32
    %dma_wait3A_135 = arith.constant 0 : i32
    %dma_wait3A_136 = arith.constant 0 : i32
    %dma_wait3A_137 = tpu.memref_slice %arg10[%dma_wait3A_133, %dma_wait3A_135, %dma_wait3A_136] : memref<2x400x32xf32, #tpu.memory_space<vmem>> -> memref<1x400x32xf32, #tpu.memory_space<vmem>>
    %dma_wait3A_138 = tpu.memref_squeeze %dma_wait3A_137 : memref<1x400x32xf32, #tpu.memory_space<vmem>> -> memref<400x32xf32, #tpu.memory_space<vmem>>
    %dma_wait3A_139 = arith.constant 240 : i32
    %dma_wait3A_140 = arith.constant 0 : i32
    %dma_wait3A_141 = tpu.memref_slice %dma_wait3A_138[%dma_wait3A_139, %dma_wait3A_140] : memref<400x32xf32, #tpu.memory_space<vmem>> -> memref<80x32xf32, #tpu.memory_space<vmem>>
    %dma_wait3A_142 = arith.constant 0 : i32
    %dma_wait3A_143 = tpu.memref_slice %arg9[%dma_wait3A_134, %dma_wait3A_142] : memref<250x80xi32, #tpu.memory_space<vmem>> -> memref<1x80xi32, #tpu.memory_space<vmem>>
    %dma_wait3A_144 = tpu.memref_squeeze %dma_wait3A_143 : memref<1x80xi32, #tpu.memory_space<vmem>> -> memref<80xi32, #tpu.memory_space<vmem>>
    %dma_wait3A_145 = arith.constant 0 : i32
    %dma_wait3A_146 = arith.constant 0 : i32
    %dma_wait3A_147 = tpu.memref_slice %arg11[%dma_wait3A_145, %dma_wait3A_146] : memref<10240x32xf32, #tpu.memory_space<vmem_shared>> -> memref<10240x32xf32, #tpu.memory_space<vmem_shared>>
    tpu.wait_indirect_dma semaphore(%arg15 : memref<!tpu.dma_semaphore, #tpu.memory_space<semaphore_mem>>) src(%dma_wait3A_141 : memref<80x32xf32, #tpu.memory_space<vmem>>) dst(%dma_wait3A_147 : memref<10240x32xf32, #tpu.memory_space<vmem_shared>>)
    %dma_wait3A_148 = arith.constant 1 : i32
    %dma_wait3A_149 = arith.constant 0 : i32
    %dma_wait3A_150 = arith.constant 0 : i32
    %dma_wait3A_151 = arith.constant 0 : i32
    %dma_wait3A_152 = tpu.memref_slice %arg10[%dma_wait3A_148, %dma_wait3A_150, %dma_wait3A_151] : memref<2x400x32xf32, #tpu.memory_space<vmem>> -> memref<1x400x32xf32, #tpu.memory_space<vmem>>
    %dma_wait3A_153 = tpu.memref_squeeze %dma_wait3A_152 : memref<1x400x32xf32, #tpu.memory_space<vmem>> -> memref<400x32xf32, #tpu.memory_space<vmem>>
    %dma_wait3A_154 = arith.constant 320 : i32
    %dma_wait3A_155 = arith.constant 0 : i32
    %dma_wait3A_156 = tpu.memref_slice %dma_wait3A_153[%dma_wait3A_154, %dma_wait3A_155] : memref<400x32xf32, #tpu.memory_space<vmem>> -> memref<80x32xf32, #tpu.memory_space<vmem>>
    %dma_wait3A_157 = arith.constant 0 : i32
    %dma_wait3A_158 = tpu.memref_slice %arg8[%dma_wait3A_149, %dma_wait3A_157] : memref<250x80xi32, #tpu.memory_space<vmem>> -> memref<1x80xi32, #tpu.memory_space<vmem>>
    %dma_wait3A_159 = tpu.memref_squeeze %dma_wait3A_158 : memref<1x80xi32, #tpu.memory_space<vmem>> -> memref<80xi32, #tpu.memory_space<vmem>>
    %dma_wait3A_160 = arith.constant 0 : i32
    %dma_wait3A_161 = arith.constant 0 : i32
    %dma_wait3A_162 = tpu.memref_slice %arg11[%dma_wait3A_160, %dma_wait3A_161] : memref<10240x32xf32, #tpu.memory_space<vmem_shared>> -> memref<10240x32xf32, #tpu.memory_space<vmem_shared>>
    tpu.wait_indirect_dma semaphore(%arg15 : memref<!tpu.dma_semaphore, #tpu.memory_space<semaphore_mem>>) src(%dma_wait3A_156 : memref<80x32xf32, #tpu.memory_space<vmem>>) dst(%dma_wait3A_162 : memref<10240x32xf32, #tpu.memory_space<vmem_shared>>)
    %dma_wait3A_163 = arith.constant 1 : i32
    %dma_wait3A_164 = arith.constant 0 : i32
    %dma_wait3A_165 = arith.constant 0 : i32
    %dma_wait3A_166 = arith.constant 0 : i32
    %dma_wait3A_167 = tpu.memref_slice %arg10[%dma_wait3A_163, %dma_wait3A_165, %dma_wait3A_166] : memref<2x400x32xf32, #tpu.memory_space<vmem>> -> memref<1x400x32xf32, #tpu.memory_space<vmem>>
    %dma_wait3A_168 = tpu.memref_squeeze %dma_wait3A_167 : memref<1x400x32xf32, #tpu.memory_space<vmem>> -> memref<400x32xf32, #tpu.memory_space<vmem>>
    %dma_wait3A_169 = arith.constant 320 : i32
    %dma_wait3A_170 = arith.constant 0 : i32
    %dma_wait3A_171 = tpu.memref_slice %dma_wait3A_168[%dma_wait3A_169, %dma_wait3A_170] : memref<400x32xf32, #tpu.memory_space<vmem>> -> memref<80x32xf32, #tpu.memory_space<vmem>>
    %dma_wait3A_172 = arith.constant 0 : i32
    %dma_wait3A_173 = tpu.memref_slice %arg9[%dma_wait3A_164, %dma_wait3A_172] : memref<250x80xi32, #tpu.memory_space<vmem>> -> memref<1x80xi32, #tpu.memory_space<vmem>>
    %dma_wait3A_174 = tpu.memref_squeeze %dma_wait3A_173 : memref<1x80xi32, #tpu.memory_space<vmem>> -> memref<80xi32, #tpu.memory_space<vmem>>
    %dma_wait3A_175 = arith.constant 0 : i32
    %dma_wait3A_176 = arith.constant 0 : i32
    %dma_wait3A_177 = tpu.memref_slice %arg11[%dma_wait3A_175, %dma_wait3A_176] : memref<10240x32xf32, #tpu.memory_space<vmem_shared>> -> memref<10240x32xf32, #tpu.memory_space<vmem_shared>>
    tpu.wait_indirect_dma semaphore(%arg15 : memref<!tpu.dma_semaphore, #tpu.memory_space<semaphore_mem>>) src(%dma_wait3A_171 : memref<80x32xf32, #tpu.memory_space<vmem>>) dst(%dma_wait3A_177 : memref<10240x32xf32, #tpu.memory_space<vmem_shared>>)
    %barrier3A_178 = arith.constant 0 : index
    tpu.barrier barrier_id(%barrier3A_178)
    %mul3A_179 = arith.constant 640 : i32
    %mul3A_180 = arith.muli %arg1, %mul3A_179 : i32
    %eq3A = arith.constant 0 : i32
    %eq3A_181 = arith.cmpi eq, %arg0, %eq3A : i32
    %convert_element_type3A = arith.extui %eq3A_181 : i1 to i32
    %cond3A = arith.constant 0 : i32
    %cond3A_182 = arith.cmpi ne, %convert_element_type3A, %cond3A : i32
    scf.if %cond3A_182 {
      "tpu.region"() ({
        %run_scoped3A = tpu.sem_alloc : memref<!tpu.dma_semaphore, #tpu.memory_space<semaphore_mem>>
        %dma_start3A_188 = arith.constant 0 : i32
        %dma_start3A_189 = tpu.memref_slice %arg6[%mul3A_180, %dma_start3A_188] : memref<10240x32xf32, #tpu.memory_space<hbm>> -> memref<640x32xf32, #tpu.memory_space<hbm>>
        %dma_start3A_190 = arith.constant 0 : i32
        %dma_start3A_191 = tpu.memref_slice %arg11[%mul3A_180, %dma_start3A_190] : memref<10240x32xf32, #tpu.memory_space<vmem_shared>> -> memref<640x32xf32, #tpu.memory_space<vmem_shared>>
        tpu.enqueue_dma source(%dma_start3A_191 : memref<640x32xf32, #tpu.memory_space<vmem_shared>>) target(%dma_start3A_189 : memref<640x32xf32, #tpu.memory_space<hbm>>) target_semaphore(%run_scoped3A : memref<!tpu.dma_semaphore, #tpu.memory_space<semaphore_mem>>)
        %dma_wait3A_192 = arith.constant 0 : i32
        %dma_wait3A_193 = tpu.memref_slice %arg6[%mul3A_180, %dma_wait3A_192] : memref<10240x32xf32, #tpu.memory_space<hbm>> -> memref<640x32xf32, #tpu.memory_space<hbm>>
        %dma_wait3A_194 = arith.constant 0 : i32
        %dma_wait3A_195 = tpu.memref_slice %arg11[%mul3A_180, %dma_wait3A_194] : memref<10240x32xf32, #tpu.memory_space<vmem_shared>> -> memref<640x32xf32, #tpu.memory_space<vmem_shared>>
        tpu.wait_dma2 semaphore(%run_scoped3A : memref<!tpu.dma_semaphore, #tpu.memory_space<semaphore_mem>>) src(%dma_wait3A_195 : memref<640x32xf32, #tpu.memory_space<vmem_shared>>) dst(%dma_wait3A_193 : memref<640x32xf32, #tpu.memory_space<hbm>>)
        tpu.yield
      }) : () -> ()
    } else {
    }
    %eq3A_183 = arith.constant 1 : i32
    %eq3A_184 = arith.cmpi eq, %arg0, %eq3A_183 : i32
    %convert_element_type3A_185 = arith.extui %eq3A_184 : i1 to i32
    %cond3A_186 = arith.constant 0 : i32
    %cond3A_187 = arith.cmpi ne, %convert_element_type3A_185, %cond3A_186 : i32
    scf.if %cond3A_187 {
      "tpu.region"() ({
        %run_scoped3A = tpu.sem_alloc : memref<!tpu.dma_semaphore, #tpu.memory_space<semaphore_mem>>
        %dma_start3A_188 = arith.constant 0 : i32
        %dma_start3A_189 = tpu.memref_slice %arg7[%mul3A_180, %dma_start3A_188] : memref<10240x32xf32, #tpu.memory_space<hbm>> -> memref<640x32xf32, #tpu.memory_space<hbm>>
        %dma_start3A_190 = arith.constant 0 : i32
        %dma_start3A_191 = tpu.memref_slice %arg11[%mul3A_180, %dma_start3A_190] : memref<10240x32xf32, #tpu.memory_space<vmem_shared>> -> memref<640x32xf32, #tpu.memory_space<vmem_shared>>
        tpu.enqueue_dma source(%dma_start3A_191 : memref<640x32xf32, #tpu.memory_space<vmem_shared>>) target(%dma_start3A_189 : memref<640x32xf32, #tpu.memory_space<hbm>>) target_semaphore(%run_scoped3A : memref<!tpu.dma_semaphore, #tpu.memory_space<semaphore_mem>>)
        %dma_wait3A_192 = arith.constant 0 : i32
        %dma_wait3A_193 = tpu.memref_slice %arg7[%mul3A_180, %dma_wait3A_192] : memref<10240x32xf32, #tpu.memory_space<hbm>> -> memref<640x32xf32, #tpu.memory_space<hbm>>
        %dma_wait3A_194 = arith.constant 0 : i32
        %dma_wait3A_195 = tpu.memref_slice %arg11[%mul3A_180, %dma_wait3A_194] : memref<10240x32xf32, #tpu.memory_space<vmem_shared>> -> memref<640x32xf32, #tpu.memory_space<vmem_shared>>
        tpu.wait_dma2 semaphore(%run_scoped3A : memref<!tpu.dma_semaphore, #tpu.memory_space<semaphore_mem>>) src(%dma_wait3A_195 : memref<640x32xf32, #tpu.memory_space<vmem_shared>>) dst(%dma_wait3A_193 : memref<640x32xf32, #tpu.memory_space<hbm>>)
        tpu.yield
      }) : () -> ()
    } else {
    }
    return
  }
}

#map = affine_map<(d0, d1) -> (0, 0, 0)>
#map1 = affine_map<(d0, d1) -> (0, 0)>
module attributes {stable_mosaic.version = 14 : i64} {
  func.func @body(%arg0: i32, %arg1: i32, %arg2: memref<2x10240x64xf32, #tpu.memory_space<hbm>>, %arg3: memref<16x250x80xi32, #tpu.memory_space<hbm>>, %arg4: memref<16x250x80xi32, #tpu.memory_space<hbm>>, %arg5: memref<640x64xf32, #tpu.memory_space<hbm>>, %arg6: memref<10240x64xf32, #tpu.memory_space<hbm>>, %arg7: memref<10240x64xf32, #tpu.memory_space<hbm>>, %arg8: memref<2x5x80xi32, #tpu.memory_space<vmem>>, %arg9: memref<2x5x80xi32, #tpu.memory_space<vmem>>, %arg10: memref<2x5x80x64xf32, #tpu.memory_space<vmem>>, %arg11: memref<10240x64xf32, #tpu.memory_space<vmem_shared>>, %arg12: memref<!tpu.dma_semaphore, #tpu.memory_space<semaphore_mem>>, %arg13: memref<!tpu.dma_semaphore, #tpu.memory_space<semaphore_mem>>, %arg14: memref<!tpu.dma_semaphore, #tpu.memory_space<semaphore_mem>>, %arg15: memref<!tpu.dma_semaphore, #tpu.memory_space<semaphore_mem>>, %arg16: memref<!tpu.dma_semaphore, #tpu.memory_space<semaphore_mem>>, %arg17: memref<!tpu.dma_semaphore, #tpu.memory_space<semaphore_mem>>) attributes {dimension_semantics = [#tpu.dimension_semantics<core_parallel>, #tpu.dimension_semantics<subcore_parallel>], iteration_bounds = array<i64: 2, 16>, scalar_prefetch = 0 : i64, scratch_operands = 10 : i64, tpu.core_type = #tpu.core_type<sc_vector_subcore>, window_params = [{transform_indices = #map}, {transform_indices = #map}, {transform_indices = #map}, {transform_indices = #map1}, {transform_indices = #map1}, {transform_indices = #map1}]} {
    %mul3A = arith.constant 640 : i32
    %mul3A_0 = arith.muli %arg1, %mul3A : i32
    "tpu.region"() ({
      %run_scoped3A = tpu.sem_alloc : memref<!tpu.dma_semaphore, #tpu.memory_space<semaphore_mem>>
      %dma_start3A_130 = arith.constant 0 : i32
      %dma_start3A_131 = tpu.memref_slice %arg11[%mul3A_0, %dma_start3A_130] : memref<10240x64xf32, #tpu.memory_space<vmem_shared>> -> memref<640x64xf32, #tpu.memory_space<vmem_shared>>
      tpu.enqueue_dma source(%arg5 : memref<640x64xf32, #tpu.memory_space<hbm>>) target(%dma_start3A_131 : memref<640x64xf32, #tpu.memory_space<vmem_shared>>) target_semaphore(%run_scoped3A : memref<!tpu.dma_semaphore, #tpu.memory_space<semaphore_mem>>)
      %dma_wait3A_132 = arith.constant 0 : i32
      %dma_wait3A_133 = tpu.memref_slice %arg11[%mul3A_0, %dma_wait3A_132] : memref<10240x64xf32, #tpu.memory_space<vmem_shared>> -> memref<640x64xf32, #tpu.memory_space<vmem_shared>>
      tpu.wait_dma2 semaphore(%run_scoped3A : memref<!tpu.dma_semaphore, #tpu.memory_space<semaphore_mem>>) src(%arg5 : memref<640x64xf32, #tpu.memory_space<hbm>>) dst(%dma_wait3A_133 : memref<640x64xf32, #tpu.memory_space<vmem_shared>>)
      tpu.yield
    }) : () -> ()
    %barrier3A = arith.constant 0 : index
    tpu.barrier barrier_id(%barrier3A)
    %dma_start3A = arith.constant 0 : i32
    %dma_start3A_1 = arith.constant 0 : i32
    %dma_start3A_2 = arith.constant 0 : i32
    %dma_start3A_3 = tpu.memref_slice %arg8[%dma_start3A, %dma_start3A_1, %dma_start3A_2] : memref<2x5x80xi32, #tpu.memory_space<vmem>> -> memref<1x5x80xi32, #tpu.memory_space<vmem>>
    %dma_start3A_4 = tpu.memref_squeeze %dma_start3A_3 : memref<1x5x80xi32, #tpu.memory_space<vmem>> -> memref<5x80xi32, #tpu.memory_space<vmem>>
    %dma_start3A_5 = arith.constant 0 : i32
    %dma_start3A_6 = arith.constant 0 : i32
    %dma_start3A_7 = tpu.memref_slice %arg3[%arg1, %dma_start3A_5, %dma_start3A_6] : memref<16x250x80xi32, #tpu.memory_space<hbm>> -> memref<1x250x80xi32, #tpu.memory_space<hbm>>
    %dma_start3A_8 = tpu.memref_squeeze %dma_start3A_7 : memref<1x250x80xi32, #tpu.memory_space<hbm>> -> memref<250x80xi32, #tpu.memory_space<hbm>>
    %dma_start3A_9 = arith.constant 0 : i32
    %dma_start3A_10 = arith.constant 0 : i32
    %dma_start3A_11 = tpu.memref_slice %dma_start3A_8[%dma_start3A_9, %dma_start3A_10] : memref<250x80xi32, #tpu.memory_space<hbm>> -> memref<5x80xi32, #tpu.memory_space<hbm>>
    %dma_start3A_12 = arith.constant 0 : i32
    %dma_start3A_13 = arith.constant 0 : i32
    %dma_start3A_14 = tpu.memref_slice %arg8[%dma_start3A, %dma_start3A_12, %dma_start3A_13] : memref<2x5x80xi32, #tpu.memory_space<vmem>> -> memref<1x5x80xi32, #tpu.memory_space<vmem>>
    %dma_start3A_15 = tpu.memref_squeeze %dma_start3A_14 : memref<1x5x80xi32, #tpu.memory_space<vmem>> -> memref<5x80xi32, #tpu.memory_space<vmem>>
    %dma_start3A_16 = arith.constant 0 : i32
    %dma_start3A_17 = arith.constant 0 : i32
    %dma_start3A_18 = tpu.memref_slice %arg3[%arg1, %dma_start3A_16, %dma_start3A_17] : memref<16x250x80xi32, #tpu.memory_space<hbm>> -> memref<1x250x80xi32, #tpu.memory_space<hbm>>
    %dma_start3A_19 = tpu.memref_squeeze %dma_start3A_18 : memref<1x250x80xi32, #tpu.memory_space<hbm>> -> memref<250x80xi32, #tpu.memory_space<hbm>>
    %dma_start3A_20 = arith.constant 0 : i32
    %dma_start3A_21 = arith.constant 0 : i32
    %dma_start3A_22 = tpu.memref_slice %dma_start3A_19[%dma_start3A_20, %dma_start3A_21] : memref<250x80xi32, #tpu.memory_space<hbm>> -> memref<5x80xi32, #tpu.memory_space<hbm>>
    tpu.enqueue_dma source(%dma_start3A_22 : memref<5x80xi32, #tpu.memory_space<hbm>>) target(%dma_start3A_15 : memref<5x80xi32, #tpu.memory_space<vmem>>) target_semaphore(%arg12 : memref<!tpu.dma_semaphore, #tpu.memory_space<semaphore_mem>>)
    %dma_start3A_23 = arith.constant 0 : i32
    %dma_start3A_24 = arith.constant 0 : i32
    %dma_start3A_25 = arith.constant 0 : i32
    %dma_start3A_26 = tpu.memref_slice %arg9[%dma_start3A_23, %dma_start3A_24, %dma_start3A_25] : memref<2x5x80xi32, #tpu.memory_space<vmem>> -> memref<1x5x80xi32, #tpu.memory_space<vmem>>
    %dma_start3A_27 = tpu.memref_squeeze %dma_start3A_26 : memref<1x5x80xi32, #tpu.memory_space<vmem>> -> memref<5x80xi32, #tpu.memory_space<vmem>>
    %dma_start3A_28 = arith.constant 0 : i32
    %dma_start3A_29 = arith.constant 0 : i32
    %dma_start3A_30 = tpu.memref_slice %arg4[%arg1, %dma_start3A_28, %dma_start3A_29] : memref<16x250x80xi32, #tpu.memory_space<hbm>> -> memref<1x250x80xi32, #tpu.memory_space<hbm>>
    %dma_start3A_31 = tpu.memref_squeeze %dma_start3A_30 : memref<1x250x80xi32, #tpu.memory_space<hbm>> -> memref<250x80xi32, #tpu.memory_space<hbm>>
    %dma_start3A_32 = arith.constant 0 : i32
    %dma_start3A_33 = arith.constant 0 : i32
    %dma_start3A_34 = tpu.memref_slice %dma_start3A_31[%dma_start3A_32, %dma_start3A_33] : memref<250x80xi32, #tpu.memory_space<hbm>> -> memref<5x80xi32, #tpu.memory_space<hbm>>
    %dma_start3A_35 = arith.constant 0 : i32
    %dma_start3A_36 = arith.constant 0 : i32
    %dma_start3A_37 = tpu.memref_slice %arg9[%dma_start3A_23, %dma_start3A_35, %dma_start3A_36] : memref<2x5x80xi32, #tpu.memory_space<vmem>> -> memref<1x5x80xi32, #tpu.memory_space<vmem>>
    %dma_start3A_38 = tpu.memref_squeeze %dma_start3A_37 : memref<1x5x80xi32, #tpu.memory_space<vmem>> -> memref<5x80xi32, #tpu.memory_space<vmem>>
    %dma_start3A_39 = arith.constant 0 : i32
    %dma_start3A_40 = arith.constant 0 : i32
    %dma_start3A_41 = tpu.memref_slice %arg4[%arg1, %dma_start3A_39, %dma_start3A_40] : memref<16x250x80xi32, #tpu.memory_space<hbm>> -> memref<1x250x80xi32, #tpu.memory_space<hbm>>
    %dma_start3A_42 = tpu.memref_squeeze %dma_start3A_41 : memref<1x250x80xi32, #tpu.memory_space<hbm>> -> memref<250x80xi32, #tpu.memory_space<hbm>>
    %dma_start3A_43 = arith.constant 0 : i32
    %dma_start3A_44 = arith.constant 0 : i32
    %dma_start3A_45 = tpu.memref_slice %dma_start3A_42[%dma_start3A_43, %dma_start3A_44] : memref<250x80xi32, #tpu.memory_space<hbm>> -> memref<5x80xi32, #tpu.memory_space<hbm>>
    tpu.enqueue_dma source(%dma_start3A_45 : memref<5x80xi32, #tpu.memory_space<hbm>>) target(%dma_start3A_38 : memref<5x80xi32, #tpu.memory_space<vmem>>) target_semaphore(%arg12 : memref<!tpu.dma_semaphore, #tpu.memory_space<semaphore_mem>>)
    %scan3A = arith.constant 0 : i32
    %scan3A_46 = arith.constant 0 : i32
    %scan3A_47 = arith.constant 25 : i32
    %scan3A_48 = arith.addi %scan3A_46, %scan3A_47 : i32
    %scan3A_49 = arith.constant 1 : i32
    scf.for %scan3A_130 = %scan3A_46 to %scan3A_48 step %scan3A_49  : i32 {
      %mul3A_131 = arith.constant 2 : i32
      %mul3A_132 = arith.muli %mul3A_131, %scan3A_130 : i32
      %mul3A_133 = arith.constant 2 : i32
      %mul3A_134 = arith.muli %mul3A_133, %scan3A_130 : i32
      %add3A = arith.constant 1 : i32
      %add3A_135 = arith.addi %mul3A_134, %add3A : i32
      %gt3A = arith.constant 0 : i32
      %gt3A_136 = arith.cmpi sgt, %scan3A_130, %gt3A : i32
      %convert_element_type3A_137 = arith.extui %gt3A_136 : i1 to i32
      %cond3A_138 = arith.constant 0 : i32
      %cond3A_139 = arith.cmpi ne, %convert_element_type3A_137, %cond3A_138 : i32
      scf.if %cond3A_139 {
        %dma_wait3A_852 = arith.constant 1 : i32
        %dma_wait3A_853 = arith.constant 0 : i32
        %dma_wait3A_854 = arith.constant 1 : i32
        %dma_wait3A_855 = arith.constant 0 : i32
        %dma_wait3A_856 = arith.constant 0 : i32
        %dma_wait3A_857 = arith.constant 0 : i32
        %dma_wait3A_858 = tpu.memref_slice %arg10[%dma_wait3A_852, %dma_wait3A_853, %dma_wait3A_856, %dma_wait3A_857] : memref<2x5x80x64xf32, #tpu.memory_space<vmem>> -> memref<1x1x80x64xf32, #tpu.memory_space<vmem>>
        %dma_wait3A_859 = tpu.memref_squeeze %dma_wait3A_858 : memref<1x1x80x64xf32, #tpu.memory_space<vmem>> -> memref<80x64xf32, #tpu.memory_space<vmem>>
        %dma_wait3A_860 = arith.constant 0 : i32
        %dma_wait3A_861 = tpu.memref_slice %arg9[%dma_wait3A_854, %dma_wait3A_855, %dma_wait3A_860] : memref<2x5x80xi32, #tpu.memory_space<vmem>> -> memref<1x1x80xi32, #tpu.memory_space<vmem>>
        %dma_wait3A_862 = tpu.memref_squeeze %dma_wait3A_861 : memref<1x1x80xi32, #tpu.memory_space<vmem>> -> memref<80xi32, #tpu.memory_space<vmem>>
        %dma_wait3A_863 = arith.constant 0 : i32
        %dma_wait3A_864 = arith.constant 0 : i32
        %dma_wait3A_865 = tpu.memref_slice %arg11[%dma_wait3A_863, %dma_wait3A_864] : memref<10240x64xf32, #tpu.memory_space<vmem_shared>> -> memref<10240x64xf32, #tpu.memory_space<vmem_shared>>
        tpu.wait_indirect_dma semaphore(%arg17 : memref<!tpu.dma_semaphore, #tpu.memory_space<semaphore_mem>>) src(%dma_wait3A_859 : memref<80x64xf32, #tpu.memory_space<vmem>>) dst(%dma_wait3A_865 : memref<10240x64xf32, #tpu.memory_space<vmem_shared>>)
        %dma_wait3A_866 = arith.constant 1 : i32
        %dma_wait3A_867 = arith.constant 1 : i32
        %dma_wait3A_868 = arith.constant 1 : i32
        %dma_wait3A_869 = arith.constant 0 : i32
        %dma_wait3A_870 = arith.constant 0 : i32
        %dma_wait3A_871 = arith.constant 0 : i32
        %dma_wait3A_872 = tpu.memref_slice %arg10[%dma_wait3A_866, %dma_wait3A_867, %dma_wait3A_870, %dma_wait3A_871] : memref<2x5x80x64xf32, #tpu.memory_space<vmem>> -> memref<1x1x80x64xf32, #tpu.memory_space<vmem>>
        %dma_wait3A_873 = tpu.memref_squeeze %dma_wait3A_872 : memref<1x1x80x64xf32, #tpu.memory_space<vmem>> -> memref<80x64xf32, #tpu.memory_space<vmem>>
        %dma_wait3A_874 = arith.constant 0 : i32
        %dma_wait3A_875 = tpu.memref_slice %arg9[%dma_wait3A_868, %dma_wait3A_869, %dma_wait3A_874] : memref<2x5x80xi32, #tpu.memory_space<vmem>> -> memref<1x1x80xi32, #tpu.memory_space<vmem>>
        %dma_wait3A_876 = tpu.memref_squeeze %dma_wait3A_875 : memref<1x1x80xi32, #tpu.memory_space<vmem>> -> memref<80xi32, #tpu.memory_space<vmem>>
        %dma_wait3A_877 = arith.constant 0 : i32
        %dma_wait3A_878 = arith.constant 0 : i32
        %dma_wait3A_879 = tpu.memref_slice %arg11[%dma_wait3A_877, %dma_wait3A_878] : memref<10240x64xf32, #tpu.memory_space<vmem_shared>> -> memref<10240x64xf32, #tpu.memory_space<vmem_shared>>
        tpu.wait_indirect_dma semaphore(%arg17 : memref<!tpu.dma_semaphore, #tpu.memory_space<semaphore_mem>>) src(%dma_wait3A_873 : memref<80x64xf32, #tpu.memory_space<vmem>>) dst(%dma_wait3A_879 : memref<10240x64xf32, #tpu.memory_space<vmem_shared>>)
        %dma_wait3A_880 = arith.constant 1 : i32
        %dma_wait3A_881 = arith.constant 2 : i32
        %dma_wait3A_882 = arith.constant 1 : i32
        %dma_wait3A_883 = arith.constant 0 : i32
        %dma_wait3A_884 = arith.constant 0 : i32
        %dma_wait3A_885 = arith.constant 0 : i32
        %dma_wait3A_886 = tpu.memref_slice %arg10[%dma_wait3A_880, %dma_wait3A_881, %dma_wait3A_884, %dma_wait3A_885] : memref<2x5x80x64xf32, #tpu.memory_space<vmem>> -> memref<1x1x80x64xf32, #tpu.memory_space<vmem>>
        %dma_wait3A_887 = tpu.memref_squeeze %dma_wait3A_886 : memref<1x1x80x64xf32, #tpu.memory_space<vmem>> -> memref<80x64xf32, #tpu.memory_space<vmem>>
        %dma_wait3A_888 = arith.constant 0 : i32
        %dma_wait3A_889 = tpu.memref_slice %arg9[%dma_wait3A_882, %dma_wait3A_883, %dma_wait3A_888] : memref<2x5x80xi32, #tpu.memory_space<vmem>> -> memref<1x1x80xi32, #tpu.memory_space<vmem>>
        %dma_wait3A_890 = tpu.memref_squeeze %dma_wait3A_889 : memref<1x1x80xi32, #tpu.memory_space<vmem>> -> memref<80xi32, #tpu.memory_space<vmem>>
        %dma_wait3A_891 = arith.constant 0 : i32
        %dma_wait3A_892 = arith.constant 0 : i32
        %dma_wait3A_893 = tpu.memref_slice %arg11[%dma_wait3A_891, %dma_wait3A_892] : memref<10240x64xf32, #tpu.memory_space<vmem_shared>> -> memref<10240x64xf32, #tpu.memory_space<vmem_shared>>
        tpu.wait_indirect_dma semaphore(%arg17 : memref<!tpu.dma_semaphore, #tpu.memory_space<semaphore_mem>>) src(%dma_wait3A_887 : memref<80x64xf32, #tpu.memory_space<vmem>>) dst(%dma_wait3A_893 : memref<10240x64xf32, #tpu.memory_space<vmem_shared>>)
        %dma_wait3A_894 = arith.constant 1 : i32
        %dma_wait3A_895 = arith.constant 3 : i32
        %dma_wait3A_896 = arith.constant 1 : i32
        %dma_wait3A_897 = arith.constant 0 : i32
        %dma_wait3A_898 = arith.constant 0 : i32
        %dma_wait3A_899 = arith.constant 0 : i32
        %dma_wait3A_900 = tpu.memref_slice %arg10[%dma_wait3A_894, %dma_wait3A_895, %dma_wait3A_898, %dma_wait3A_899] : memref<2x5x80x64xf32, #tpu.memory_space<vmem>> -> memref<1x1x80x64xf32, #tpu.memory_space<vmem>>
        %dma_wait3A_901 = tpu.memref_squeeze %dma_wait3A_900 : memref<1x1x80x64xf32, #tpu.memory_space<vmem>> -> memref<80x64xf32, #tpu.memory_space<vmem>>
        %dma_wait3A_902 = arith.constant 0 : i32
        %dma_wait3A_903 = tpu.memref_slice %arg9[%dma_wait3A_896, %dma_wait3A_897, %dma_wait3A_902] : memref<2x5x80xi32, #tpu.memory_space<vmem>> -> memref<1x1x80xi32, #tpu.memory_space<vmem>>
        %dma_wait3A_904 = tpu.memref_squeeze %dma_wait3A_903 : memref<1x1x80xi32, #tpu.memory_space<vmem>> -> memref<80xi32, #tpu.memory_space<vmem>>
        %dma_wait3A_905 = arith.constant 0 : i32
        %dma_wait3A_906 = arith.constant 0 : i32
        %dma_wait3A_907 = tpu.memref_slice %arg11[%dma_wait3A_905, %dma_wait3A_906] : memref<10240x64xf32, #tpu.memory_space<vmem_shared>> -> memref<10240x64xf32, #tpu.memory_space<vmem_shared>>
        tpu.wait_indirect_dma semaphore(%arg17 : memref<!tpu.dma_semaphore, #tpu.memory_space<semaphore_mem>>) src(%dma_wait3A_901 : memref<80x64xf32, #tpu.memory_space<vmem>>) dst(%dma_wait3A_907 : memref<10240x64xf32, #tpu.memory_space<vmem_shared>>)
        %dma_wait3A_908 = arith.constant 1 : i32
        %dma_wait3A_909 = arith.constant 4 : i32
        %dma_wait3A_910 = arith.constant 1 : i32
        %dma_wait3A_911 = arith.constant 0 : i32
        %dma_wait3A_912 = arith.constant 0 : i32
        %dma_wait3A_913 = arith.constant 0 : i32
        %dma_wait3A_914 = tpu.memref_slice %arg10[%dma_wait3A_908, %dma_wait3A_909, %dma_wait3A_912, %dma_wait3A_913] : memref<2x5x80x64xf32, #tpu.memory_space<vmem>> -> memref<1x1x80x64xf32, #tpu.memory_space<vmem>>
        %dma_wait3A_915 = tpu.memref_squeeze %dma_wait3A_914 : memref<1x1x80x64xf32, #tpu.memory_space<vmem>> -> memref<80x64xf32, #tpu.memory_space<vmem>>
        %dma_wait3A_916 = arith.constant 0 : i32
        %dma_wait3A_917 = tpu.memref_slice %arg9[%dma_wait3A_910, %dma_wait3A_911, %dma_wait3A_916] : memref<2x5x80xi32, #tpu.memory_space<vmem>> -> memref<1x1x80xi32, #tpu.memory_space<vmem>>
        %dma_wait3A_918 = tpu.memref_squeeze %dma_wait3A_917 : memref<1x1x80xi32, #tpu.memory_space<vmem>> -> memref<80xi32, #tpu.memory_space<vmem>>
        %dma_wait3A_919 = arith.constant 0 : i32
        %dma_wait3A_920 = arith.constant 0 : i32
        %dma_wait3A_921 = tpu.memref_slice %arg11[%dma_wait3A_919, %dma_wait3A_920] : memref<10240x64xf32, #tpu.memory_space<vmem_shared>> -> memref<10240x64xf32, #tpu.memory_space<vmem_shared>>
        tpu.wait_indirect_dma semaphore(%arg17 : memref<!tpu.dma_semaphore, #tpu.memory_space<semaphore_mem>>) src(%dma_wait3A_915 : memref<80x64xf32, #tpu.memory_space<vmem>>) dst(%dma_wait3A_921 : memref<10240x64xf32, #tpu.memory_space<vmem_shared>>)
      } else {
      }
      %mul3A_140 = arith.constant 5 : i32
      %mul3A_141 = arith.muli %add3A_135, %mul3A_140 : i32
      %dma_start3A_142 = arith.constant 1 : i32
      %dma_start3A_143 = arith.constant 0 : i32
      %dma_start3A_144 = arith.constant 0 : i32
      %dma_start3A_145 = tpu.memref_slice %arg8[%dma_start3A_142, %dma_start3A_143, %dma_start3A_144] : memref<2x5x80xi32, #tpu.memory_space<vmem>> -> memref<1x5x80xi32, #tpu.memory_space<vmem>>
      %dma_start3A_146 = tpu.memref_squeeze %dma_start3A_145 : memref<1x5x80xi32, #tpu.memory_space<vmem>> -> memref<5x80xi32, #tpu.memory_space<vmem>>
      %dma_start3A_147 = arith.constant 0 : i32
      %dma_start3A_148 = arith.constant 0 : i32
      %dma_start3A_149 = tpu.memref_slice %arg3[%arg1, %dma_start3A_147, %dma_start3A_148] : memref<16x250x80xi32, #tpu.memory_space<hbm>> -> memref<1x250x80xi32, #tpu.memory_space<hbm>>
      %dma_start3A_150 = tpu.memref_squeeze %dma_start3A_149 : memref<1x250x80xi32, #tpu.memory_space<hbm>> -> memref<250x80xi32, #tpu.memory_space<hbm>>
      %dma_start3A_151 = arith.constant 0 : i32
      %dma_start3A_152 = tpu.memref_slice %dma_start3A_150[%mul3A_141, %dma_start3A_151] : memref<250x80xi32, #tpu.memory_space<hbm>> -> memref<5x80xi32, #tpu.memory_space<hbm>>
      %dma_start3A_153 = arith.constant 0 : i32
      %dma_start3A_154 = arith.constant 0 : i32
      %dma_start3A_155 = tpu.memref_slice %arg8[%dma_start3A_142, %dma_start3A_153, %dma_start3A_154] : memref<2x5x80xi32, #tpu.memory_space<vmem>> -> memref<1x5x80xi32, #tpu.memory_space<vmem>>
      %dma_start3A_156 = tpu.memref_squeeze %dma_start3A_155 : memref<1x5x80xi32, #tpu.memory_space<vmem>> -> memref<5x80xi32, #tpu.memory_space<vmem>>
      %dma_start3A_157 = arith.constant 0 : i32
      %dma_start3A_158 = arith.constant 0 : i32
      %dma_start3A_159 = tpu.memref_slice %arg3[%arg1, %dma_start3A_157, %dma_start3A_158] : memref<16x250x80xi32, #tpu.memory_space<hbm>> -> memref<1x250x80xi32, #tpu.memory_space<hbm>>
      %dma_start3A_160 = tpu.memref_squeeze %dma_start3A_159 : memref<1x250x80xi32, #tpu.memory_space<hbm>> -> memref<250x80xi32, #tpu.memory_space<hbm>>
      %dma_start3A_161 = arith.constant 0 : i32
      %dma_start3A_162 = tpu.memref_slice %dma_start3A_160[%mul3A_141, %dma_start3A_161] : memref<250x80xi32, #tpu.memory_space<hbm>> -> memref<5x80xi32, #tpu.memory_space<hbm>>
      tpu.enqueue_dma source(%dma_start3A_162 : memref<5x80xi32, #tpu.memory_space<hbm>>) target(%dma_start3A_156 : memref<5x80xi32, #tpu.memory_space<vmem>>) target_semaphore(%arg13 : memref<!tpu.dma_semaphore, #tpu.memory_space<semaphore_mem>>)
      %mul3A_163 = arith.constant 5 : i32
      %mul3A_164 = arith.muli %add3A_135, %mul3A_163 : i32
      %dma_start3A_165 = arith.constant 1 : i32
      %dma_start3A_166 = arith.constant 0 : i32
      %dma_start3A_167 = arith.constant 0 : i32
      %dma_start3A_168 = tpu.memref_slice %arg9[%dma_start3A_165, %dma_start3A_166, %dma_start3A_167] : memref<2x5x80xi32, #tpu.memory_space<vmem>> -> memref<1x5x80xi32, #tpu.memory_space<vmem>>
      %dma_start3A_169 = tpu.memref_squeeze %dma_start3A_168 : memref<1x5x80xi32, #tpu.memory_space<vmem>> -> memref<5x80xi32, #tpu.memory_space<vmem>>
      %dma_start3A_170 = arith.constant 0 : i32
      %dma_start3A_171 = arith.constant 0 : i32
      %dma_start3A_172 = tpu.memref_slice %arg4[%arg1, %dma_start3A_170, %dma_start3A_171] : memref<16x250x80xi32, #tpu.memory_space<hbm>> -> memref<1x250x80xi32, #tpu.memory_space<hbm>>
      %dma_start3A_173 = tpu.memref_squeeze %dma_start3A_172 : memref<1x250x80xi32, #tpu.memory_space<hbm>> -> memref<250x80xi32, #tpu.memory_space<hbm>>
      %dma_start3A_174 = arith.constant 0 : i32
      %dma_start3A_175 = tpu.memref_slice %dma_start3A_173[%mul3A_164, %dma_start3A_174] : memref<250x80xi32, #tpu.memory_space<hbm>> -> memref<5x80xi32, #tpu.memory_space<hbm>>
      %dma_start3A_176 = arith.constant 0 : i32
      %dma_start3A_177 = arith.constant 0 : i32
      %dma_start3A_178 = tpu.memref_slice %arg9[%dma_start3A_165, %dma_start3A_176, %dma_start3A_177] : memref<2x5x80xi32, #tpu.memory_space<vmem>> -> memref<1x5x80xi32, #tpu.memory_space<vmem>>
      %dma_start3A_179 = tpu.memref_squeeze %dma_start3A_178 : memref<1x5x80xi32, #tpu.memory_space<vmem>> -> memref<5x80xi32, #tpu.memory_space<vmem>>
      %dma_start3A_180 = arith.constant 0 : i32
      %dma_start3A_181 = arith.constant 0 : i32
      %dma_start3A_182 = tpu.memref_slice %arg4[%arg1, %dma_start3A_180, %dma_start3A_181] : memref<16x250x80xi32, #tpu.memory_space<hbm>> -> memref<1x250x80xi32, #tpu.memory_space<hbm>>
      %dma_start3A_183 = tpu.memref_squeeze %dma_start3A_182 : memref<1x250x80xi32, #tpu.memory_space<hbm>> -> memref<250x80xi32, #tpu.memory_space<hbm>>
      %dma_start3A_184 = arith.constant 0 : i32
      %dma_start3A_185 = tpu.memref_slice %dma_start3A_183[%mul3A_164, %dma_start3A_184] : memref<250x80xi32, #tpu.memory_space<hbm>> -> memref<5x80xi32, #tpu.memory_space<hbm>>
      tpu.enqueue_dma source(%dma_start3A_185 : memref<5x80xi32, #tpu.memory_space<hbm>>) target(%dma_start3A_179 : memref<5x80xi32, #tpu.memory_space<vmem>>) target_semaphore(%arg13 : memref<!tpu.dma_semaphore, #tpu.memory_space<semaphore_mem>>)
      %dma_wait3A_186 = arith.constant 0 : i32
      %dma_wait3A_187 = arith.constant 0 : i32
      %dma_wait3A_188 = arith.constant 0 : i32
      %dma_wait3A_189 = tpu.memref_slice %arg8[%dma_wait3A_186, %dma_wait3A_187, %dma_wait3A_188] : memref<2x5x80xi32, #tpu.memory_space<vmem>> -> memref<1x5x80xi32, #tpu.memory_space<vmem>>
      %dma_wait3A_190 = tpu.memref_squeeze %dma_wait3A_189 : memref<1x5x80xi32, #tpu.memory_space<vmem>> -> memref<5x80xi32, #tpu.memory_space<vmem>>
      %dma_wait3A_191 = arith.constant 0 : i32
      %dma_wait3A_192 = arith.constant 0 : i32
      %dma_wait3A_193 = tpu.memref_slice %arg3[%arg1, %dma_wait3A_191, %dma_wait3A_192] : memref<16x250x80xi32, #tpu.memory_space<hbm>> -> memref<1x250x80xi32, #tpu.memory_space<hbm>>
      %dma_wait3A_194 = tpu.memref_squeeze %dma_wait3A_193 : memref<1x250x80xi32, #tpu.memory_space<hbm>> -> memref<250x80xi32, #tpu.memory_space<hbm>>
      %dma_wait3A_195 = arith.constant 0 : i32
      %dma_wait3A_196 = arith.constant 0 : i32
      %dma_wait3A_197 = tpu.memref_slice %dma_wait3A_194[%dma_wait3A_195, %dma_wait3A_196] : memref<250x80xi32, #tpu.memory_space<hbm>> -> memref<5x80xi32, #tpu.memory_space<hbm>>
      %dma_wait3A_198 = arith.constant 0 : i32
      %dma_wait3A_199 = arith.constant 0 : i32
      %dma_wait3A_200 = tpu.memref_slice %arg8[%dma_wait3A_186, %dma_wait3A_198, %dma_wait3A_199] : memref<2x5x80xi32, #tpu.memory_space<vmem>> -> memref<1x5x80xi32, #tpu.memory_space<vmem>>
      %dma_wait3A_201 = tpu.memref_squeeze %dma_wait3A_200 : memref<1x5x80xi32, #tpu.memory_space<vmem>> -> memref<5x80xi32, #tpu.memory_space<vmem>>
      %dma_wait3A_202 = arith.constant 0 : i32
      %dma_wait3A_203 = arith.constant 0 : i32
      %dma_wait3A_204 = tpu.memref_slice %arg3[%arg1, %dma_wait3A_202, %dma_wait3A_203] : memref<16x250x80xi32, #tpu.memory_space<hbm>> -> memref<1x250x80xi32, #tpu.memory_space<hbm>>
      %dma_wait3A_205 = tpu.memref_squeeze %dma_wait3A_204 : memref<1x250x80xi32, #tpu.memory_space<hbm>> -> memref<250x80xi32, #tpu.memory_space<hbm>>
      %dma_wait3A_206 = arith.constant 0 : i32
      %dma_wait3A_207 = arith.constant 0 : i32
      %dma_wait3A_208 = tpu.memref_slice %dma_wait3A_205[%dma_wait3A_206, %dma_wait3A_207] : memref<250x80xi32, #tpu.memory_space<hbm>> -> memref<5x80xi32, #tpu.memory_space<hbm>>
      tpu.wait_dma2 semaphore(%arg12 : memref<!tpu.dma_semaphore, #tpu.memory_space<semaphore_mem>>) src(%dma_wait3A_208 : memref<5x80xi32, #tpu.memory_space<hbm>>) dst(%dma_wait3A_201 : memref<5x80xi32, #tpu.memory_space<vmem>>)
      %dma_wait3A_209 = arith.constant 0 : i32
      %dma_wait3A_210 = arith.constant 0 : i32
      %dma_wait3A_211 = arith.constant 0 : i32
      %dma_wait3A_212 = tpu.memref_slice %arg9[%dma_wait3A_209, %dma_wait3A_210, %dma_wait3A_211] : memref<2x5x80xi32, #tpu.memory_space<vmem>> -> memref<1x5x80xi32, #tpu.memory_space<vmem>>
      %dma_wait3A_213 = tpu.memref_squeeze %dma_wait3A_212 : memref<1x5x80xi32, #tpu.memory_space<vmem>> -> memref<5x80xi32, #tpu.memory_space<vmem>>
      %dma_wait3A_214 = arith.constant 0 : i32
      %dma_wait3A_215 = arith.constant 0 : i32
      %dma_wait3A_216 = tpu.memref_slice %arg4[%arg1, %dma_wait3A_214, %dma_wait3A_215] : memref<16x250x80xi32, #tpu.memory_space<hbm>> -> memref<1x250x80xi32, #tpu.memory_space<hbm>>
      %dma_wait3A_217 = tpu.memref_squeeze %dma_wait3A_216 : memref<1x250x80xi32, #tpu.memory_space<hbm>> -> memref<250x80xi32, #tpu.memory_space<hbm>>
      %dma_wait3A_218 = arith.constant 0 : i32
      %dma_wait3A_219 = arith.constant 0 : i32
      %dma_wait3A_220 = tpu.memref_slice %dma_wait3A_217[%dma_wait3A_218, %dma_wait3A_219] : memref<250x80xi32, #tpu.memory_space<hbm>> -> memref<5x80xi32, #tpu.memory_space<hbm>>
      %dma_wait3A_221 = arith.constant 0 : i32
      %dma_wait3A_222 = arith.constant 0 : i32
      %dma_wait3A_223 = tpu.memref_slice %arg9[%dma_wait3A_209, %dma_wait3A_221, %dma_wait3A_222] : memref<2x5x80xi32, #tpu.memory_space<vmem>> -> memref<1x5x80xi32, #tpu.memory_space<vmem>>
      %dma_wait3A_224 = tpu.memref_squeeze %dma_wait3A_223 : memref<1x5x80xi32, #tpu.memory_space<vmem>> -> memref<5x80xi32, #tpu.memory_space<vmem>>
      %dma_wait3A_225 = arith.constant 0 : i32
      %dma_wait3A_226 = arith.constant 0 : i32
      %dma_wait3A_227 = tpu.memref_slice %arg4[%arg1, %dma_wait3A_225, %dma_wait3A_226] : memref<16x250x80xi32, #tpu.memory_space<hbm>> -> memref<1x250x80xi32, #tpu.memory_space<hbm>>
      %dma_wait3A_228 = tpu.memref_squeeze %dma_wait3A_227 : memref<1x250x80xi32, #tpu.memory_space<hbm>> -> memref<250x80xi32, #tpu.memory_space<hbm>>
      %dma_wait3A_229 = arith.constant 0 : i32
      %dma_wait3A_230 = arith.constant 0 : i32
      %dma_wait3A_231 = tpu.memref_slice %dma_wait3A_228[%dma_wait3A_229, %dma_wait3A_230] : memref<250x80xi32, #tpu.memory_space<hbm>> -> memref<5x80xi32, #tpu.memory_space<hbm>>
      tpu.wait_dma2 semaphore(%arg12 : memref<!tpu.dma_semaphore, #tpu.memory_space<semaphore_mem>>) src(%dma_wait3A_231 : memref<5x80xi32, #tpu.memory_space<hbm>>) dst(%dma_wait3A_224 : memref<5x80xi32, #tpu.memory_space<vmem>>)
      %dma_start3A_232 = arith.constant 0 : i32
      %dma_start3A_233 = arith.constant 0 : i32
      %dma_start3A_234 = arith.constant 0 : i32
      %dma_start3A_235 = arith.constant 0 : i32
      %dma_start3A_236 = arith.constant 0 : i32
      %dma_start3A_237 = arith.constant 0 : i32
      %dma_start3A_238 = tpu.memref_slice %arg10[%dma_start3A_234, %dma_start3A_235, %dma_start3A_236, %dma_start3A_237] : memref<2x5x80x64xf32, #tpu.memory_space<vmem>> -> memref<1x1x80x64xf32, #tpu.memory_space<vmem>>
      %dma_start3A_239 = tpu.memref_squeeze %dma_start3A_238 : memref<1x1x80x64xf32, #tpu.memory_space<vmem>> -> memref<80x64xf32, #tpu.memory_space<vmem>>
      %dma_start3A_240 = arith.constant 0 : i32
      %dma_start3A_241 = tpu.memref_slice %arg8[%dma_start3A_232, %dma_start3A_233, %dma_start3A_240] : memref<2x5x80xi32, #tpu.memory_space<vmem>> -> memref<1x1x80xi32, #tpu.memory_space<vmem>>
      %dma_start3A_242 = tpu.memref_squeeze %dma_start3A_241 : memref<1x1x80xi32, #tpu.memory_space<vmem>> -> memref<80xi32, #tpu.memory_space<vmem>>
      %dma_start3A_243 = arith.constant 0 : i32
      %dma_start3A_244 = arith.constant 0 : i32
      %dma_start3A_245 = tpu.memref_slice %arg2[%arg0, %dma_start3A_243, %dma_start3A_244] : memref<2x10240x64xf32, #tpu.memory_space<hbm>> -> memref<1x10240x64xf32, #tpu.memory_space<hbm>>
      %dma_start3A_246 = tpu.memref_squeeze %dma_start3A_245 : memref<1x10240x64xf32, #tpu.memory_space<hbm>> -> memref<10240x64xf32, #tpu.memory_space<hbm>>
      %dma_start3A_247 = arith.constant 0 : i32
      %dma_start3A_248 = arith.constant 0 : i32
      %dma_start3A_249 = tpu.memref_slice %dma_start3A_246[%dma_start3A_247, %dma_start3A_248] : memref<10240x64xf32, #tpu.memory_space<hbm>> -> memref<10240x64xf32, #tpu.memory_space<hbm>>
      tpu.enqueue_indirect_dma source(%dma_start3A_249 : memref<10240x64xf32, #tpu.memory_space<hbm>>) target(%dma_start3A_239 : memref<80x64xf32, #tpu.memory_space<vmem>>) offsets(%dma_start3A_242 : memref<80xi32, #tpu.memory_space<vmem>>) semaphore(%arg14 : memref<!tpu.dma_semaphore, #tpu.memory_space<semaphore_mem>>)
      %dma_start3A_250 = arith.constant 0 : i32
      %dma_start3A_251 = arith.constant 1 : i32
      %dma_start3A_252 = arith.constant 0 : i32
      %dma_start3A_253 = arith.constant 1 : i32
      %dma_start3A_254 = arith.constant 0 : i32
      %dma_start3A_255 = arith.constant 0 : i32
      %dma_start3A_256 = tpu.memref_slice %arg10[%dma_start3A_252, %dma_start3A_253, %dma_start3A_254, %dma_start3A_255] : memref<2x5x80x64xf32, #tpu.memory_space<vmem>> -> memref<1x1x80x64xf32, #tpu.memory_space<vmem>>
      %dma_start3A_257 = tpu.memref_squeeze %dma_start3A_256 : memref<1x1x80x64xf32, #tpu.memory_space<vmem>> -> memref<80x64xf32, #tpu.memory_space<vmem>>
      %dma_start3A_258 = arith.constant 0 : i32
      %dma_start3A_259 = tpu.memref_slice %arg8[%dma_start3A_250, %dma_start3A_251, %dma_start3A_258] : memref<2x5x80xi32, #tpu.memory_space<vmem>> -> memref<1x1x80xi32, #tpu.memory_space<vmem>>
      %dma_start3A_260 = tpu.memref_squeeze %dma_start3A_259 : memref<1x1x80xi32, #tpu.memory_space<vmem>> -> memref<80xi32, #tpu.memory_space<vmem>>
      %dma_start3A_261 = arith.constant 0 : i32
      %dma_start3A_262 = arith.constant 0 : i32
      %dma_start3A_263 = tpu.memref_slice %arg2[%arg0, %dma_start3A_261, %dma_start3A_262] : memref<2x10240x64xf32, #tpu.memory_space<hbm>> -> memref<1x10240x64xf32, #tpu.memory_space<hbm>>
      %dma_start3A_264 = tpu.memref_squeeze %dma_start3A_263 : memref<1x10240x64xf32, #tpu.memory_space<hbm>> -> memref<10240x64xf32, #tpu.memory_space<hbm>>
      %dma_start3A_265 = arith.constant 0 : i32
      %dma_start3A_266 = arith.constant 0 : i32
      %dma_start3A_267 = tpu.memref_slice %dma_start3A_264[%dma_start3A_265, %dma_start3A_266] : memref<10240x64xf32, #tpu.memory_space<hbm>> -> memref<10240x64xf32, #tpu.memory_space<hbm>>
      tpu.enqueue_indirect_dma source(%dma_start3A_267 : memref<10240x64xf32, #tpu.memory_space<hbm>>) target(%dma_start3A_257 : memref<80x64xf32, #tpu.memory_space<vmem>>) offsets(%dma_start3A_260 : memref<80xi32, #tpu.memory_space<vmem>>) semaphore(%arg14 : memref<!tpu.dma_semaphore, #tpu.memory_space<semaphore_mem>>)
      %dma_start3A_268 = arith.constant 0 : i32
      %dma_start3A_269 = arith.constant 2 : i32
      %dma_start3A_270 = arith.constant 0 : i32
      %dma_start3A_271 = arith.constant 2 : i32
      %dma_start3A_272 = arith.constant 0 : i32
      %dma_start3A_273 = arith.constant 0 : i32
      %dma_start3A_274 = tpu.memref_slice %arg10[%dma_start3A_270, %dma_start3A_271, %dma_start3A_272, %dma_start3A_273] : memref<2x5x80x64xf32, #tpu.memory_space<vmem>> -> memref<1x1x80x64xf32, #tpu.memory_space<vmem>>
      %dma_start3A_275 = tpu.memref_squeeze %dma_start3A_274 : memref<1x1x80x64xf32, #tpu.memory_space<vmem>> -> memref<80x64xf32, #tpu.memory_space<vmem>>
      %dma_start3A_276 = arith.constant 0 : i32
      %dma_start3A_277 = tpu.memref_slice %arg8[%dma_start3A_268, %dma_start3A_269, %dma_start3A_276] : memref<2x5x80xi32, #tpu.memory_space<vmem>> -> memref<1x1x80xi32, #tpu.memory_space<vmem>>
      %dma_start3A_278 = tpu.memref_squeeze %dma_start3A_277 : memref<1x1x80xi32, #tpu.memory_space<vmem>> -> memref<80xi32, #tpu.memory_space<vmem>>
      %dma_start3A_279 = arith.constant 0 : i32
      %dma_start3A_280 = arith.constant 0 : i32
      %dma_start3A_281 = tpu.memref_slice %arg2[%arg0, %dma_start3A_279, %dma_start3A_280] : memref<2x10240x64xf32, #tpu.memory_space<hbm>> -> memref<1x10240x64xf32, #tpu.memory_space<hbm>>
      %dma_start3A_282 = tpu.memref_squeeze %dma_start3A_281 : memref<1x10240x64xf32, #tpu.memory_space<hbm>> -> memref<10240x64xf32, #tpu.memory_space<hbm>>
      %dma_start3A_283 = arith.constant 0 : i32
      %dma_start3A_284 = arith.constant 0 : i32
      %dma_start3A_285 = tpu.memref_slice %dma_start3A_282[%dma_start3A_283, %dma_start3A_284] : memref<10240x64xf32, #tpu.memory_space<hbm>> -> memref<10240x64xf32, #tpu.memory_space<hbm>>
      tpu.enqueue_indirect_dma source(%dma_start3A_285 : memref<10240x64xf32, #tpu.memory_space<hbm>>) target(%dma_start3A_275 : memref<80x64xf32, #tpu.memory_space<vmem>>) offsets(%dma_start3A_278 : memref<80xi32, #tpu.memory_space<vmem>>) semaphore(%arg14 : memref<!tpu.dma_semaphore, #tpu.memory_space<semaphore_mem>>)
      %dma_start3A_286 = arith.constant 0 : i32
      %dma_start3A_287 = arith.constant 3 : i32
      %dma_start3A_288 = arith.constant 0 : i32
      %dma_start3A_289 = arith.constant 3 : i32
      %dma_start3A_290 = arith.constant 0 : i32
      %dma_start3A_291 = arith.constant 0 : i32
      %dma_start3A_292 = tpu.memref_slice %arg10[%dma_start3A_288, %dma_start3A_289, %dma_start3A_290, %dma_start3A_291] : memref<2x5x80x64xf32, #tpu.memory_space<vmem>> -> memref<1x1x80x64xf32, #tpu.memory_space<vmem>>
      %dma_start3A_293 = tpu.memref_squeeze %dma_start3A_292 : memref<1x1x80x64xf32, #tpu.memory_space<vmem>> -> memref<80x64xf32, #tpu.memory_space<vmem>>
      %dma_start3A_294 = arith.constant 0 : i32
      %dma_start3A_295 = tpu.memref_slice %arg8[%dma_start3A_286, %dma_start3A_287, %dma_start3A_294] : memref<2x5x80xi32, #tpu.memory_space<vmem>> -> memref<1x1x80xi32, #tpu.memory_space<vmem>>
      %dma_start3A_296 = tpu.memref_squeeze %dma_start3A_295 : memref<1x1x80xi32, #tpu.memory_space<vmem>> -> memref<80xi32, #tpu.memory_space<vmem>>
      %dma_start3A_297 = arith.constant 0 : i32
      %dma_start3A_298 = arith.constant 0 : i32
      %dma_start3A_299 = tpu.memref_slice %arg2[%arg0, %dma_start3A_297, %dma_start3A_298] : memref<2x10240x64xf32, #tpu.memory_space<hbm>> -> memref<1x10240x64xf32, #tpu.memory_space<hbm>>
      %dma_start3A_300 = tpu.memref_squeeze %dma_start3A_299 : memref<1x10240x64xf32, #tpu.memory_space<hbm>> -> memref<10240x64xf32, #tpu.memory_space<hbm>>
      %dma_start3A_301 = arith.constant 0 : i32
      %dma_start3A_302 = arith.constant 0 : i32
      %dma_start3A_303 = tpu.memref_slice %dma_start3A_300[%dma_start3A_301, %dma_start3A_302] : memref<10240x64xf32, #tpu.memory_space<hbm>> -> memref<10240x64xf32, #tpu.memory_space<hbm>>
      tpu.enqueue_indirect_dma source(%dma_start3A_303 : memref<10240x64xf32, #tpu.memory_space<hbm>>) target(%dma_start3A_293 : memref<80x64xf32, #tpu.memory_space<vmem>>) offsets(%dma_start3A_296 : memref<80xi32, #tpu.memory_space<vmem>>) semaphore(%arg14 : memref<!tpu.dma_semaphore, #tpu.memory_space<semaphore_mem>>)
      %dma_start3A_304 = arith.constant 0 : i32
      %dma_start3A_305 = arith.constant 4 : i32
      %dma_start3A_306 = arith.constant 0 : i32
      %dma_start3A_307 = arith.constant 4 : i32
      %dma_start3A_308 = arith.constant 0 : i32
      %dma_start3A_309 = arith.constant 0 : i32
      %dma_start3A_310 = tpu.memref_slice %arg10[%dma_start3A_306, %dma_start3A_307, %dma_start3A_308, %dma_start3A_309] : memref<2x5x80x64xf32, #tpu.memory_space<vmem>> -> memref<1x1x80x64xf32, #tpu.memory_space<vmem>>
      %dma_start3A_311 = tpu.memref_squeeze %dma_start3A_310 : memref<1x1x80x64xf32, #tpu.memory_space<vmem>> -> memref<80x64xf32, #tpu.memory_space<vmem>>
      %dma_start3A_312 = arith.constant 0 : i32
      %dma_start3A_313 = tpu.memref_slice %arg8[%dma_start3A_304, %dma_start3A_305, %dma_start3A_312] : memref<2x5x80xi32, #tpu.memory_space<vmem>> -> memref<1x1x80xi32, #tpu.memory_space<vmem>>
      %dma_start3A_314 = tpu.memref_squeeze %dma_start3A_313 : memref<1x1x80xi32, #tpu.memory_space<vmem>> -> memref<80xi32, #tpu.memory_space<vmem>>
      %dma_start3A_315 = arith.constant 0 : i32
      %dma_start3A_316 = arith.constant 0 : i32
      %dma_start3A_317 = tpu.memref_slice %arg2[%arg0, %dma_start3A_315, %dma_start3A_316] : memref<2x10240x64xf32, #tpu.memory_space<hbm>> -> memref<1x10240x64xf32, #tpu.memory_space<hbm>>
      %dma_start3A_318 = tpu.memref_squeeze %dma_start3A_317 : memref<1x10240x64xf32, #tpu.memory_space<hbm>> -> memref<10240x64xf32, #tpu.memory_space<hbm>>
      %dma_start3A_319 = arith.constant 0 : i32
      %dma_start3A_320 = arith.constant 0 : i32
      %dma_start3A_321 = tpu.memref_slice %dma_start3A_318[%dma_start3A_319, %dma_start3A_320] : memref<10240x64xf32, #tpu.memory_space<hbm>> -> memref<10240x64xf32, #tpu.memory_space<hbm>>
      tpu.enqueue_indirect_dma source(%dma_start3A_321 : memref<10240x64xf32, #tpu.memory_space<hbm>>) target(%dma_start3A_311 : memref<80x64xf32, #tpu.memory_space<vmem>>) offsets(%dma_start3A_314 : memref<80xi32, #tpu.memory_space<vmem>>) semaphore(%arg14 : memref<!tpu.dma_semaphore, #tpu.memory_space<semaphore_mem>>)
      %dma_wait3A_322 = arith.constant 0 : i32
      %dma_wait3A_323 = arith.constant 0 : i32
      %dma_wait3A_324 = arith.constant 0 : i32
      %dma_wait3A_325 = arith.constant 0 : i32
      %dma_wait3A_326 = arith.constant 0 : i32
      %dma_wait3A_327 = arith.constant 0 : i32
      %dma_wait3A_328 = tpu.memref_slice %arg10[%dma_wait3A_324, %dma_wait3A_325, %dma_wait3A_326, %dma_wait3A_327] : memref<2x5x80x64xf32, #tpu.memory_space<vmem>> -> memref<1x1x80x64xf32, #tpu.memory_space<vmem>>
      %dma_wait3A_329 = tpu.memref_squeeze %dma_wait3A_328 : memref<1x1x80x64xf32, #tpu.memory_space<vmem>> -> memref<80x64xf32, #tpu.memory_space<vmem>>
      %dma_wait3A_330 = arith.constant 0 : i32
      %dma_wait3A_331 = tpu.memref_slice %arg8[%dma_wait3A_322, %dma_wait3A_323, %dma_wait3A_330] : memref<2x5x80xi32, #tpu.memory_space<vmem>> -> memref<1x1x80xi32, #tpu.memory_space<vmem>>
      %dma_wait3A_332 = tpu.memref_squeeze %dma_wait3A_331 : memref<1x1x80xi32, #tpu.memory_space<vmem>> -> memref<80xi32, #tpu.memory_space<vmem>>
      %dma_wait3A_333 = arith.constant 0 : i32
      %dma_wait3A_334 = arith.constant 0 : i32
      %dma_wait3A_335 = tpu.memref_slice %arg2[%arg0, %dma_wait3A_333, %dma_wait3A_334] : memref<2x10240x64xf32, #tpu.memory_space<hbm>> -> memref<1x10240x64xf32, #tpu.memory_space<hbm>>
      %dma_wait3A_336 = tpu.memref_squeeze %dma_wait3A_335 : memref<1x10240x64xf32, #tpu.memory_space<hbm>> -> memref<10240x64xf32, #tpu.memory_space<hbm>>
      %dma_wait3A_337 = arith.constant 0 : i32
      %dma_wait3A_338 = arith.constant 0 : i32
      %dma_wait3A_339 = tpu.memref_slice %dma_wait3A_336[%dma_wait3A_337, %dma_wait3A_338] : memref<10240x64xf32, #tpu.memory_space<hbm>> -> memref<10240x64xf32, #tpu.memory_space<hbm>>
      tpu.wait_indirect_dma semaphore(%arg14 : memref<!tpu.dma_semaphore, #tpu.memory_space<semaphore_mem>>) src(%dma_wait3A_339 : memref<10240x64xf32, #tpu.memory_space<hbm>>) dst(%dma_wait3A_329 : memref<80x64xf32, #tpu.memory_space<vmem>>)
      %dma_wait3A_340 = arith.constant 0 : i32
      %dma_wait3A_341 = arith.constant 0 : i32
      %dma_wait3A_342 = arith.constant 0 : i32
      %dma_wait3A_343 = arith.constant 1 : i32
      %dma_wait3A_344 = arith.constant 0 : i32
      %dma_wait3A_345 = arith.constant 0 : i32
      %dma_wait3A_346 = tpu.memref_slice %arg10[%dma_wait3A_342, %dma_wait3A_343, %dma_wait3A_344, %dma_wait3A_345] : memref<2x5x80x64xf32, #tpu.memory_space<vmem>> -> memref<1x1x80x64xf32, #tpu.memory_space<vmem>>
      %dma_wait3A_347 = tpu.memref_squeeze %dma_wait3A_346 : memref<1x1x80x64xf32, #tpu.memory_space<vmem>> -> memref<80x64xf32, #tpu.memory_space<vmem>>
      %dma_wait3A_348 = arith.constant 0 : i32
      %dma_wait3A_349 = tpu.memref_slice %arg8[%dma_wait3A_340, %dma_wait3A_341, %dma_wait3A_348] : memref<2x5x80xi32, #tpu.memory_space<vmem>> -> memref<1x1x80xi32, #tpu.memory_space<vmem>>
      %dma_wait3A_350 = tpu.memref_squeeze %dma_wait3A_349 : memref<1x1x80xi32, #tpu.memory_space<vmem>> -> memref<80xi32, #tpu.memory_space<vmem>>
      %dma_wait3A_351 = arith.constant 0 : i32
      %dma_wait3A_352 = arith.constant 0 : i32
      %dma_wait3A_353 = tpu.memref_slice %arg2[%arg0, %dma_wait3A_351, %dma_wait3A_352] : memref<2x10240x64xf32, #tpu.memory_space<hbm>> -> memref<1x10240x64xf32, #tpu.memory_space<hbm>>
      %dma_wait3A_354 = tpu.memref_squeeze %dma_wait3A_353 : memref<1x10240x64xf32, #tpu.memory_space<hbm>> -> memref<10240x64xf32, #tpu.memory_space<hbm>>
      %dma_wait3A_355 = arith.constant 0 : i32
      %dma_wait3A_356 = arith.constant 0 : i32
      %dma_wait3A_357 = tpu.memref_slice %dma_wait3A_354[%dma_wait3A_355, %dma_wait3A_356] : memref<10240x64xf32, #tpu.memory_space<hbm>> -> memref<10240x64xf32, #tpu.memory_space<hbm>>
      tpu.wait_indirect_dma semaphore(%arg14 : memref<!tpu.dma_semaphore, #tpu.memory_space<semaphore_mem>>) src(%dma_wait3A_357 : memref<10240x64xf32, #tpu.memory_space<hbm>>) dst(%dma_wait3A_347 : memref<80x64xf32, #tpu.memory_space<vmem>>)
      %dma_wait3A_358 = arith.constant 0 : i32
      %dma_wait3A_359 = arith.constant 0 : i32
      %dma_wait3A_360 = arith.constant 0 : i32
      %dma_wait3A_361 = arith.constant 2 : i32
      %dma_wait3A_362 = arith.constant 0 : i32
      %dma_wait3A_363 = arith.constant 0 : i32
      %dma_wait3A_364 = tpu.memref_slice %arg10[%dma_wait3A_360, %dma_wait3A_361, %dma_wait3A_362, %dma_wait3A_363] : memref<2x5x80x64xf32, #tpu.memory_space<vmem>> -> memref<1x1x80x64xf32, #tpu.memory_space<vmem>>
      %dma_wait3A_365 = tpu.memref_squeeze %dma_wait3A_364 : memref<1x1x80x64xf32, #tpu.memory_space<vmem>> -> memref<80x64xf32, #tpu.memory_space<vmem>>
      %dma_wait3A_366 = arith.constant 0 : i32
      %dma_wait3A_367 = tpu.memref_slice %arg8[%dma_wait3A_358, %dma_wait3A_359, %dma_wait3A_366] : memref<2x5x80xi32, #tpu.memory_space<vmem>> -> memref<1x1x80xi32, #tpu.memory_space<vmem>>
      %dma_wait3A_368 = tpu.memref_squeeze %dma_wait3A_367 : memref<1x1x80xi32, #tpu.memory_space<vmem>> -> memref<80xi32, #tpu.memory_space<vmem>>
      %dma_wait3A_369 = arith.constant 0 : i32
      %dma_wait3A_370 = arith.constant 0 : i32
      %dma_wait3A_371 = tpu.memref_slice %arg2[%arg0, %dma_wait3A_369, %dma_wait3A_370] : memref<2x10240x64xf32, #tpu.memory_space<hbm>> -> memref<1x10240x64xf32, #tpu.memory_space<hbm>>
      %dma_wait3A_372 = tpu.memref_squeeze %dma_wait3A_371 : memref<1x10240x64xf32, #tpu.memory_space<hbm>> -> memref<10240x64xf32, #tpu.memory_space<hbm>>
      %dma_wait3A_373 = arith.constant 0 : i32
      %dma_wait3A_374 = arith.constant 0 : i32
      %dma_wait3A_375 = tpu.memref_slice %dma_wait3A_372[%dma_wait3A_373, %dma_wait3A_374] : memref<10240x64xf32, #tpu.memory_space<hbm>> -> memref<10240x64xf32, #tpu.memory_space<hbm>>
      tpu.wait_indirect_dma semaphore(%arg14 : memref<!tpu.dma_semaphore, #tpu.memory_space<semaphore_mem>>) src(%dma_wait3A_375 : memref<10240x64xf32, #tpu.memory_space<hbm>>) dst(%dma_wait3A_365 : memref<80x64xf32, #tpu.memory_space<vmem>>)
      %dma_wait3A_376 = arith.constant 0 : i32
      %dma_wait3A_377 = arith.constant 0 : i32
      %dma_wait3A_378 = arith.constant 0 : i32
      %dma_wait3A_379 = arith.constant 3 : i32
      %dma_wait3A_380 = arith.constant 0 : i32
      %dma_wait3A_381 = arith.constant 0 : i32
      %dma_wait3A_382 = tpu.memref_slice %arg10[%dma_wait3A_378, %dma_wait3A_379, %dma_wait3A_380, %dma_wait3A_381] : memref<2x5x80x64xf32, #tpu.memory_space<vmem>> -> memref<1x1x80x64xf32, #tpu.memory_space<vmem>>
      %dma_wait3A_383 = tpu.memref_squeeze %dma_wait3A_382 : memref<1x1x80x64xf32, #tpu.memory_space<vmem>> -> memref<80x64xf32, #tpu.memory_space<vmem>>
      %dma_wait3A_384 = arith.constant 0 : i32
      %dma_wait3A_385 = tpu.memref_slice %arg8[%dma_wait3A_376, %dma_wait3A_377, %dma_wait3A_384] : memref<2x5x80xi32, #tpu.memory_space<vmem>> -> memref<1x1x80xi32, #tpu.memory_space<vmem>>
      %dma_wait3A_386 = tpu.memref_squeeze %dma_wait3A_385 : memref<1x1x80xi32, #tpu.memory_space<vmem>> -> memref<80xi32, #tpu.memory_space<vmem>>
      %dma_wait3A_387 = arith.constant 0 : i32
      %dma_wait3A_388 = arith.constant 0 : i32
      %dma_wait3A_389 = tpu.memref_slice %arg2[%arg0, %dma_wait3A_387, %dma_wait3A_388] : memref<2x10240x64xf32, #tpu.memory_space<hbm>> -> memref<1x10240x64xf32, #tpu.memory_space<hbm>>
      %dma_wait3A_390 = tpu.memref_squeeze %dma_wait3A_389 : memref<1x10240x64xf32, #tpu.memory_space<hbm>> -> memref<10240x64xf32, #tpu.memory_space<hbm>>
      %dma_wait3A_391 = arith.constant 0 : i32
      %dma_wait3A_392 = arith.constant 0 : i32
      %dma_wait3A_393 = tpu.memref_slice %dma_wait3A_390[%dma_wait3A_391, %dma_wait3A_392] : memref<10240x64xf32, #tpu.memory_space<hbm>> -> memref<10240x64xf32, #tpu.memory_space<hbm>>
      tpu.wait_indirect_dma semaphore(%arg14 : memref<!tpu.dma_semaphore, #tpu.memory_space<semaphore_mem>>) src(%dma_wait3A_393 : memref<10240x64xf32, #tpu.memory_space<hbm>>) dst(%dma_wait3A_383 : memref<80x64xf32, #tpu.memory_space<vmem>>)
      %dma_wait3A_394 = arith.constant 0 : i32
      %dma_wait3A_395 = arith.constant 0 : i32
      %dma_wait3A_396 = arith.constant 0 : i32
      %dma_wait3A_397 = arith.constant 4 : i32
      %dma_wait3A_398 = arith.constant 0 : i32
      %dma_wait3A_399 = arith.constant 0 : i32
      %dma_wait3A_400 = tpu.memref_slice %arg10[%dma_wait3A_396, %dma_wait3A_397, %dma_wait3A_398, %dma_wait3A_399] : memref<2x5x80x64xf32, #tpu.memory_space<vmem>> -> memref<1x1x80x64xf32, #tpu.memory_space<vmem>>
      %dma_wait3A_401 = tpu.memref_squeeze %dma_wait3A_400 : memref<1x1x80x64xf32, #tpu.memory_space<vmem>> -> memref<80x64xf32, #tpu.memory_space<vmem>>
      %dma_wait3A_402 = arith.constant 0 : i32
      %dma_wait3A_403 = tpu.memref_slice %arg8[%dma_wait3A_394, %dma_wait3A_395, %dma_wait3A_402] : memref<2x5x80xi32, #tpu.memory_space<vmem>> -> memref<1x1x80xi32, #tpu.memory_space<vmem>>
      %dma_wait3A_404 = tpu.memref_squeeze %dma_wait3A_403 : memref<1x1x80xi32, #tpu.memory_space<vmem>> -> memref<80xi32, #tpu.memory_space<vmem>>
      %dma_wait3A_405 = arith.constant 0 : i32
      %dma_wait3A_406 = arith.constant 0 : i32
      %dma_wait3A_407 = tpu.memref_slice %arg2[%arg0, %dma_wait3A_405, %dma_wait3A_406] : memref<2x10240x64xf32, #tpu.memory_space<hbm>> -> memref<1x10240x64xf32, #tpu.memory_space<hbm>>
      %dma_wait3A_408 = tpu.memref_squeeze %dma_wait3A_407 : memref<1x10240x64xf32, #tpu.memory_space<hbm>> -> memref<10240x64xf32, #tpu.memory_space<hbm>>
      %dma_wait3A_409 = arith.constant 0 : i32
      %dma_wait3A_410 = arith.constant 0 : i32
      %dma_wait3A_411 = tpu.memref_slice %dma_wait3A_408[%dma_wait3A_409, %dma_wait3A_410] : memref<10240x64xf32, #tpu.memory_space<hbm>> -> memref<10240x64xf32, #tpu.memory_space<hbm>>
      tpu.wait_indirect_dma semaphore(%arg14 : memref<!tpu.dma_semaphore, #tpu.memory_space<semaphore_mem>>) src(%dma_wait3A_411 : memref<10240x64xf32, #tpu.memory_space<hbm>>) dst(%dma_wait3A_401 : memref<80x64xf32, #tpu.memory_space<vmem>>)
      %dma_start3A_412 = arith.constant 0 : i32
      %dma_start3A_413 = arith.constant 0 : i32
      %dma_start3A_414 = arith.constant 0 : i32
      %dma_start3A_415 = arith.constant 0 : i32
      %dma_start3A_416 = arith.constant 0 : i32
      %dma_start3A_417 = arith.constant 0 : i32
      %dma_start3A_418 = tpu.memref_slice %arg10[%dma_start3A_412, %dma_start3A_413, %dma_start3A_416, %dma_start3A_417] : memref<2x5x80x64xf32, #tpu.memory_space<vmem>> -> memref<1x1x80x64xf32, #tpu.memory_space<vmem>>
      %dma_start3A_419 = tpu.memref_squeeze %dma_start3A_418 : memref<1x1x80x64xf32, #tpu.memory_space<vmem>> -> memref<80x64xf32, #tpu.memory_space<vmem>>
      %dma_start3A_420 = arith.constant 0 : i32
      %dma_start3A_421 = tpu.memref_slice %arg9[%dma_start3A_414, %dma_start3A_415, %dma_start3A_420] : memref<2x5x80xi32, #tpu.memory_space<vmem>> -> memref<1x1x80xi32, #tpu.memory_space<vmem>>
      %dma_start3A_422 = tpu.memref_squeeze %dma_start3A_421 : memref<1x1x80xi32, #tpu.memory_space<vmem>> -> memref<80xi32, #tpu.memory_space<vmem>>
      %dma_start3A_423 = arith.constant 0 : i32
      %dma_start3A_424 = arith.constant 0 : i32
      %dma_start3A_425 = tpu.memref_slice %arg11[%dma_start3A_423, %dma_start3A_424] : memref<10240x64xf32, #tpu.memory_space<vmem_shared>> -> memref<10240x64xf32, #tpu.memory_space<vmem_shared>>
      tpu.enqueue_indirect_dma source(%dma_start3A_419 : memref<80x64xf32, #tpu.memory_space<vmem>>) target(%dma_start3A_425 : memref<10240x64xf32, #tpu.memory_space<vmem_shared>>) offsets(%dma_start3A_422 : memref<80xi32, #tpu.memory_space<vmem>>) semaphore(%arg16 : memref<!tpu.dma_semaphore, #tpu.memory_space<semaphore_mem>>) {add = true}
      %dma_start3A_426 = arith.constant 0 : i32
      %dma_start3A_427 = arith.constant 1 : i32
      %dma_start3A_428 = arith.constant 0 : i32
      %dma_start3A_429 = arith.constant 1 : i32
      %dma_start3A_430 = arith.constant 0 : i32
      %dma_start3A_431 = arith.constant 0 : i32
      %dma_start3A_432 = tpu.memref_slice %arg10[%dma_start3A_426, %dma_start3A_427, %dma_start3A_430, %dma_start3A_431] : memref<2x5x80x64xf32, #tpu.memory_space<vmem>> -> memref<1x1x80x64xf32, #tpu.memory_space<vmem>>
      %dma_start3A_433 = tpu.memref_squeeze %dma_start3A_432 : memref<1x1x80x64xf32, #tpu.memory_space<vmem>> -> memref<80x64xf32, #tpu.memory_space<vmem>>
      %dma_start3A_434 = arith.constant 0 : i32
      %dma_start3A_435 = tpu.memref_slice %arg9[%dma_start3A_428, %dma_start3A_429, %dma_start3A_434] : memref<2x5x80xi32, #tpu.memory_space<vmem>> -> memref<1x1x80xi32, #tpu.memory_space<vmem>>
      %dma_start3A_436 = tpu.memref_squeeze %dma_start3A_435 : memref<1x1x80xi32, #tpu.memory_space<vmem>> -> memref<80xi32, #tpu.memory_space<vmem>>
      %dma_start3A_437 = arith.constant 0 : i32
      %dma_start3A_438 = arith.constant 0 : i32
      %dma_start3A_439 = tpu.memref_slice %arg11[%dma_start3A_437, %dma_start3A_438] : memref<10240x64xf32, #tpu.memory_space<vmem_shared>> -> memref<10240x64xf32, #tpu.memory_space<vmem_shared>>
      tpu.enqueue_indirect_dma source(%dma_start3A_433 : memref<80x64xf32, #tpu.memory_space<vmem>>) target(%dma_start3A_439 : memref<10240x64xf32, #tpu.memory_space<vmem_shared>>) offsets(%dma_start3A_436 : memref<80xi32, #tpu.memory_space<vmem>>) semaphore(%arg16 : memref<!tpu.dma_semaphore, #tpu.memory_space<semaphore_mem>>) {add = true}
      %dma_start3A_440 = arith.constant 0 : i32
      %dma_start3A_441 = arith.constant 2 : i32
      %dma_start3A_442 = arith.constant 0 : i32
      %dma_start3A_443 = arith.constant 2 : i32
      %dma_start3A_444 = arith.constant 0 : i32
      %dma_start3A_445 = arith.constant 0 : i32
      %dma_start3A_446 = tpu.memref_slice %arg10[%dma_start3A_440, %dma_start3A_441, %dma_start3A_444, %dma_start3A_445] : memref<2x5x80x64xf32, #tpu.memory_space<vmem>> -> memref<1x1x80x64xf32, #tpu.memory_space<vmem>>
      %dma_start3A_447 = tpu.memref_squeeze %dma_start3A_446 : memref<1x1x80x64xf32, #tpu.memory_space<vmem>> -> memref<80x64xf32, #tpu.memory_space<vmem>>
      %dma_start3A_448 = arith.constant 0 : i32
      %dma_start3A_449 = tpu.memref_slice %arg9[%dma_start3A_442, %dma_start3A_443, %dma_start3A_448] : memref<2x5x80xi32, #tpu.memory_space<vmem>> -> memref<1x1x80xi32, #tpu.memory_space<vmem>>
      %dma_start3A_450 = tpu.memref_squeeze %dma_start3A_449 : memref<1x1x80xi32, #tpu.memory_space<vmem>> -> memref<80xi32, #tpu.memory_space<vmem>>
      %dma_start3A_451 = arith.constant 0 : i32
      %dma_start3A_452 = arith.constant 0 : i32
      %dma_start3A_453 = tpu.memref_slice %arg11[%dma_start3A_451, %dma_start3A_452] : memref<10240x64xf32, #tpu.memory_space<vmem_shared>> -> memref<10240x64xf32, #tpu.memory_space<vmem_shared>>
      tpu.enqueue_indirect_dma source(%dma_start3A_447 : memref<80x64xf32, #tpu.memory_space<vmem>>) target(%dma_start3A_453 : memref<10240x64xf32, #tpu.memory_space<vmem_shared>>) offsets(%dma_start3A_450 : memref<80xi32, #tpu.memory_space<vmem>>) semaphore(%arg16 : memref<!tpu.dma_semaphore, #tpu.memory_space<semaphore_mem>>) {add = true}
      %dma_start3A_454 = arith.constant 0 : i32
      %dma_start3A_455 = arith.constant 3 : i32
      %dma_start3A_456 = arith.constant 0 : i32
      %dma_start3A_457 = arith.constant 3 : i32
      %dma_start3A_458 = arith.constant 0 : i32
      %dma_start3A_459 = arith.constant 0 : i32
      %dma_start3A_460 = tpu.memref_slice %arg10[%dma_start3A_454, %dma_start3A_455, %dma_start3A_458, %dma_start3A_459] : memref<2x5x80x64xf32, #tpu.memory_space<vmem>> -> memref<1x1x80x64xf32, #tpu.memory_space<vmem>>
      %dma_start3A_461 = tpu.memref_squeeze %dma_start3A_460 : memref<1x1x80x64xf32, #tpu.memory_space<vmem>> -> memref<80x64xf32, #tpu.memory_space<vmem>>
      %dma_start3A_462 = arith.constant 0 : i32
      %dma_start3A_463 = tpu.memref_slice %arg9[%dma_start3A_456, %dma_start3A_457, %dma_start3A_462] : memref<2x5x80xi32, #tpu.memory_space<vmem>> -> memref<1x1x80xi32, #tpu.memory_space<vmem>>
      %dma_start3A_464 = tpu.memref_squeeze %dma_start3A_463 : memref<1x1x80xi32, #tpu.memory_space<vmem>> -> memref<80xi32, #tpu.memory_space<vmem>>
      %dma_start3A_465 = arith.constant 0 : i32
      %dma_start3A_466 = arith.constant 0 : i32
      %dma_start3A_467 = tpu.memref_slice %arg11[%dma_start3A_465, %dma_start3A_466] : memref<10240x64xf32, #tpu.memory_space<vmem_shared>> -> memref<10240x64xf32, #tpu.memory_space<vmem_shared>>
      tpu.enqueue_indirect_dma source(%dma_start3A_461 : memref<80x64xf32, #tpu.memory_space<vmem>>) target(%dma_start3A_467 : memref<10240x64xf32, #tpu.memory_space<vmem_shared>>) offsets(%dma_start3A_464 : memref<80xi32, #tpu.memory_space<vmem>>) semaphore(%arg16 : memref<!tpu.dma_semaphore, #tpu.memory_space<semaphore_mem>>) {add = true}
      %dma_start3A_468 = arith.constant 0 : i32
      %dma_start3A_469 = arith.constant 4 : i32
      %dma_start3A_470 = arith.constant 0 : i32
      %dma_start3A_471 = arith.constant 4 : i32
      %dma_start3A_472 = arith.constant 0 : i32
      %dma_start3A_473 = arith.constant 0 : i32
      %dma_start3A_474 = tpu.memref_slice %arg10[%dma_start3A_468, %dma_start3A_469, %dma_start3A_472, %dma_start3A_473] : memref<2x5x80x64xf32, #tpu.memory_space<vmem>> -> memref<1x1x80x64xf32, #tpu.memory_space<vmem>>
      %dma_start3A_475 = tpu.memref_squeeze %dma_start3A_474 : memref<1x1x80x64xf32, #tpu.memory_space<vmem>> -> memref<80x64xf32, #tpu.memory_space<vmem>>
      %dma_start3A_476 = arith.constant 0 : i32
      %dma_start3A_477 = tpu.memref_slice %arg9[%dma_start3A_470, %dma_start3A_471, %dma_start3A_476] : memref<2x5x80xi32, #tpu.memory_space<vmem>> -> memref<1x1x80xi32, #tpu.memory_space<vmem>>
      %dma_start3A_478 = tpu.memref_squeeze %dma_start3A_477 : memref<1x1x80xi32, #tpu.memory_space<vmem>> -> memref<80xi32, #tpu.memory_space<vmem>>
      %dma_start3A_479 = arith.constant 0 : i32
      %dma_start3A_480 = arith.constant 0 : i32
      %dma_start3A_481 = tpu.memref_slice %arg11[%dma_start3A_479, %dma_start3A_480] : memref<10240x64xf32, #tpu.memory_space<vmem_shared>> -> memref<10240x64xf32, #tpu.memory_space<vmem_shared>>
      tpu.enqueue_indirect_dma source(%dma_start3A_475 : memref<80x64xf32, #tpu.memory_space<vmem>>) target(%dma_start3A_481 : memref<10240x64xf32, #tpu.memory_space<vmem_shared>>) offsets(%dma_start3A_478 : memref<80xi32, #tpu.memory_space<vmem>>) semaphore(%arg16 : memref<!tpu.dma_semaphore, #tpu.memory_space<semaphore_mem>>) {add = true}
      %dma_wait3A_482 = arith.constant 1 : i32
      %dma_wait3A_483 = arith.constant 0 : i32
      %dma_wait3A_484 = arith.constant 0 : i32
      %dma_wait3A_485 = tpu.memref_slice %arg8[%dma_wait3A_482, %dma_wait3A_483, %dma_wait3A_484] : memref<2x5x80xi32, #tpu.memory_space<vmem>> -> memref<1x5x80xi32, #tpu.memory_space<vmem>>
      %dma_wait3A_486 = tpu.memref_squeeze %dma_wait3A_485 : memref<1x5x80xi32, #tpu.memory_space<vmem>> -> memref<5x80xi32, #tpu.memory_space<vmem>>
      %dma_wait3A_487 = arith.constant 0 : i32
      %dma_wait3A_488 = arith.constant 0 : i32
      %dma_wait3A_489 = tpu.memref_slice %arg3[%arg1, %dma_wait3A_487, %dma_wait3A_488] : memref<16x250x80xi32, #tpu.memory_space<hbm>> -> memref<1x250x80xi32, #tpu.memory_space<hbm>>
      %dma_wait3A_490 = tpu.memref_squeeze %dma_wait3A_489 : memref<1x250x80xi32, #tpu.memory_space<hbm>> -> memref<250x80xi32, #tpu.memory_space<hbm>>
      %dma_wait3A_491 = arith.constant 0 : i32
      %dma_wait3A_492 = arith.constant 0 : i32
      %dma_wait3A_493 = tpu.memref_slice %dma_wait3A_490[%dma_wait3A_491, %dma_wait3A_492] : memref<250x80xi32, #tpu.memory_space<hbm>> -> memref<5x80xi32, #tpu.memory_space<hbm>>
      %dma_wait3A_494 = arith.constant 0 : i32
      %dma_wait3A_495 = arith.constant 0 : i32
      %dma_wait3A_496 = tpu.memref_slice %arg8[%dma_wait3A_482, %dma_wait3A_494, %dma_wait3A_495] : memref<2x5x80xi32, #tpu.memory_space<vmem>> -> memref<1x5x80xi32, #tpu.memory_space<vmem>>
      %dma_wait3A_497 = tpu.memref_squeeze %dma_wait3A_496 : memref<1x5x80xi32, #tpu.memory_space<vmem>> -> memref<5x80xi32, #tpu.memory_space<vmem>>
      %dma_wait3A_498 = arith.constant 0 : i32
      %dma_wait3A_499 = arith.constant 0 : i32
      %dma_wait3A_500 = tpu.memref_slice %arg3[%arg1, %dma_wait3A_498, %dma_wait3A_499] : memref<16x250x80xi32, #tpu.memory_space<hbm>> -> memref<1x250x80xi32, #tpu.memory_space<hbm>>
      %dma_wait3A_501 = tpu.memref_squeeze %dma_wait3A_500 : memref<1x250x80xi32, #tpu.memory_space<hbm>> -> memref<250x80xi32, #tpu.memory_space<hbm>>
      %dma_wait3A_502 = arith.constant 0 : i32
      %dma_wait3A_503 = arith.constant 0 : i32
      %dma_wait3A_504 = tpu.memref_slice %dma_wait3A_501[%dma_wait3A_502, %dma_wait3A_503] : memref<250x80xi32, #tpu.memory_space<hbm>> -> memref<5x80xi32, #tpu.memory_space<hbm>>
      tpu.wait_dma2 semaphore(%arg13 : memref<!tpu.dma_semaphore, #tpu.memory_space<semaphore_mem>>) src(%dma_wait3A_504 : memref<5x80xi32, #tpu.memory_space<hbm>>) dst(%dma_wait3A_497 : memref<5x80xi32, #tpu.memory_space<vmem>>)
      %dma_wait3A_505 = arith.constant 1 : i32
      %dma_wait3A_506 = arith.constant 0 : i32
      %dma_wait3A_507 = arith.constant 0 : i32
      %dma_wait3A_508 = tpu.memref_slice %arg9[%dma_wait3A_505, %dma_wait3A_506, %dma_wait3A_507] : memref<2x5x80xi32, #tpu.memory_space<vmem>> -> memref<1x5x80xi32, #tpu.memory_space<vmem>>
      %dma_wait3A_509 = tpu.memref_squeeze %dma_wait3A_508 : memref<1x5x80xi32, #tpu.memory_space<vmem>> -> memref<5x80xi32, #tpu.memory_space<vmem>>
      %dma_wait3A_510 = arith.constant 0 : i32
      %dma_wait3A_511 = arith.constant 0 : i32
      %dma_wait3A_512 = tpu.memref_slice %arg4[%arg1, %dma_wait3A_510, %dma_wait3A_511] : memref<16x250x80xi32, #tpu.memory_space<hbm>> -> memref<1x250x80xi32, #tpu.memory_space<hbm>>
      %dma_wait3A_513 = tpu.memref_squeeze %dma_wait3A_512 : memref<1x250x80xi32, #tpu.memory_space<hbm>> -> memref<250x80xi32, #tpu.memory_space<hbm>>
      %dma_wait3A_514 = arith.constant 0 : i32
      %dma_wait3A_515 = arith.constant 0 : i32
      %dma_wait3A_516 = tpu.memref_slice %dma_wait3A_513[%dma_wait3A_514, %dma_wait3A_515] : memref<250x80xi32, #tpu.memory_space<hbm>> -> memref<5x80xi32, #tpu.memory_space<hbm>>
      %dma_wait3A_517 = arith.constant 0 : i32
      %dma_wait3A_518 = arith.constant 0 : i32
      %dma_wait3A_519 = tpu.memref_slice %arg9[%dma_wait3A_505, %dma_wait3A_517, %dma_wait3A_518] : memref<2x5x80xi32, #tpu.memory_space<vmem>> -> memref<1x5x80xi32, #tpu.memory_space<vmem>>
      %dma_wait3A_520 = tpu.memref_squeeze %dma_wait3A_519 : memref<1x5x80xi32, #tpu.memory_space<vmem>> -> memref<5x80xi32, #tpu.memory_space<vmem>>
      %dma_wait3A_521 = arith.constant 0 : i32
      %dma_wait3A_522 = arith.constant 0 : i32
      %dma_wait3A_523 = tpu.memref_slice %arg4[%arg1, %dma_wait3A_521, %dma_wait3A_522] : memref<16x250x80xi32, #tpu.memory_space<hbm>> -> memref<1x250x80xi32, #tpu.memory_space<hbm>>
      %dma_wait3A_524 = tpu.memref_squeeze %dma_wait3A_523 : memref<1x250x80xi32, #tpu.memory_space<hbm>> -> memref<250x80xi32, #tpu.memory_space<hbm>>
      %dma_wait3A_525 = arith.constant 0 : i32
      %dma_wait3A_526 = arith.constant 0 : i32
      %dma_wait3A_527 = tpu.memref_slice %dma_wait3A_524[%dma_wait3A_525, %dma_wait3A_526] : memref<250x80xi32, #tpu.memory_space<hbm>> -> memref<5x80xi32, #tpu.memory_space<hbm>>
      tpu.wait_dma2 semaphore(%arg13 : memref<!tpu.dma_semaphore, #tpu.memory_space<semaphore_mem>>) src(%dma_wait3A_527 : memref<5x80xi32, #tpu.memory_space<hbm>>) dst(%dma_wait3A_520 : memref<5x80xi32, #tpu.memory_space<vmem>>)
      %dma_start3A_528 = arith.constant 1 : i32
      %dma_start3A_529 = arith.constant 0 : i32
      %dma_start3A_530 = arith.constant 1 : i32
      %dma_start3A_531 = arith.constant 0 : i32
      %dma_start3A_532 = arith.constant 0 : i32
      %dma_start3A_533 = arith.constant 0 : i32
      %dma_start3A_534 = tpu.memref_slice %arg10[%dma_start3A_530, %dma_start3A_531, %dma_start3A_532, %dma_start3A_533] : memref<2x5x80x64xf32, #tpu.memory_space<vmem>> -> memref<1x1x80x64xf32, #tpu.memory_space<vmem>>
      %dma_start3A_535 = tpu.memref_squeeze %dma_start3A_534 : memref<1x1x80x64xf32, #tpu.memory_space<vmem>> -> memref<80x64xf32, #tpu.memory_space<vmem>>
      %dma_start3A_536 = arith.constant 0 : i32
      %dma_start3A_537 = tpu.memref_slice %arg8[%dma_start3A_528, %dma_start3A_529, %dma_start3A_536] : memref<2x5x80xi32, #tpu.memory_space<vmem>> -> memref<1x1x80xi32, #tpu.memory_space<vmem>>
      %dma_start3A_538 = tpu.memref_squeeze %dma_start3A_537 : memref<1x1x80xi32, #tpu.memory_space<vmem>> -> memref<80xi32, #tpu.memory_space<vmem>>
      %dma_start3A_539 = arith.constant 0 : i32
      %dma_start3A_540 = arith.constant 0 : i32
      %dma_start3A_541 = tpu.memref_slice %arg2[%arg0, %dma_start3A_539, %dma_start3A_540] : memref<2x10240x64xf32, #tpu.memory_space<hbm>> -> memref<1x10240x64xf32, #tpu.memory_space<hbm>>
      %dma_start3A_542 = tpu.memref_squeeze %dma_start3A_541 : memref<1x10240x64xf32, #tpu.memory_space<hbm>> -> memref<10240x64xf32, #tpu.memory_space<hbm>>
      %dma_start3A_543 = arith.constant 0 : i32
      %dma_start3A_544 = arith.constant 0 : i32
      %dma_start3A_545 = tpu.memref_slice %dma_start3A_542[%dma_start3A_543, %dma_start3A_544] : memref<10240x64xf32, #tpu.memory_space<hbm>> -> memref<10240x64xf32, #tpu.memory_space<hbm>>
      tpu.enqueue_indirect_dma source(%dma_start3A_545 : memref<10240x64xf32, #tpu.memory_space<hbm>>) target(%dma_start3A_535 : memref<80x64xf32, #tpu.memory_space<vmem>>) offsets(%dma_start3A_538 : memref<80xi32, #tpu.memory_space<vmem>>) semaphore(%arg15 : memref<!tpu.dma_semaphore, #tpu.memory_space<semaphore_mem>>)
      %dma_start3A_546 = arith.constant 1 : i32
      %dma_start3A_547 = arith.constant 1 : i32
      %dma_start3A_548 = arith.constant 1 : i32
      %dma_start3A_549 = arith.constant 1 : i32
      %dma_start3A_550 = arith.constant 0 : i32
      %dma_start3A_551 = arith.constant 0 : i32
      %dma_start3A_552 = tpu.memref_slice %arg10[%dma_start3A_548, %dma_start3A_549, %dma_start3A_550, %dma_start3A_551] : memref<2x5x80x64xf32, #tpu.memory_space<vmem>> -> memref<1x1x80x64xf32, #tpu.memory_space<vmem>>
      %dma_start3A_553 = tpu.memref_squeeze %dma_start3A_552 : memref<1x1x80x64xf32, #tpu.memory_space<vmem>> -> memref<80x64xf32, #tpu.memory_space<vmem>>
      %dma_start3A_554 = arith.constant 0 : i32
      %dma_start3A_555 = tpu.memref_slice %arg8[%dma_start3A_546, %dma_start3A_547, %dma_start3A_554] : memref<2x5x80xi32, #tpu.memory_space<vmem>> -> memref<1x1x80xi32, #tpu.memory_space<vmem>>
      %dma_start3A_556 = tpu.memref_squeeze %dma_start3A_555 : memref<1x1x80xi32, #tpu.memory_space<vmem>> -> memref<80xi32, #tpu.memory_space<vmem>>
      %dma_start3A_557 = arith.constant 0 : i32
      %dma_start3A_558 = arith.constant 0 : i32
      %dma_start3A_559 = tpu.memref_slice %arg2[%arg0, %dma_start3A_557, %dma_start3A_558] : memref<2x10240x64xf32, #tpu.memory_space<hbm>> -> memref<1x10240x64xf32, #tpu.memory_space<hbm>>
      %dma_start3A_560 = tpu.memref_squeeze %dma_start3A_559 : memref<1x10240x64xf32, #tpu.memory_space<hbm>> -> memref<10240x64xf32, #tpu.memory_space<hbm>>
      %dma_start3A_561 = arith.constant 0 : i32
      %dma_start3A_562 = arith.constant 0 : i32
      %dma_start3A_563 = tpu.memref_slice %dma_start3A_560[%dma_start3A_561, %dma_start3A_562] : memref<10240x64xf32, #tpu.memory_space<hbm>> -> memref<10240x64xf32, #tpu.memory_space<hbm>>
      tpu.enqueue_indirect_dma source(%dma_start3A_563 : memref<10240x64xf32, #tpu.memory_space<hbm>>) target(%dma_start3A_553 : memref<80x64xf32, #tpu.memory_space<vmem>>) offsets(%dma_start3A_556 : memref<80xi32, #tpu.memory_space<vmem>>) semaphore(%arg15 : memref<!tpu.dma_semaphore, #tpu.memory_space<semaphore_mem>>)
      %dma_start3A_564 = arith.constant 1 : i32
      %dma_start3A_565 = arith.constant 2 : i32
      %dma_start3A_566 = arith.constant 1 : i32
      %dma_start3A_567 = arith.constant 2 : i32
      %dma_start3A_568 = arith.constant 0 : i32
      %dma_start3A_569 = arith.constant 0 : i32
      %dma_start3A_570 = tpu.memref_slice %arg10[%dma_start3A_566, %dma_start3A_567, %dma_start3A_568, %dma_start3A_569] : memref<2x5x80x64xf32, #tpu.memory_space<vmem>> -> memref<1x1x80x64xf32, #tpu.memory_space<vmem>>
      %dma_start3A_571 = tpu.memref_squeeze %dma_start3A_570 : memref<1x1x80x64xf32, #tpu.memory_space<vmem>> -> memref<80x64xf32, #tpu.memory_space<vmem>>
      %dma_start3A_572 = arith.constant 0 : i32
      %dma_start3A_573 = tpu.memref_slice %arg8[%dma_start3A_564, %dma_start3A_565, %dma_start3A_572] : memref<2x5x80xi32, #tpu.memory_space<vmem>> -> memref<1x1x80xi32, #tpu.memory_space<vmem>>
      %dma_start3A_574 = tpu.memref_squeeze %dma_start3A_573 : memref<1x1x80xi32, #tpu.memory_space<vmem>> -> memref<80xi32, #tpu.memory_space<vmem>>
      %dma_start3A_575 = arith.constant 0 : i32
      %dma_start3A_576 = arith.constant 0 : i32
      %dma_start3A_577 = tpu.memref_slice %arg2[%arg0, %dma_start3A_575, %dma_start3A_576] : memref<2x10240x64xf32, #tpu.memory_space<hbm>> -> memref<1x10240x64xf32, #tpu.memory_space<hbm>>
      %dma_start3A_578 = tpu.memref_squeeze %dma_start3A_577 : memref<1x10240x64xf32, #tpu.memory_space<hbm>> -> memref<10240x64xf32, #tpu.memory_space<hbm>>
      %dma_start3A_579 = arith.constant 0 : i32
      %dma_start3A_580 = arith.constant 0 : i32
      %dma_start3A_581 = tpu.memref_slice %dma_start3A_578[%dma_start3A_579, %dma_start3A_580] : memref<10240x64xf32, #tpu.memory_space<hbm>> -> memref<10240x64xf32, #tpu.memory_space<hbm>>
      tpu.enqueue_indirect_dma source(%dma_start3A_581 : memref<10240x64xf32, #tpu.memory_space<hbm>>) target(%dma_start3A_571 : memref<80x64xf32, #tpu.memory_space<vmem>>) offsets(%dma_start3A_574 : memref<80xi32, #tpu.memory_space<vmem>>) semaphore(%arg15 : memref<!tpu.dma_semaphore, #tpu.memory_space<semaphore_mem>>)
      %dma_start3A_582 = arith.constant 1 : i32
      %dma_start3A_583 = arith.constant 3 : i32
      %dma_start3A_584 = arith.constant 1 : i32
      %dma_start3A_585 = arith.constant 3 : i32
      %dma_start3A_586 = arith.constant 0 : i32
      %dma_start3A_587 = arith.constant 0 : i32
      %dma_start3A_588 = tpu.memref_slice %arg10[%dma_start3A_584, %dma_start3A_585, %dma_start3A_586, %dma_start3A_587] : memref<2x5x80x64xf32, #tpu.memory_space<vmem>> -> memref<1x1x80x64xf32, #tpu.memory_space<vmem>>
      %dma_start3A_589 = tpu.memref_squeeze %dma_start3A_588 : memref<1x1x80x64xf32, #tpu.memory_space<vmem>> -> memref<80x64xf32, #tpu.memory_space<vmem>>
      %dma_start3A_590 = arith.constant 0 : i32
      %dma_start3A_591 = tpu.memref_slice %arg8[%dma_start3A_582, %dma_start3A_583, %dma_start3A_590] : memref<2x5x80xi32, #tpu.memory_space<vmem>> -> memref<1x1x80xi32, #tpu.memory_space<vmem>>
      %dma_start3A_592 = tpu.memref_squeeze %dma_start3A_591 : memref<1x1x80xi32, #tpu.memory_space<vmem>> -> memref<80xi32, #tpu.memory_space<vmem>>
      %dma_start3A_593 = arith.constant 0 : i32
      %dma_start3A_594 = arith.constant 0 : i32
      %dma_start3A_595 = tpu.memref_slice %arg2[%arg0, %dma_start3A_593, %dma_start3A_594] : memref<2x10240x64xf32, #tpu.memory_space<hbm>> -> memref<1x10240x64xf32, #tpu.memory_space<hbm>>
      %dma_start3A_596 = tpu.memref_squeeze %dma_start3A_595 : memref<1x10240x64xf32, #tpu.memory_space<hbm>> -> memref<10240x64xf32, #tpu.memory_space<hbm>>
      %dma_start3A_597 = arith.constant 0 : i32
      %dma_start3A_598 = arith.constant 0 : i32
      %dma_start3A_599 = tpu.memref_slice %dma_start3A_596[%dma_start3A_597, %dma_start3A_598] : memref<10240x64xf32, #tpu.memory_space<hbm>> -> memref<10240x64xf32, #tpu.memory_space<hbm>>
      tpu.enqueue_indirect_dma source(%dma_start3A_599 : memref<10240x64xf32, #tpu.memory_space<hbm>>) target(%dma_start3A_589 : memref<80x64xf32, #tpu.memory_space<vmem>>) offsets(%dma_start3A_592 : memref<80xi32, #tpu.memory_space<vmem>>) semaphore(%arg15 : memref<!tpu.dma_semaphore, #tpu.memory_space<semaphore_mem>>)
      %dma_start3A_600 = arith.constant 1 : i32
      %dma_start3A_601 = arith.constant 4 : i32
      %dma_start3A_602 = arith.constant 1 : i32
      %dma_start3A_603 = arith.constant 4 : i32
      %dma_start3A_604 = arith.constant 0 : i32
      %dma_start3A_605 = arith.constant 0 : i32
      %dma_start3A_606 = tpu.memref_slice %arg10[%dma_start3A_602, %dma_start3A_603, %dma_start3A_604, %dma_start3A_605] : memref<2x5x80x64xf32, #tpu.memory_space<vmem>> -> memref<1x1x80x64xf32, #tpu.memory_space<vmem>>
      %dma_start3A_607 = tpu.memref_squeeze %dma_start3A_606 : memref<1x1x80x64xf32, #tpu.memory_space<vmem>> -> memref<80x64xf32, #tpu.memory_space<vmem>>
      %dma_start3A_608 = arith.constant 0 : i32
      %dma_start3A_609 = tpu.memref_slice %arg8[%dma_start3A_600, %dma_start3A_601, %dma_start3A_608] : memref<2x5x80xi32, #tpu.memory_space<vmem>> -> memref<1x1x80xi32, #tpu.memory_space<vmem>>
      %dma_start3A_610 = tpu.memref_squeeze %dma_start3A_609 : memref<1x1x80xi32, #tpu.memory_space<vmem>> -> memref<80xi32, #tpu.memory_space<vmem>>
      %dma_start3A_611 = arith.constant 0 : i32
      %dma_start3A_612 = arith.constant 0 : i32
      %dma_start3A_613 = tpu.memref_slice %arg2[%arg0, %dma_start3A_611, %dma_start3A_612] : memref<2x10240x64xf32, #tpu.memory_space<hbm>> -> memref<1x10240x64xf32, #tpu.memory_space<hbm>>
      %dma_start3A_614 = tpu.memref_squeeze %dma_start3A_613 : memref<1x10240x64xf32, #tpu.memory_space<hbm>> -> memref<10240x64xf32, #tpu.memory_space<hbm>>
      %dma_start3A_615 = arith.constant 0 : i32
      %dma_start3A_616 = arith.constant 0 : i32
      %dma_start3A_617 = tpu.memref_slice %dma_start3A_614[%dma_start3A_615, %dma_start3A_616] : memref<10240x64xf32, #tpu.memory_space<hbm>> -> memref<10240x64xf32, #tpu.memory_space<hbm>>
      tpu.enqueue_indirect_dma source(%dma_start3A_617 : memref<10240x64xf32, #tpu.memory_space<hbm>>) target(%dma_start3A_607 : memref<80x64xf32, #tpu.memory_space<vmem>>) offsets(%dma_start3A_610 : memref<80xi32, #tpu.memory_space<vmem>>) semaphore(%arg15 : memref<!tpu.dma_semaphore, #tpu.memory_space<semaphore_mem>>)
      %dma_wait3A_618 = arith.constant 0 : i32
      %dma_wait3A_619 = arith.constant 0 : i32
      %dma_wait3A_620 = arith.constant 0 : i32
      %dma_wait3A_621 = arith.constant 0 : i32
      %dma_wait3A_622 = arith.constant 0 : i32
      %dma_wait3A_623 = arith.constant 0 : i32
      %dma_wait3A_624 = tpu.memref_slice %arg10[%dma_wait3A_618, %dma_wait3A_619, %dma_wait3A_622, %dma_wait3A_623] : memref<2x5x80x64xf32, #tpu.memory_space<vmem>> -> memref<1x1x80x64xf32, #tpu.memory_space<vmem>>
      %dma_wait3A_625 = tpu.memref_squeeze %dma_wait3A_624 : memref<1x1x80x64xf32, #tpu.memory_space<vmem>> -> memref<80x64xf32, #tpu.memory_space<vmem>>
      %dma_wait3A_626 = arith.constant 0 : i32
      %dma_wait3A_627 = tpu.memref_slice %arg9[%dma_wait3A_620, %dma_wait3A_621, %dma_wait3A_626] : memref<2x5x80xi32, #tpu.memory_space<vmem>> -> memref<1x1x80xi32, #tpu.memory_space<vmem>>
      %dma_wait3A_628 = tpu.memref_squeeze %dma_wait3A_627 : memref<1x1x80xi32, #tpu.memory_space<vmem>> -> memref<80xi32, #tpu.memory_space<vmem>>
      %dma_wait3A_629 = arith.constant 0 : i32
      %dma_wait3A_630 = arith.constant 0 : i32
      %dma_wait3A_631 = tpu.memref_slice %arg11[%dma_wait3A_629, %dma_wait3A_630] : memref<10240x64xf32, #tpu.memory_space<vmem_shared>> -> memref<10240x64xf32, #tpu.memory_space<vmem_shared>>
      tpu.wait_indirect_dma semaphore(%arg16 : memref<!tpu.dma_semaphore, #tpu.memory_space<semaphore_mem>>) src(%dma_wait3A_625 : memref<80x64xf32, #tpu.memory_space<vmem>>) dst(%dma_wait3A_631 : memref<10240x64xf32, #tpu.memory_space<vmem_shared>>)
      %dma_wait3A_632 = arith.constant 0 : i32
      %dma_wait3A_633 = arith.constant 1 : i32
      %dma_wait3A_634 = arith.constant 0 : i32
      %dma_wait3A_635 = arith.constant 0 : i32
      %dma_wait3A_636 = arith.constant 0 : i32
      %dma_wait3A_637 = arith.constant 0 : i32
      %dma_wait3A_638 = tpu.memref_slice %arg10[%dma_wait3A_632, %dma_wait3A_633, %dma_wait3A_636, %dma_wait3A_637] : memref<2x5x80x64xf32, #tpu.memory_space<vmem>> -> memref<1x1x80x64xf32, #tpu.memory_space<vmem>>
      %dma_wait3A_639 = tpu.memref_squeeze %dma_wait3A_638 : memref<1x1x80x64xf32, #tpu.memory_space<vmem>> -> memref<80x64xf32, #tpu.memory_space<vmem>>
      %dma_wait3A_640 = arith.constant 0 : i32
      %dma_wait3A_641 = tpu.memref_slice %arg9[%dma_wait3A_634, %dma_wait3A_635, %dma_wait3A_640] : memref<2x5x80xi32, #tpu.memory_space<vmem>> -> memref<1x1x80xi32, #tpu.memory_space<vmem>>
      %dma_wait3A_642 = tpu.memref_squeeze %dma_wait3A_641 : memref<1x1x80xi32, #tpu.memory_space<vmem>> -> memref<80xi32, #tpu.memory_space<vmem>>
      %dma_wait3A_643 = arith.constant 0 : i32
      %dma_wait3A_644 = arith.constant 0 : i32
      %dma_wait3A_645 = tpu.memref_slice %arg11[%dma_wait3A_643, %dma_wait3A_644] : memref<10240x64xf32, #tpu.memory_space<vmem_shared>> -> memref<10240x64xf32, #tpu.memory_space<vmem_shared>>
      tpu.wait_indirect_dma semaphore(%arg16 : memref<!tpu.dma_semaphore, #tpu.memory_space<semaphore_mem>>) src(%dma_wait3A_639 : memref<80x64xf32, #tpu.memory_space<vmem>>) dst(%dma_wait3A_645 : memref<10240x64xf32, #tpu.memory_space<vmem_shared>>)
      %dma_wait3A_646 = arith.constant 0 : i32
      %dma_wait3A_647 = arith.constant 2 : i32
      %dma_wait3A_648 = arith.constant 0 : i32
      %dma_wait3A_649 = arith.constant 0 : i32
      %dma_wait3A_650 = arith.constant 0 : i32
      %dma_wait3A_651 = arith.constant 0 : i32
      %dma_wait3A_652 = tpu.memref_slice %arg10[%dma_wait3A_646, %dma_wait3A_647, %dma_wait3A_650, %dma_wait3A_651] : memref<2x5x80x64xf32, #tpu.memory_space<vmem>> -> memref<1x1x80x64xf32, #tpu.memory_space<vmem>>
      %dma_wait3A_653 = tpu.memref_squeeze %dma_wait3A_652 : memref<1x1x80x64xf32, #tpu.memory_space<vmem>> -> memref<80x64xf32, #tpu.memory_space<vmem>>
      %dma_wait3A_654 = arith.constant 0 : i32
      %dma_wait3A_655 = tpu.memref_slice %arg9[%dma_wait3A_648, %dma_wait3A_649, %dma_wait3A_654] : memref<2x5x80xi32, #tpu.memory_space<vmem>> -> memref<1x1x80xi32, #tpu.memory_space<vmem>>
      %dma_wait3A_656 = tpu.memref_squeeze %dma_wait3A_655 : memref<1x1x80xi32, #tpu.memory_space<vmem>> -> memref<80xi32, #tpu.memory_space<vmem>>
      %dma_wait3A_657 = arith.constant 0 : i32
      %dma_wait3A_658 = arith.constant 0 : i32
      %dma_wait3A_659 = tpu.memref_slice %arg11[%dma_wait3A_657, %dma_wait3A_658] : memref<10240x64xf32, #tpu.memory_space<vmem_shared>> -> memref<10240x64xf32, #tpu.memory_space<vmem_shared>>
      tpu.wait_indirect_dma semaphore(%arg16 : memref<!tpu.dma_semaphore, #tpu.memory_space<semaphore_mem>>) src(%dma_wait3A_653 : memref<80x64xf32, #tpu.memory_space<vmem>>) dst(%dma_wait3A_659 : memref<10240x64xf32, #tpu.memory_space<vmem_shared>>)
      %dma_wait3A_660 = arith.constant 0 : i32
      %dma_wait3A_661 = arith.constant 3 : i32
      %dma_wait3A_662 = arith.constant 0 : i32
      %dma_wait3A_663 = arith.constant 0 : i32
      %dma_wait3A_664 = arith.constant 0 : i32
      %dma_wait3A_665 = arith.constant 0 : i32
      %dma_wait3A_666 = tpu.memref_slice %arg10[%dma_wait3A_660, %dma_wait3A_661, %dma_wait3A_664, %dma_wait3A_665] : memref<2x5x80x64xf32, #tpu.memory_space<vmem>> -> memref<1x1x80x64xf32, #tpu.memory_space<vmem>>
      %dma_wait3A_667 = tpu.memref_squeeze %dma_wait3A_666 : memref<1x1x80x64xf32, #tpu.memory_space<vmem>> -> memref<80x64xf32, #tpu.memory_space<vmem>>
      %dma_wait3A_668 = arith.constant 0 : i32
      %dma_wait3A_669 = tpu.memref_slice %arg9[%dma_wait3A_662, %dma_wait3A_663, %dma_wait3A_668] : memref<2x5x80xi32, #tpu.memory_space<vmem>> -> memref<1x1x80xi32, #tpu.memory_space<vmem>>
      %dma_wait3A_670 = tpu.memref_squeeze %dma_wait3A_669 : memref<1x1x80xi32, #tpu.memory_space<vmem>> -> memref<80xi32, #tpu.memory_space<vmem>>
      %dma_wait3A_671 = arith.constant 0 : i32
      %dma_wait3A_672 = arith.constant 0 : i32
      %dma_wait3A_673 = tpu.memref_slice %arg11[%dma_wait3A_671, %dma_wait3A_672] : memref<10240x64xf32, #tpu.memory_space<vmem_shared>> -> memref<10240x64xf32, #tpu.memory_space<vmem_shared>>
      tpu.wait_indirect_dma semaphore(%arg16 : memref<!tpu.dma_semaphore, #tpu.memory_space<semaphore_mem>>) src(%dma_wait3A_667 : memref<80x64xf32, #tpu.memory_space<vmem>>) dst(%dma_wait3A_673 : memref<10240x64xf32, #tpu.memory_space<vmem_shared>>)
      %dma_wait3A_674 = arith.constant 0 : i32
      %dma_wait3A_675 = arith.constant 4 : i32
      %dma_wait3A_676 = arith.constant 0 : i32
      %dma_wait3A_677 = arith.constant 0 : i32
      %dma_wait3A_678 = arith.constant 0 : i32
      %dma_wait3A_679 = arith.constant 0 : i32
      %dma_wait3A_680 = tpu.memref_slice %arg10[%dma_wait3A_674, %dma_wait3A_675, %dma_wait3A_678, %dma_wait3A_679] : memref<2x5x80x64xf32, #tpu.memory_space<vmem>> -> memref<1x1x80x64xf32, #tpu.memory_space<vmem>>
      %dma_wait3A_681 = tpu.memref_squeeze %dma_wait3A_680 : memref<1x1x80x64xf32, #tpu.memory_space<vmem>> -> memref<80x64xf32, #tpu.memory_space<vmem>>
      %dma_wait3A_682 = arith.constant 0 : i32
      %dma_wait3A_683 = tpu.memref_slice %arg9[%dma_wait3A_676, %dma_wait3A_677, %dma_wait3A_682] : memref<2x5x80xi32, #tpu.memory_space<vmem>> -> memref<1x1x80xi32, #tpu.memory_space<vmem>>
      %dma_wait3A_684 = tpu.memref_squeeze %dma_wait3A_683 : memref<1x1x80xi32, #tpu.memory_space<vmem>> -> memref<80xi32, #tpu.memory_space<vmem>>
      %dma_wait3A_685 = arith.constant 0 : i32
      %dma_wait3A_686 = arith.constant 0 : i32
      %dma_wait3A_687 = tpu.memref_slice %arg11[%dma_wait3A_685, %dma_wait3A_686] : memref<10240x64xf32, #tpu.memory_space<vmem_shared>> -> memref<10240x64xf32, #tpu.memory_space<vmem_shared>>
      tpu.wait_indirect_dma semaphore(%arg16 : memref<!tpu.dma_semaphore, #tpu.memory_space<semaphore_mem>>) src(%dma_wait3A_681 : memref<80x64xf32, #tpu.memory_space<vmem>>) dst(%dma_wait3A_687 : memref<10240x64xf32, #tpu.memory_space<vmem_shared>>)
      %lt3A = arith.constant 24 : i32
      %lt3A_688 = arith.cmpi slt, %scan3A_130, %lt3A : i32
      %convert_element_type3A_689 = arith.extui %lt3A_688 : i1 to i32
      %cond3A_690 = arith.constant 0 : i32
      %cond3A_691 = arith.cmpi ne, %convert_element_type3A_689, %cond3A_690 : i32
      scf.if %cond3A_691 {
        %add3A_852 = arith.constant 2 : i32
        %add3A_853 = arith.addi %mul3A_132, %add3A_852 : i32
        %mul3A_854 = arith.constant 5 : i32
        %mul3A_855 = arith.muli %add3A_853, %mul3A_854 : i32
        %dma_start3A_856 = arith.constant 0 : i32
        %dma_start3A_857 = arith.constant 0 : i32
        %dma_start3A_858 = arith.constant 0 : i32
        %dma_start3A_859 = tpu.memref_slice %arg8[%dma_start3A_856, %dma_start3A_857, %dma_start3A_858] : memref<2x5x80xi32, #tpu.memory_space<vmem>> -> memref<1x5x80xi32, #tpu.memory_space<vmem>>
        %dma_start3A_860 = tpu.memref_squeeze %dma_start3A_859 : memref<1x5x80xi32, #tpu.memory_space<vmem>> -> memref<5x80xi32, #tpu.memory_space<vmem>>
        %dma_start3A_861 = arith.constant 0 : i32
        %dma_start3A_862 = arith.constant 0 : i32
        %dma_start3A_863 = tpu.memref_slice %arg3[%arg1, %dma_start3A_861, %dma_start3A_862] : memref<16x250x80xi32, #tpu.memory_space<hbm>> -> memref<1x250x80xi32, #tpu.memory_space<hbm>>
        %dma_start3A_864 = tpu.memref_squeeze %dma_start3A_863 : memref<1x250x80xi32, #tpu.memory_space<hbm>> -> memref<250x80xi32, #tpu.memory_space<hbm>>
        %dma_start3A_865 = arith.constant 0 : i32
        %dma_start3A_866 = tpu.memref_slice %dma_start3A_864[%mul3A_855, %dma_start3A_865] : memref<250x80xi32, #tpu.memory_space<hbm>> -> memref<5x80xi32, #tpu.memory_space<hbm>>
        %dma_start3A_867 = arith.constant 0 : i32
        %dma_start3A_868 = arith.constant 0 : i32
        %dma_start3A_869 = tpu.memref_slice %arg8[%dma_start3A_856, %dma_start3A_867, %dma_start3A_868] : memref<2x5x80xi32, #tpu.memory_space<vmem>> -> memref<1x5x80xi32, #tpu.memory_space<vmem>>
        %dma_start3A_870 = tpu.memref_squeeze %dma_start3A_869 : memref<1x5x80xi32, #tpu.memory_space<vmem>> -> memref<5x80xi32, #tpu.memory_space<vmem>>
        %dma_start3A_871 = arith.constant 0 : i32
        %dma_start3A_872 = arith.constant 0 : i32
        %dma_start3A_873 = tpu.memref_slice %arg3[%arg1, %dma_start3A_871, %dma_start3A_872] : memref<16x250x80xi32, #tpu.memory_space<hbm>> -> memref<1x250x80xi32, #tpu.memory_space<hbm>>
        %dma_start3A_874 = tpu.memref_squeeze %dma_start3A_873 : memref<1x250x80xi32, #tpu.memory_space<hbm>> -> memref<250x80xi32, #tpu.memory_space<hbm>>
        %dma_start3A_875 = arith.constant 0 : i32
        %dma_start3A_876 = tpu.memref_slice %dma_start3A_874[%mul3A_855, %dma_start3A_875] : memref<250x80xi32, #tpu.memory_space<hbm>> -> memref<5x80xi32, #tpu.memory_space<hbm>>
        tpu.enqueue_dma source(%dma_start3A_876 : memref<5x80xi32, #tpu.memory_space<hbm>>) target(%dma_start3A_870 : memref<5x80xi32, #tpu.memory_space<vmem>>) target_semaphore(%arg12 : memref<!tpu.dma_semaphore, #tpu.memory_space<semaphore_mem>>)
        %mul3A_877 = arith.constant 5 : i32
        %mul3A_878 = arith.muli %add3A_853, %mul3A_877 : i32
        %dma_start3A_879 = arith.constant 0 : i32
        %dma_start3A_880 = arith.constant 0 : i32
        %dma_start3A_881 = arith.constant 0 : i32
        %dma_start3A_882 = tpu.memref_slice %arg9[%dma_start3A_879, %dma_start3A_880, %dma_start3A_881] : memref<2x5x80xi32, #tpu.memory_space<vmem>> -> memref<1x5x80xi32, #tpu.memory_space<vmem>>
        %dma_start3A_883 = tpu.memref_squeeze %dma_start3A_882 : memref<1x5x80xi32, #tpu.memory_space<vmem>> -> memref<5x80xi32, #tpu.memory_space<vmem>>
        %dma_start3A_884 = arith.constant 0 : i32
        %dma_start3A_885 = arith.constant 0 : i32
        %dma_start3A_886 = tpu.memref_slice %arg4[%arg1, %dma_start3A_884, %dma_start3A_885] : memref<16x250x80xi32, #tpu.memory_space<hbm>> -> memref<1x250x80xi32, #tpu.memory_space<hbm>>
        %dma_start3A_887 = tpu.memref_squeeze %dma_start3A_886 : memref<1x250x80xi32, #tpu.memory_space<hbm>> -> memref<250x80xi32, #tpu.memory_space<hbm>>
        %dma_start3A_888 = arith.constant 0 : i32
        %dma_start3A_889 = tpu.memref_slice %dma_start3A_887[%mul3A_878, %dma_start3A_888] : memref<250x80xi32, #tpu.memory_space<hbm>> -> memref<5x80xi32, #tpu.memory_space<hbm>>
        %dma_start3A_890 = arith.constant 0 : i32
        %dma_start3A_891 = arith.constant 0 : i32
        %dma_start3A_892 = tpu.memref_slice %arg9[%dma_start3A_879, %dma_start3A_890, %dma_start3A_891] : memref<2x5x80xi32, #tpu.memory_space<vmem>> -> memref<1x5x80xi32, #tpu.memory_space<vmem>>
        %dma_start3A_893 = tpu.memref_squeeze %dma_start3A_892 : memref<1x5x80xi32, #tpu.memory_space<vmem>> -> memref<5x80xi32, #tpu.memory_space<vmem>>
        %dma_start3A_894 = arith.constant 0 : i32
        %dma_start3A_895 = arith.constant 0 : i32
        %dma_start3A_896 = tpu.memref_slice %arg4[%arg1, %dma_start3A_894, %dma_start3A_895] : memref<16x250x80xi32, #tpu.memory_space<hbm>> -> memref<1x250x80xi32, #tpu.memory_space<hbm>>
        %dma_start3A_897 = tpu.memref_squeeze %dma_start3A_896 : memref<1x250x80xi32, #tpu.memory_space<hbm>> -> memref<250x80xi32, #tpu.memory_space<hbm>>
        %dma_start3A_898 = arith.constant 0 : i32
        %dma_start3A_899 = tpu.memref_slice %dma_start3A_897[%mul3A_878, %dma_start3A_898] : memref<250x80xi32, #tpu.memory_space<hbm>> -> memref<5x80xi32, #tpu.memory_space<hbm>>
        tpu.enqueue_dma source(%dma_start3A_899 : memref<5x80xi32, #tpu.memory_space<hbm>>) target(%dma_start3A_893 : memref<5x80xi32, #tpu.memory_space<vmem>>) target_semaphore(%arg12 : memref<!tpu.dma_semaphore, #tpu.memory_space<semaphore_mem>>)
      } else {
      }
      %dma_wait3A_692 = arith.constant 1 : i32
      %dma_wait3A_693 = arith.constant 0 : i32
      %dma_wait3A_694 = arith.constant 1 : i32
      %dma_wait3A_695 = arith.constant 0 : i32
      %dma_wait3A_696 = arith.constant 0 : i32
      %dma_wait3A_697 = arith.constant 0 : i32
      %dma_wait3A_698 = tpu.memref_slice %arg10[%dma_wait3A_694, %dma_wait3A_695, %dma_wait3A_696, %dma_wait3A_697] : memref<2x5x80x64xf32, #tpu.memory_space<vmem>> -> memref<1x1x80x64xf32, #tpu.memory_space<vmem>>
      %dma_wait3A_699 = tpu.memref_squeeze %dma_wait3A_698 : memref<1x1x80x64xf32, #tpu.memory_space<vmem>> -> memref<80x64xf32, #tpu.memory_space<vmem>>
      %dma_wait3A_700 = arith.constant 0 : i32
      %dma_wait3A_701 = tpu.memref_slice %arg8[%dma_wait3A_692, %dma_wait3A_693, %dma_wait3A_700] : memref<2x5x80xi32, #tpu.memory_space<vmem>> -> memref<1x1x80xi32, #tpu.memory_space<vmem>>
      %dma_wait3A_702 = tpu.memref_squeeze %dma_wait3A_701 : memref<1x1x80xi32, #tpu.memory_space<vmem>> -> memref<80xi32, #tpu.memory_space<vmem>>
      %dma_wait3A_703 = arith.constant 0 : i32
      %dma_wait3A_704 = arith.constant 0 : i32
      %dma_wait3A_705 = tpu.memref_slice %arg2[%arg0, %dma_wait3A_703, %dma_wait3A_704] : memref<2x10240x64xf32, #tpu.memory_space<hbm>> -> memref<1x10240x64xf32, #tpu.memory_space<hbm>>
      %dma_wait3A_706 = tpu.memref_squeeze %dma_wait3A_705 : memref<1x10240x64xf32, #tpu.memory_space<hbm>> -> memref<10240x64xf32, #tpu.memory_space<hbm>>
      %dma_wait3A_707 = arith.constant 0 : i32
      %dma_wait3A_708 = arith.constant 0 : i32
      %dma_wait3A_709 = tpu.memref_slice %dma_wait3A_706[%dma_wait3A_707, %dma_wait3A_708] : memref<10240x64xf32, #tpu.memory_space<hbm>> -> memref<10240x64xf32, #tpu.memory_space<hbm>>
      tpu.wait_indirect_dma semaphore(%arg15 : memref<!tpu.dma_semaphore, #tpu.memory_space<semaphore_mem>>) src(%dma_wait3A_709 : memref<10240x64xf32, #tpu.memory_space<hbm>>) dst(%dma_wait3A_699 : memref<80x64xf32, #tpu.memory_space<vmem>>)
      %dma_wait3A_710 = arith.constant 1 : i32
      %dma_wait3A_711 = arith.constant 0 : i32
      %dma_wait3A_712 = arith.constant 1 : i32
      %dma_wait3A_713 = arith.constant 1 : i32
      %dma_wait3A_714 = arith.constant 0 : i32
      %dma_wait3A_715 = arith.constant 0 : i32
      %dma_wait3A_716 = tpu.memref_slice %arg10[%dma_wait3A_712, %dma_wait3A_713, %dma_wait3A_714, %dma_wait3A_715] : memref<2x5x80x64xf32, #tpu.memory_space<vmem>> -> memref<1x1x80x64xf32, #tpu.memory_space<vmem>>
      %dma_wait3A_717 = tpu.memref_squeeze %dma_wait3A_716 : memref<1x1x80x64xf32, #tpu.memory_space<vmem>> -> memref<80x64xf32, #tpu.memory_space<vmem>>
      %dma_wait3A_718 = arith.constant 0 : i32
      %dma_wait3A_719 = tpu.memref_slice %arg8[%dma_wait3A_710, %dma_wait3A_711, %dma_wait3A_718] : memref<2x5x80xi32, #tpu.memory_space<vmem>> -> memref<1x1x80xi32, #tpu.memory_space<vmem>>
      %dma_wait3A_720 = tpu.memref_squeeze %dma_wait3A_719 : memref<1x1x80xi32, #tpu.memory_space<vmem>> -> memref<80xi32, #tpu.memory_space<vmem>>
      %dma_wait3A_721 = arith.constant 0 : i32
      %dma_wait3A_722 = arith.constant 0 : i32
      %dma_wait3A_723 = tpu.memref_slice %arg2[%arg0, %dma_wait3A_721, %dma_wait3A_722] : memref<2x10240x64xf32, #tpu.memory_space<hbm>> -> memref<1x10240x64xf32, #tpu.memory_space<hbm>>
      %dma_wait3A_724 = tpu.memref_squeeze %dma_wait3A_723 : memref<1x10240x64xf32, #tpu.memory_space<hbm>> -> memref<10240x64xf32, #tpu.memory_space<hbm>>
      %dma_wait3A_725 = arith.constant 0 : i32
      %dma_wait3A_726 = arith.constant 0 : i32
      %dma_wait3A_727 = tpu.memref_slice %dma_wait3A_724[%dma_wait3A_725, %dma_wait3A_726] : memref<10240x64xf32, #tpu.memory_space<hbm>> -> memref<10240x64xf32, #tpu.memory_space<hbm>>
      tpu.wait_indirect_dma semaphore(%arg15 : memref<!tpu.dma_semaphore, #tpu.memory_space<semaphore_mem>>) src(%dma_wait3A_727 : memref<10240x64xf32, #tpu.memory_space<hbm>>) dst(%dma_wait3A_717 : memref<80x64xf32, #tpu.memory_space<vmem>>)
      %dma_wait3A_728 = arith.constant 1 : i32
      %dma_wait3A_729 = arith.constant 0 : i32
      %dma_wait3A_730 = arith.constant 1 : i32
      %dma_wait3A_731 = arith.constant 2 : i32
      %dma_wait3A_732 = arith.constant 0 : i32
      %dma_wait3A_733 = arith.constant 0 : i32
      %dma_wait3A_734 = tpu.memref_slice %arg10[%dma_wait3A_730, %dma_wait3A_731, %dma_wait3A_732, %dma_wait3A_733] : memref<2x5x80x64xf32, #tpu.memory_space<vmem>> -> memref<1x1x80x64xf32, #tpu.memory_space<vmem>>
      %dma_wait3A_735 = tpu.memref_squeeze %dma_wait3A_734 : memref<1x1x80x64xf32, #tpu.memory_space<vmem>> -> memref<80x64xf32, #tpu.memory_space<vmem>>
      %dma_wait3A_736 = arith.constant 0 : i32
      %dma_wait3A_737 = tpu.memref_slice %arg8[%dma_wait3A_728, %dma_wait3A_729, %dma_wait3A_736] : memref<2x5x80xi32, #tpu.memory_space<vmem>> -> memref<1x1x80xi32, #tpu.memory_space<vmem>>
      %dma_wait3A_738 = tpu.memref_squeeze %dma_wait3A_737 : memref<1x1x80xi32, #tpu.memory_space<vmem>> -> memref<80xi32, #tpu.memory_space<vmem>>
      %dma_wait3A_739 = arith.constant 0 : i32
      %dma_wait3A_740 = arith.constant 0 : i32
      %dma_wait3A_741 = tpu.memref_slice %arg2[%arg0, %dma_wait3A_739, %dma_wait3A_740] : memref<2x10240x64xf32, #tpu.memory_space<hbm>> -> memref<1x10240x64xf32, #tpu.memory_space<hbm>>
      %dma_wait3A_742 = tpu.memref_squeeze %dma_wait3A_741 : memref<1x10240x64xf32, #tpu.memory_space<hbm>> -> memref<10240x64xf32, #tpu.memory_space<hbm>>
      %dma_wait3A_743 = arith.constant 0 : i32
      %dma_wait3A_744 = arith.constant 0 : i32
      %dma_wait3A_745 = tpu.memref_slice %dma_wait3A_742[%dma_wait3A_743, %dma_wait3A_744] : memref<10240x64xf32, #tpu.memory_space<hbm>> -> memref<10240x64xf32, #tpu.memory_space<hbm>>
      tpu.wait_indirect_dma semaphore(%arg15 : memref<!tpu.dma_semaphore, #tpu.memory_space<semaphore_mem>>) src(%dma_wait3A_745 : memref<10240x64xf32, #tpu.memory_space<hbm>>) dst(%dma_wait3A_735 : memref<80x64xf32, #tpu.memory_space<vmem>>)
      %dma_wait3A_746 = arith.constant 1 : i32
      %dma_wait3A_747 = arith.constant 0 : i32
      %dma_wait3A_748 = arith.constant 1 : i32
      %dma_wait3A_749 = arith.constant 3 : i32
      %dma_wait3A_750 = arith.constant 0 : i32
      %dma_wait3A_751 = arith.constant 0 : i32
      %dma_wait3A_752 = tpu.memref_slice %arg10[%dma_wait3A_748, %dma_wait3A_749, %dma_wait3A_750, %dma_wait3A_751] : memref<2x5x80x64xf32, #tpu.memory_space<vmem>> -> memref<1x1x80x64xf32, #tpu.memory_space<vmem>>
      %dma_wait3A_753 = tpu.memref_squeeze %dma_wait3A_752 : memref<1x1x80x64xf32, #tpu.memory_space<vmem>> -> memref<80x64xf32, #tpu.memory_space<vmem>>
      %dma_wait3A_754 = arith.constant 0 : i32
      %dma_wait3A_755 = tpu.memref_slice %arg8[%dma_wait3A_746, %dma_wait3A_747, %dma_wait3A_754] : memref<2x5x80xi32, #tpu.memory_space<vmem>> -> memref<1x1x80xi32, #tpu.memory_space<vmem>>
      %dma_wait3A_756 = tpu.memref_squeeze %dma_wait3A_755 : memref<1x1x80xi32, #tpu.memory_space<vmem>> -> memref<80xi32, #tpu.memory_space<vmem>>
      %dma_wait3A_757 = arith.constant 0 : i32
      %dma_wait3A_758 = arith.constant 0 : i32
      %dma_wait3A_759 = tpu.memref_slice %arg2[%arg0, %dma_wait3A_757, %dma_wait3A_758] : memref<2x10240x64xf32, #tpu.memory_space<hbm>> -> memref<1x10240x64xf32, #tpu.memory_space<hbm>>
      %dma_wait3A_760 = tpu.memref_squeeze %dma_wait3A_759 : memref<1x10240x64xf32, #tpu.memory_space<hbm>> -> memref<10240x64xf32, #tpu.memory_space<hbm>>
      %dma_wait3A_761 = arith.constant 0 : i32
      %dma_wait3A_762 = arith.constant 0 : i32
      %dma_wait3A_763 = tpu.memref_slice %dma_wait3A_760[%dma_wait3A_761, %dma_wait3A_762] : memref<10240x64xf32, #tpu.memory_space<hbm>> -> memref<10240x64xf32, #tpu.memory_space<hbm>>
      tpu.wait_indirect_dma semaphore(%arg15 : memref<!tpu.dma_semaphore, #tpu.memory_space<semaphore_mem>>) src(%dma_wait3A_763 : memref<10240x64xf32, #tpu.memory_space<hbm>>) dst(%dma_wait3A_753 : memref<80x64xf32, #tpu.memory_space<vmem>>)
      %dma_wait3A_764 = arith.constant 1 : i32
      %dma_wait3A_765 = arith.constant 0 : i32
      %dma_wait3A_766 = arith.constant 1 : i32
      %dma_wait3A_767 = arith.constant 4 : i32
      %dma_wait3A_768 = arith.constant 0 : i32
      %dma_wait3A_769 = arith.constant 0 : i32
      %dma_wait3A_770 = tpu.memref_slice %arg10[%dma_wait3A_766, %dma_wait3A_767, %dma_wait3A_768, %dma_wait3A_769] : memref<2x5x80x64xf32, #tpu.memory_space<vmem>> -> memref<1x1x80x64xf32, #tpu.memory_space<vmem>>
      %dma_wait3A_771 = tpu.memref_squeeze %dma_wait3A_770 : memref<1x1x80x64xf32, #tpu.memory_space<vmem>> -> memref<80x64xf32, #tpu.memory_space<vmem>>
      %dma_wait3A_772 = arith.constant 0 : i32
      %dma_wait3A_773 = tpu.memref_slice %arg8[%dma_wait3A_764, %dma_wait3A_765, %dma_wait3A_772] : memref<2x5x80xi32, #tpu.memory_space<vmem>> -> memref<1x1x80xi32, #tpu.memory_space<vmem>>
      %dma_wait3A_774 = tpu.memref_squeeze %dma_wait3A_773 : memref<1x1x80xi32, #tpu.memory_space<vmem>> -> memref<80xi32, #tpu.memory_space<vmem>>
      %dma_wait3A_775 = arith.constant 0 : i32
      %dma_wait3A_776 = arith.constant 0 : i32
      %dma_wait3A_777 = tpu.memref_slice %arg2[%arg0, %dma_wait3A_775, %dma_wait3A_776] : memref<2x10240x64xf32, #tpu.memory_space<hbm>> -> memref<1x10240x64xf32, #tpu.memory_space<hbm>>
      %dma_wait3A_778 = tpu.memref_squeeze %dma_wait3A_777 : memref<1x10240x64xf32, #tpu.memory_space<hbm>> -> memref<10240x64xf32, #tpu.memory_space<hbm>>
      %dma_wait3A_779 = arith.constant 0 : i32
      %dma_wait3A_780 = arith.constant 0 : i32
      %dma_wait3A_781 = tpu.memref_slice %dma_wait3A_778[%dma_wait3A_779, %dma_wait3A_780] : memref<10240x64xf32, #tpu.memory_space<hbm>> -> memref<10240x64xf32, #tpu.memory_space<hbm>>
      tpu.wait_indirect_dma semaphore(%arg15 : memref<!tpu.dma_semaphore, #tpu.memory_space<semaphore_mem>>) src(%dma_wait3A_781 : memref<10240x64xf32, #tpu.memory_space<hbm>>) dst(%dma_wait3A_771 : memref<80x64xf32, #tpu.memory_space<vmem>>)
      %dma_start3A_782 = arith.constant 1 : i32
      %dma_start3A_783 = arith.constant 0 : i32
      %dma_start3A_784 = arith.constant 1 : i32
      %dma_start3A_785 = arith.constant 0 : i32
      %dma_start3A_786 = arith.constant 0 : i32
      %dma_start3A_787 = arith.constant 0 : i32
      %dma_start3A_788 = tpu.memref_slice %arg10[%dma_start3A_782, %dma_start3A_783, %dma_start3A_786, %dma_start3A_787] : memref<2x5x80x64xf32, #tpu.memory_space<vmem>> -> memref<1x1x80x64xf32, #tpu.memory_space<vmem>>
      %dma_start3A_789 = tpu.memref_squeeze %dma_start3A_788 : memref<1x1x80x64xf32, #tpu.memory_space<vmem>> -> memref<80x64xf32, #tpu.memory_space<vmem>>
      %dma_start3A_790 = arith.constant 0 : i32
      %dma_start3A_791 = tpu.memref_slice %arg9[%dma_start3A_784, %dma_start3A_785, %dma_start3A_790] : memref<2x5x80xi32, #tpu.memory_space<vmem>> -> memref<1x1x80xi32, #tpu.memory_space<vmem>>
      %dma_start3A_792 = tpu.memref_squeeze %dma_start3A_791 : memref<1x1x80xi32, #tpu.memory_space<vmem>> -> memref<80xi32, #tpu.memory_space<vmem>>
      %dma_start3A_793 = arith.constant 0 : i32
      %dma_start3A_794 = arith.constant 0 : i32
      %dma_start3A_795 = tpu.memref_slice %arg11[%dma_start3A_793, %dma_start3A_794] : memref<10240x64xf32, #tpu.memory_space<vmem_shared>> -> memref<10240x64xf32, #tpu.memory_space<vmem_shared>>
      tpu.enqueue_indirect_dma source(%dma_start3A_789 : memref<80x64xf32, #tpu.memory_space<vmem>>) target(%dma_start3A_795 : memref<10240x64xf32, #tpu.memory_space<vmem_shared>>) offsets(%dma_start3A_792 : memref<80xi32, #tpu.memory_space<vmem>>) semaphore(%arg17 : memref<!tpu.dma_semaphore, #tpu.memory_space<semaphore_mem>>) {add = true}
      %dma_start3A_796 = arith.constant 1 : i32
      %dma_start3A_797 = arith.constant 1 : i32
      %dma_start3A_798 = arith.constant 1 : i32
      %dma_start3A_799 = arith.constant 1 : i32
      %dma_start3A_800 = arith.constant 0 : i32
      %dma_start3A_801 = arith.constant 0 : i32
      %dma_start3A_802 = tpu.memref_slice %arg10[%dma_start3A_796, %dma_start3A_797, %dma_start3A_800, %dma_start3A_801] : memref<2x5x80x64xf32, #tpu.memory_space<vmem>> -> memref<1x1x80x64xf32, #tpu.memory_space<vmem>>
      %dma_start3A_803 = tpu.memref_squeeze %dma_start3A_802 : memref<1x1x80x64xf32, #tpu.memory_space<vmem>> -> memref<80x64xf32, #tpu.memory_space<vmem>>
      %dma_start3A_804 = arith.constant 0 : i32
      %dma_start3A_805 = tpu.memref_slice %arg9[%dma_start3A_798, %dma_start3A_799, %dma_start3A_804] : memref<2x5x80xi32, #tpu.memory_space<vmem>> -> memref<1x1x80xi32, #tpu.memory_space<vmem>>
      %dma_start3A_806 = tpu.memref_squeeze %dma_start3A_805 : memref<1x1x80xi32, #tpu.memory_space<vmem>> -> memref<80xi32, #tpu.memory_space<vmem>>
      %dma_start3A_807 = arith.constant 0 : i32
      %dma_start3A_808 = arith.constant 0 : i32
      %dma_start3A_809 = tpu.memref_slice %arg11[%dma_start3A_807, %dma_start3A_808] : memref<10240x64xf32, #tpu.memory_space<vmem_shared>> -> memref<10240x64xf32, #tpu.memory_space<vmem_shared>>
      tpu.enqueue_indirect_dma source(%dma_start3A_803 : memref<80x64xf32, #tpu.memory_space<vmem>>) target(%dma_start3A_809 : memref<10240x64xf32, #tpu.memory_space<vmem_shared>>) offsets(%dma_start3A_806 : memref<80xi32, #tpu.memory_space<vmem>>) semaphore(%arg17 : memref<!tpu.dma_semaphore, #tpu.memory_space<semaphore_mem>>) {add = true}
      %dma_start3A_810 = arith.constant 1 : i32
      %dma_start3A_811 = arith.constant 2 : i32
      %dma_start3A_812 = arith.constant 1 : i32
      %dma_start3A_813 = arith.constant 2 : i32
      %dma_start3A_814 = arith.constant 0 : i32
      %dma_start3A_815 = arith.constant 0 : i32
      %dma_start3A_816 = tpu.memref_slice %arg10[%dma_start3A_810, %dma_start3A_811, %dma_start3A_814, %dma_start3A_815] : memref<2x5x80x64xf32, #tpu.memory_space<vmem>> -> memref<1x1x80x64xf32, #tpu.memory_space<vmem>>
      %dma_start3A_817 = tpu.memref_squeeze %dma_start3A_816 : memref<1x1x80x64xf32, #tpu.memory_space<vmem>> -> memref<80x64xf32, #tpu.memory_space<vmem>>
      %dma_start3A_818 = arith.constant 0 : i32
      %dma_start3A_819 = tpu.memref_slice %arg9[%dma_start3A_812, %dma_start3A_813, %dma_start3A_818] : memref<2x5x80xi32, #tpu.memory_space<vmem>> -> memref<1x1x80xi32, #tpu.memory_space<vmem>>
      %dma_start3A_820 = tpu.memref_squeeze %dma_start3A_819 : memref<1x1x80xi32, #tpu.memory_space<vmem>> -> memref<80xi32, #tpu.memory_space<vmem>>
      %dma_start3A_821 = arith.constant 0 : i32
      %dma_start3A_822 = arith.constant 0 : i32
      %dma_start3A_823 = tpu.memref_slice %arg11[%dma_start3A_821, %dma_start3A_822] : memref<10240x64xf32, #tpu.memory_space<vmem_shared>> -> memref<10240x64xf32, #tpu.memory_space<vmem_shared>>
      tpu.enqueue_indirect_dma source(%dma_start3A_817 : memref<80x64xf32, #tpu.memory_space<vmem>>) target(%dma_start3A_823 : memref<10240x64xf32, #tpu.memory_space<vmem_shared>>) offsets(%dma_start3A_820 : memref<80xi32, #tpu.memory_space<vmem>>) semaphore(%arg17 : memref<!tpu.dma_semaphore, #tpu.memory_space<semaphore_mem>>) {add = true}
      %dma_start3A_824 = arith.constant 1 : i32
      %dma_start3A_825 = arith.constant 3 : i32
      %dma_start3A_826 = arith.constant 1 : i32
      %dma_start3A_827 = arith.constant 3 : i32
      %dma_start3A_828 = arith.constant 0 : i32
      %dma_start3A_829 = arith.constant 0 : i32
      %dma_start3A_830 = tpu.memref_slice %arg10[%dma_start3A_824, %dma_start3A_825, %dma_start3A_828, %dma_start3A_829] : memref<2x5x80x64xf32, #tpu.memory_space<vmem>> -> memref<1x1x80x64xf32, #tpu.memory_space<vmem>>
      %dma_start3A_831 = tpu.memref_squeeze %dma_start3A_830 : memref<1x1x80x64xf32, #tpu.memory_space<vmem>> -> memref<80x64xf32, #tpu.memory_space<vmem>>
      %dma_start3A_832 = arith.constant 0 : i32
      %dma_start3A_833 = tpu.memref_slice %arg9[%dma_start3A_826, %dma_start3A_827, %dma_start3A_832] : memref<2x5x80xi32, #tpu.memory_space<vmem>> -> memref<1x1x80xi32, #tpu.memory_space<vmem>>
      %dma_start3A_834 = tpu.memref_squeeze %dma_start3A_833 : memref<1x1x80xi32, #tpu.memory_space<vmem>> -> memref<80xi32, #tpu.memory_space<vmem>>
      %dma_start3A_835 = arith.constant 0 : i32
      %dma_start3A_836 = arith.constant 0 : i32
      %dma_start3A_837 = tpu.memref_slice %arg11[%dma_start3A_835, %dma_start3A_836] : memref<10240x64xf32, #tpu.memory_space<vmem_shared>> -> memref<10240x64xf32, #tpu.memory_space<vmem_shared>>
      tpu.enqueue_indirect_dma source(%dma_start3A_831 : memref<80x64xf32, #tpu.memory_space<vmem>>) target(%dma_start3A_837 : memref<10240x64xf32, #tpu.memory_space<vmem_shared>>) offsets(%dma_start3A_834 : memref<80xi32, #tpu.memory_space<vmem>>) semaphore(%arg17 : memref<!tpu.dma_semaphore, #tpu.memory_space<semaphore_mem>>) {add = true}
      %dma_start3A_838 = arith.constant 1 : i32
      %dma_start3A_839 = arith.constant 4 : i32
      %dma_start3A_840 = arith.constant 1 : i32
      %dma_start3A_841 = arith.constant 4 : i32
      %dma_start3A_842 = arith.constant 0 : i32
      %dma_start3A_843 = arith.constant 0 : i32
      %dma_start3A_844 = tpu.memref_slice %arg10[%dma_start3A_838, %dma_start3A_839, %dma_start3A_842, %dma_start3A_843] : memref<2x5x80x64xf32, #tpu.memory_space<vmem>> -> memref<1x1x80x64xf32, #tpu.memory_space<vmem>>
      %dma_start3A_845 = tpu.memref_squeeze %dma_start3A_844 : memref<1x1x80x64xf32, #tpu.memory_space<vmem>> -> memref<80x64xf32, #tpu.memory_space<vmem>>
      %dma_start3A_846 = arith.constant 0 : i32
      %dma_start3A_847 = tpu.memref_slice %arg9[%dma_start3A_840, %dma_start3A_841, %dma_start3A_846] : memref<2x5x80xi32, #tpu.memory_space<vmem>> -> memref<1x1x80xi32, #tpu.memory_space<vmem>>
      %dma_start3A_848 = tpu.memref_squeeze %dma_start3A_847 : memref<1x1x80xi32, #tpu.memory_space<vmem>> -> memref<80xi32, #tpu.memory_space<vmem>>
      %dma_start3A_849 = arith.constant 0 : i32
      %dma_start3A_850 = arith.constant 0 : i32
      %dma_start3A_851 = tpu.memref_slice %arg11[%dma_start3A_849, %dma_start3A_850] : memref<10240x64xf32, #tpu.memory_space<vmem_shared>> -> memref<10240x64xf32, #tpu.memory_space<vmem_shared>>
      tpu.enqueue_indirect_dma source(%dma_start3A_845 : memref<80x64xf32, #tpu.memory_space<vmem>>) target(%dma_start3A_851 : memref<10240x64xf32, #tpu.memory_space<vmem_shared>>) offsets(%dma_start3A_848 : memref<80xi32, #tpu.memory_space<vmem>>) semaphore(%arg17 : memref<!tpu.dma_semaphore, #tpu.memory_space<semaphore_mem>>) {add = true}
    }
    %scan3A_50 = arith.constant 25 : i32
    %dma_wait3A = arith.constant 1 : i32
    %dma_wait3A_51 = arith.constant 0 : i32
    %dma_wait3A_52 = arith.constant 1 : i32
    %dma_wait3A_53 = arith.constant 0 : i32
    %dma_wait3A_54 = arith.constant 0 : i32
    %dma_wait3A_55 = arith.constant 0 : i32
    %dma_wait3A_56 = tpu.memref_slice %arg10[%dma_wait3A, %dma_wait3A_51, %dma_wait3A_54, %dma_wait3A_55] : memref<2x5x80x64xf32, #tpu.memory_space<vmem>> -> memref<1x1x80x64xf32, #tpu.memory_space<vmem>>
    %dma_wait3A_57 = tpu.memref_squeeze %dma_wait3A_56 : memref<1x1x80x64xf32, #tpu.memory_space<vmem>> -> memref<80x64xf32, #tpu.memory_space<vmem>>
    %dma_wait3A_58 = arith.constant 0 : i32
    %dma_wait3A_59 = tpu.memref_slice %arg9[%dma_wait3A_52, %dma_wait3A_53, %dma_wait3A_58] : memref<2x5x80xi32, #tpu.memory_space<vmem>> -> memref<1x1x80xi32, #tpu.memory_space<vmem>>
    %dma_wait3A_60 = tpu.memref_squeeze %dma_wait3A_59 : memref<1x1x80xi32, #tpu.memory_space<vmem>> -> memref<80xi32, #tpu.memory_space<vmem>>
    %dma_wait3A_61 = arith.constant 0 : i32
    %dma_wait3A_62 = arith.constant 0 : i32
    %dma_wait3A_63 = tpu.memref_slice %arg11[%dma_wait3A_61, %dma_wait3A_62] : memref<10240x64xf32, #tpu.memory_space<vmem_shared>> -> memref<10240x64xf32, #tpu.memory_space<vmem_shared>>
    tpu.wait_indirect_dma semaphore(%arg17 : memref<!tpu.dma_semaphore, #tpu.memory_space<semaphore_mem>>) src(%dma_wait3A_57 : memref<80x64xf32, #tpu.memory_space<vmem>>) dst(%dma_wait3A_63 : memref<10240x64xf32, #tpu.memory_space<vmem_shared>>)
    %dma_wait3A_64 = arith.constant 1 : i32
    %dma_wait3A_65 = arith.constant 1 : i32
    %dma_wait3A_66 = arith.constant 1 : i32
    %dma_wait3A_67 = arith.constant 0 : i32
    %dma_wait3A_68 = arith.constant 0 : i32
    %dma_wait3A_69 = arith.constant 0 : i32
    %dma_wait3A_70 = tpu.memref_slice %arg10[%dma_wait3A_64, %dma_wait3A_65, %dma_wait3A_68, %dma_wait3A_69] : memref<2x5x80x64xf32, #tpu.memory_space<vmem>> -> memref<1x1x80x64xf32, #tpu.memory_space<vmem>>
    %dma_wait3A_71 = tpu.memref_squeeze %dma_wait3A_70 : memref<1x1x80x64xf32, #tpu.memory_space<vmem>> -> memref<80x64xf32, #tpu.memory_space<vmem>>
    %dma_wait3A_72 = arith.constant 0 : i32
    %dma_wait3A_73 = tpu.memref_slice %arg9[%dma_wait3A_66, %dma_wait3A_67, %dma_wait3A_72] : memref<2x5x80xi32, #tpu.memory_space<vmem>> -> memref<1x1x80xi32, #tpu.memory_space<vmem>>
    %dma_wait3A_74 = tpu.memref_squeeze %dma_wait3A_73 : memref<1x1x80xi32, #tpu.memory_space<vmem>> -> memref<80xi32, #tpu.memory_space<vmem>>
    %dma_wait3A_75 = arith.constant 0 : i32
    %dma_wait3A_76 = arith.constant 0 : i32
    %dma_wait3A_77 = tpu.memref_slice %arg11[%dma_wait3A_75, %dma_wait3A_76] : memref<10240x64xf32, #tpu.memory_space<vmem_shared>> -> memref<10240x64xf32, #tpu.memory_space<vmem_shared>>
    tpu.wait_indirect_dma semaphore(%arg17 : memref<!tpu.dma_semaphore, #tpu.memory_space<semaphore_mem>>) src(%dma_wait3A_71 : memref<80x64xf32, #tpu.memory_space<vmem>>) dst(%dma_wait3A_77 : memref<10240x64xf32, #tpu.memory_space<vmem_shared>>)
    %dma_wait3A_78 = arith.constant 1 : i32
    %dma_wait3A_79 = arith.constant 2 : i32
    %dma_wait3A_80 = arith.constant 1 : i32
    %dma_wait3A_81 = arith.constant 0 : i32
    %dma_wait3A_82 = arith.constant 0 : i32
    %dma_wait3A_83 = arith.constant 0 : i32
    %dma_wait3A_84 = tpu.memref_slice %arg10[%dma_wait3A_78, %dma_wait3A_79, %dma_wait3A_82, %dma_wait3A_83] : memref<2x5x80x64xf32, #tpu.memory_space<vmem>> -> memref<1x1x80x64xf32, #tpu.memory_space<vmem>>
    %dma_wait3A_85 = tpu.memref_squeeze %dma_wait3A_84 : memref<1x1x80x64xf32, #tpu.memory_space<vmem>> -> memref<80x64xf32, #tpu.memory_space<vmem>>
    %dma_wait3A_86 = arith.constant 0 : i32
    %dma_wait3A_87 = tpu.memref_slice %arg9[%dma_wait3A_80, %dma_wait3A_81, %dma_wait3A_86] : memref<2x5x80xi32, #tpu.memory_space<vmem>> -> memref<1x1x80xi32, #tpu.memory_space<vmem>>
    %dma_wait3A_88 = tpu.memref_squeeze %dma_wait3A_87 : memref<1x1x80xi32, #tpu.memory_space<vmem>> -> memref<80xi32, #tpu.memory_space<vmem>>
    %dma_wait3A_89 = arith.constant 0 : i32
    %dma_wait3A_90 = arith.constant 0 : i32
    %dma_wait3A_91 = tpu.memref_slice %arg11[%dma_wait3A_89, %dma_wait3A_90] : memref<10240x64xf32, #tpu.memory_space<vmem_shared>> -> memref<10240x64xf32, #tpu.memory_space<vmem_shared>>
    tpu.wait_indirect_dma semaphore(%arg17 : memref<!tpu.dma_semaphore, #tpu.memory_space<semaphore_mem>>) src(%dma_wait3A_85 : memref<80x64xf32, #tpu.memory_space<vmem>>) dst(%dma_wait3A_91 : memref<10240x64xf32, #tpu.memory_space<vmem_shared>>)
    %dma_wait3A_92 = arith.constant 1 : i32
    %dma_wait3A_93 = arith.constant 3 : i32
    %dma_wait3A_94 = arith.constant 1 : i32
    %dma_wait3A_95 = arith.constant 0 : i32
    %dma_wait3A_96 = arith.constant 0 : i32
    %dma_wait3A_97 = arith.constant 0 : i32
    %dma_wait3A_98 = tpu.memref_slice %arg10[%dma_wait3A_92, %dma_wait3A_93, %dma_wait3A_96, %dma_wait3A_97] : memref<2x5x80x64xf32, #tpu.memory_space<vmem>> -> memref<1x1x80x64xf32, #tpu.memory_space<vmem>>
    %dma_wait3A_99 = tpu.memref_squeeze %dma_wait3A_98 : memref<1x1x80x64xf32, #tpu.memory_space<vmem>> -> memref<80x64xf32, #tpu.memory_space<vmem>>
    %dma_wait3A_100 = arith.constant 0 : i32
    %dma_wait3A_101 = tpu.memref_slice %arg9[%dma_wait3A_94, %dma_wait3A_95, %dma_wait3A_100] : memref<2x5x80xi32, #tpu.memory_space<vmem>> -> memref<1x1x80xi32, #tpu.memory_space<vmem>>
    %dma_wait3A_102 = tpu.memref_squeeze %dma_wait3A_101 : memref<1x1x80xi32, #tpu.memory_space<vmem>> -> memref<80xi32, #tpu.memory_space<vmem>>
    %dma_wait3A_103 = arith.constant 0 : i32
    %dma_wait3A_104 = arith.constant 0 : i32
    %dma_wait3A_105 = tpu.memref_slice %arg11[%dma_wait3A_103, %dma_wait3A_104] : memref<10240x64xf32, #tpu.memory_space<vmem_shared>> -> memref<10240x64xf32, #tpu.memory_space<vmem_shared>>
    tpu.wait_indirect_dma semaphore(%arg17 : memref<!tpu.dma_semaphore, #tpu.memory_space<semaphore_mem>>) src(%dma_wait3A_99 : memref<80x64xf32, #tpu.memory_space<vmem>>) dst(%dma_wait3A_105 : memref<10240x64xf32, #tpu.memory_space<vmem_shared>>)
    %dma_wait3A_106 = arith.constant 1 : i32
    %dma_wait3A_107 = arith.constant 4 : i32
    %dma_wait3A_108 = arith.constant 1 : i32
    %dma_wait3A_109 = arith.constant 0 : i32
    %dma_wait3A_110 = arith.constant 0 : i32
    %dma_wait3A_111 = arith.constant 0 : i32
    %dma_wait3A_112 = tpu.memref_slice %arg10[%dma_wait3A_106, %dma_wait3A_107, %dma_wait3A_110, %dma_wait3A_111] : memref<2x5x80x64xf32, #tpu.memory_space<vmem>> -> memref<1x1x80x64xf32, #tpu.memory_space<vmem>>
    %dma_wait3A_113 = tpu.memref_squeeze %dma_wait3A_112 : memref<1x1x80x64xf32, #tpu.memory_space<vmem>> -> memref<80x64xf32, #tpu.memory_space<vmem>>
    %dma_wait3A_114 = arith.constant 0 : i32
    %dma_wait3A_115 = tpu.memref_slice %arg9[%dma_wait3A_108, %dma_wait3A_109, %dma_wait3A_114] : memref<2x5x80xi32, #tpu.memory_space<vmem>> -> memref<1x1x80xi32, #tpu.memory_space<vmem>>
    %dma_wait3A_116 = tpu.memref_squeeze %dma_wait3A_115 : memref<1x1x80xi32, #tpu.memory_space<vmem>> -> memref<80xi32, #tpu.memory_space<vmem>>
    %dma_wait3A_117 = arith.constant 0 : i32
    %dma_wait3A_118 = arith.constant 0 : i32
    %dma_wait3A_119 = tpu.memref_slice %arg11[%dma_wait3A_117, %dma_wait3A_118] : memref<10240x64xf32, #tpu.memory_space<vmem_shared>> -> memref<10240x64xf32, #tpu.memory_space<vmem_shared>>
    tpu.wait_indirect_dma semaphore(%arg17 : memref<!tpu.dma_semaphore, #tpu.memory_space<semaphore_mem>>) src(%dma_wait3A_113 : memref<80x64xf32, #tpu.memory_space<vmem>>) dst(%dma_wait3A_119 : memref<10240x64xf32, #tpu.memory_space<vmem_shared>>)
    %barrier3A_120 = arith.constant 0 : index
    tpu.barrier barrier_id(%barrier3A_120)
    %mul3A_121 = arith.constant 640 : i32
    %mul3A_122 = arith.muli %arg1, %mul3A_121 : i32
    %eq3A = arith.constant 0 : i32
    %eq3A_123 = arith.cmpi eq, %arg0, %eq3A : i32
    %convert_element_type3A = arith.extui %eq3A_123 : i1 to i32
    %cond3A = arith.constant 0 : i32
    %cond3A_124 = arith.cmpi ne, %convert_element_type3A, %cond3A : i32
    scf.if %cond3A_124 {
      "tpu.region"() ({
        %run_scoped3A = tpu.sem_alloc : memref<!tpu.dma_semaphore, #tpu.memory_space<semaphore_mem>>
        %dma_start3A_130 = arith.constant 0 : i32
        %dma_start3A_131 = tpu.memref_slice %arg6[%mul3A_122, %dma_start3A_130] : memref<10240x64xf32, #tpu.memory_space<hbm>> -> memref<640x64xf32, #tpu.memory_space<hbm>>
        %dma_start3A_132 = arith.constant 0 : i32
        %dma_start3A_133 = tpu.memref_slice %arg11[%mul3A_122, %dma_start3A_132] : memref<10240x64xf32, #tpu.memory_space<vmem_shared>> -> memref<640x64xf32, #tpu.memory_space<vmem_shared>>
        tpu.enqueue_dma source(%dma_start3A_133 : memref<640x64xf32, #tpu.memory_space<vmem_shared>>) target(%dma_start3A_131 : memref<640x64xf32, #tpu.memory_space<hbm>>) target_semaphore(%run_scoped3A : memref<!tpu.dma_semaphore, #tpu.memory_space<semaphore_mem>>)
        %dma_wait3A_134 = arith.constant 0 : i32
        %dma_wait3A_135 = tpu.memref_slice %arg6[%mul3A_122, %dma_wait3A_134] : memref<10240x64xf32, #tpu.memory_space<hbm>> -> memref<640x64xf32, #tpu.memory_space<hbm>>
        %dma_wait3A_136 = arith.constant 0 : i32
        %dma_wait3A_137 = tpu.memref_slice %arg11[%mul3A_122, %dma_wait3A_136] : memref<10240x64xf32, #tpu.memory_space<vmem_shared>> -> memref<640x64xf32, #tpu.memory_space<vmem_shared>>
        tpu.wait_dma2 semaphore(%run_scoped3A : memref<!tpu.dma_semaphore, #tpu.memory_space<semaphore_mem>>) src(%dma_wait3A_137 : memref<640x64xf32, #tpu.memory_space<vmem_shared>>) dst(%dma_wait3A_135 : memref<640x64xf32, #tpu.memory_space<hbm>>)
        tpu.yield
      }) : () -> ()
    } else {
    }
    %eq3A_125 = arith.constant 1 : i32
    %eq3A_126 = arith.cmpi eq, %arg0, %eq3A_125 : i32
    %convert_element_type3A_127 = arith.extui %eq3A_126 : i1 to i32
    %cond3A_128 = arith.constant 0 : i32
    %cond3A_129 = arith.cmpi ne, %convert_element_type3A_127, %cond3A_128 : i32
    scf.if %cond3A_129 {
      "tpu.region"() ({
        %run_scoped3A = tpu.sem_alloc : memref<!tpu.dma_semaphore, #tpu.memory_space<semaphore_mem>>
        %dma_start3A_130 = arith.constant 0 : i32
        %dma_start3A_131 = tpu.memref_slice %arg7[%mul3A_122, %dma_start3A_130] : memref<10240x64xf32, #tpu.memory_space<hbm>> -> memref<640x64xf32, #tpu.memory_space<hbm>>
        %dma_start3A_132 = arith.constant 0 : i32
        %dma_start3A_133 = tpu.memref_slice %arg11[%mul3A_122, %dma_start3A_132] : memref<10240x64xf32, #tpu.memory_space<vmem_shared>> -> memref<640x64xf32, #tpu.memory_space<vmem_shared>>
        tpu.enqueue_dma source(%dma_start3A_133 : memref<640x64xf32, #tpu.memory_space<vmem_shared>>) target(%dma_start3A_131 : memref<640x64xf32, #tpu.memory_space<hbm>>) target_semaphore(%run_scoped3A : memref<!tpu.dma_semaphore, #tpu.memory_space<semaphore_mem>>)
        %dma_wait3A_134 = arith.constant 0 : i32
        %dma_wait3A_135 = tpu.memref_slice %arg7[%mul3A_122, %dma_wait3A_134] : memref<10240x64xf32, #tpu.memory_space<hbm>> -> memref<640x64xf32, #tpu.memory_space<hbm>>
        %dma_wait3A_136 = arith.constant 0 : i32
        %dma_wait3A_137 = tpu.memref_slice %arg11[%mul3A_122, %dma_wait3A_136] : memref<10240x64xf32, #tpu.memory_space<vmem_shared>> -> memref<640x64xf32, #tpu.memory_space<vmem_shared>>
        tpu.wait_dma2 semaphore(%run_scoped3A : memref<!tpu.dma_semaphore, #tpu.memory_space<semaphore_mem>>) src(%dma_wait3A_137 : memref<640x64xf32, #tpu.memory_space<vmem_shared>>) dst(%dma_wait3A_135 : memref<640x64xf32, #tpu.memory_space<hbm>>)
        tpu.yield
      }) : () -> ()
    } else {
    }
    return
  }
}

module attributes {stable_mosaic.version = 14 : i64} {
  func.func @body(%arg0: i32, %arg1: memref<64x2560xf32, #tpu.memory_space<vmem>>, %arg2: memref<2x2560x32xf32, #tpu.memory_space<vmem>>) attributes {dimension_semantics = [#tpu.dimension_semantics<arbitrary>], iteration_bounds = array<i64: 125>, scalar_prefetch = 0 : i64, scratch_operands = 0 : i64, tpu.core_type = #tpu.core_type<tc>, window_params = [{transform_indices = @transform_0, window_bounds = array<i64: 64, 2560>}, {transform_indices = @transform_1, window_bounds = array<i64: 2, 2560, 32>}]} {
    %get3A = arith.constant 0 : index
    %get3A_0 = arith.constant 0 : index
    %get3A_1 = vector.load %arg1[%get3A, %get3A_0] : memref<64x2560xf32, #tpu.memory_space<vmem>>, vector<32x2560xf32>
    %transpose3A = tpu.transpose %get3A_1, [1, 0] : vector<32x2560xf32> -> vector<2560x32xf32>
    %swap3A = arith.constant 0 : index
    %swap3A_2 = arith.constant 0 : index
    %swap3A_3 = arith.constant 0 : index
    %swap3A_4 = vector.load %arg2[%swap3A, %swap3A_2, %swap3A_3] : memref<2x2560x32xf32, #tpu.memory_space<vmem>>, vector<1x2560x32xf32>
    %swap3A_5 = vector.shape_cast %swap3A_4 : vector<1x2560x32xf32> to vector<2560x32xf32>
    %swap3A_6 = vector.shape_cast %transpose3A : vector<2560x32xf32> to vector<1x2560x32xf32>
    tpu.vector_store %arg2[%swap3A, %swap3A_2, %swap3A_3], %swap3A_6 {strides = array<i32>} : memref<2x2560x32xf32, #tpu.memory_space<vmem>>, vector<1x2560x32xf32>,
    %get3A_7 = arith.constant 32 : index
    %get3A_8 = arith.constant 0 : index
    %get3A_9 = vector.load %arg1[%get3A_7, %get3A_8] : memref<64x2560xf32, #tpu.memory_space<vmem>>, vector<32x2560xf32>
    %transpose3A_10 = tpu.transpose %get3A_9, [1, 0] : vector<32x2560xf32> -> vector<2560x32xf32>
    %swap3A_11 = arith.constant 1 : index
    %swap3A_12 = arith.constant 0 : index
    %swap3A_13 = arith.constant 0 : index
    %swap3A_14 = vector.load %arg2[%swap3A_11, %swap3A_12, %swap3A_13] : memref<2x2560x32xf32, #tpu.memory_space<vmem>>, vector<1x2560x32xf32>
    %swap3A_15 = vector.shape_cast %swap3A_14 : vector<1x2560x32xf32> to vector<2560x32xf32>
    %swap3A_16 = vector.shape_cast %transpose3A_10 : vector<2560x32xf32> to vector<1x2560x32xf32>
    tpu.vector_store %arg2[%swap3A_11, %swap3A_12, %swap3A_13], %swap3A_16 {strides = array<i32>} : memref<2x2560x32xf32, #tpu.memory_space<vmem>>, vector<1x2560x32xf32>,
    return
  }
  func.func @transform_0(%arg0: i32) -> (i32, i32) {
    %c0_i32 = arith.constant 0 : i32
    %c0_i32_0 = arith.constant 0 : i32
    return %c0_i32, %arg0 : i32, i32
  }
  func.func @transform_1(%arg0: i32) -> (i32, i32, i32) {
    %c0_i32 = arith.constant 0 : i32
    %c0_i32_0 = arith.constant 0 : i32
    %c0_i32_1 = arith.constant 0 : i32
    return %c0_i32, %arg0, %c0_i32_0 : i32, i32, i32
  }
}

module attributes {stable_mosaic.version = 14 : i64} {
  func.func @body(%arg0: i32, %arg1: memref<2048x64xf32, #tpu.memory_space<vmem>>, %arg2: memref<2048x64xf32, #tpu.memory_space<vmem>>, %arg3: memref<16x2048xf32, #tpu.memory_space<vmem>>, %arg4: memref<2048x128xf32, #tpu.memory_space<vmem>>, %arg5: memref<128x128xf32, #tpu.memory_space<vmem>>, %arg6: memref<128x128xf32, #tpu.memory_space<vmem>>, %arg7: memref<1x128xf32, #tpu.memory_space<vmem>>, %arg8: memref<2x2048x64xf32, #tpu.memory_space<vmem>>) attributes {dimension_semantics = [#tpu.dimension_semantics<arbitrary>], iteration_bounds = array<i64: 5>, scalar_prefetch = 0 : i64, scratch_operands = 0 : i64, tpu.core_type = #tpu.core_type<tc>, window_params = [{transform_indices = @transform_0, window_bounds = array<i64: 2048, 64>}, {transform_indices = @transform_1, window_bounds = array<i64: 2048, 64>}, {transform_indices = @transform_2, window_bounds = array<i64: 16, 2048>}, {transform_indices = @transform_3, window_bounds = array<i64: 2048, 128>}, {pipeline_mode = #tpu.pipeline_mode<synchronous>, transform_indices = @transform_4, window_bounds = array<i64: 128, 128>}, {pipeline_mode = #tpu.pipeline_mode<synchronous>, transform_indices = @transform_5, window_bounds = array<i64: 128, 128>}, {pipeline_mode = #tpu.pipeline_mode<synchronous>, transform_indices = @transform_6, window_bounds = array<i64: 1, 128>}, {transform_indices = @transform_7, window_bounds = array<i64: 2, 2048, 64>}]} {
    %get3A = arith.constant 0 : index
    %get3A_0 = arith.constant 0 : index
    %get3A_1 = vector.load %arg3[%get3A, %get3A_0] : memref<16x2048xf32, #tpu.memory_space<vmem>>, vector<16x2048xf32>
    %reduce_sum3A = arith.constant dense<0.000000e+00> : vector<2048xf32>
    %reduce_sum3A_2 = vector.multi_reduction <add>, %get3A_1, %reduce_sum3A [0] : vector<16x2048xf32> to vector<2048xf32>
    %max3A = arith.constant 1.000000e+00 : f32
    %max3A_3 = vector.broadcast %max3A : f32 to vector<2048xf32>
    %max3A_4 = arith.maximumf %reduce_sum3A_2, %max3A_3 : vector<2048xf32>
    %div3A = arith.constant 1.000000e+00 : f32
    %div3A_5 = vector.broadcast %div3A : f32 to vector<2048xf32>
    %div3A_6 = arith.divf %div3A_5, %max3A_4 : vector<2048xf32>
    %broadcast_in_dim3A = vector.shape_cast %div3A_6 : vector<2048xf32> to vector<2048x1xf32>
    %get3A_7 = arith.constant 0 : index
    %get3A_8 = arith.constant 0 : index
    %get3A_9 = vector.load %arg1[%get3A_7, %get3A_8] : memref<2048x64xf32, #tpu.memory_space<vmem>>, vector<2048x64xf32>
    %get3A_10 = arith.constant 0 : index
    %get3A_11 = arith.constant 0 : index
    %get3A_12 = vector.load %arg2[%get3A_10, %get3A_11] : memref<2048x64xf32, #tpu.memory_space<vmem>>, vector<2048x64xf32>
    %concatenate3A = tpu.concatenate %get3A_9, %get3A_12 in 1 : vector<2048x64xf32>, vector<2048x64xf32> -> vector<2048x128xf32>
    %mul3A = vector.broadcast %broadcast_in_dim3A : vector<2048x1xf32> to vector<2048x128xf32>
    %mul3A_13 = arith.mulf %concatenate3A, %mul3A : vector<2048x128xf32>
    %get3A_14 = arith.constant 0 : index
    %get3A_15 = arith.constant 0 : index
    %get3A_16 = vector.load %arg5[%get3A_14, %get3A_15] : memref<128x128xf32, #tpu.memory_space<vmem>>, vector<128x128xf32>
    %dot_general3A = arith.constant dense<0.000000e+00> : vector<2048x128xf32>
    %dot_general3A_17 = tpu.matmul %mul3A_13, %get3A_16, %dot_general3A {dimension_numbers = #tpu.dot_dimension_numbers<[1], [0], [0], [1], [0, 0, 1, 1], [], []>, transpose_lhs_hint = false} : vector<2048x128xf32>, vector<128x128xf32>, vector<2048x128xf32> -> vector<2048x128xf32>
    %get3A_18 = arith.constant 0 : index
    %get3A_19 = arith.constant 0 : index
    %get3A_20 = vector.load %arg4[%get3A_18, %get3A_19] : memref<2048x128xf32, #tpu.memory_space<vmem>>, vector<2048x128xf32>
    %get3A_21 = arith.constant 0 : index
    %get3A_22 = arith.constant 0 : index
    %get3A_23 = vector.load %arg6[%get3A_21, %get3A_22] : memref<128x128xf32, #tpu.memory_space<vmem>>, vector<128x128xf32>
    %dot_general3A_24 = arith.constant dense<0.000000e+00> : vector<2048x128xf32>
    %dot_general3A_25 = tpu.matmul %get3A_20, %get3A_23, %dot_general3A_24 {dimension_numbers = #tpu.dot_dimension_numbers<[1], [0], [0], [1], [0, 0, 1, 1], [], []>, transpose_lhs_hint = false} : vector<2048x128xf32>, vector<128x128xf32>, vector<2048x128xf32> -> vector<2048x128xf32>
    %add3A = arith.addf %dot_general3A_17, %dot_general3A_25 : vector<2048x128xf32>
    %get3A_26 = arith.constant 0 : index
    %get3A_27 = arith.constant 0 : index
    %get3A_28 = vector.load %arg7[%get3A_26, %get3A_27] : memref<1x128xf32, #tpu.memory_space<vmem>>, vector<1x128xf32>
    %add3A_29 = vector.broadcast %get3A_28 : vector<1x128xf32> to vector<2048x128xf32>
    %add3A_30 = arith.addf %add3A, %add3A_29 : vector<2048x128xf32>
    %max3A_31 = arith.constant 0.000000e+00 : f32
    %max3A_32 = vector.broadcast %max3A_31 : f32 to vector<2048x128xf32>
    %max3A_33 = arith.maximumf %add3A_30, %max3A_32 : vector<2048x128xf32>
    %slice3A = vector.extract_strided_slice %max3A_33 {offsets = [0, 0], sizes = [2048, 64], strides = [1, 1]} : vector<2048x128xf32> to vector<2048x64xf32>
    %swap3A = arith.constant 0 : index
    %swap3A_34 = arith.constant 0 : index
    %swap3A_35 = arith.constant 0 : index
    %swap3A_36 = vector.load %arg8[%swap3A, %swap3A_34, %swap3A_35] : memref<2x2048x64xf32, #tpu.memory_space<vmem>>, vector<1x2048x64xf32>
    %swap3A_37 = vector.shape_cast %swap3A_36 : vector<1x2048x64xf32> to vector<2048x64xf32>
    %swap3A_38 = vector.shape_cast %slice3A : vector<2048x64xf32> to vector<1x2048x64xf32>
    tpu.vector_store %arg8[%swap3A, %swap3A_34, %swap3A_35], %swap3A_38 {strides = array<i32>} : memref<2x2048x64xf32, #tpu.memory_space<vmem>>, vector<1x2048x64xf32>,
    %slice3A_39 = vector.extract_strided_slice %max3A_33 {offsets = [0, 64], sizes = [2048, 64], strides = [1, 1]} : vector<2048x128xf32> to vector<2048x64xf32>
    %swap3A_40 = arith.constant 1 : index
    %swap3A_41 = arith.constant 0 : index
    %swap3A_42 = arith.constant 0 : index
    %swap3A_43 = vector.load %arg8[%swap3A_40, %swap3A_41, %swap3A_42] : memref<2x2048x64xf32, #tpu.memory_space<vmem>>, vector<1x2048x64xf32>
    %swap3A_44 = vector.shape_cast %swap3A_43 : vector<1x2048x64xf32> to vector<2048x64xf32>
    %swap3A_45 = vector.shape_cast %slice3A_39 : vector<2048x64xf32> to vector<1x2048x64xf32>
    tpu.vector_store %arg8[%swap3A_40, %swap3A_41, %swap3A_42], %swap3A_45 {strides = array<i32>} : memref<2x2048x64xf32, #tpu.memory_space<vmem>>, vector<1x2048x64xf32>,
    return
  }
  func.func @transform_0(%arg0: i32) -> (i32, i32) {
    %c0_i32 = arith.constant 0 : i32
    %c0_i32_0 = arith.constant 0 : i32
    return %arg0, %c0_i32 : i32, i32
  }
  func.func @transform_1(%arg0: i32) -> (i32, i32) {
    %c0_i32 = arith.constant 0 : i32
    %c0_i32_0 = arith.constant 0 : i32
    return %arg0, %c0_i32 : i32, i32
  }
  func.func @transform_2(%arg0: i32) -> (i32, i32) {
    %c0_i32 = arith.constant 0 : i32
    %c0_i32_0 = arith.constant 0 : i32
    return %c0_i32, %arg0 : i32, i32
  }
  func.func @transform_3(%arg0: i32) -> (i32, i32) {
    %c0_i32 = arith.constant 0 : i32
    %c0_i32_0 = arith.constant 0 : i32
    return %arg0, %c0_i32 : i32, i32
  }
  func.func @transform_4(%arg0: i32) -> (i32, i32) {
    %c0_i32 = arith.constant 0 : i32
    %c0_i32_0 = arith.constant 0 : i32
    %c0_i32_1 = arith.constant 0 : i32
    return %c0_i32, %c0_i32_0 : i32, i32
  }
  func.func @transform_5(%arg0: i32) -> (i32, i32) {
    %c0_i32 = arith.constant 0 : i32
    %c0_i32_0 = arith.constant 0 : i32
    %c0_i32_1 = arith.constant 0 : i32
    return %c0_i32, %c0_i32_0 : i32, i32
  }
  func.func @transform_6(%arg0: i32) -> (i32, i32) {
    %c0_i32 = arith.constant 0 : i32
    %c0_i32_0 = arith.constant 0 : i32
    %c0_i32_1 = arith.constant 0 : i32
    return %c0_i32, %c0_i32_0 : i32, i32
  }
  func.func @transform_7(%arg0: i32) -> (i32, i32, i32) {
    %c0_i32 = arith.constant 0 : i32
    %c0_i32_0 = arith.constant 0 : i32
    %c0_i32_1 = arith.constant 0 : i32
    return %c0_i32, %arg0, %c0_i32_0 : i32, i32, i32
  }
}

module attributes {stable_mosaic.version = 14 : i64} {
  func.func @body(%arg0: i32, %arg1: memref<2048x64xf32, #tpu.memory_space<vmem>>, %arg2: memref<2048x64xf32, #tpu.memory_space<vmem>>, %arg3: memref<16x2048xf32, #tpu.memory_space<vmem>>, %arg4: memref<2x2048x64xf32, #tpu.memory_space<vmem>>, %arg5: memref<128x128xf32, #tpu.memory_space<vmem>>, %arg6: memref<128x128xf32, #tpu.memory_space<vmem>>, %arg7: memref<1x128xf32, #tpu.memory_space<vmem>>, %arg8: memref<2048x32xf32, #tpu.memory_space<vmem>>, %arg9: memref<2048x32xf32, #tpu.memory_space<vmem>>, %arg10: memref<128x128xf32, #tpu.memory_space<vmem>>, %arg11: memref<1x128xf32, #tpu.memory_space<vmem>>, %arg12: memref<64x128xf32, #tpu.memory_space<vmem>>, %arg13: memref<64x128xf32, #tpu.memory_space<vmem>>) attributes {dimension_semantics = [#tpu.dimension_semantics<arbitrary>], iteration_bounds = array<i64: 5>, scalar_prefetch = 0 : i64, scratch_operands = 1 : i64, tpu.core_type = #tpu.core_type<tc>, window_params = [{transform_indices = @transform_0, window_bounds = array<i64: 2048, 64>}, {transform_indices = @transform_1, window_bounds = array<i64: 2048, 64>}, {transform_indices = @transform_2, window_bounds = array<i64: 16, 2048>}, {transform_indices = @transform_3, window_bounds = array<i64: 2, 2048, 64>}, {pipeline_mode = #tpu.pipeline_mode<synchronous>, transform_indices = @transform_4, window_bounds = array<i64: 128, 128>}, {pipeline_mode = #tpu.pipeline_mode<synchronous>, transform_indices = @transform_5, window_bounds = array<i64: 128, 128>}, {pipeline_mode = #tpu.pipeline_mode<synchronous>, transform_indices = @transform_6, window_bounds = array<i64: 1, 128>}, {transform_indices = @transform_7, window_bounds = array<i64: 2048, 32>}, {transform_indices = @transform_8, window_bounds = array<i64: 2048, 32>}, {pipeline_mode = #tpu.pipeline_mode<synchronous>, transform_indices = @transform_9, window_bounds = array<i64: 128, 128>}, {pipeline_mode = #tpu.pipeline_mode<synchronous>, transform_indices = @transform_10, window_bounds = array<i64: 1, 128>}, {pipeline_mode = #tpu.pipeline_mode<synchronous>, transform_indices = @transform_11, window_bounds = array<i64: 64, 128>}]} {
    %get3A = arith.constant 0 : index
    %get3A_0 = arith.constant 0 : index
    %get3A_1 = vector.load %arg3[%get3A, %get3A_0] : memref<16x2048xf32, #tpu.memory_space<vmem>>, vector<16x2048xf32>
    %reduce_sum3A = arith.constant dense<0.000000e+00> : vector<2048xf32>
    %reduce_sum3A_2 = vector.multi_reduction <add>, %get3A_1, %reduce_sum3A [0] : vector<16x2048xf32> to vector<2048xf32>
    %max3A = arith.constant 1.000000e+00 : f32
    %max3A_3 = vector.broadcast %max3A : f32 to vector<2048xf32>
    %max3A_4 = arith.maximumf %reduce_sum3A_2, %max3A_3 : vector<2048xf32>
    %div3A = arith.constant 1.000000e+00 : f32
    %div3A_5 = vector.broadcast %div3A : f32 to vector<2048xf32>
    %div3A_6 = arith.divf %div3A_5, %max3A_4 : vector<2048xf32>
    %broadcast_in_dim3A = vector.shape_cast %div3A_6 : vector<2048xf32> to vector<2048x1xf32>
    %get3A_7 = arith.constant 0 : index
    %get3A_8 = arith.constant 0 : index
    %get3A_9 = vector.load %arg1[%get3A_7, %get3A_8] : memref<2048x64xf32, #tpu.memory_space<vmem>>, vector<2048x64xf32>
    %get3A_10 = arith.constant 0 : index
    %get3A_11 = arith.constant 0 : index
    %get3A_12 = vector.load %arg2[%get3A_10, %get3A_11] : memref<2048x64xf32, #tpu.memory_space<vmem>>, vector<2048x64xf32>
    %concatenate3A = tpu.concatenate %get3A_9, %get3A_12 in 1 : vector<2048x64xf32>, vector<2048x64xf32> -> vector<2048x128xf32>
    %mul3A = vector.broadcast %broadcast_in_dim3A : vector<2048x1xf32> to vector<2048x128xf32>
    %mul3A_13 = arith.mulf %concatenate3A, %mul3A : vector<2048x128xf32>
    %get3A_14 = arith.constant 0 : index
    %get3A_15 = arith.constant 0 : index
    %get3A_16 = arith.constant 0 : index
    %get3A_17 = vector.load %arg4[%get3A_14, %get3A_15, %get3A_16] : memref<2x2048x64xf32, #tpu.memory_space<vmem>>, vector<1x2048x64xf32>
    %get3A_18 = vector.shape_cast %get3A_17 : vector<1x2048x64xf32> to vector<2048x64xf32>
    %get3A_19 = arith.constant 1 : index
    %get3A_20 = arith.constant 0 : index
    %get3A_21 = arith.constant 0 : index
    %get3A_22 = vector.load %arg4[%get3A_19, %get3A_20, %get3A_21] : memref<2x2048x64xf32, #tpu.memory_space<vmem>>, vector<1x2048x64xf32>
    %get3A_23 = vector.shape_cast %get3A_22 : vector<1x2048x64xf32> to vector<2048x64xf32>
    %concatenate3A_24 = tpu.concatenate %get3A_18, %get3A_23 in 1 : vector<2048x64xf32>, vector<2048x64xf32> -> vector<2048x128xf32>
    %get3A_25 = arith.constant 0 : index
    %get3A_26 = arith.constant 0 : index
    %get3A_27 = vector.load %arg5[%get3A_25, %get3A_26] : memref<128x128xf32, #tpu.memory_space<vmem>>, vector<128x128xf32>
    %dot_general3A = arith.constant dense<0.000000e+00> : vector<2048x128xf32>
    %dot_general3A_28 = tpu.matmul %mul3A_13, %get3A_27, %dot_general3A {dimension_numbers = #tpu.dot_dimension_numbers<[1], [0], [0], [1], [0, 0, 1, 1], [], []>, transpose_lhs_hint = false} : vector<2048x128xf32>, vector<128x128xf32>, vector<2048x128xf32> -> vector<2048x128xf32>
    %get3A_29 = arith.constant 0 : index
    %get3A_30 = arith.constant 0 : index
    %get3A_31 = vector.load %arg6[%get3A_29, %get3A_30] : memref<128x128xf32, #tpu.memory_space<vmem>>, vector<128x128xf32>
    %dot_general3A_32 = arith.constant dense<0.000000e+00> : vector<2048x128xf32>
    %dot_general3A_33 = tpu.matmul %concatenate3A_24, %get3A_31, %dot_general3A_32 {dimension_numbers = #tpu.dot_dimension_numbers<[1], [0], [0], [1], [0, 0, 1, 1], [], []>, transpose_lhs_hint = false} : vector<2048x128xf32>, vector<128x128xf32>, vector<2048x128xf32> -> vector<2048x128xf32>
    %add3A = arith.addf %dot_general3A_28, %dot_general3A_33 : vector<2048x128xf32>
    %get3A_34 = arith.constant 0 : index
    %get3A_35 = arith.constant 0 : index
    %get3A_36 = vector.load %arg7[%get3A_34, %get3A_35] : memref<1x128xf32, #tpu.memory_space<vmem>>, vector<1x128xf32>
    %add3A_37 = vector.broadcast %get3A_36 : vector<1x128xf32> to vector<2048x128xf32>
    %add3A_38 = arith.addf %add3A, %add3A_37 : vector<2048x128xf32>
    %max3A_39 = arith.constant 0.000000e+00 : f32
    %max3A_40 = vector.broadcast %max3A_39 : f32 to vector<2048x128xf32>
    %max3A_41 = arith.maximumf %add3A_38, %max3A_40 : vector<2048x128xf32>
    %get3A_42 = arith.constant 0 : index
    %get3A_43 = arith.constant 0 : index
    %get3A_44 = vector.load %arg8[%get3A_42, %get3A_43] : memref<2048x32xf32, #tpu.memory_space<vmem>>, vector<2048x32xf32>
    %dot_general3A_45 = arith.constant dense<0.000000e+00> : vector<32x128xf32>
    %dot_general3A_46 = tpu.matmul %get3A_44, %max3A_41, %dot_general3A_45 {dimension_numbers = #tpu.dot_dimension_numbers<[0], [0], [1], [1], [0, 1, 1, 1], [], []>, transpose_lhs_hint = false} : vector<2048x32xf32>, vector<2048x128xf32>, vector<32x128xf32> -> vector<32x128xf32>
    %get3A_47 = arith.constant 0 : index
    %get3A_48 = arith.constant 0 : index
    %get3A_49 = vector.load %arg9[%get3A_47, %get3A_48] : memref<2048x32xf32, #tpu.memory_space<vmem>>, vector<2048x32xf32>
    %dot_general3A_50 = arith.constant dense<0.000000e+00> : vector<32x128xf32>
    %dot_general3A_51 = tpu.matmul %get3A_49, %max3A_41, %dot_general3A_50 {dimension_numbers = #tpu.dot_dimension_numbers<[0], [0], [1], [1], [0, 1, 1, 1], [], []>, transpose_lhs_hint = false} : vector<2048x32xf32>, vector<2048x128xf32>, vector<32x128xf32> -> vector<32x128xf32>
    %concatenate3A_52 = tpu.concatenate %dot_general3A_46, %dot_general3A_51 in 0 : vector<32x128xf32>, vector<32x128xf32> -> vector<64x128xf32>
    %eq3A = arith.constant 0 : i32
    %eq3A_53 = arith.cmpi eq, %arg0, %eq3A : i32
    %convert_element_type3A = arith.extui %eq3A_53 : i1 to i32
    %cond3A = arith.constant 0 : i32
    %cond3A_54 = arith.cmpi ne, %convert_element_type3A, %cond3A : i32
    scf.if %cond3A_54 {
      %swap3A = arith.constant 0 : index
      %swap3A_64 = arith.constant 0 : index
      %swap3A_65 = vector.load %arg13[%swap3A, %swap3A_64] : memref<64x128xf32, #tpu.memory_space<vmem>>, vector<64x128xf32>
      tpu.vector_store %arg13[%swap3A, %swap3A_64], %concatenate3A_52 {strides = array<i32>} : memref<64x128xf32, #tpu.memory_space<vmem>>, vector<64x128xf32>,
    } else {
    }
    %gt3A = arith.constant 0 : i32
    %gt3A_55 = arith.cmpi sgt, %arg0, %gt3A : i32
    %convert_element_type3A_56 = arith.extui %gt3A_55 : i1 to i32
    %cond3A_57 = arith.constant 0 : i32
    %cond3A_58 = arith.cmpi ne, %convert_element_type3A_56, %cond3A_57 : i32
    scf.if %cond3A_58 {
      %get3A_64 = arith.constant 0 : index
      %get3A_65 = arith.constant 0 : index
      %get3A_66 = vector.load %arg13[%get3A_64, %get3A_65] : memref<64x128xf32, #tpu.memory_space<vmem>>, vector<64x128xf32>
      %add3A_67 = arith.addf %get3A_66, %concatenate3A_52 : vector<64x128xf32>
      %swap3A = arith.constant 0 : index
      %swap3A_68 = arith.constant 0 : index
      %swap3A_69 = vector.load %arg13[%swap3A, %swap3A_68] : memref<64x128xf32, #tpu.memory_space<vmem>>, vector<64x128xf32>
      tpu.vector_store %arg13[%swap3A, %swap3A_68], %add3A_67 {strides = array<i32>} : memref<64x128xf32, #tpu.memory_space<vmem>>, vector<64x128xf32>,
    } else {
    }
    %eq3A_59 = arith.constant 4 : i32
    %eq3A_60 = arith.cmpi eq, %arg0, %eq3A_59 : i32
    %convert_element_type3A_61 = arith.extui %eq3A_60 : i1 to i32
    %cond3A_62 = arith.constant 0 : i32
    %cond3A_63 = arith.cmpi ne, %convert_element_type3A_61, %cond3A_62 : i32
    scf.if %cond3A_63 {
      %get3A_64 = arith.constant 0 : index
      %get3A_65 = arith.constant 0 : index
      %get3A_66 = vector.load %arg13[%get3A_64, %get3A_65] : memref<64x128xf32, #tpu.memory_space<vmem>>, vector<64x128xf32>
      %mul3A_67 = arith.constant 5.000000e-01 : f32
      %mul3A_68 = vector.broadcast %mul3A_67 : f32 to vector<64x128xf32>
      %mul3A_69 = arith.mulf %mul3A_68, %get3A_66 : vector<64x128xf32>
      %get3A_70 = arith.constant 0 : index
      %get3A_71 = arith.constant 0 : index
      %get3A_72 = vector.load %arg10[%get3A_70, %get3A_71] : memref<128x128xf32, #tpu.memory_space<vmem>>, vector<128x128xf32>
      %dot_general3A_73 = arith.constant dense<0.000000e+00> : vector<64x128xf32>
      %dot_general3A_74 = tpu.matmul %mul3A_69, %get3A_72, %dot_general3A_73 {dimension_numbers = #tpu.dot_dimension_numbers<[1], [0], [0], [1], [0, 0, 1, 1], [], []>, transpose_lhs_hint = false} : vector<64x128xf32>, vector<128x128xf32>, vector<64x128xf32> -> vector<64x128xf32>
      %get3A_75 = arith.constant 0 : index
      %get3A_76 = arith.constant 0 : index
      %get3A_77 = vector.load %arg11[%get3A_75, %get3A_76] : memref<1x128xf32, #tpu.memory_space<vmem>>, vector<1x128xf32>
      %add3A_78 = vector.broadcast %get3A_77 : vector<1x128xf32> to vector<64x128xf32>
      %add3A_79 = arith.addf %dot_general3A_74, %add3A_78 : vector<64x128xf32>
      %swap3A = arith.constant 0 : index
      %swap3A_80 = arith.constant 0 : index
      %swap3A_81 = vector.load %arg12[%swap3A, %swap3A_80] : memref<64x128xf32, #tpu.memory_space<vmem>>, vector<64x128xf32>
      tpu.vector_store %arg12[%swap3A, %swap3A_80], %add3A_79 {strides = array<i32>} : memref<64x128xf32, #tpu.memory_space<vmem>>, vector<64x128xf32>,
    } else {
    }
    return
  }
  func.func @transform_0(%arg0: i32) -> (i32, i32) {
    %c0_i32 = arith.constant 0 : i32
    %c0_i32_0 = arith.constant 0 : i32
    return %arg0, %c0_i32 : i32, i32
  }
  func.func @transform_1(%arg0: i32) -> (i32, i32) {
    %c0_i32 = arith.constant 0 : i32
    %c0_i32_0 = arith.constant 0 : i32
    return %arg0, %c0_i32 : i32, i32
  }
  func.func @transform_2(%arg0: i32) -> (i32, i32) {
    %c0_i32 = arith.constant 0 : i32
    %c0_i32_0 = arith.constant 0 : i32
    return %c0_i32, %arg0 : i32, i32
  }
  func.func @transform_3(%arg0: i32) -> (i32, i32, i32) {
    %c0_i32 = arith.constant 0 : i32
    %c0_i32_0 = arith.constant 0 : i32
    %c0_i32_1 = arith.constant 0 : i32
    return %c0_i32, %arg0, %c0_i32_0 : i32, i32, i32
  }
  func.func @transform_4(%arg0: i32) -> (i32, i32) {
    %c0_i32 = arith.constant 0 : i32
    %c0_i32_0 = arith.constant 0 : i32
    %c0_i32_1 = arith.constant 0 : i32
    return %c0_i32, %c0_i32_0 : i32, i32
  }
  func.func @transform_5(%arg0: i32) -> (i32, i32) {
    %c0_i32 = arith.constant 0 : i32
    %c0_i32_0 = arith.constant 0 : i32
    %c0_i32_1 = arith.constant 0 : i32
    return %c0_i32, %c0_i32_0 : i32, i32
  }
  func.func @transform_6(%arg0: i32) -> (i32, i32) {
    %c0_i32 = arith.constant 0 : i32
    %c0_i32_0 = arith.constant 0 : i32
    %c0_i32_1 = arith.constant 0 : i32
    return %c0_i32, %c0_i32_0 : i32, i32
  }
  func.func @transform_7(%arg0: i32) -> (i32, i32) {
    %c0_i32 = arith.constant 0 : i32
    %c0_i32_0 = arith.constant 0 : i32
    return %arg0, %c0_i32 : i32, i32
  }
  func.func @transform_8(%arg0: i32) -> (i32, i32) {
    %c0_i32 = arith.constant 0 : i32
    %c0_i32_0 = arith.constant 0 : i32
    return %arg0, %c0_i32 : i32, i32
  }
  func.func @transform_9(%arg0: i32) -> (i32, i32) {
    %c0_i32 = arith.constant 0 : i32
    %c0_i32_0 = arith.constant 0 : i32
    %c0_i32_1 = arith.constant 0 : i32
    return %c0_i32, %c0_i32_0 : i32, i32
  }
  func.func @transform_10(%arg0: i32) -> (i32, i32) {
    %c0_i32 = arith.constant 0 : i32
    %c0_i32_0 = arith.constant 0 : i32
    %c0_i32_1 = arith.constant 0 : i32
    return %c0_i32, %c0_i32_0 : i32, i32
  }
  func.func @transform_11(%arg0: i32) -> (i32, i32) {
    %c0_i32 = arith.constant 0 : i32
    %c0_i32_0 = arith.constant 0 : i32
    %c0_i32_1 = arith.constant 0 : i32
    return %c0_i32, %c0_i32_0 : i32, i32
  }
}

</mosaic_0001>

<sc_bundles>
// kernel: kernel.11.cloned.1.call-start
scs
__scs_entry_jumppad:
0x0: {  	(pc) =	sbr.rel $0x88, $3  }
0x1: {  	(tag) =	ssettag $0x0;
	lr =	simm.s32 $0x1  }
0x2: {  	[smem:$0x3F96] =	sst lr;
	_ =	strace $0xD0000000  }
0x3: {  	_ = 	snop  }
0x4: {  	_ = 	snop  }
0x5: {  	_ = 	snop  }
0x6: {  	_ = 	snop  }
0x7: {  	_ = 	snop  }
__scs_overlays_trampoline_lowered:
0x8: {  	[smem:$0x3FA5] =	sst s0  }
0x9: {  	[smem:$0x3FA6] =	sst s1  }
0xa: {  	[smem:$0x3FA7] =	sst s2  }
0xb: {  	[smem:$0x3FA8] =	sst s3  }
0xc: {  	[smem:$0x3FA9] =	sst s4  }
0xd: {  	[smem:$0x3FAA] =	sst s5  }
0xe: {  	[smem:$0x3FAB] =	sst s6  }
0xf: {  	[smem:$0x3FAC] =	sst s7  }
0x10: {  	[smem:$0x3FAD] =	sst s8  }
0x11: {  	[smem:$0x3FAE] =	sst s9;
	s0 =	simm.s32 @!p0 $0x0  }
0x12: {  	s1 =	sld [smem:$0x3F94];
	s0 =	simm.s32 @p0 $0x1  }
0x13: {  	[smem:$0x3FAF] =	sst s0;
	s0 =	simm.s32 @!p1 $0x0  }
0x14: {  	s2 =	sld [smem:$0x3F93];
	s0 =	simm.s32 @p1 $0x1  }
0x15: {  	[smem:$0x3FB0] =	sst s0;
	s0 =	simm.s32 @!p2 $0x0  }
0x16: {  	s3 =	sld [smem:$0x3FDB];
	s0 =	simm.s32 @p2 $0x1  }
0x17: {  	s4 =	simm.s32 $0x1BF5;
	[smem:$0x3FB2] =	sst s0  }
0x18: {  	s0 =	sld [smem:$0x3F95];
	_ =	swait.ge [sflag:s4], $0x0  }
0x19: {  	s7 =	sld [smem:$0x3F96]  }
0x1a: {  	s8 =	sadd.s32 $0xFFFFE003, lr  }
0x1b: {  	s9 =	sadd.s32 $0xFFFFFEF7, lr;
	s5 =	simm.s32 $0xFFFFFFFF;
	p2 =	slt.u32 s8, $0xFFFFF086  }
0x1c: {  	p1 =	slt.u32 s9, $0xF7A;
	s5 =	simm.s32 @!p2 $0x0  }
0x1d: {  	s5 =	simm.s32 @p1 $0x1;
	p0 =	seq.s32 s7, s2  }
0x1e: {  	s7 =	smul.u32 @!p0 $0xF7A, s2;
	p2 =	seq.s32 @!p0 s5, $0x0  }
0x1f: {  	s9 =	smul.u32 $0xF7A, s1;
	s8 =	simm.s32 @!p0 $0x1BF5;
	p2 =	por !p2, p0  }
0x20: {  	[sflag:s8] =	ssyncset.s32 @!p0 $0xFFFFF086;
	s6 =	sadd.s32 @!p0 s3, s7;
	s7 =	simm.s32 @!p0 $0x108  }
0x21: {  	s3 =	sadd.s32 s3, s9;
	s6 =	sadd.s32 @!p0 $0x88, s6;
	s7 =	simm.s32 @p2 $0x1082  }
0x22: {  	[simem:s7], [sflag:s8] =	dma.local @!p0 [hbm:s6], $0xF7A  }
0x23: {  	s9 =	sor.u32 $0xD0000000, s2;
	s6 =	simm.s32 $0x108;
	_ =	swait.ge @!p0 [sflag:s8], $0x0  }
0x24: {  	s3 =	sadd.s32 $0x88, s3;
	s6 =	simm.s32 @!p1 $0x1082;
	[sflag:s4] =	ssyncset.s32 $0xFFFFF086  }
0x25: {  	[simem:s6], [sflag:s4] =	dma.local [hbm:s3], $0xF7A  }
0x26: {  	[smem:$0x3F96] =	sst s1;
	(tag) =	ssettag s2;
	_ =	strace s9  }
0x27: {  	s1 =	sld [smem:$0x3FA6]  }
0x28: {  	s2 =	sld [smem:$0x3FA7]  }
0x29: {  	s4 =	sld [smem:$0x3FA9]  }
0x2a: {  	p0 =	seq.s32 s5, $0x0;
	s5 =	sld [smem:$0x3FAA]  }
0x2b: {  	s6 =	sld [smem:$0x3FAB]  }
0x2c: {  	s7 =	sld [smem:$0x3FAC]  }
0x2d: {  	s3 =	simm.s32 $0x108;
	s8 =	sld [smem:$0x3FAD]  }
0x2e: {  	s3 =	simm.s32 @!p0 $0x1082;
	s9 =	sld [smem:$0x3FAE]  }
0x2f: {  	lr =	sadd.s32 s0, s3;
	s0 =	sld [smem:$0x3FA5]  }
0x30: {  	s3 =	sld [smem:$0x3FA8]  }
0x31: {  	[smem:$0x3FB1] =	sst s10  }
0x32: {  	s10 =	sld [smem:$0x3FAF];
	_ =	sdelay $0x3  }
0x33: {  	p0 =	seq.s32 s10, $0x1;
	s10 =	sld [smem:$0x3FB1];
	_ =	sdelay $0x3  }
0x34: {  	[smem:$0x3FB1] =	sst s10  }
0x35: {  	s10 =	sld [smem:$0x3FB0];
	_ =	sdelay $0x3  }
0x36: {  	p1 =	seq.s32 s10, $0x1;
	s10 =	sld [smem:$0x3FB1];
	_ =	sdelay $0x3  }
0x37: {  	[smem:$0x3FB1] =	sst s10  }
0x38: {  	s10 =	sld [smem:$0x3FB2]  }
0x39: {  	_ = 	snop;
	(pc) =	sbr.ind lr, $3  }
0x3a: {  	_ = 	snop  }
0x3b: {  	_ = 	snop  }
0x3c: {  	p2 =	seq.s32 s10, $0x1;
	s10 =	sld [smem:$0x3FB1]  }
0x3d: {  	_ =	shalt  }
0x3e: {  	_ =	shalt  }
0x3f: {  	_ =	shalt  }
0x40: {  	_ =	shalt  }
0x41: {  	_ =	shalt  }
0x42: {  	_ =	shalt  }
0x43: {  	_ =	shalt  }
0x44: {  	_ =	shalt  }
0x45: {  	_ =	shalt  }
0x46: {  	_ =	shalt  }
0x47: {  	_ =	shalt  }
0x48: {  	_ =	shalt  }
0x49: {  	_ =	shalt  }
0x4a: {  	_ =	shalt  }
0x4b: {  	_ =	shalt  }
0x4c: {  	_ =	shalt  }
0x4d: {  	_ =	shalt  }
0x4e: {  	_ =	shalt  }
0x4f: {  	_ =	shalt  }
0x50: {  	_ =	shalt  }
0x51: {  	_ =	shalt  }
0x52: {  	_ =	shalt  }
0x53: {  	_ =	shalt  }
0x54: {  	_ =	shalt  }
0x55: {  	_ =	shalt  }
0x56: {  	_ =	shalt  }
0x57: {  	_ =	shalt  }
0x58: {  	_ =	shalt  }
0x59: {  	_ =	shalt  }
0x5a: {  	_ =	shalt  }
0x5b: {  	_ =	shalt  }
0x5c: {  	_ =	shalt  }
0x5d: {  	_ =	shalt  }
0x5e: {  	_ =	shalt  }
0x5f: {  	_ =	shalt  }
0x60: {  	_ =	shalt  }
0x61: {  	_ =	shalt  }
0x62: {  	_ =	shalt  }
0x63: {  	_ =	shalt  }
0x64: {  	_ =	shalt  }
0x65: {  	_ =	shalt  }
0x66: {  	_ =	shalt  }
0x67: {  	_ =	shalt  }
0x68: {  	_ =	shalt  }
0x69: {  	_ =	shalt  }
0x6a: {  	_ =	shalt  }
0x6b: {  	_ =	shalt  }
0x6c: {  	_ =	shalt  }
0x6d: {  	_ =	shalt  }
0x6e: {  	_ =	shalt  }
0x6f: {  	_ =	shalt  }
0x70: {  	_ =	shalt  }
0x71: {  	_ =	shalt  }
0x72: {  	_ =	shalt  }
0x73: {  	_ =	shalt  }
0x74: {  	_ =	shalt  }
0x75: {  	_ =	shalt  }
0x76: {  	_ =	shalt  }
0x77: {  	_ =	shalt  }
0x78: {  	_ =	shalt  }
0x79: {  	_ =	shalt  }
0x7a: {  	_ =	shalt  }
0x7b: {  	_ =	shalt  }
0x7c: {  	_ =	shalt  }
0x7d: {  	_ =	shalt  }
0x7e: {  	_ =	shalt  }
0x7f: {  	_ =	shalt  }
0x80: {  	_ =	shalt  }
0x81: {  	_ =	shalt  }
0x82: {  	_ =	shalt  }
0x83: {  	_ =	shalt  }
0x84: {  	_ =	shalt  }
0x85: {  	_ =	shalt  }
0x86: {  	_ =	shalt  }
0x87: {  	_ =	shalt  }
.Lfunc_end0:
.L_simem_size_0:
called_computation.1_lowered:
.L_overlay_start_0:
0x88: {  	s2 =	sld [smem:$0x3FD9]  }
0x89: {  	s3 =	sld [smem:$0x3FFE];
	_ =	sdelay $0x1  }
0x8a: {  	s1 =	srdreg.scid  }
0x8b: {  	s0 =	sand.u32 $0x1, s1  }
0x8c: {  	s17 =	sshll.u32 s0, $0xA;
	s2 =	sadd.s32 s3, s2  }
0x8d: {  	s2 =	sadd.s32 s2, s17  }
0x8e: {  	[smem:$0x3FBD] =	sst s2  }
0x8f: {  	_ = 	snop  }
0x90: {  	(tm) =	ssettm $0x1  }
0x91: {  	s18 =	sld [smem:$0x3FFB];
	_ =	sdelay $0x3  }
0x92: {  	_ =	strace s18  }
0x93: {  	s2 =	sld [smem:$0x3FFC];
	_ =	sdelay $0x3  }
0x94: {  	_ =	strace s2  }
0x95: {  	s2 =	sld [smem:$0x3FFD];
	_ =	sdelay $0x3  }
0x96: {  	_ =	strace s2  }
0x97: {  	_ =	strace $0x8FFFFFFF  }
0x98: {  	s19 =	sld [smem:$0x3FDB];
	_ =	sdelay $0x1  }
0x99: {  	s20 =	simm.s32 $_scs_section_size  }
0x9a: {  	s4 =	simm.s32 $_size__tile_overlayer_lowered;
	s5 =	simm.s32 $_tile_overlayer_lowered  }
0x9b: {  	s6 =	simm.s32 $0x1BFF;
	s21 =	sshll.u32 s5, $0x1;
	s3 =	sadd.s32 s20, s19  }
0x9c: {  	s22 =	simm.s32 $0x0;
	s4 =	sshll.u32 s4, $0x1;
	s5 =	sadd.s32 s21, s3  }
0x9d: {  	[timem:s22], [sflag:s6] =	dma.local [hbm:s5], s4  }
0x9e: {  	_ =	swait.ge [sflag:s6], s4  }
0x9f: {  	s4 =	ssub.s32 $0x0, s4;
	[sflag:s6] =	ssyncset.done $0x0  }
0xa0: {  	[sflag:s6] =	ssyncadd.s32 s4;
	_ =	sdelay $0x1  }
0xa1: {  	s23 =	simm.s32 $0x1B8B  }
0xa2: {  	_ =	swait.ge [sflag:s23], $0x1  }
0xa3: {  	[sflag:s23] =	ssyncset.done $0x0  }
0xa4: {  	[sflag:s23] =	ssyncadd.s32 $0xFFFFFFFF  }
0xa5: {  	s4 =	sld [smem:$0x0]  }
0xa6: {  	s5 =	sand.u32 $0xFFFFFFFE, s1  }
0xa7: {  	p0 =	sne.s32 s1, s5  }
0xa8: {  	s5 =	sshll.u32 @p0 s5, $0xE  }
0xa9: {  	s5 =	sadd.s32 @p0 $0x11B8D, s5;
	s6 =	sshll.u32 @p0 s4, $0x11  }
0xaa: {  	s5 =	sor.u32 @p0 s6, s5  }
0xab: {  	[sflag:s5] =	ssyncadd.remote.s32 @p0 $0x1;
	_ =	sdelay $0x1  }
0xac: {  	s5 =	simm.s32 @p0 $0x1B8D  }
0xad: {  	_ =	swait.eq @p0 [sflag:s5], $0x1  }
0xae: {  	[sflag:s5] =	ssyncadd.s32 @p0 $0xFFFFFFFF  }
0xaf: {  	s6 =	sshll.u32 @!p0 s1, $0xE  }
0xb0: {  	s6 =	sor.u32 @!p0 $0x4000, s6;
	s5 =	simm.s32 @!p0 $0x1B8D  }
0xb1: {  	s4 =	sshll.u32 @!p0 s4, $0x11;
	s6 =	sadd.s32 @!p0 $0x11B8D, s6;
	_ =	swait.eq @!p0 [sflag:s5], $0x1  }
0xb2: {  	s4 =	sor.u32 @!p0 s4, s6;
	[sflag:s5] =	ssyncadd.s32 @!p0 $0xFFFFFFFF  }
0xb3: {  	s25 =	simm.s32 $0x1B8E;
	s24 =	sld [smem:$0x3FFE];
	[sflag:s4] =	ssyncadd.remote.s32 @!p0 $0x1  }
0xb4: {  	s26 =	simm.s32 $execute0_lowered;
	[smem:$0x3FD2] =	sst s25  }
0xb5: {  	s5 =	sshll.u32 s26, $0x1;
	_ =	strace $0x80000049;
	[dreg:$0x1] =	wrdreg $0xFFFFFFFF  }
0xb6: {  	s28 =	simm.s32 $_size_execute0_lowered;
	s3 =	sadd.s32 s3, s5;
	[dreg:$0x0] =	wrdreg $0x0  }
0xb7: {  	s5 =	sshll.u32 s28, $0x1;
	[dreg:$0x2] =	wrdreg s3  }
0xb8: {  	[dreg:$0x3] =	wrdreg s5  }
0xb9: {  	[dreg:$0x4] =	wrdreg $0xC0  }
0xba: {  	_ =	task [dreg:s22], $0x5FFFF  }
0xbb: {  	[dreg:$0x1] =	wrdreg $0xFFFFFFFF  }
0xbc: {  	[dreg:$0x0] =	wrdreg $0x60  }
0xbd: {  	[dreg:$0x2] =	wrdreg s24  }
0xbe: {  	[dreg:$0x3] =	wrdreg $0x100400  }
0xbf: {  	[dreg:$0x4] =	wrdreg $0x9  }
0xc0: {  	_ =	task.clear_ibuf [dreg:s22], $0x5FFFF;
	_ =	strace $0x90000049  }
0xc1: {  	s29 =	simm.s32 $0x9;
	_ =	strace $0x8000004B  }
0xc2: {  	_ =	swait.ge [sflag:s29], $0x1  }
0xc3: {  	[sflag:s29] =	ssyncadd.s32 $0xFFFFFFFF  }
0xc4: {  	_ =	strace $0x9000004B  }
0xc5: {  	_ =	sfence  }
0xc6: {  	s30 =	sld [smem:$0x0];
	_ =	sdelay $0x2  }
0xc7: {  	s31 =	sshll.u32 s1, $0xD;
	s1 =	sshrl.u32 s1, $0x2  }
0xc8: {  	s4 =	sand.u32 $0x4000, s31;
	s1 =	sadd.s32 s1, s30  }
0xc9: {  	s0 =	sor.u32 s4, s0;
	s1 =	sshll.u32 s1, $0x11  }
0xca: {  	s0 =	sor.u32 s1, s0  }
0xcb: {  	s0 =	sadd.s32 $0x8F2B, s0  }
0xcc: {  	[sflag:s0] =	ssyncadd.remote.s32 $0x1  }
0xcd: {  	_ =	sfence.sel $0xFFFF  }
0xce: {  	[dreg:$0x0] =	wrdreg $0xFFFFFFFF;
	(pc) =	sbr.abs _section_cstart, $3  }
0xcf: {  	[dreg:$0x1] =	wrdreg $0xFFFFFFFF  }
0xd0: {  	_ =	task.clear_ibuf [dreg:s22], $0x2FFFF;
	_ =	strace $0x9FFFFFFF  }
0xd1: {  	(tm) =	ssettm $0x7FFFFFFF  }
tec
execute0_lowered:
.L_overlay_start_1:
0x0: {  	(tag) =	ssettag $0x1  }
0x1: {  	s0 =	rddreg [dreg:$0x0]  }
0x2: {  	s1 =	rddreg [dreg:$0x1];
	s2 =	srdreg.scid  }
0x3: {  	s3 =	simm.s32 $0x0;
	s13 =	stileid.u32;
	s14 =	simm.s32 $0x9C40  }
0x4: {  	s16 =	simm.s32 $0x1;
	s17 =	simm.s32 $0x50;
	s18 =	simm.s32 $0xA640  }
0x5: {  	s19 =	simm.s32 $0xB040;
	s20 =	simm.s32 $0xBA40;
	s28 =	simm.s32 $0xEC40  }
0x6: {  	s29 =	simm.s32 $0xF640;
	s30 =	simm.s32 $0x4;
	s5 =	smul.u32 $0x4E20, s13  }
0x7: {  	s31 =	simm.s32 $0x0;
	s2 =	sand.u32 $0x1, s2;
	s9 =	smul.u32 $0x5000, s13  }
0x8: {  	[smem:$0x7FF] =	sst s3;
	s23 =	sadd.s32 $0x6BE00, s0;
	s26 =	smul.u32 $0x13880, s13  }
0x9: {  	s24 =	sshll.u32 s13, $0x6;
	s4 =	smul.u32 $0x138800, s2;
	_ =	strace $0x8000004A  }
0xa: {  	s22 =	ssub.s32 $0x2, s2;
	[dreg:$0x3] =	wrdreg s23;
	p0 =	seq.s32 s2, $0x1  }
0xb: {  	s2 =	simm.s32 $0x6C800;
	s23 =	simm.s32 $0x3;
	s21 =	sshrl.u32 s5, $0x3  }
0xc: {  	s6 =	sshrl.u32 s22, $0x1;
	s11 =	sadd.s32 s9, s1;
	s5 =	sor.u32 $0x1C05, s24  }
0xd: {  	s2 =	simm.s32 @!p0 $0x76800;
	s9 =	sshrl.u32 s9, $0x3;
	s24 =	simm.s32 $0x2  }
0xe: {  	s8 =	sadd.s32 s4, s0;
	s7 =	sadd.s32 s21, s0;
	s10 =	ssub.s32 s22, s6  }
0xf: {  	s0 =	sadd.s32 s2, s0;
	s21 =	simm.s32 $0xC440;
	s22 =	simm.s32 $0xCE40  }
0x10: {  	s25 =	sadd.s32 $0xCA00, s7;
	s7 =	sadd.s32 $0x2C00, s7;
	s12 =	sadd.s32 $0xA2FE00, s8  }
0x11: {  	s8 =	smax.u32 s10, $0x1;
	s9 =	sadd.s32 s0, s9;
	s10 =	sshrl.u32 s11, $0x3  }
0x12: {  	s11 =	simm.s32 $0x5;
	[dreg:$0x4] =	wrdreg s25;
	s13 =	sadd.s32 s26, s12  }
0x13: {  	s15 =	sadd.s32 s12, s26;
	s25 =	simm.s32 $0xD840;
	s26 =	simm.s32 $0xE240  }
.LBB2_1:
0x14: {  	s0 =	rddreg [dreg:$0x3]  }
0x15: {  	[spmem:s10], [sflag:s5] =	dma.local [hbm:s0], $0xA00  }
0x16: {  	_ =	swait.ge [sflag:s11], $0xA00  }
0x17: {  	[sflag:s11] =	ssyncset.done $0x0  }
0x18: {  	s12 =	rddreg [dreg:$0x4];
	[sflag:s11] =	ssyncadd.s32 $0xFFFFF600  }
0x19: {  	[tilespmem:s3], [sflag:$0x5] =	stream.linear.gather [hbm4b:s12+s3], $0x4E20, $0x38;
	[tilespmem:$0x15040] =	vst v63  }
0x1a: {  	_ =	swait.ge [sflag:s11], $0x4E20  }
0x1b: {  	[sflag:s11] =	ssyncset.done $0x0  }
0x1c: {  	s2 =	simm.s32 $0x4E20;
	[sflag:s11] =	ssyncadd.s32 $0xFFFFB1E0  }
0x1d: {  	[tilespmem:s2], [sflag:$0x5] =	stream.linear.gather [hbm4b:s7+s3], $0x4E20, $0x38;
	[tilespmem:$0x15040] =	vst v63  }
0x1e: {  	_ =	swait.ge [sflag:s11], $0x4E20  }
0x1f: {  	[sflag:s11] =	ssyncset.done $0x0  }
0x20: {  	[sflag:s11] =	ssyncadd.s32 $0xFFFFB1E0  }
0x21: {  	[bflag:$0x0] =	sbarrier.arrive $0xFFFF  }
0x22: {  	[tilespmem:s14], [sflag:$0x1] =	stream.linear.gather [hbm4b:s13+s3], $0x3200, $0x38;
	[tilespmem:$0x15040] =	vst v63  }
0x23: {  	_ =	swait.ge [sflag:s16], $0x3200  }
0x24: {  	[sflag:s16] =	ssyncset.done $0x0  }
0x25: {  	s4 =	simm.s32 $0x0;
	[sflag:s16] =	ssyncadd.s32 $0xFFFFCE00  }
0x26: {  	[spmem:s1] =	stream.indirect.scatter.add.f32 [tilespmem:s14], [sflag:$0x3], $0x20, s4, s17, $0xb8;
	[tilespmem:$0x15040] =	vst v63  }
0x27: {  	s6 =	simm.s32 $0x4E20  }
0x28: {  	[spmem:s1] =	stream.indirect.scatter.add.f32 [tilespmem:s14], [sflag:$0x3], $0x20, s6, s17, $0xb8;
	[tilespmem:$0x15040] =	vst v63  }
0x29: {  	s12 =	simm.s32 $0x50  }
0x2a: {  	[spmem:s1] =	stream.indirect.scatter.add.f32 [tilespmem:s18], [sflag:$0x3], $0x20, s12, s17, $0xb8;
	[tilespmem:$0x15040] =	vst v63  }
0x2b: {  	s2 =	simm.s32 $0x4E70  }
0x2c: {  	[spmem:s1] =	stream.indirect.scatter.add.f32 [tilespmem:s18], [sflag:$0x3], $0x20, s2, s17, $0xb8;
	[tilespmem:$0x15040] =	vst v63  }
0x2d: {  	s4 =	simm.s32 $0xA0  }
0x2e: {  	[spmem:s1] =	stream.indirect.scatter.add.f32 [tilespmem:s19], [sflag:$0x3], $0x20, s4, s17, $0xb8;
	[tilespmem:$0x15040] =	vst v63  }
0x2f: {  	s6 =	simm.s32 $0x4EC0  }
0x30: {  	[spmem:s1] =	stream.indirect.scatter.add.f32 [tilespmem:s19], [sflag:$0x3], $0x20, s6, s17, $0xb8;
	[tilespmem:$0x15040] =	vst v63  }
0x31: {  	s12 =	simm.s32 $0xF0  }
0x32: {  	[spmem:s1] =	stream.indirect.scatter.add.f32 [tilespmem:s20], [sflag:$0x3], $0x20, s12, s17, $0xb8;
	[tilespmem:$0x15040] =	vst v63  }
0x33: {  	s2 =	simm.s32 $0x4F10  }
0x34: {  	[spmem:s1] =	stream.indirect.scatter.add.f32 [tilespmem:s20], [sflag:$0x3], $0x20, s2, s17, $0xb8;
	[tilespmem:$0x15040] =	vst v63  }
0x35: {  	p0 =	por $0x1, $0x1;
	s4 =	simm.s32 $0x140  }
0x36: {  	[spmem:s1] =	stream.indirect.scatter.add.f32 [tilespmem:s21], [sflag:$0x3], $0x20, s4, s17, $0xb8;
	[tilespmem:$0x15040] =	vst v63  }
0x37: {  	s0 =	simm.s32 @!p0 $0x4;
	s6 =	simm.s32 $0x4F60  }
0x38: {  	[spmem:s1] =	stream.indirect.scatter.add.f32 [tilespmem:s21], [sflag:$0x3], $0x20, s6, s17, $0xb8;
	[tilespmem:$0x15040] =	vst v63  }
0x39: {  	_ =	swait.ge @!p0 [sflag:s0], $0xA00  }
0x3a: {  	[sflag:s0] =	ssyncset.done @!p0 $0x0  }
0x3b: {  	[sflag:s0] =	ssyncadd.s32 @!p0 $0xFFFFF600  }
0x3c: {  	_ =	swait.ge @!p0 [sflag:s0], $0xA00  }
0x3d: {  	[sflag:s0] =	ssyncset.done @!p0 $0x0  }
0x3e: {  	[sflag:s0] =	ssyncadd.s32 @!p0 $0xFFFFF600  }
0x3f: {  	_ =	swait.ge @!p0 [sflag:s0], $0xA00  }
0x40: {  	[sflag:s0] =	ssyncset.done @!p0 $0x0  }
0x41: {  	[sflag:s0] =	ssyncadd.s32 @!p0 $0xFFFFF600  }
0x42: {  	_ =	swait.ge @!p0 [sflag:s0], $0xA00  }
0x43: {  	[sflag:s0] =	ssyncset.done @!p0 $0x0  }
0x44: {  	[sflag:s0] =	ssyncadd.s32 @!p0 $0xFFFFF600  }
0x45: {  	_ =	swait.ge @!p0 [sflag:s0], $0xA00  }
0x46: {  	[sflag:s0] =	ssyncset.done @!p0 $0x0  }
0x47: {  	[sflag:s0] =	ssyncadd.s32 @!p0 $0xFFFFF600  }
0x48: {  	_ =	swait.ge @!p0 [sflag:s0], $0xA00  }
0x49: {  	[sflag:s0] =	ssyncset.done @!p0 $0x0  }
0x4a: {  	[sflag:s0] =	ssyncadd.s32 @!p0 $0xFFFFF600  }
0x4b: {  	_ =	swait.ge @!p0 [sflag:s0], $0xA00  }
0x4c: {  	[sflag:s0] =	ssyncset.done @!p0 $0x0  }
0x4d: {  	[sflag:s0] =	ssyncadd.s32 @!p0 $0xFFFFF600  }
0x4e: {  	_ =	swait.ge @!p0 [sflag:s0], $0xA00  }
0x4f: {  	[sflag:s0] =	ssyncset.done @!p0 $0x0  }
0x50: {  	[sflag:s0] =	ssyncadd.s32 @!p0 $0xFFFFF600  }
0x51: {  	_ =	swait.ge @!p0 [sflag:s0], $0xA00  }
0x52: {  	[sflag:s0] =	ssyncset.done @!p0 $0x0  }
0x53: {  	[sflag:s0] =	ssyncadd.s32 @!p0 $0xFFFFF600  }
0x54: {  	_ =	swait.ge @!p0 [sflag:s0], $0xA00  }
0x55: {  	s2 =	sadd.s32 $0x0, s15;
	[sflag:s0] =	ssyncset.done @!p0 $0x0  }
0x56: {  	s2 =	sadd.s32 $0x640, s2;
	[sflag:s0] =	ssyncadd.s32 @!p0 $0xFFFFF600  }
0x57: {  	[tilespmem:s22], [sflag:$0x2] =	stream.linear.gather [hbm4b:s2+s3], $0x3200, $0x38;
	[tilespmem:$0x15040] =	vst v63  }
0x58: {  	_ =	swait.ge [sflag:s23], $0xA00  }
0x59: {  	[sflag:s23] =	ssyncset.done $0x0  }
0x5a: {  	[sflag:s23] =	ssyncadd.s32 $0xFFFFF600  }
0x5b: {  	_ =	swait.ge [sflag:s23], $0xA00  }
0x5c: {  	[sflag:s23] =	ssyncset.done $0x0  }
0x5d: {  	[sflag:s23] =	ssyncadd.s32 $0xFFFFF600  }
0x5e: {  	_ =	swait.ge [sflag:s23], $0xA00  }
0x5f: {  	[sflag:s23] =	ssyncset.done $0x0  }
0x60: {  	[sflag:s23] =	ssyncadd.s32 $0xFFFFF600  }
0x61: {  	_ =	swait.ge [sflag:s23], $0xA00  }
0x62: {  	[sflag:s23] =	ssyncset.done $0x0  }
0x63: {  	[sflag:s23] =	ssyncadd.s32 $0xFFFFF600  }
0x64: {  	_ =	swait.ge [sflag:s23], $0xA00  }
0x65: {  	[sflag:s23] =	ssyncset.done $0x0  }
0x66: {  	[sflag:s23] =	ssyncadd.s32 $0xFFFFF600  }
0x67: {  	_ =	swait.ge [sflag:s23], $0xA00  }
0x68: {  	[sflag:s23] =	ssyncset.done $0x0  }
0x69: {  	[sflag:s23] =	ssyncadd.s32 $0xFFFFF600  }
0x6a: {  	_ =	swait.ge [sflag:s23], $0xA00  }
0x6b: {  	[sflag:s23] =	ssyncset.done $0x0  }
0x6c: {  	[sflag:s23] =	ssyncadd.s32 $0xFFFFF600  }
0x6d: {  	_ =	swait.ge [sflag:s23], $0xA00  }
0x6e: {  	[sflag:s23] =	ssyncset.done $0x0  }
0x6f: {  	[sflag:s23] =	ssyncadd.s32 $0xFFFFF600  }
0x70: {  	_ =	swait.ge [sflag:s23], $0xA00  }
0x71: {  	[sflag:s23] =	ssyncset.done $0x0  }
0x72: {  	[sflag:s23] =	ssyncadd.s32 $0xFFFFF600  }
0x73: {  	p0 =	por $0x0, $0x0;
	_ =	swait.ge [sflag:s23], $0xA00  }
0x74: {  	s0 =	sadd.s32 @!p0 $0x0, s15;
	s2 =	simm.s32 @!p0 $0x9C40;
	[sflag:s23] =	ssyncset.done $0x0  }
0x75: {  	s12 =	simm.s32 @!p0 $0x0;
	s0 =	sadd.s32 @!p0 $0xC80, s0;
	[sflag:s23] =	ssyncadd.s32 $0xFFFFF600  }
0x76: {  	[tilespmem:s2], [sflag:$0x1] =	stream.linear.gather @!p0 [hbm4b:s0+s12], $0x3200, $0x38;
	[tilespmem:$0x15040] =	vst v63  }
0x77: {  	_ =	swait.ge [sflag:s24], $0x3200  }
0x78: {  	[sflag:s24] =	ssyncset.done $0x0  }
0x79: {  	s12 =	simm.s32 $0x190;
	[sflag:s24] =	ssyncadd.s32 $0xFFFFCE00  }
0x7a: {  	[spmem:s1] =	stream.indirect.scatter.add.f32 [tilespmem:s22], [sflag:$0x4], $0x20, s12, s17, $0xb8;
	[tilespmem:$0x15040] =	vst v63  }
0x7b: {  	s2 =	simm.s32 $0x4FB0  }
0x7c: {  	[spmem:s1] =	stream.indirect.scatter.add.f32 [tilespmem:s22], [sflag:$0x4], $0x20, s2, s17, $0xb8;
	[tilespmem:$0x15040] =	vst v63  }
0x7d: {  	s4 =	simm.s32 $0x1E0  }
0x7e: {  	[spmem:s1] =	stream.indirect.scatter.add.f32 [tilespmem:s25], [sflag:$0x4], $0x20, s4, s17, $0xb8;
	[tilespmem:$0x15040] =	vst v63  }
0x7f: {  	s6 =	simm.s32 $0x5000  }
0x80: {  	[spmem:s1] =	stream.indirect.scatter.add.f32 [tilespmem:s25], [sflag:$0x4], $0x20, s6, s17, $0xb8;
	[tilespmem:$0x15040] =	vst v63  }
0x81: {  	s12 =	simm.s32 $0x230  }
0x82: {  	[spmem:s1] =	stream.indirect.scatter.add.f32 [tilespmem:s26], [sflag:$0x4], $0x20, s12, s17, $0xb8;
	[tilespmem:$0x15040] =	vst v63  }
0x83: {  	s2 =	simm.s32 $0x5050  }
0x84: {  	[spmem:s1] =	stream.indirect.scatter.add.f32 [tilespmem:s26], [sflag:$0x4], $0x20, s2, s17, $0xb8;
	[tilespmem:$0x15040] =	vst v63  }
0x85: {  	s4 =	simm.s32 $0x280  }
0x86: {  	[spmem:s1] =	stream.indirect.scatter.add.f32 [tilespmem:s28], [sflag:$0x4], $0x20, s4, s17, $0xb8;
	[tilespmem:$0x15040] =	vst v63  }
0x87: {  	s6 =	simm.s32 $0x50A0  }
0x88: {  	[spmem:s1] =	stream.indirect.scatter.add.f32 [tilespmem:s28], [sflag:$0x4], $0x20, s6, s17, $0xb8;
	[tilespmem:$0x15040] =	vst v63  }
0x89: {  	s0 =	simm.s32 $0xC80;
	s12 =	simm.s32 $0x2D0;
	s2 =	simm.s32 $0x50F0  }
0x8a: {  	[spmem:s1] =	stream.indirect.scatter.add.f32 [tilespmem:s29], [sflag:$0x4], $0x20, s12, s17, $0xb8;
	[tilespmem:$0x15040] =	vst v63  }
.LBB2_2:
0x8b: {  	s12 =	smov.u32 s0;
	s0 =	sadd.s32 $0xC80, s0  }
0x8c: {  	[spmem:s1] =	stream.indirect.scatter.add.f32 [tilespmem:s29], [sflag:$0x4], $0x20, s2, s17, $0xb8;
	[tilespmem:$0x15040] =	vst v63  }
0x8d: {  	p0 =	sne.s32 s0, $0x13880;
	_ =	swait.ge [sflag:s16], $0x3200  }
0x8e: {  	[sflag:s16] =	ssyncset.done $0x0  }
0x8f: {  	s2 =	sshra.s32 s12, $0x2;
	[sflag:s16] =	ssyncadd.s32 $0xFFFFCE00  }
0x90: {  	[spmem:s1] =	stream.indirect.scatter.add.f32 [tilespmem:s14], [sflag:$0x3], $0x20, s2, s17, $0xb8;
	[tilespmem:$0x15040] =	vst v63  }
0x91: {  	s4 =	sadd.s32 $0x4E20, s2  }
0x92: {  	[spmem:s1] =	stream.indirect.scatter.add.f32 [tilespmem:s14], [sflag:$0x3], $0x20, s4, s17, $0xb8;
	[tilespmem:$0x15040] =	vst v63  }
0x93: {  	s4 =	sadd.s32 $0x50, s2  }
0x94: {  	[spmem:s1] =	stream.indirect.scatter.add.f32 [tilespmem:s18], [sflag:$0x3], $0x20, s4, s17, $0xb8;
	[tilespmem:$0x15040] =	vst v63  }
0x95: {  	s4 =	sadd.s32 $0x4E70, s2  }
0x96: {  	[spmem:s1] =	stream.indirect.scatter.add.f32 [tilespmem:s18], [sflag:$0x3], $0x20, s4, s17, $0xb8;
	[tilespmem:$0x15040] =	vst v63  }
0x97: {  	s4 =	sadd.s32 $0xA0, s2  }
0x98: {  	[spmem:s1] =	stream.indirect.scatter.add.f32 [tilespmem:s19], [sflag:$0x3], $0x20, s4, s17, $0xb8;
	[tilespmem:$0x15040] =	vst v63  }
0x99: {  	s4 =	sadd.s32 $0x4EC0, s2  }
0x9a: {  	[spmem:s1] =	stream.indirect.scatter.add.f32 [tilespmem:s19], [sflag:$0x3], $0x20, s4, s17, $0xb8;
	[tilespmem:$0x15040] =	vst v63  }
0x9b: {  	s4 =	sadd.s32 $0xF0, s2  }
0x9c: {  	[spmem:s1] =	stream.indirect.scatter.add.f32 [tilespmem:s20], [sflag:$0x3], $0x20, s4, s17, $0xb8;
	[tilespmem:$0x15040] =	vst v63  }
0x9d: {  	s4 =	sadd.s32 $0x4F10, s2  }
0x9e: {  	[spmem:s1] =	stream.indirect.scatter.add.f32 [tilespmem:s20], [sflag:$0x3], $0x20, s4, s17, $0xb8;
	[tilespmem:$0x15040] =	vst v63  }
0x9f: {  	s4 =	sadd.s32 $0x140, s2  }
0xa0: {  	[spmem:s1] =	stream.indirect.scatter.add.f32 [tilespmem:s21], [sflag:$0x3], $0x20, s4, s17, $0xb8;
	[tilespmem:$0x15040] =	vst v63  }
0xa1: {  	p1 =	seq.s32 s12, $0x0;
	s4 =	sadd.s32 $0x4F60, s2  }
0xa2: {  	[spmem:s1] =	stream.indirect.scatter.add.f32 [tilespmem:s21], [sflag:$0x3], $0x20, s4, s17, $0xb8;
	[tilespmem:$0x15040] =	vst v63  }
0xa3: {  	s4 =	simm.s32 @!p1 $0x4  }
0xa4: {  	_ =	swait.ge @!p1 [sflag:s4], $0xA00  }
0xa5: {  	[sflag:s4] =	ssyncset.done @!p1 $0x0  }
0xa6: {  	[sflag:s4] =	ssyncadd.s32 @!p1 $0xFFFFF600  }
0xa7: {  	_ =	swait.ge @!p1 [sflag:s4], $0xA00  }
0xa8: {  	[sflag:s4] =	ssyncset.done @!p1 $0x0  }
0xa9: {  	[sflag:s4] =	ssyncadd.s32 @!p1 $0xFFFFF600  }
0xaa: {  	_ =	swait.ge @!p1 [sflag:s4], $0xA00  }
0xab: {  	[sflag:s4] =	ssyncset.done @!p1 $0x0  }
0xac: {  	[sflag:s4] =	ssyncadd.s32 @!p1 $0xFFFFF600  }
0xad: {  	_ =	swait.ge @!p1 [sflag:s4], $0xA00  }
0xae: {  	[sflag:s4] =	ssyncset.done @!p1 $0x0  }
0xaf: {  	[sflag:s4] =	ssyncadd.s32 @!p1 $0xFFFFF600  }
0xb0: {  	_ =	swait.ge @!p1 [sflag:s4], $0xA00  }
0xb1: {  	[sflag:s4] =	ssyncset.done @!p1 $0x0  }
0xb2: {  	[sflag:s4] =	ssyncadd.s32 @!p1 $0xFFFFF600  }
0xb3: {  	_ =	swait.ge @!p1 [sflag:s4], $0xA00  }
0xb4: {  	[sflag:s4] =	ssyncset.done @!p1 $0x0  }
0xb5: {  	[sflag:s4] =	ssyncadd.s32 @!p1 $0xFFFFF600  }
0xb6: {  	_ =	swait.ge @!p1 [sflag:s4], $0xA00  }
0xb7: {  	[sflag:s4] =	ssyncset.done @!p1 $0x0  }
0xb8: {  	[sflag:s4] =	ssyncadd.s32 @!p1 $0xFFFFF600  }
0xb9: {  	_ =	swait.ge @!p1 [sflag:s4], $0xA00  }
0xba: {  	[sflag:s4] =	ssyncset.done @!p1 $0x0  }
0xbb: {  	[sflag:s4] =	ssyncadd.s32 @!p1 $0xFFFFF600  }
0xbc: {  	_ =	swait.ge @!p1 [sflag:s4], $0xA00  }
0xbd: {  	[sflag:s4] =	ssyncset.done @!p1 $0x0  }
0xbe: {  	[sflag:s4] =	ssyncadd.s32 @!p1 $0xFFFFF600  }
0xbf: {  	s6 =	sadd.s32 s12, s15;
	_ =	swait.ge @!p1 [sflag:s4], $0xA00  }
0xc0: {  	s6 =	sadd.s32 $0x640, s6;
	[sflag:s4] =	ssyncset.done @!p1 $0x0  }
0xc1: {  	[sflag:s4] =	ssyncadd.s32 @!p1 $0xFFFFF600  }
0xc2: {  	[tilespmem:s22], [sflag:$0x2] =	stream.linear.gather [hbm4b:s6+s3], $0x3200, $0x38;
	[tilespmem:$0x15040] =	vst v63  }
0xc3: {  	_ =	swait.ge [sflag:s23], $0xA00  }
0xc4: {  	[sflag:s23] =	ssyncset.done $0x0  }
0xc5: {  	[sflag:s23] =	ssyncadd.s32 $0xFFFFF600  }
0xc6: {  	_ =	swait.ge [sflag:s23], $0xA00  }
0xc7: {  	[sflag:s23] =	ssyncset.done $0x0  }
0xc8: {  	[sflag:s23] =	ssyncadd.s32 $0xFFFFF600  }
0xc9: {  	_ =	swait.ge [sflag:s23], $0xA00  }
0xca: {  	[sflag:s23] =	ssyncset.done $0x0  }
0xcb: {  	[sflag:s23] =	ssyncadd.s32 $0xFFFFF600  }
0xcc: {  	_ =	swait.ge [sflag:s23], $0xA00  }
0xcd: {  	[sflag:s23] =	ssyncset.done $0x0  }
0xce: {  	[sflag:s23] =	ssyncadd.s32 $0xFFFFF600  }
0xcf: {  	_ =	swait.ge [sflag:s23], $0xA00  }
0xd0: {  	[sflag:s23] =	ssyncset.done $0x0  }
0xd1: {  	[sflag:s23] =	ssyncadd.s32 $0xFFFFF600  }
0xd2: {  	_ =	swait.ge [sflag:s23], $0xA00  }
0xd3: {  	[sflag:s23] =	ssyncset.done $0x0  }
0xd4: {  	[sflag:s23] =	ssyncadd.s32 $0xFFFFF600  }
0xd5: {  	_ =	swait.ge [sflag:s23], $0xA00  }
0xd6: {  	[sflag:s23] =	ssyncset.done $0x0  }
0xd7: {  	[sflag:s23] =	ssyncadd.s32 $0xFFFFF600  }
0xd8: {  	_ =	swait.ge [sflag:s23], $0xA00  }
0xd9: {  	[sflag:s23] =	ssyncset.done $0x0  }
0xda: {  	[sflag:s23] =	ssyncadd.s32 $0xFFFFF600  }
0xdb: {  	_ =	swait.ge [sflag:s23], $0xA00  }
0xdc: {  	[sflag:s23] =	ssyncset.done $0x0  }
0xdd: {  	p1 =	seq.s32 s12, $0x12C00;
	[sflag:s23] =	ssyncadd.s32 $0xFFFFF600  }
0xde: {  	s4 =	sadd.s32 @!p1 s12, s15;
	s6 =	simm.s32 @!p1 $0x9C40;
	_ =	swait.ge [sflag:s23], $0xA00  }
0xdf: {  	s12 =	simm.s32 @!p1 $0x0;
	s4 =	sadd.s32 @!p1 $0xC80, s4;
	[sflag:s23] =	ssyncset.done $0x0  }
0xe0: {  	[sflag:s23] =	ssyncadd.s32 $0xFFFFF600  }
0xe1: {  	[tilespmem:s6], [sflag:$0x1] =	stream.linear.gather @!p1 [hbm4b:s4+s12], $0x3200, $0x38;
	[tilespmem:$0x15040] =	vst v63  }
0xe2: {  	_ =	swait.ge [sflag:s24], $0x3200  }
0xe3: {  	s4 =	sadd.s32 $0x190, s2;
	[sflag:s24] =	ssyncset.done $0x0  }
0xe4: {  	s6 =	sadd.s32 $0x4FB0, s2;
	[sflag:s24] =	ssyncadd.s32 $0xFFFFCE00  }
0xe5: {  	[spmem:s1] =	stream.indirect.scatter.add.f32 [tilespmem:s22], [sflag:$0x4], $0x20, s4, s17, $0xb8;
	[tilespmem:$0x15040] =	vst v63  }
0xe6: {  	s4 =	sadd.s32 $0x1E0, s2  }
0xe7: {  	[spmem:s1] =	stream.indirect.scatter.add.f32 [tilespmem:s22], [sflag:$0x4], $0x20, s6, s17, $0xb8;
	[tilespmem:$0x15040] =	vst v63  }
0xe8: {  	s6 =	sadd.s32 $0x5000, s2  }
0xe9: {  	[spmem:s1] =	stream.indirect.scatter.add.f32 [tilespmem:s25], [sflag:$0x4], $0x20, s4, s17, $0xb8;
	[tilespmem:$0x15040] =	vst v63  }
0xea: {  	s4 =	sadd.s32 $0x230, s2  }
0xeb: {  	[spmem:s1] =	stream.indirect.scatter.add.f32 [tilespmem:s25], [sflag:$0x4], $0x20, s6, s17, $0xb8;
	[tilespmem:$0x15040] =	vst v63  }
0xec: {  	s6 =	sadd.s32 $0x5050, s2  }
0xed: {  	[spmem:s1] =	stream.indirect.scatter.add.f32 [tilespmem:s26], [sflag:$0x4], $0x20, s4, s17, $0xb8;
	[tilespmem:$0x15040] =	vst v63  }
0xee: {  	s4 =	sadd.s32 $0x280, s2  }
0xef: {  	[spmem:s1] =	stream.indirect.scatter.add.f32 [tilespmem:s26], [sflag:$0x4], $0x20, s6, s17, $0xb8;
	[tilespmem:$0x15040] =	vst v63  }
0xf0: {  	s6 =	sadd.s32 $0x50A0, s2  }
0xf1: {  	[spmem:s1] =	stream.indirect.scatter.add.f32 [tilespmem:s28], [sflag:$0x4], $0x20, s4, s17, $0xb8;
	[tilespmem:$0x15040] =	vst v63  }
.Ltmp0:
0xf2: {  	_ = 	snop;
	(pc) =	sbr.rel @p0 .LBB2_2-.Ltmp0, $4  }
0xf3: {  	s4 =	sadd.s32 $0x2D0, s2  }
0xf4: {  	[spmem:s1] =	stream.indirect.scatter.add.f32 [tilespmem:s28], [sflag:$0x4], $0x20, s6, s17, $0xb8;
	[tilespmem:$0x15040] =	vst v63  }
0xf5: {  	s2 =	sadd.s32 $0x50F0, s2  }
0xf6: {  	[spmem:s1] =	stream.indirect.scatter.add.f32 [tilespmem:s29], [sflag:$0x4], $0x20, s4, s17, $0xb8;
	[tilespmem:$0x15040] =	vst v63  }
0xf7: {  	[spmem:s1] =	stream.indirect.scatter.add.f32 [tilespmem:s29], [sflag:$0x4], $0x20, s2, s17, $0xb8;
	[tilespmem:$0x15040] =	vst v63  }
0xf8: {  	_ =	swait.ge [sflag:s30], $0xA00  }
0xf9: {  	[sflag:s30] =	ssyncset.done $0x0  }
0xfa: {  	[sflag:s30] =	ssyncadd.s32 $0xFFFFF600  }
0xfb: {  	_ =	swait.ge [sflag:s30], $0xA00  }
0xfc: {  	[sflag:s30] =	ssyncset.done $0x0  }
0xfd: {  	[sflag:s30] =	ssyncadd.s32 $0xFFFFF600  }
0xfe: {  	_ =	swait.ge [sflag:s30], $0xA00  }
0xff: {  	[sflag:s30] =	ssyncset.done $0x0  }
0x100: {  	[sflag:s30] =	ssyncadd.s32 $0xFFFFF600  }
0x101: {  	_ =	swait.ge [sflag:s30], $0xA00  }
0x102: {  	[sflag:s30] =	ssyncset.done $0x0  }
0x103: {  	[sflag:s30] =	ssyncadd.s32 $0xFFFFF600  }
0x104: {  	_ =	swait.ge [sflag:s30], $0xA00  }
0x105: {  	[sflag:s30] =	ssyncset.done $0x0  }
0x106: {  	[sflag:s30] =	ssyncadd.s32 $0xFFFFF600  }
0x107: {  	_ =	swait.ge [sflag:s30], $0xA00  }
0x108: {  	[sflag:s30] =	ssyncset.done $0x0  }
0x109: {  	[sflag:s30] =	ssyncadd.s32 $0xFFFFF600  }
0x10a: {  	_ =	swait.ge [sflag:s30], $0xA00  }
0x10b: {  	[sflag:s30] =	ssyncset.done $0x0  }
0x10c: {  	[sflag:s30] =	ssyncadd.s32 $0xFFFFF600  }
0x10d: {  	_ =	swait.ge [sflag:s30], $0xA00  }
0x10e: {  	[sflag:s30] =	ssyncset.done $0x0  }
0x10f: {  	[sflag:s30] =	ssyncadd.s32 $0xFFFFF600  }
0x110: {  	_ =	swait.ge [sflag:s30], $0xA00  }
0x111: {  	[sflag:s30] =	ssyncset.done $0x0  }
0x112: {  	[sflag:s30] =	ssyncadd.s32 $0xFFFFF600  }
0x113: {  	_ =	swait.ge [sflag:s30], $0xA00  }
0x114: {  	s31 =	sadd.s32 $0x1, s31;
	[sflag:s30] =	ssyncset.done $0x0  }
0x115: {  	p0 =	sne.s32 s31, s8;
	[sflag:s30] =	ssyncadd.s32 $0xFFFFF600  }
.Ltmp1:
0x116: {  	[bflag:$0x0] =	sbarrier.arrive $0xFFFF;
	(pc) =	sbr.rel @p0 .LBB2_1-.Ltmp1, $4  }
0x117: {  	[hbm:s9], [sflag:s5] =	dma.local [spmem:s10], $0xA00  }
0x118: {  	_ =	swait.ge [sflag:s11], $0xA00  }
0x119: {  	[sflag:s11] =	ssyncset.done $0x0  }
0x11a: {  	[sflag:s11] =	ssyncadd.s32 $0xFFFFF600  }
0x11b: {  	_ =	sfence.sel $0x180000  }
0x11c: {  	[bflag:$0x0] =	sbarrier.arrive $0xFFFF  }
0x11d: {  	_ =	strace $0x9000004A  }
0x11e: {  	s0 =	stileid.u32;
	[bflag:$0x2] =	sbarrier.arrive $0xFFFF  }
0x11f: {  	p0 =	sne.s32 s0, $0x0;
	s0 =	rddreg [dreg:$0x2]  }
0x120: {  	s0 =	sadd.s32 @!p0 $0x100000, s0  }
0x121: {  	[sflag:s0] =	ssyncadd.tile.s32 @!p0 $0x1;
	_ =	shalt  }
.Lfunc_end2:
_tile_overlayer_lowered:
.L_overlay_start_2:
0x122: {  	(tag) =	ssettag $0x2  }
0x123: {  	s0 =	rddreg [dreg:$0x0];
	s2 =	stileid.u32  }
0x124: {  	s1 =	rddreg [dreg:$0x1];
	p0 =	sne.s32 s2, $0x0  }
0x125: {  	s3 =	rddreg [dreg:$0x2];
	[bflag:$0x3] =	sbarrier.arrive $0xFFFF;
	s2 =	simm.s32 @!p0 $0x1C05  }
0x126: {  	[timem:s3], [sflag:s2] =	dma.local @!p0 [hbm:s0], s1  }
0x127: {  	s0 =	simm.s32 @!p0 $0x5  }
0x128: {  	_ =	swait.ge @!p0 [sflag:s0], s1  }
0x129: {  	s1 =	ssub.s32 @!p0 $0x0, s1;
	[sflag:s0] =	ssyncset.done @!p0 $0x0  }
0x12a: {  	[sflag:s0] =	ssyncadd.s32 @!p0 s1  }
0x12b: {  	[bflag:$0x3] =	sbarrier.arrive $0xFFFF  }
0x12c: {  	_ =	shalt  }

// kernel: kernel.14.cloned.1.call-start
scs
__scs_entry_jumppad:
0x0: {  	(pc) =	sbr.rel $0x88, $3  }
0x1: {  	(tag) =	ssettag $0x0;
	lr =	simm.s32 $0x1  }
0x2: {  	[smem:$0x3F96] =	sst lr;
	_ =	strace $0xD0000000  }
0x3: {  	_ = 	snop  }
0x4: {  	_ = 	snop  }
0x5: {  	_ = 	snop  }
0x6: {  	_ = 	snop  }
0x7: {  	_ = 	snop  }
__scs_overlays_trampoline_lowered:
0x8: {  	[smem:$0x3FA5] =	sst s0  }
0x9: {  	[smem:$0x3FA6] =	sst s1  }
0xa: {  	[smem:$0x3FA7] =	sst s2  }
0xb: {  	[smem:$0x3FA8] =	sst s3  }
0xc: {  	[smem:$0x3FA9] =	sst s4  }
0xd: {  	[smem:$0x3FAA] =	sst s5  }
0xe: {  	[smem:$0x3FAB] =	sst s6  }
0xf: {  	[smem:$0x3FAC] =	sst s7  }
0x10: {  	[smem:$0x3FAD] =	sst s8  }
0x11: {  	[smem:$0x3FAE] =	sst s9;
	s0 =	simm.s32 @!p0 $0x0  }
0x12: {  	s1 =	sld [smem:$0x3F94];
	s0 =	simm.s32 @p0 $0x1  }
0x13: {  	[smem:$0x3FAF] =	sst s0;
	s0 =	simm.s32 @!p1 $0x0  }
0x14: {  	s2 =	sld [smem:$0x3F93];
	s0 =	simm.s32 @p1 $0x1  }
0x15: {  	[smem:$0x3FB0] =	sst s0;
	s0 =	simm.s32 @!p2 $0x0  }
0x16: {  	s3 =	sld [smem:$0x3FDB];
	s0 =	simm.s32 @p2 $0x1  }
0x17: {  	s4 =	simm.s32 $0x1BF5;
	[smem:$0x3FB2] =	sst s0  }
0x18: {  	s0 =	sld [smem:$0x3F95];
	_ =	swait.ge [sflag:s4], $0x0  }
0x19: {  	s7 =	sld [smem:$0x3F96]  }
0x1a: {  	s8 =	sadd.s32 $0xFFFFE003, lr  }
0x1b: {  	s9 =	sadd.s32 $0xFFFFFEF7, lr;
	s5 =	simm.s32 $0xFFFFFFFF;
	p2 =	slt.u32 s8, $0xFFFFF086  }
0x1c: {  	p1 =	slt.u32 s9, $0xF7A;
	s5 =	simm.s32 @!p2 $0x0  }
0x1d: {  	s5 =	simm.s32 @p1 $0x1;
	p0 =	seq.s32 s7, s2  }
0x1e: {  	s7 =	smul.u32 @!p0 $0xF7A, s2;
	p2 =	seq.s32 @!p0 s5, $0x0  }
0x1f: {  	s9 =	smul.u32 $0xF7A, s1;
	s8 =	simm.s32 @!p0 $0x1BF5;
	p2 =	por !p2, p0  }
0x20: {  	[sflag:s8] =	ssyncset.s32 @!p0 $0xFFFFF086;
	s6 =	sadd.s32 @!p0 s3, s7;
	s7 =	simm.s32 @!p0 $0x108  }
0x21: {  	s3 =	sadd.s32 s3, s9;
	s6 =	sadd.s32 @!p0 $0x88, s6;
	s7 =	simm.s32 @p2 $0x1082  }
0x22: {  	[simem:s7], [sflag:s8] =	dma.local @!p0 [hbm:s6], $0xF7A  }
0x23: {  	s9 =	sor.u32 $0xD0000000, s2;
	s6 =	simm.s32 $0x108;
	_ =	swait.ge @!p0 [sflag:s8], $0x0  }
0x24: {  	s3 =	sadd.s32 $0x88, s3;
	s6 =	simm.s32 @!p1 $0x1082;
	[sflag:s4] =	ssyncset.s32 $0xFFFFF086  }
0x25: {  	[simem:s6], [sflag:s4] =	dma.local [hbm:s3], $0xF7A  }
0x26: {  	[smem:$0x3F96] =	sst s1;
	(tag) =	ssettag s2;
	_ =	strace s9  }
0x27: {  	s1 =	sld [smem:$0x3FA6]  }
0x28: {  	s2 =	sld [smem:$0x3FA7]  }
0x29: {  	s4 =	sld [smem:$0x3FA9]  }
0x2a: {  	p0 =	seq.s32 s5, $0x0;
	s5 =	sld [smem:$0x3FAA]  }
0x2b: {  	s6 =	sld [smem:$0x3FAB]  }
0x2c: {  	s7 =	sld [smem:$0x3FAC]  }
0x2d: {  	s3 =	simm.s32 $0x108;
	s8 =	sld [smem:$0x3FAD]  }
0x2e: {  	s3 =	simm.s32 @!p0 $0x1082;
	s9 =	sld [smem:$0x3FAE]  }
0x2f: {  	lr =	sadd.s32 s0, s3;
	s0 =	sld [smem:$0x3FA5]  }
0x30: {  	s3 =	sld [smem:$0x3FA8]  }
0x31: {  	[smem:$0x3FB1] =	sst s10  }
0x32: {  	s10 =	sld [smem:$0x3FAF];
	_ =	sdelay $0x3  }
0x33: {  	p0 =	seq.s32 s10, $0x1;
	s10 =	sld [smem:$0x3FB1];
	_ =	sdelay $0x3  }
0x34: {  	[smem:$0x3FB1] =	sst s10  }
0x35: {  	s10 =	sld [smem:$0x3FB0];
	_ =	sdelay $0x3  }
0x36: {  	p1 =	seq.s32 s10, $0x1;
	s10 =	sld [smem:$0x3FB1];
	_ =	sdelay $0x3  }
0x37: {  	[smem:$0x3FB1] =	sst s10  }
0x38: {  	s10 =	sld [smem:$0x3FB2]  }
0x39: {  	_ = 	snop;
	(pc) =	sbr.ind lr, $3  }
0x3a: {  	_ = 	snop  }
0x3b: {  	_ = 	snop  }
0x3c: {  	p2 =	seq.s32 s10, $0x1;
	s10 =	sld [smem:$0x3FB1]  }
0x3d: {  	_ =	shalt  }
0x3e: {  	_ =	shalt  }
0x3f: {  	_ =	shalt  }
0x40: {  	_ =	shalt  }
0x41: {  	_ =	shalt  }
0x42: {  	_ =	shalt  }
0x43: {  	_ =	shalt  }
0x44: {  	_ =	shalt  }
0x45: {  	_ =	shalt  }
0x46: {  	_ =	shalt  }
0x47: {  	_ =	shalt  }
0x48: {  	_ =	shalt  }
0x49: {  	_ =	shalt  }
0x4a: {  	_ =	shalt  }
0x4b: {  	_ =	shalt  }
0x4c: {  	_ =	shalt  }
0x4d: {  	_ =	shalt  }
0x4e: {  	_ =	shalt  }
0x4f: {  	_ =	shalt  }
0x50: {  	_ =	shalt  }
0x51: {  	_ =	shalt  }
0x52: {  	_ =	shalt  }
0x53: {  	_ =	shalt  }
0x54: {  	_ =	shalt  }
0x55: {  	_ =	shalt  }
0x56: {  	_ =	shalt  }
0x57: {  	_ =	shalt  }
0x58: {  	_ =	shalt  }
0x59: {  	_ =	shalt  }
0x5a: {  	_ =	shalt  }
0x5b: {  	_ =	shalt  }
0x5c: {  	_ =	shalt  }
0x5d: {  	_ =	shalt  }
0x5e: {  	_ =	shalt  }
0x5f: {  	_ =	shalt  }
0x60: {  	_ =	shalt  }
0x61: {  	_ =	shalt  }
0x62: {  	_ =	shalt  }
0x63: {  	_ =	shalt  }
0x64: {  	_ =	shalt  }
0x65: {  	_ =	shalt  }
0x66: {  	_ =	shalt  }
0x67: {  	_ =	shalt  }
0x68: {  	_ =	shalt  }
0x69: {  	_ =	shalt  }
0x6a: {  	_ =	shalt  }
0x6b: {  	_ =	shalt  }
0x6c: {  	_ =	shalt  }
0x6d: {  	_ =	shalt  }
0x6e: {  	_ =	shalt  }
0x6f: {  	_ =	shalt  }
0x70: {  	_ =	shalt  }
0x71: {  	_ =	shalt  }
0x72: {  	_ =	shalt  }
0x73: {  	_ =	shalt  }
0x74: {  	_ =	shalt  }
0x75: {  	_ =	shalt  }
0x76: {  	_ =	shalt  }
0x77: {  	_ =	shalt  }
0x78: {  	_ =	shalt  }
0x79: {  	_ =	shalt  }
0x7a: {  	_ =	shalt  }
0x7b: {  	_ =	shalt  }
0x7c: {  	_ =	shalt  }
0x7d: {  	_ =	shalt  }
0x7e: {  	_ =	shalt  }
0x7f: {  	_ =	shalt  }
0x80: {  	_ =	shalt  }
0x81: {  	_ =	shalt  }
0x82: {  	_ =	shalt  }
0x83: {  	_ =	shalt  }
0x84: {  	_ =	shalt  }
0x85: {  	_ =	shalt  }
0x86: {  	_ =	shalt  }
0x87: {  	_ =	shalt  }
.Lfunc_end0:
.L_simem_size_0:
called_computation.2_lowered:
.L_overlay_start_0:
0x88: {  	s2 =	sld [smem:$0x3FD9]  }
0x89: {  	s3 =	sld [smem:$0x3FFE];
	_ =	sdelay $0x1  }
0x8a: {  	s1 =	srdreg.scid  }
0x8b: {  	s0 =	sand.u32 $0x1, s1  }
0x8c: {  	s17 =	sshll.u32 s0, $0xA;
	s2 =	sadd.s32 s3, s2  }
0x8d: {  	s2 =	sadd.s32 s2, s17  }
0x8e: {  	[smem:$0x3FBD] =	sst s2  }
0x8f: {  	_ = 	snop  }
0x90: {  	(tm) =	ssettm $0x1  }
0x91: {  	s18 =	sld [smem:$0x3FFB];
	_ =	sdelay $0x3  }
0x92: {  	_ =	strace s18  }
0x93: {  	s2 =	sld [smem:$0x3FFC];
	_ =	sdelay $0x3  }
0x94: {  	_ =	strace s2  }
0x95: {  	s2 =	sld [smem:$0x3FFD];
	_ =	sdelay $0x3  }
0x96: {  	_ =	strace s2  }
0x97: {  	_ =	strace $0x8FFFFFFF  }
0x98: {  	s19 =	sld [smem:$0x3FDB];
	_ =	sdelay $0x1  }
0x99: {  	s20 =	simm.s32 $_scs_section_size  }
0x9a: {  	s4 =	simm.s32 $_size__tile_overlayer_lowered;
	s5 =	simm.s32 $_tile_overlayer_lowered  }
0x9b: {  	s6 =	simm.s32 $0x1BFF;
	s21 =	sshll.u32 s5, $0x1;
	s3 =	sadd.s32 s20, s19  }
0x9c: {  	s22 =	simm.s32 $0x0;
	s4 =	sshll.u32 s4, $0x1;
	s5 =	sadd.s32 s21, s3  }
0x9d: {  	[timem:s22], [sflag:s6] =	dma.local [hbm:s5], s4  }
0x9e: {  	_ =	swait.ge [sflag:s6], s4  }
0x9f: {  	s4 =	ssub.s32 $0x0, s4;
	[sflag:s6] =	ssyncset.done $0x0  }
0xa0: {  	[sflag:s6] =	ssyncadd.s32 s4;
	_ =	sdelay $0x1  }
0xa1: {  	s23 =	simm.s32 $0x1B8B  }
0xa2: {  	_ =	swait.ge [sflag:s23], $0x1  }
0xa3: {  	[sflag:s23] =	ssyncset.done $0x0  }
0xa4: {  	[sflag:s23] =	ssyncadd.s32 $0xFFFFFFFF  }
0xa5: {  	s4 =	sld [smem:$0x0]  }
0xa6: {  	s5 =	sand.u32 $0xFFFFFFFE, s1  }
0xa7: {  	p0 =	sne.s32 s1, s5  }
0xa8: {  	s5 =	sshll.u32 @p0 s5, $0xE  }
0xa9: {  	s5 =	sadd.s32 @p0 $0x11B8D, s5;
	s6 =	sshll.u32 @p0 s4, $0x11  }
0xaa: {  	s5 =	sor.u32 @p0 s6, s5  }
0xab: {  	[sflag:s5] =	ssyncadd.remote.s32 @p0 $0x1;
	_ =	sdelay $0x1  }
0xac: {  	s5 =	simm.s32 @p0 $0x1B8D  }
0xad: {  	_ =	swait.eq @p0 [sflag:s5], $0x1  }
0xae: {  	[sflag:s5] =	ssyncadd.s32 @p0 $0xFFFFFFFF  }
0xaf: {  	s6 =	sshll.u32 @!p0 s1, $0xE  }
0xb0: {  	s6 =	sor.u32 @!p0 $0x4000, s6;
	s5 =	simm.s32 @!p0 $0x1B8D  }
0xb1: {  	s4 =	sshll.u32 @!p0 s4, $0x11;
	s6 =	sadd.s32 @!p0 $0x11B8D, s6;
	_ =	swait.eq @!p0 [sflag:s5], $0x1  }
0xb2: {  	s4 =	sor.u32 @!p0 s4, s6;
	[sflag:s5] =	ssyncadd.s32 @!p0 $0xFFFFFFFF  }
0xb3: {  	s25 =	simm.s32 $0x1B8E;
	s24 =	sld [smem:$0x3FFE];
	[sflag:s4] =	ssyncadd.remote.s32 @!p0 $0x1  }
0xb4: {  	s26 =	simm.s32 $execute0_lowered;
	[smem:$0x3FD2] =	sst s25  }
0xb5: {  	s5 =	sshll.u32 s26, $0x1;
	_ =	strace $0x8000004C;
	[dreg:$0x1] =	wrdreg $0xFFFFFFFF  }
0xb6: {  	s28 =	simm.s32 $_size_execute0_lowered;
	s3 =	sadd.s32 s3, s5;
	[dreg:$0x0] =	wrdreg $0x0  }
0xb7: {  	s5 =	sshll.u32 s28, $0x1;
	[dreg:$0x2] =	wrdreg s3  }
0xb8: {  	[dreg:$0x3] =	wrdreg s5  }
0xb9: {  	[dreg:$0x4] =	wrdreg $0xC0  }
0xba: {  	_ =	task [dreg:s22], $0x5FFFF  }
0xbb: {  	[dreg:$0x1] =	wrdreg $0xFFFFFFFF  }
0xbc: {  	[dreg:$0x0] =	wrdreg $0x60  }
0xbd: {  	[dreg:$0x2] =	wrdreg s24  }
0xbe: {  	[dreg:$0x3] =	wrdreg $0xCE400  }
0xbf: {  	[dreg:$0x4] =	wrdreg $0xA  }
0xc0: {  	_ =	task.clear_ibuf [dreg:s22], $0x5FFFF;
	_ =	strace $0x9000004C  }
0xc1: {  	s29 =	simm.s32 $0xA;
	_ =	strace $0x8000004E  }
0xc2: {  	_ =	swait.ge [sflag:s29], $0x1  }
0xc3: {  	[sflag:s29] =	ssyncadd.s32 $0xFFFFFFFF  }
0xc4: {  	_ =	strace $0x9000004E  }
0xc5: {  	_ =	sfence  }
0xc6: {  	s30 =	sld [smem:$0x0];
	_ =	sdelay $0x2  }
0xc7: {  	s31 =	sshll.u32 s1, $0xD;
	s1 =	sshrl.u32 s1, $0x2  }
0xc8: {  	s4 =	sand.u32 $0x4000, s31;
	s1 =	sadd.s32 s1, s30  }
0xc9: {  	s0 =	sor.u32 s4, s0;
	s1 =	sshll.u32 s1, $0x11  }
0xca: {  	s0 =	sor.u32 s1, s0  }
0xcb: {  	s0 =	sadd.s32 $0x8F2B, s0  }
0xcc: {  	[sflag:s0] =	ssyncadd.remote.s32 $0x1  }
0xcd: {  	_ =	sfence.sel $0xFFFF  }
0xce: {  	[dreg:$0x0] =	wrdreg $0xFFFFFFFF;
	(pc) =	sbr.abs _section_cstart, $3  }
0xcf: {  	[dreg:$0x1] =	wrdreg $0xFFFFFFFF  }
0xd0: {  	_ =	task.clear_ibuf [dreg:s22], $0x2FFFF;
	_ =	strace $0x9FFFFFFF  }
0xd1: {  	(tm) =	ssettm $0x7FFFFFFF  }
tec
execute0_lowered:
.L_overlay_start_1:
0x0: {  	(tag) =	ssettag $0x1  }
0x1: {  	s0 =	rddreg [dreg:$0x0]  }
0x2: {  	s1 =	rddreg [dreg:$0x1];
	s2 =	srdreg.scid;
	s3 =	simm.s32 $0x0  }
0x3: {  	s8 =	stileid.u32;
	s13 =	simm.s32 $0xF0;
	s14 =	simm.s32 $0x140  }
0x4: {  	s15 =	simm.s32 $0x370;
	s16 =	simm.s32 $0x3C0;
	s17 =	simm.s32 $0x410  }
0x5: {  	s18 =	simm.s32 $0x460;
	s19 =	simm.s32 $0x1E0;
	s20 =	simm.s32 $0x230  }
0x6: {  	s21 =	simm.s32 $0x280;
	[smem:$0x7FF] =	sst s3;
	s7 =	sadd.s32 $0x3DA00, s0  }
0x7: {  	s22 =	simm.s32 $0x2D0;
	_ =	strace $0x8000004D;
	[dreg:$0x12] =	wrdreg s7  }
0x8: {  	s23 =	simm.s32 $0x500;
	s24 =	simm.s32 $0x550;
	[dreg:$0x4] =	wrdreg s13  }
0x9: {  	s28 =	simm.s32 $0x9240;
	s29 =	simm.s32 $0xA640;
	[dreg:$0x5] =	wrdreg s14  }
0xa: {  	s30 =	simm.s32 $0xBA40;
	s31 =	simm.s32 $0x5;
	[dreg:$0x6] =	wrdreg s15  }
0xb: {  	s2 =	sand.u32 $0x1, s2;
	s5 =	smul.u32 $0x9C4, s8;
	[dreg:$0x7] =	wrdreg s16  }
0xc: {  	s9 =	smul.u32 $0xA000, s8;
	s8 =	sshll.u32 s8, $0x6;
	[dreg:$0x8] =	wrdreg s17  }
0xd: {  	s4 =	smul.u32 $0x14000, s2;
	s6 =	ssub.s32 $0x2, s2;
	[dreg:$0x9] =	wrdreg s18  }
0xe: {  	s12 =	sor.u32 $0x1C07, s8;
	p0 =	seq.s32 s2, $0x1;
	[dreg:$0xa] =	wrdreg s19  }
0xf: {  	s13 =	simm.s32 $0x320;
	s14 =	simm.s32 $0x190;
	[dreg:$0xb] =	wrdreg s20  }
0x10: {  	s15 =	simm.s32 $0x4B0;
	s16 =	simm.s32 $0x1;
	[dreg:$0xc] =	wrdreg s21  }
0x11: {  	s17 =	simm.s32 $0x50;
	s18 =	simm.s32 $0x640;
	[dreg:$0xd] =	wrdreg s22  }
0x12: {  	s19 =	simm.s32 $0x1A40;
	s20 =	simm.s32 $0x2E40;
	[dreg:$0xe] =	wrdreg s23  }
0x13: {  	s21 =	simm.s32 $0x4240;
	[dreg:$0xf] =	wrdreg s24;
	s22 =	simm.s32 $0x5640  }
0x14: {  	s23 =	simm.s32 $0x3;
	s24 =	simm.s32 $0x2;
	s2 =	simm.s32 $0x6  }
0x15: {  	s5 =	sadd.s32 s5, s0;
	s25 =	sshrl.u32 s6, $0x1;
	s11 =	sadd.s32 s9, s1  }
0x16: {  	s26 =	sshrl.u32 s9, $0x3;
	[dreg:$0x13] =	wrdreg s12;
	s4 =	sadd.s32 s4, s0  }
0x17: {  	s10 =	ssub.s32 s6, s25;
	s6 =	sadd.s32 $0xCA00, s5;
	s7 =	sadd.s32 $0x2C00, s5  }
0x18: {  	s5 =	sshrl.u32 s11, $0x3;
	s25 =	simm.s32 $0x5A0;
	s8 =	sadd.s32 $0x3EE00, s4  }
0x19: {  	s4 =	simm.s32 $0x16800;
	s9 =	smax.u32 s10, $0x1;
	[dreg:$0x10] =	wrdreg s25  }
0x1a: {  	s10 =	simm.s32 $0xA0;
	[dreg:$0x16] =	wrdreg s5;
	s4 =	simm.s32 @!p0 $0xD0800  }
0x1b: {  	s25 =	simm.s32 $0x6A40;
	[dreg:$0x14] =	wrdreg s9;
	s0 =	sadd.s32 s4, s0  }
0x1c: {  	[dreg:$0x3] =	wrdreg s10;
	s9 =	simm.s32 $0x7;
	s0 =	sadd.s32 s0, s26  }
0x1d: {  	s10 =	simm.s32 $0x0;
	s26 =	simm.s32 $0x5F0;
	[dreg:$0x15] =	wrdreg s0  }
0x1e: {  	[dreg:$0x11] =	wrdreg s26;
	s26 =	simm.s32 $0x7E40;
	s0 =	simm.s32 $0x4  }
.LBB2_1:
0x1f: {  	[dreg:$0x17] =	wrdreg s10  }
0x20: {  	s4 =	rddreg [dreg:$0x12]  }
0x21: {  	[spmem:s5], [sflag:s12] =	dma.local [hbm:s4], $0x1400  }
0x22: {  	_ =	swait.ge [sflag:s9], $0x1400  }
0x23: {  	[sflag:s9] =	ssyncset.done $0x0  }
0x24: {  	p0 =	por $0x1, $0x1;
	[sflag:s9] =	ssyncadd.s32 $0xFFFFEC00  }
0x25: {  	p0 =	por p0, p0;
	[bflag:$0x0] =	sbarrier.arrive $0xFFFF  }
0x26: {  	[tilespmem:s3], [sflag:$0x1] =	stream.linear.gather [hbm4b:s6+s3], $0x190, $0x38;
	[tilespmem:$0x16E40] =	vst v63  }
0x27: {  	s5 =	simm.s32 @!p0 $0x6  }
0x28: {  	[tilespmem:s13], [sflag:$0x1] =	stream.linear.gather [hbm4b:s7+s3], $0x190, $0x38;
	[tilespmem:$0x16E40] =	vst v63  }
0x29: {  	_ =	swait.ge @!p0 [sflag:s5], $0x1400  }
0x2a: {  	[sflag:s5] =	ssyncset.done @!p0 $0x0  }
0x2b: {  	[sflag:s5] =	ssyncadd.s32 @!p0 $0xFFFFEC00  }
0x2c: {  	_ =	swait.ge @!p0 [sflag:s5], $0x1400  }
0x2d: {  	[sflag:s5] =	ssyncset.done @!p0 $0x0  }
0x2e: {  	[sflag:s5] =	ssyncadd.s32 @!p0 $0xFFFFEC00  }
0x2f: {  	_ =	swait.ge @!p0 [sflag:s5], $0x1400  }
0x30: {  	[sflag:s5] =	ssyncset.done @!p0 $0x0  }
0x31: {  	[sflag:s5] =	ssyncadd.s32 @!p0 $0xFFFFEC00  }
0x32: {  	_ =	swait.ge @!p0 [sflag:s5], $0x1400  }
0x33: {  	[sflag:s5] =	ssyncset.done @!p0 $0x0  }
0x34: {  	[sflag:s5] =	ssyncadd.s32 @!p0 $0xFFFFEC00  }
0x35: {  	_ =	swait.ge @!p0 [sflag:s5], $0x1400  }
0x36: {  	s11 =	sadd.s32 $0x0, s6;
	[sflag:s5] =	ssyncset.done @!p0 $0x0  }
0x37: {  	s12 =	sadd.s32 $0x32, s11;
	s4 =	sadd.s32 $0x0, s7;
	[sflag:s5] =	ssyncadd.s32 @!p0 $0xFFFFEC00  }
0x38: {  	[tilespmem:s14], [sflag:$0x2] =	stream.linear.gather [hbm4b:s12+s3], $0x190, $0x38;
	[tilespmem:$0x16E40] =	vst v63  }
0x39: {  	s10 =	sadd.s32 $0x32, s4  }
0x3a: {  	[tilespmem:s15], [sflag:$0x2] =	stream.linear.gather [hbm4b:s10+s3], $0x190, $0x38;
	[tilespmem:$0x16E40] =	vst v63  }
0x3b: {  	_ =	swait.ge [sflag:s16], $0x190  }
0x3c: {  	[sflag:s16] =	ssyncset.done $0x0  }
0x3d: {  	[sflag:s16] =	ssyncadd.s32 $0xFFFFFE70  }
0x3e: {  	_ =	swait.ge [sflag:s16], $0x190  }
0x3f: {  	[sflag:s16] =	ssyncset.done $0x0  }
0x40: {  	[sflag:s16] =	ssyncadd.s32 $0xFFFFFE70  }
0x41: {  	[tilespmem:s18], [sflag:$0x3] =	stream.indirect.gather [hbm4b:s8+s17], $0x40, s3, s17, $0xb8;
	[tilespmem:$0x16E40] =	vst v63  }
0x42: {  	_ = 	snop  }
0x43: {  	[tilespmem:s19], [sflag:$0x3] =	stream.indirect.gather [hbm4b:s8+s17], $0x40, s17, s17, $0xb8;
	[tilespmem:$0x16E40] =	vst v63  }
0x44: {  	s11 =	rddreg [dreg:$0x3]  }
0x45: {  	[tilespmem:s20], [sflag:$0x3] =	stream.indirect.gather [hbm4b:s8+s17], $0x40, s11, s17, $0xb8;
	[tilespmem:$0x16E40] =	vst v63  }
0x46: {  	s12 =	rddreg [dreg:$0x4]  }
0x47: {  	[tilespmem:s21], [sflag:$0x3] =	stream.indirect.gather [hbm4b:s8+s17], $0x40, s12, s17, $0xb8;
	[tilespmem:$0x16E40] =	vst v63  }
0x48: {  	s4 =	rddreg [dreg:$0x5]  }
0x49: {  	[tilespmem:s22], [sflag:$0x3] =	stream.indirect.gather [hbm4b:s8+s17], $0x40, s4, s17, $0xb8;
	[tilespmem:$0x16E40] =	vst v63  }
0x4a: {  	_ =	swait.ge [sflag:s23], $0x1400  }
0x4b: {  	[sflag:s23] =	ssyncset.done $0x0  }
0x4c: {  	[sflag:s23] =	ssyncadd.s32 $0xFFFFEC00  }
0x4d: {  	_ =	swait.ge [sflag:s23], $0x1400  }
0x4e: {  	[sflag:s23] =	ssyncset.done $0x0  }
0x4f: {  	[sflag:s23] =	ssyncadd.s32 $0xFFFFEC00  }
0x50: {  	_ =	swait.ge [sflag:s23], $0x1400  }
0x51: {  	[sflag:s23] =	ssyncset.done $0x0  }
0x52: {  	[sflag:s23] =	ssyncadd.s32 $0xFFFFEC00  }
0x53: {  	_ =	swait.ge [sflag:s23], $0x1400  }
0x54: {  	[sflag:s23] =	ssyncset.done $0x0  }
0x55: {  	[sflag:s23] =	ssyncadd.s32 $0xFFFFEC00  }
0x56: {  	_ =	swait.ge [sflag:s23], $0x1400  }
0x57: {  	[sflag:s23] =	ssyncset.done $0x0  }
0x58: {  	[sflag:s23] =	ssyncadd.s32 $0xFFFFEC00  }
0x59: {  	[spmem:s1] =	stream.indirect.scatter.add.f32 [tilespmem:s18], [sflag:$0x5], $0x40, s13, s17, $0xb8;
	[tilespmem:$0x16E40] =	vst v63  }
0x5a: {  	s10 =	rddreg [dreg:$0x6]  }
0x5b: {  	[spmem:s1] =	stream.indirect.scatter.add.f32 [tilespmem:s19], [sflag:$0x5], $0x40, s10, s17, $0xb8;
	[tilespmem:$0x16E40] =	vst v63  }
0x5c: {  	s11 =	rddreg [dreg:$0x7]  }
0x5d: {  	[spmem:s1] =	stream.indirect.scatter.add.f32 [tilespmem:s20], [sflag:$0x5], $0x40, s11, s17, $0xb8;
	[tilespmem:$0x16E40] =	vst v63  }
0x5e: {  	s12 =	rddreg [dreg:$0x8]  }
0x5f: {  	[spmem:s1] =	stream.indirect.scatter.add.f32 [tilespmem:s21], [sflag:$0x5], $0x40, s12, s17, $0xb8;
	[tilespmem:$0x16E40] =	vst v63  }
0x60: {  	s4 =	rddreg [dreg:$0x9]  }
0x61: {  	[spmem:s1] =	stream.indirect.scatter.add.f32 [tilespmem:s22], [sflag:$0x5], $0x40, s4, s17, $0xb8;
	[tilespmem:$0x16E40] =	vst v63  }
0x62: {  	_ =	swait.ge [sflag:s24], $0x190  }
0x63: {  	[sflag:s24] =	ssyncset.done $0x0  }
0x64: {  	[sflag:s24] =	ssyncadd.s32 $0xFFFFFE70  }
0x65: {  	_ =	swait.ge [sflag:s24], $0x190  }
0x66: {  	[sflag:s24] =	ssyncset.done $0x0  }
0x67: {  	[sflag:s24] =	ssyncadd.s32 $0xFFFFFE70  }
0x68: {  	[tilespmem:s25], [sflag:$0x4] =	stream.indirect.gather [hbm4b:s8+s17], $0x40, s14, s17, $0xb8;
	[tilespmem:$0x16E40] =	vst v63  }
0x69: {  	s10 =	rddreg [dreg:$0xa]  }
0x6a: {  	[tilespmem:s26], [sflag:$0x4] =	stream.indirect.gather [hbm4b:s8+s17], $0x40, s10, s17, $0xb8;
	[tilespmem:$0x16E40] =	vst v63  }
0x6b: {  	s11 =	rddreg [dreg:$0xb]  }
0x6c: {  	[tilespmem:s28], [sflag:$0x4] =	stream.indirect.gather [hbm4b:s8+s17], $0x40, s11, s17, $0xb8;
	[tilespmem:$0x16E40] =	vst v63  }
0x6d: {  	s12 =	rddreg [dreg:$0xc]  }
0x6e: {  	[tilespmem:s29], [sflag:$0x4] =	stream.indirect.gather [hbm4b:s8+s17], $0x40, s12, s17, $0xb8;
	[tilespmem:$0x16E40] =	vst v63  }
0x6f: {  	s4 =	rddreg [dreg:$0xd]  }
0x70: {  	[tilespmem:s30], [sflag:$0x4] =	stream.indirect.gather [hbm4b:s8+s17], $0x40, s4, s17, $0xb8;
	[tilespmem:$0x16E40] =	vst v63  }
0x71: {  	_ =	swait.ge [sflag:s31], $0x1400  }
0x72: {  	[sflag:s31] =	ssyncset.done $0x0  }
0x73: {  	[sflag:s31] =	ssyncadd.s32 $0xFFFFEC00  }
0x74: {  	_ =	swait.ge [sflag:s31], $0x1400  }
0x75: {  	[sflag:s31] =	ssyncset.done $0x0  }
0x76: {  	[sflag:s31] =	ssyncadd.s32 $0xFFFFEC00  }
0x77: {  	_ =	swait.ge [sflag:s31], $0x1400  }
0x78: {  	[sflag:s31] =	ssyncset.done $0x0  }
0x79: {  	[sflag:s31] =	ssyncadd.s32 $0xFFFFEC00  }
0x7a: {  	_ =	swait.ge [sflag:s31], $0x1400  }
0x7b: {  	[sflag:s31] =	ssyncset.done $0x0  }
0x7c: {  	[sflag:s31] =	ssyncadd.s32 $0xFFFFEC00  }
0x7d: {  	p0 =	por $0x0, $0x0;
	_ =	swait.ge [sflag:s31], $0x1400  }
0x7e: {  	s5 =	sadd.s32 @!p0 $0x0, s6;
	s9 =	sadd.s32 @!p0 $0x0, s7;
	[sflag:s31] =	ssyncset.done $0x0  }
0x7f: {  	s5 =	sadd.s32 @!p0 $0x64, s5;
	s10 =	simm.s32 @!p0 $0x0;
	[sflag:s31] =	ssyncadd.s32 $0xFFFFEC00  }
0x80: {  	[tilespmem:s10], [sflag:$0x1] =	stream.linear.gather @!p0 [hbm4b:s5+s10], $0x190, $0x38;
	[tilespmem:$0x16E40] =	vst v63  }
0x81: {  	s5 =	sadd.s32 @!p0 $0x64, s9;
	s9 =	simm.s32 @!p0 $0x320  }
0x82: {  	[tilespmem:s9], [sflag:$0x1] =	stream.linear.gather @!p0 [hbm4b:s5+s10], $0x190, $0x38;
	[tilespmem:$0x16E40] =	vst v63  }
0x83: {  	_ =	swait.ge [sflag:s0], $0x1400  }
0x84: {  	[sflag:s0] =	ssyncset.done $0x0  }
0x85: {  	[sflag:s0] =	ssyncadd.s32 $0xFFFFEC00  }
0x86: {  	_ =	swait.ge [sflag:s0], $0x1400  }
0x87: {  	[sflag:s0] =	ssyncset.done $0x0  }
0x88: {  	[sflag:s0] =	ssyncadd.s32 $0xFFFFEC00  }
0x89: {  	_ =	swait.ge [sflag:s0], $0x1400  }
0x8a: {  	[sflag:s0] =	ssyncset.done $0x0  }
0x8b: {  	[sflag:s0] =	ssyncadd.s32 $0xFFFFEC00  }
0x8c: {  	_ =	swait.ge [sflag:s0], $0x1400  }
0x8d: {  	[sflag:s0] =	ssyncset.done $0x0  }
0x8e: {  	[sflag:s0] =	ssyncadd.s32 $0xFFFFEC00  }
0x8f: {  	_ =	swait.ge [sflag:s0], $0x1400  }
0x90: {  	[sflag:s0] =	ssyncset.done $0x0  }
0x91: {  	s10 =	rddreg [dreg:$0xe];
	[sflag:s0] =	ssyncadd.s32 $0xFFFFEC00  }
0x92: {  	[spmem:s1] =	stream.indirect.scatter.add.f32 [tilespmem:s25], [sflag:$0x6], $0x40, s15, s17, $0xb8;
	[tilespmem:$0x16E40] =	vst v63  }
0x93: {  	s11 =	rddreg [dreg:$0xf]  }
0x94: {  	[spmem:s1] =	stream.indirect.scatter.add.f32 [tilespmem:s26], [sflag:$0x6], $0x40, s10, s17, $0xb8;
	[tilespmem:$0x16E40] =	vst v63  }
0x95: {  	p6 =	por $0x0, $0x0;
	s9 =	simm.s32 $0x64;
	s12 =	rddreg [dreg:$0x10]  }
0x96: {  	[spmem:s1] =	stream.indirect.scatter.add.f32 [tilespmem:s28], [sflag:$0x6], $0x40, s11, s17, $0xb8;
	[tilespmem:$0x16E40] =	vst v63  }
0x97: {  	p0 =	por p6, p6;
	s5 =	rddreg [dreg:$0x11];
	s10 =	simm.s32 $0xC8  }
0x98: {  	[spmem:s1] =	stream.indirect.scatter.add.f32 [tilespmem:s29], [sflag:$0x6], $0x40, s12, s17, $0xb8;
	[tilespmem:$0x16E40] =	vst v63  }
.LBB2_2:
0x99: {  	[spmem:s1] =	stream.indirect.scatter.add.f32 [tilespmem:s30], [sflag:$0x6], $0x40, s5, s17, $0xb8;
	[tilespmem:$0x16E40] =	vst v63  }
0x9a: {  	s11 =	simm.s32 @!p0 $0x6  }
0x9b: {  	_ =	swait.ge @!p0 [sflag:s11], $0x1400  }
0x9c: {  	[sflag:s11] =	ssyncset.done @!p0 $0x0  }
0x9d: {  	[sflag:s11] =	ssyncadd.s32 @!p0 $0xFFFFEC00  }
0x9e: {  	_ =	swait.ge @!p0 [sflag:s11], $0x1400  }
0x9f: {  	[sflag:s11] =	ssyncset.done @!p0 $0x0  }
0xa0: {  	[sflag:s11] =	ssyncadd.s32 @!p0 $0xFFFFEC00  }
0xa1: {  	_ =	swait.ge @!p0 [sflag:s11], $0x1400  }
0xa2: {  	[sflag:s11] =	ssyncset.done @!p0 $0x0  }
0xa3: {  	[sflag:s11] =	ssyncadd.s32 @!p0 $0xFFFFEC00  }
0xa4: {  	_ =	swait.ge @!p0 [sflag:s11], $0x1400  }
0xa5: {  	[sflag:s11] =	ssyncset.done @!p0 $0x0  }
0xa6: {  	[sflag:s11] =	ssyncadd.s32 @!p0 $0xFFFFEC00  }
0xa7: {  	_ =	swait.ge @!p0 [sflag:s11], $0x1400  }
0xa8: {  	s12 =	sadd.s32 s9, s6;
	[sflag:s11] =	ssyncset.done @!p0 $0x0  }
0xa9: {  	s4 =	sadd.s32 s9, s7;
	s12 =	sadd.s32 $0x32, s12;
	[sflag:s11] =	ssyncadd.s32 @!p0 $0xFFFFEC00  }
0xaa: {  	[tilespmem:s14], [sflag:$0x2] =	stream.linear.gather [hbm4b:s12+s3], $0x190, $0x38;
	[tilespmem:$0x16E40] =	vst v63  }
0xab: {  	s12 =	sadd.s32 $0x32, s4  }
0xac: {  	[tilespmem:s15], [sflag:$0x2] =	stream.linear.gather [hbm4b:s12+s3], $0x190, $0x38;
	[tilespmem:$0x16E40] =	vst v63  }
0xad: {  	_ =	swait.ge [sflag:s16], $0x190  }
0xae: {  	[sflag:s16] =	ssyncset.done $0x0  }
0xaf: {  	[sflag:s16] =	ssyncadd.s32 $0xFFFFFE70  }
0xb0: {  	_ =	swait.ge [sflag:s16], $0x190  }
0xb1: {  	[sflag:s16] =	ssyncset.done $0x0  }
0xb2: {  	[sflag:s16] =	ssyncadd.s32 $0xFFFFFE70  }
0xb3: {  	[tilespmem:s18], [sflag:$0x3] =	stream.indirect.gather [hbm4b:s8+s17], $0x40, s3, s17, $0xb8;
	[tilespmem:$0x16E40] =	vst v63  }
0xb4: {  	_ = 	snop  }
0xb5: {  	[tilespmem:s19], [sflag:$0x3] =	stream.indirect.gather [hbm4b:s8+s17], $0x40, s17, s17, $0xb8;
	[tilespmem:$0x16E40] =	vst v63  }
0xb6: {  	s4 =	rddreg [dreg:$0x3]  }
0xb7: {  	[tilespmem:s20], [sflag:$0x3] =	stream.indirect.gather [hbm4b:s8+s17], $0x40, s4, s17, $0xb8;
	[tilespmem:$0x16E40] =	vst v63  }
0xb8: {  	s12 =	rddreg [dreg:$0x4]  }
0xb9: {  	[tilespmem:s21], [sflag:$0x3] =	stream.indirect.gather [hbm4b:s8+s17], $0x40, s12, s17, $0xb8;
	[tilespmem:$0x16E40] =	vst v63  }
0xba: {  	s4 =	rddreg [dreg:$0x5]  }
0xbb: {  	[tilespmem:s22], [sflag:$0x3] =	stream.indirect.gather [hbm4b:s8+s17], $0x40, s4, s17, $0xb8;
	[tilespmem:$0x16E40] =	vst v63  }
0xbc: {  	_ =	swait.ge [sflag:s23], $0x1400  }
0xbd: {  	[sflag:s23] =	ssyncset.done $0x0  }
0xbe: {  	[sflag:s23] =	ssyncadd.s32 $0xFFFFEC00  }
0xbf: {  	_ =	swait.ge [sflag:s23], $0x1400  }
0xc0: {  	[sflag:s23] =	ssyncset.done $0x0  }
0xc1: {  	[sflag:s23] =	ssyncadd.s32 $0xFFFFEC00  }
0xc2: {  	_ =	swait.ge [sflag:s23], $0x1400  }
0xc3: {  	[sflag:s23] =	ssyncset.done $0x0  }
0xc4: {  	[sflag:s23] =	ssyncadd.s32 $0xFFFFEC00  }
0xc5: {  	_ =	swait.ge [sflag:s23], $0x1400  }
0xc6: {  	[sflag:s23] =	ssyncset.done $0x0  }
0xc7: {  	[sflag:s23] =	ssyncadd.s32 $0xFFFFEC00  }
0xc8: {  	_ =	swait.ge [sflag:s23], $0x1400  }
0xc9: {  	[sflag:s23] =	ssyncset.done $0x0  }
0xca: {  	[sflag:s23] =	ssyncadd.s32 $0xFFFFEC00  }
0xcb: {  	[spmem:s1] =	stream.indirect.scatter.add.f32 [tilespmem:s18], [sflag:$0x5], $0x40, s13, s17, $0xb8;
	[tilespmem:$0x16E40] =	vst v63  }
0xcc: {  	s12 =	rddreg [dreg:$0x6]  }
0xcd: {  	[spmem:s1] =	stream.indirect.scatter.add.f32 [tilespmem:s19], [sflag:$0x5], $0x40, s12, s17, $0xb8;
	[tilespmem:$0x16E40] =	vst v63  }
0xce: {  	s4 =	rddreg [dreg:$0x7]  }
0xcf: {  	[spmem:s1] =	stream.indirect.scatter.add.f32 [tilespmem:s20], [sflag:$0x5], $0x40, s4, s17, $0xb8;
	[tilespmem:$0x16E40] =	vst v63  }
0xd0: {  	s11 =	rddreg [dreg:$0x8]  }
0xd1: {  	[spmem:s1] =	stream.indirect.scatter.add.f32 [tilespmem:s21], [sflag:$0x5], $0x40, s11, s17, $0xb8;
	[tilespmem:$0x16E40] =	vst v63  }
0xd2: {  	s4 =	rddreg [dreg:$0x9]  }
0xd3: {  	[spmem:s1] =	stream.indirect.scatter.add.f32 [tilespmem:s22], [sflag:$0x5], $0x40, s4, s17, $0xb8;
	[tilespmem:$0x16E40] =	vst v63  }
0xd4: {  	_ =	swait.ge [sflag:s24], $0x190  }
0xd5: {  	[sflag:s24] =	ssyncset.done $0x0  }
0xd6: {  	[sflag:s24] =	ssyncadd.s32 $0xFFFFFE70  }
0xd7: {  	_ =	swait.ge [sflag:s24], $0x190  }
0xd8: {  	[sflag:s24] =	ssyncset.done $0x0  }
0xd9: {  	[sflag:s24] =	ssyncadd.s32 $0xFFFFFE70  }
0xda: {  	[tilespmem:s25], [sflag:$0x4] =	stream.indirect.gather [hbm4b:s8+s17], $0x40, s14, s17, $0xb8;
	[tilespmem:$0x16E40] =	vst v63  }
0xdb: {  	s12 =	rddreg [dreg:$0xa]  }
0xdc: {  	[tilespmem:s26], [sflag:$0x4] =	stream.indirect.gather [hbm4b:s8+s17], $0x40, s12, s17, $0xb8;
	[tilespmem:$0x16E40] =	vst v63  }
0xdd: {  	s4 =	rddreg [dreg:$0xb]  }
0xde: {  	[tilespmem:s28], [sflag:$0x4] =	stream.indirect.gather [hbm4b:s8+s17], $0x40, s4, s17, $0xb8;
	[tilespmem:$0x16E40] =	vst v63  }
0xdf: {  	s11 =	rddreg [dreg:$0xc]  }
0xe0: {  	[tilespmem:s29], [sflag:$0x4] =	stream.indirect.gather [hbm4b:s8+s17], $0x40, s11, s17, $0xb8;
	[tilespmem:$0x16E40] =	vst v63  }
0xe1: {  	s4 =	rddreg [dreg:$0xd]  }
0xe2: {  	[tilespmem:s30], [sflag:$0x4] =	stream.indirect.gather [hbm4b:s8+s17], $0x40, s4, s17, $0xb8;
	[tilespmem:$0x16E40] =	vst v63  }
0xe3: {  	_ =	swait.ge [sflag:s31], $0x1400  }
0xe4: {  	[sflag:s31] =	ssyncset.done $0x0  }
0xe5: {  	[sflag:s31] =	ssyncadd.s32 $0xFFFFEC00  }
0xe6: {  	_ =	swait.ge [sflag:s31], $0x1400  }
0xe7: {  	[sflag:s31] =	ssyncset.done $0x0  }
0xe8: {  	[sflag:s31] =	ssyncadd.s32 $0xFFFFEC00  }
0xe9: {  	_ =	swait.ge [sflag:s31], $0x1400  }
0xea: {  	[sflag:s31] =	ssyncset.done $0x0  }
0xeb: {  	[sflag:s31] =	ssyncadd.s32 $0xFFFFEC00  }
0xec: {  	_ =	swait.ge [sflag:s31], $0x1400  }
0xed: {  	s5 =	smov.u32 s10;
	[sflag:s31] =	ssyncset.done $0x0  }
0xee: {  	p2 =	seq.s32 s5, $0x0;
	[sflag:s31] =	ssyncadd.s32 $0xFFFFEC00  }
0xef: {  	p0 =	por p2, p2;
	p2 =	seq.s32 s9, $0x960;
	_ =	swait.ge [sflag:s31], $0x1400  }
0xf0: {  	s12 =	simm.s32 @!p2 $0x0;
	s11 =	sadd.s32 @!p2 s9, s6;
	[sflag:s31] =	ssyncset.done $0x0  }
0xf1: {  	s9 =	sadd.s32 @!p2 s9, s7;
	s11 =	sadd.s32 @!p2 $0x64, s11;
	[sflag:s31] =	ssyncadd.s32 $0xFFFFEC00  }
0xf2: {  	[tilespmem:s12], [sflag:$0x1] =	stream.linear.gather @!p2 [hbm4b:s11+s12], $0x190, $0x38;
	[tilespmem:$0x16E40] =	vst v63  }
0xf3: {  	s4 =	simm.s32 @!p2 $0x320;
	s11 =	sadd.s32 @!p2 $0x64, s9  }
0xf4: {  	[tilespmem:s4], [sflag:$0x1] =	stream.linear.gather @!p2 [hbm4b:s11+s12], $0x190, $0x38;
	[tilespmem:$0x16E40] =	vst v63  }
0xf5: {  	_ =	swait.ge [sflag:s0], $0x1400  }
0xf6: {  	[sflag:s0] =	ssyncset.done $0x0  }
0xf7: {  	[sflag:s0] =	ssyncadd.s32 $0xFFFFEC00  }
0xf8: {  	_ =	swait.ge [sflag:s0], $0x1400  }
0xf9: {  	[sflag:s0] =	ssyncset.done $0x0  }
0xfa: {  	[sflag:s0] =	ssyncadd.s32 $0xFFFFEC00  }
0xfb: {  	_ =	swait.ge [sflag:s0], $0x1400  }
0xfc: {  	[sflag:s0] =	ssyncset.done $0x0  }
0xfd: {  	[sflag:s0] =	ssyncadd.s32 $0xFFFFEC00  }
0xfe: {  	_ =	swait.ge [sflag:s0], $0x1400  }
0xff: {  	[sflag:s0] =	ssyncset.done $0x0  }
0x100: {  	[sflag:s0] =	ssyncadd.s32 $0xFFFFEC00  }
0x101: {  	_ =	swait.ge [sflag:s0], $0x1400  }
0x102: {  	[sflag:s0] =	ssyncset.done $0x0  }
0x103: {  	s10 =	sadd.s32 $0x64, s10;
	[sflag:s0] =	ssyncadd.s32 $0xFFFFEC00  }
0x104: {  	[spmem:s1] =	stream.indirect.scatter.add.f32 [tilespmem:s25], [sflag:$0x6], $0x40, s15, s17, $0xb8;
	[tilespmem:$0x16E40] =	vst v63  }
0x105: {  	p1 =	sne.s32 s10, $0x9C4;
	s9 =	smov.u32 s5;
	s5 =	rddreg [dreg:$0xe]  }
0x106: {  	[spmem:s1] =	stream.indirect.scatter.add.f32 [tilespmem:s26], [sflag:$0x6], $0x40, s5, s17, $0xb8;
	[tilespmem:$0x16E40] =	vst v63  }
.Ltmp0:
0x107: {  	s11 =	rddreg [dreg:$0xf];
	(pc) =	sbr.rel @p1 .LBB2_2-.Ltmp0, $4  }
0x108: {  	s12 =	rddreg [dreg:$0x10]  }
0x109: {  	[spmem:s1] =	stream.indirect.scatter.add.f32 [tilespmem:s28], [sflag:$0x6], $0x40, s11, s17, $0xb8;
	[tilespmem:$0x16E40] =	vst v63  }
0x10a: {  	s5 =	rddreg [dreg:$0x11]  }
0x10b: {  	[spmem:s1] =	stream.indirect.scatter.add.f32 [tilespmem:s29], [sflag:$0x6], $0x40, s12, s17, $0xb8;
	[tilespmem:$0x16E40] =	vst v63  }
0x10c: {  	[spmem:s1] =	stream.indirect.scatter.add.f32 [tilespmem:s30], [sflag:$0x6], $0x40, s5, s17, $0xb8;
	[tilespmem:$0x16E40] =	vst v63  }
0x10d: {  	s4 =	simm.s32 @!p0 $0x6  }
0x10e: {  	_ =	swait.ge @!p0 [sflag:s4], $0x1400  }
0x10f: {  	[sflag:s4] =	ssyncset.done @!p0 $0x0  }
0x110: {  	[sflag:s4] =	ssyncadd.s32 @!p0 $0xFFFFEC00  }
0x111: {  	_ =	swait.ge @!p0 [sflag:s4], $0x1400  }
0x112: {  	[sflag:s4] =	ssyncset.done @!p0 $0x0  }
0x113: {  	[sflag:s4] =	ssyncadd.s32 @!p0 $0xFFFFEC00  }
0x114: {  	_ =	swait.ge @!p0 [sflag:s4], $0x1400  }
0x115: {  	[sflag:s4] =	ssyncset.done @!p0 $0x0  }
0x116: {  	[sflag:s4] =	ssyncadd.s32 @!p0 $0xFFFFEC00  }
0x117: {  	_ =	swait.ge @!p0 [sflag:s4], $0x1400  }
0x118: {  	[sflag:s4] =	ssyncset.done @!p0 $0x0  }
0x119: {  	[sflag:s4] =	ssyncadd.s32 @!p0 $0xFFFFEC00  }
0x11a: {  	_ =	swait.ge @!p0 [sflag:s4], $0x1400  }
0x11b: {  	s10 =	sadd.s32 s9, s6;
	[sflag:s4] =	ssyncset.done @!p0 $0x0  }
0x11c: {  	s12 =	sadd.s32 s9, s7;
	s11 =	sadd.s32 $0x32, s10;
	[sflag:s4] =	ssyncadd.s32 @!p0 $0xFFFFEC00  }
0x11d: {  	[tilespmem:s14], [sflag:$0x2] =	stream.linear.gather [hbm4b:s11+s3], $0x190, $0x38;
	[tilespmem:$0x16E40] =	vst v63  }
0x11e: {  	s5 =	sadd.s32 $0x32, s12  }
0x11f: {  	[tilespmem:s15], [sflag:$0x2] =	stream.linear.gather [hbm4b:s5+s3], $0x190, $0x38;
	[tilespmem:$0x16E40] =	vst v63  }
0x120: {  	_ =	swait.ge [sflag:s16], $0x190  }
0x121: {  	[sflag:s16] =	ssyncset.done $0x0  }
0x122: {  	[sflag:s16] =	ssyncadd.s32 $0xFFFFFE70  }
0x123: {  	_ =	swait.ge [sflag:s16], $0x190  }
0x124: {  	[sflag:s16] =	ssyncset.done $0x0  }
0x125: {  	[sflag:s16] =	ssyncadd.s32 $0xFFFFFE70  }
0x126: {  	[tilespmem:s18], [sflag:$0x3] =	stream.indirect.gather [hbm4b:s8+s17], $0x40, s3, s17, $0xb8;
	[tilespmem:$0x16E40] =	vst v63  }
0x127: {  	_ = 	snop  }
0x128: {  	[tilespmem:s19], [sflag:$0x3] =	stream.indirect.gather [hbm4b:s8+s17], $0x40, s17, s17, $0xb8;
	[tilespmem:$0x16E40] =	vst v63  }
0x129: {  	s10 =	rddreg [dreg:$0x3]  }
0x12a: {  	[tilespmem:s20], [sflag:$0x3] =	stream.indirect.gather [hbm4b:s8+s17], $0x40, s10, s17, $0xb8;
	[tilespmem:$0x16E40] =	vst v63  }
0x12b: {  	s11 =	rddreg [dreg:$0x4]  }
0x12c: {  	[tilespmem:s21], [sflag:$0x3] =	stream.indirect.gather [hbm4b:s8+s17], $0x40, s11, s17, $0xb8;
	[tilespmem:$0x16E40] =	vst v63  }
0x12d: {  	s12 =	rddreg [dreg:$0x5]  }
0x12e: {  	[tilespmem:s22], [sflag:$0x3] =	stream.indirect.gather [hbm4b:s8+s17], $0x40, s12, s17, $0xb8;
	[tilespmem:$0x16E40] =	vst v63  }
0x12f: {  	_ =	swait.ge [sflag:s23], $0x1400  }
0x130: {  	[sflag:s23] =	ssyncset.done $0x0  }
0x131: {  	[sflag:s23] =	ssyncadd.s32 $0xFFFFEC00  }
0x132: {  	_ =	swait.ge [sflag:s23], $0x1400  }
0x133: {  	[sflag:s23] =	ssyncset.done $0x0  }
0x134: {  	[sflag:s23] =	ssyncadd.s32 $0xFFFFEC00  }
0x135: {  	_ =	swait.ge [sflag:s23], $0x1400  }
0x136: {  	[sflag:s23] =	ssyncset.done $0x0  }
0x137: {  	[sflag:s23] =	ssyncadd.s32 $0xFFFFEC00  }
0x138: {  	_ =	swait.ge [sflag:s23], $0x1400  }
0x139: {  	[sflag:s23] =	ssyncset.done $0x0  }
0x13a: {  	[sflag:s23] =	ssyncadd.s32 $0xFFFFEC00  }
0x13b: {  	_ =	swait.ge [sflag:s23], $0x1400  }
0x13c: {  	[sflag:s23] =	ssyncset.done $0x0  }
0x13d: {  	[sflag:s23] =	ssyncadd.s32 $0xFFFFEC00  }
0x13e: {  	[spmem:s1] =	stream.indirect.scatter.add.f32 [tilespmem:s18], [sflag:$0x5], $0x40, s13, s17, $0xb8;
	[tilespmem:$0x16E40] =	vst v63  }
0x13f: {  	s5 =	rddreg [dreg:$0x6]  }
0x140: {  	[spmem:s1] =	stream.indirect.scatter.add.f32 [tilespmem:s19], [sflag:$0x5], $0x40, s5, s17, $0xb8;
	[tilespmem:$0x16E40] =	vst v63  }
0x141: {  	s10 =	rddreg [dreg:$0x7]  }
0x142: {  	[spmem:s1] =	stream.indirect.scatter.add.f32 [tilespmem:s20], [sflag:$0x5], $0x40, s10, s17, $0xb8;
	[tilespmem:$0x16E40] =	vst v63  }
0x143: {  	s11 =	rddreg [dreg:$0x8]  }
0x144: {  	[spmem:s1] =	stream.indirect.scatter.add.f32 [tilespmem:s21], [sflag:$0x5], $0x40, s11, s17, $0xb8;
	[tilespmem:$0x16E40] =	vst v63  }
0x145: {  	s12 =	rddreg [dreg:$0x9]  }
0x146: {  	[spmem:s1] =	stream.indirect.scatter.add.f32 [tilespmem:s22], [sflag:$0x5], $0x40, s12, s17, $0xb8;
	[tilespmem:$0x16E40] =	vst v63  }
0x147: {  	_ =	swait.ge [sflag:s24], $0x190  }
0x148: {  	[sflag:s24] =	ssyncset.done $0x0  }
0x149: {  	[sflag:s24] =	ssyncadd.s32 $0xFFFFFE70  }
0x14a: {  	_ =	swait.ge [sflag:s24], $0x190  }
0x14b: {  	[sflag:s24] =	ssyncset.done $0x0  }
0x14c: {  	[sflag:s24] =	ssyncadd.s32 $0xFFFFFE70  }
0x14d: {  	[tilespmem:s25], [sflag:$0x4] =	stream.indirect.gather [hbm4b:s8+s17], $0x40, s14, s17, $0xb8;
	[tilespmem:$0x16E40] =	vst v63  }
0x14e: {  	s5 =	rddreg [dreg:$0xa]  }
0x14f: {  	[tilespmem:s26], [sflag:$0x4] =	stream.indirect.gather [hbm4b:s8+s17], $0x40, s5, s17, $0xb8;
	[tilespmem:$0x16E40] =	vst v63  }
0x150: {  	s10 =	rddreg [dreg:$0xb]  }
0x151: {  	[tilespmem:s28], [sflag:$0x4] =	stream.indirect.gather [hbm4b:s8+s17], $0x40, s10, s17, $0xb8;
	[tilespmem:$0x16E40] =	vst v63  }
0x152: {  	s11 =	rddreg [dreg:$0xc]  }
0x153: {  	[tilespmem:s29], [sflag:$0x4] =	stream.indirect.gather [hbm4b:s8+s17], $0x40, s11, s17, $0xb8;
	[tilespmem:$0x16E40] =	vst v63  }
0x154: {  	s12 =	rddreg [dreg:$0xd]  }
0x155: {  	[tilespmem:s30], [sflag:$0x4] =	stream.indirect.gather [hbm4b:s8+s17], $0x40, s12, s17, $0xb8;
	[tilespmem:$0x16E40] =	vst v63  }
0x156: {  	_ =	swait.ge [sflag:s31], $0x1400  }
0x157: {  	[sflag:s31] =	ssyncset.done $0x0  }
0x158: {  	[sflag:s31] =	ssyncadd.s32 $0xFFFFEC00  }
0x159: {  	_ =	swait.ge [sflag:s31], $0x1400  }
0x15a: {  	[sflag:s31] =	ssyncset.done $0x0  }
0x15b: {  	[sflag:s31] =	ssyncadd.s32 $0xFFFFEC00  }
0x15c: {  	_ =	swait.ge [sflag:s31], $0x1400  }
0x15d: {  	[sflag:s31] =	ssyncset.done $0x0  }
0x15e: {  	[sflag:s31] =	ssyncadd.s32 $0xFFFFEC00  }
0x15f: {  	_ =	swait.ge [sflag:s31], $0x1400  }
0x160: {  	[sflag:s31] =	ssyncset.done $0x0  }
0x161: {  	p0 =	seq.s32 s9, $0x960;
	[sflag:s31] =	ssyncadd.s32 $0xFFFFEC00  }
0x162: {  	s4 =	sadd.s32 @!p0 s9, s6;
	_ =	swait.ge [sflag:s31], $0x1400  }
0x163: {  	s4 =	sadd.s32 @!p0 $0x64, s4;
	[sflag:s31] =	ssyncset.done $0x0  }
0x164: {  	s5 =	sadd.s32 @!p0 s9, s7;
	s9 =	simm.s32 @!p0 $0x0;
	[sflag:s31] =	ssyncadd.s32 $0xFFFFEC00  }
0x165: {  	[tilespmem:s9], [sflag:$0x1] =	stream.linear.gather @!p0 [hbm4b:s4+s9], $0x190, $0x38;
	[tilespmem:$0x16E40] =	vst v63  }
0x166: {  	s4 =	sadd.s32 @!p0 $0x64, s5;
	s5 =	simm.s32 @!p0 $0x320  }
0x167: {  	[tilespmem:s5], [sflag:$0x1] =	stream.linear.gather @!p0 [hbm4b:s4+s9], $0x190, $0x38;
	[tilespmem:$0x16E40] =	vst v63  }
0x168: {  	_ =	swait.ge [sflag:s0], $0x1400  }
0x169: {  	[sflag:s0] =	ssyncset.done $0x0  }
0x16a: {  	[sflag:s0] =	ssyncadd.s32 $0xFFFFEC00  }
0x16b: {  	_ =	swait.ge [sflag:s0], $0x1400  }
0x16c: {  	[sflag:s0] =	ssyncset.done $0x0  }
0x16d: {  	[sflag:s0] =	ssyncadd.s32 $0xFFFFEC00  }
0x16e: {  	_ =	swait.ge [sflag:s0], $0x1400  }
0x16f: {  	[sflag:s0] =	ssyncset.done $0x0  }
0x170: {  	[sflag:s0] =	ssyncadd.s32 $0xFFFFEC00  }
0x171: {  	_ =	swait.ge [sflag:s0], $0x1400  }
0x172: {  	[sflag:s0] =	ssyncset.done $0x0  }
0x173: {  	[sflag:s0] =	ssyncadd.s32 $0xFFFFEC00  }
0x174: {  	_ =	swait.ge [sflag:s0], $0x1400  }
0x175: {  	[sflag:s0] =	ssyncset.done $0x0  }
0x176: {  	[sflag:s0] =	ssyncadd.s32 $0xFFFFEC00  }
0x177: {  	[spmem:s1] =	stream.indirect.scatter.add.f32 [tilespmem:s25], [sflag:$0x6], $0x40, s15, s17, $0xb8;
	[tilespmem:$0x16E40] =	vst v63  }
0x178: {  	s10 =	rddreg [dreg:$0xe]  }
0x179: {  	[spmem:s1] =	stream.indirect.scatter.add.f32 [tilespmem:s26], [sflag:$0x6], $0x40, s10, s17, $0xb8;
	[tilespmem:$0x16E40] =	vst v63  }
0x17a: {  	s11 =	rddreg [dreg:$0xf]  }
0x17b: {  	[spmem:s1] =	stream.indirect.scatter.add.f32 [tilespmem:s28], [sflag:$0x6], $0x40, s11, s17, $0xb8;
	[tilespmem:$0x16E40] =	vst v63  }
0x17c: {  	s12 =	rddreg [dreg:$0x10]  }
0x17d: {  	[spmem:s1] =	stream.indirect.scatter.add.f32 [tilespmem:s29], [sflag:$0x6], $0x40, s12, s17, $0xb8;
	[tilespmem:$0x16E40] =	vst v63  }
0x17e: {  	s9 =	rddreg [dreg:$0x11]  }
0x17f: {  	[spmem:s1] =	stream.indirect.scatter.add.f32 [tilespmem:s30], [sflag:$0x6], $0x40, s9, s17, $0xb8;
	[tilespmem:$0x16E40] =	vst v63  }
0x180: {  	_ =	swait.ge [sflag:s2], $0x1400  }
0x181: {  	[sflag:s2] =	ssyncset.done $0x0  }
0x182: {  	[sflag:s2] =	ssyncadd.s32 $0xFFFFEC00  }
0x183: {  	_ =	swait.ge [sflag:s2], $0x1400  }
0x184: {  	[sflag:s2] =	ssyncset.done $0x0  }
0x185: {  	[sflag:s2] =	ssyncadd.s32 $0xFFFFEC00  }
0x186: {  	_ =	swait.ge [sflag:s2], $0x1400  }
0x187: {  	[sflag:s2] =	ssyncset.done $0x0  }
0x188: {  	[sflag:s2] =	ssyncadd.s32 $0xFFFFEC00  }
0x189: {  	_ =	swait.ge [sflag:s2], $0x1400  }
0x18a: {  	[sflag:s2] =	ssyncset.done $0x0  }
0x18b: {  	[sflag:s2] =	ssyncadd.s32 $0xFFFFEC00  }
0x18c: {  	_ =	swait.ge [sflag:s2], $0x1400  }
0x18d: {  	[sflag:s2] =	ssyncset.done $0x0  }
0x18e: {  	[sflag:s2] =	ssyncadd.s32 $0xFFFFEC00  }
0x18f: {  	[bflag:$0x0] =	sbarrier.arrive $0xFFFF  }
0x190: {  	s12 =	rddreg [dreg:$0x13]  }
0x191: {  	s10 =	rddreg [dreg:$0x15]  }
0x192: {  	s9 =	simm.s32 $0x7;
	s5 =	rddreg [dreg:$0x16]  }
0x193: {  	[hbm:s10], [sflag:s12] =	dma.local [spmem:s5], $0x1400  }
0x194: {  	_ =	swait.ge [sflag:s9], $0x1400  }
0x195: {  	s10 =	rddreg [dreg:$0x17]  }
0x196: {  	s11 =	rddreg [dreg:$0x14];
	s10 =	sadd.s32 $0x1, s10  }
0x197: {  	p0 =	sne.s32 s10, s11  }
.Ltmp1:
0x198: {  	_ = 	snop;
	(pc) =	sbr.rel @p0 .LBB2_1-.Ltmp1, $3  }
0x199: {  	_ =	sdelay $0x1  }
0x19a: {  	[sflag:s9] =	ssyncset.done $0x0  }
0x19b: {  	[sflag:s9] =	ssyncadd.s32 $0xFFFFEC00  }
0x19c: {  	_ =	sfence.sel $0x180000  }
0x19d: {  	[bflag:$0x0] =	sbarrier.arrive $0xFFFF  }
0x19e: {  	_ =	strace $0x9000004D  }
0x19f: {  	s0 =	stileid.u32;
	[bflag:$0x2] =	sbarrier.arrive $0xFFFF  }
0x1a0: {  	p0 =	sne.s32 s0, $0x0;
	s0 =	rddreg [dreg:$0x2]  }
0x1a1: {  	s0 =	sadd.s32 @!p0 $0x100000, s0  }
0x1a2: {  	[sflag:s0] =	ssyncadd.tile.s32 @!p0 $0x1;
	_ =	shalt  }
.Lfunc_end2:
_tile_overlayer_lowered:
.L_overlay_start_2:
0x1a3: {  	(tag) =	ssettag $0x2  }
0x1a4: {  	s0 =	rddreg [dreg:$0x0];
	s2 =	stileid.u32  }
0x1a5: {  	s1 =	rddreg [dreg:$0x1];
	p0 =	sne.s32 s2, $0x0  }
0x1a6: {  	s3 =	rddreg [dreg:$0x2];
	[bflag:$0x3] =	sbarrier.arrive $0xFFFF;
	s2 =	simm.s32 @!p0 $0x1C07  }
0x1a7: {  	[timem:s3], [sflag:s2] =	dma.local @!p0 [hbm:s0], s1  }
0x1a8: {  	s0 =	simm.s32 @!p0 $0x7  }
0x1a9: {  	_ =	swait.ge @!p0 [sflag:s0], s1  }
0x1aa: {  	s1 =	ssub.s32 @!p0 $0x0, s1;
	[sflag:s0] =	ssyncset.done @!p0 $0x0  }
0x1ab: {  	[sflag:s0] =	ssyncadd.s32 @!p0 s1  }
0x1ac: {  	[bflag:$0x3] =	sbarrier.arrive $0xFFFF  }
0x1ad: {  	_ =	shalt  }

// kernel: kernel.8.cloned.1.call-start
scs
__scs_entry_jumppad:
0x0: {  	(pc) =	sbr.rel $0x88, $3  }
0x1: {  	(tag) =	ssettag $0x0;
	lr =	simm.s32 $0x1  }
0x2: {  	[smem:$0x3F96] =	sst lr;
	_ =	strace $0xD0000000  }
0x3: {  	_ = 	snop  }
0x4: {  	_ = 	snop  }
0x5: {  	_ = 	snop  }
0x6: {  	_ = 	snop  }
0x7: {  	_ = 	snop  }
__scs_overlays_trampoline_lowered:
0x8: {  	[smem:$0x3FA5] =	sst s0  }
0x9: {  	[smem:$0x3FA6] =	sst s1  }
0xa: {  	[smem:$0x3FA7] =	sst s2  }
0xb: {  	[smem:$0x3FA8] =	sst s3  }
0xc: {  	[smem:$0x3FA9] =	sst s4  }
0xd: {  	[smem:$0x3FAA] =	sst s5  }
0xe: {  	[smem:$0x3FAB] =	sst s6  }
0xf: {  	[smem:$0x3FAC] =	sst s7  }
0x10: {  	[smem:$0x3FAD] =	sst s8  }
0x11: {  	[smem:$0x3FAE] =	sst s9;
	s0 =	simm.s32 @!p0 $0x0  }
0x12: {  	s1 =	sld [smem:$0x3F94];
	s0 =	simm.s32 @p0 $0x1  }
0x13: {  	[smem:$0x3FAF] =	sst s0;
	s0 =	simm.s32 @!p1 $0x0  }
0x14: {  	s2 =	sld [smem:$0x3F93];
	s0 =	simm.s32 @p1 $0x1  }
0x15: {  	[smem:$0x3FB0] =	sst s0;
	s0 =	simm.s32 @!p2 $0x0  }
0x16: {  	s3 =	sld [smem:$0x3FDB];
	s0 =	simm.s32 @p2 $0x1  }
0x17: {  	s4 =	simm.s32 $0x1BF5;
	[smem:$0x3FB2] =	sst s0  }
0x18: {  	s0 =	sld [smem:$0x3F95];
	_ =	swait.ge [sflag:s4], $0x0  }
0x19: {  	s7 =	sld [smem:$0x3F96]  }
0x1a: {  	s8 =	sadd.s32 $0xFFFFE003, lr  }
0x1b: {  	s9 =	sadd.s32 $0xFFFFFEF7, lr;
	s5 =	simm.s32 $0xFFFFFFFF;
	p2 =	slt.u32 s8, $0xFFFFF086  }
0x1c: {  	p1 =	slt.u32 s9, $0xF7A;
	s5 =	simm.s32 @!p2 $0x0  }
0x1d: {  	s5 =	simm.s32 @p1 $0x1;
	p0 =	seq.s32 s7, s2  }
0x1e: {  	s7 =	smul.u32 @!p0 $0xF7A, s2;
	p2 =	seq.s32 @!p0 s5, $0x0  }
0x1f: {  	s9 =	smul.u32 $0xF7A, s1;
	s8 =	simm.s32 @!p0 $0x1BF5;
	p2 =	por !p2, p0  }
0x20: {  	[sflag:s8] =	ssyncset.s32 @!p0 $0xFFFFF086;
	s6 =	sadd.s32 @!p0 s3, s7;
	s7 =	simm.s32 @!p0 $0x108  }
0x21: {  	s3 =	sadd.s32 s3, s9;
	s6 =	sadd.s32 @!p0 $0x88, s6;
	s7 =	simm.s32 @p2 $0x1082  }
0x22: {  	[simem:s7], [sflag:s8] =	dma.local @!p0 [hbm:s6], $0xF7A  }
0x23: {  	s9 =	sor.u32 $0xD0000000, s2;
	s6 =	simm.s32 $0x108;
	_ =	swait.ge @!p0 [sflag:s8], $0x0  }
0x24: {  	s3 =	sadd.s32 $0x88, s3;
	s6 =	simm.s32 @!p1 $0x1082;
	[sflag:s4] =	ssyncset.s32 $0xFFFFF086  }
0x25: {  	[simem:s6], [sflag:s4] =	dma.local [hbm:s3], $0xF7A  }
0x26: {  	[smem:$0x3F96] =	sst s1;
	(tag) =	ssettag s2;
	_ =	strace s9  }
0x27: {  	s1 =	sld [smem:$0x3FA6]  }
0x28: {  	s2 =	sld [smem:$0x3FA7]  }
0x29: {  	s4 =	sld [smem:$0x3FA9]  }
0x2a: {  	p0 =	seq.s32 s5, $0x0;
	s5 =	sld [smem:$0x3FAA]  }
0x2b: {  	s6 =	sld [smem:$0x3FAB]  }
0x2c: {  	s7 =	sld [smem:$0x3FAC]  }
0x2d: {  	s3 =	simm.s32 $0x108;
	s8 =	sld [smem:$0x3FAD]  }
0x2e: {  	s3 =	simm.s32 @!p0 $0x1082;
	s9 =	sld [smem:$0x3FAE]  }
0x2f: {  	lr =	sadd.s32 s0, s3;
	s0 =	sld [smem:$0x3FA5]  }
0x30: {  	s3 =	sld [smem:$0x3FA8]  }
0x31: {  	[smem:$0x3FB1] =	sst s10  }
0x32: {  	s10 =	sld [smem:$0x3FAF];
	_ =	sdelay $0x3  }
0x33: {  	p0 =	seq.s32 s10, $0x1;
	s10 =	sld [smem:$0x3FB1];
	_ =	sdelay $0x3  }
0x34: {  	[smem:$0x3FB1] =	sst s10  }
0x35: {  	s10 =	sld [smem:$0x3FB0];
	_ =	sdelay $0x3  }
0x36: {  	p1 =	seq.s32 s10, $0x1;
	s10 =	sld [smem:$0x3FB1];
	_ =	sdelay $0x3  }
0x37: {  	[smem:$0x3FB1] =	sst s10  }
0x38: {  	s10 =	sld [smem:$0x3FB2]  }
0x39: {  	_ = 	snop;
	(pc) =	sbr.ind lr, $3  }
0x3a: {  	_ = 	snop  }
0x3b: {  	_ = 	snop  }
0x3c: {  	p2 =	seq.s32 s10, $0x1;
	s10 =	sld [smem:$0x3FB1]  }
0x3d: {  	_ =	shalt  }
0x3e: {  	_ =	shalt  }
0x3f: {  	_ =	shalt  }
0x40: {  	_ =	shalt  }
0x41: {  	_ =	shalt  }
0x42: {  	_ =	shalt  }
0x43: {  	_ =	shalt  }
0x44: {  	_ =	shalt  }
0x45: {  	_ =	shalt  }
0x46: {  	_ =	shalt  }
0x47: {  	_ =	shalt  }
0x48: {  	_ =	shalt  }
0x49: {  	_ =	shalt  }
0x4a: {  	_ =	shalt  }
0x4b: {  	_ =	shalt  }
0x4c: {  	_ =	shalt  }
0x4d: {  	_ =	shalt  }
0x4e: {  	_ =	shalt  }
0x4f: {  	_ =	shalt  }
0x50: {  	_ =	shalt  }
0x51: {  	_ =	shalt  }
0x52: {  	_ =	shalt  }
0x53: {  	_ =	shalt  }
0x54: {  	_ =	shalt  }
0x55: {  	_ =	shalt  }
0x56: {  	_ =	shalt  }
0x57: {  	_ =	shalt  }
0x58: {  	_ =	shalt  }
0x59: {  	_ =	shalt  }
0x5a: {  	_ =	shalt  }
0x5b: {  	_ =	shalt  }
0x5c: {  	_ =	shalt  }
0x5d: {  	_ =	shalt  }
0x5e: {  	_ =	shalt  }
0x5f: {  	_ =	shalt  }
0x60: {  	_ =	shalt  }
0x61: {  	_ =	shalt  }
0x62: {  	_ =	shalt  }
0x63: {  	_ =	shalt  }
0x64: {  	_ =	shalt  }
0x65: {  	_ =	shalt  }
0x66: {  	_ =	shalt  }
0x67: {  	_ =	shalt  }
0x68: {  	_ =	shalt  }
0x69: {  	_ =	shalt  }
0x6a: {  	_ =	shalt  }
0x6b: {  	_ =	shalt  }
0x6c: {  	_ =	shalt  }
0x6d: {  	_ =	shalt  }
0x6e: {  	_ =	shalt  }
0x6f: {  	_ =	shalt  }
0x70: {  	_ =	shalt  }
0x71: {  	_ =	shalt  }
0x72: {  	_ =	shalt  }
0x73: {  	_ =	shalt  }
0x74: {  	_ =	shalt  }
0x75: {  	_ =	shalt  }
0x76: {  	_ =	shalt  }
0x77: {  	_ =	shalt  }
0x78: {  	_ =	shalt  }
0x79: {  	_ =	shalt  }
0x7a: {  	_ =	shalt  }
0x7b: {  	_ =	shalt  }
0x7c: {  	_ =	shalt  }
0x7d: {  	_ =	shalt  }
0x7e: {  	_ =	shalt  }
0x7f: {  	_ =	shalt  }
0x80: {  	_ =	shalt  }
0x81: {  	_ =	shalt  }
0x82: {  	_ =	shalt  }
0x83: {  	_ =	shalt  }
0x84: {  	_ =	shalt  }
0x85: {  	_ =	shalt  }
0x86: {  	_ =	shalt  }
0x87: {  	_ =	shalt  }
.Lfunc_end0:
.L_simem_size_0:
called_computation_lowered:
.L_overlay_start_0:
0x88: {  	s2 =	sld [smem:$0x3FD9]  }
0x89: {  	s3 =	sld [smem:$0x3FFE];
	_ =	sdelay $0x1  }
0x8a: {  	s1 =	srdreg.scid  }
0x8b: {  	s0 =	sand.u32 $0x1, s1  }
0x8c: {  	s16 =	sshll.u32 s0, $0xA;
	s2 =	sadd.s32 s3, s2  }
0x8d: {  	s2 =	sadd.s32 s2, s16  }
0x8e: {  	[smem:$0x3FBD] =	sst s2  }
0x8f: {  	_ = 	snop  }
0x90: {  	(tm) =	ssettm $0x1  }
0x91: {  	s17 =	sld [smem:$0x3FFB];
	_ =	sdelay $0x3  }
0x92: {  	_ =	strace s17  }
0x93: {  	s2 =	sld [smem:$0x3FFC];
	_ =	sdelay $0x3  }
0x94: {  	_ =	strace s2  }
0x95: {  	s2 =	sld [smem:$0x3FFD];
	_ =	sdelay $0x3  }
0x96: {  	_ =	strace s2  }
0x97: {  	_ =	strace $0x8FFFFFFF  }
0x98: {  	s18 =	sld [smem:$0x3FDB];
	_ =	sdelay $0x1  }
0x99: {  	s19 =	simm.s32 $_scs_section_size  }
0x9a: {  	s4 =	simm.s32 $_size__tile_overlayer_lowered;
	s5 =	simm.s32 $_tile_overlayer_lowered  }
0x9b: {  	s22 =	simm.s32 $0x1BFF;
	s21 =	sshll.u32 s5, $0x1;
	s2 =	sadd.s32 s19, s18  }
0x9c: {  	s6 =	simm.s32 $0x0;
	s20 =	sshll.u32 s4, $0x1;
	s4 =	sadd.s32 s21, s2  }
0x9d: {  	[timem:s6], [sflag:s22] =	dma.local [hbm:s4], s20  }
0x9e: {  	_ =	swait.ge [sflag:s22], s20  }
0x9f: {  	s3 =	ssub.s32 $0x0, s20;
	[sflag:s22] =	ssyncset.done $0x0  }
0xa0: {  	[sflag:s22] =	ssyncadd.s32 s3;
	_ =	sdelay $0x1  }
0xa1: {  	s23 =	simm.s32 $0x1B8B  }
0xa2: {  	_ =	swait.ge [sflag:s23], $0x1  }
0xa3: {  	[sflag:s23] =	ssyncset.done $0x0  }
0xa4: {  	s25 =	simm.s32 $0x1B8E;
	s24 =	sld [smem:$0x3FFE];
	[sflag:s23] =	ssyncadd.s32 $0xFFFFFFFF  }
0xa5: {  	s26 =	simm.s32 $execute0_lowered;
	[smem:$0x3FD2] =	sst s25  }
0xa6: {  	s4 =	sshll.u32 s26, $0x1;
	_ =	strace $0x80000046;
	[dreg:$0x1] =	wrdreg $0xFFFFFFFF  }
0xa7: {  	s28 =	simm.s32 $_size_execute0_lowered;
	s2 =	sadd.s32 s2, s4;
	[dreg:$0x0] =	wrdreg $0x0  }
0xa8: {  	s4 =	sshll.u32 s28, $0x1;
	[dreg:$0x2] =	wrdreg s2  }
0xa9: {  	[dreg:$0x3] =	wrdreg s4  }
0xaa: {  	[dreg:$0x4] =	wrdreg $0xC0  }
0xab: {  	_ =	task [dreg:s6], $0x5FFFF  }
0xac: {  	[dreg:$0x1] =	wrdreg $0xFFFFFFFF  }
0xad: {  	[dreg:$0x0] =	wrdreg $0x60  }
0xae: {  	[dreg:$0x2] =	wrdreg s24  }
0xaf: {  	[dreg:$0x3] =	wrdreg $0xCE400  }
0xb0: {  	[dreg:$0x4] =	wrdreg $0xA  }
0xb1: {  	_ =	task.clear_ibuf [dreg:s6], $0x5FFFF;
	_ =	strace $0x90000046  }
0xb2: {  	s29 =	simm.s32 $0xA;
	_ =	strace $0x80000048  }
0xb3: {  	_ =	swait.ge [sflag:s29], $0x1  }
0xb4: {  	[sflag:s29] =	ssyncadd.s32 $0xFFFFFFFF  }
0xb5: {  	_ =	strace $0x90000048  }
0xb6: {  	_ =	sfence  }
0xb7: {  	s30 =	sld [smem:$0x0];
	_ =	sdelay $0x2  }
0xb8: {  	s31 =	sshll.u32 s1, $0xD;
	s1 =	sshrl.u32 s1, $0x2  }
0xb9: {  	s3 =	sand.u32 $0x4000, s31;
	s1 =	sadd.s32 s1, s30  }
0xba: {  	s0 =	sor.u32 s3, s0;
	s1 =	sshll.u32 s1, $0x11  }
0xbb: {  	s0 =	sor.u32 s1, s0  }
0xbc: {  	s0 =	sadd.s32 $0x8F2B, s0  }
0xbd: {  	[sflag:s0] =	ssyncadd.remote.s32 $0x1  }
0xbe: {  	_ =	sfence.sel $0xFFFF  }
0xbf: {  	[dreg:$0x0] =	wrdreg $0xFFFFFFFF;
	(pc) =	sbr.abs _section_cstart, $3  }
0xc0: {  	[dreg:$0x1] =	wrdreg $0xFFFFFFFF  }
0xc1: {  	_ =	task.clear_ibuf [dreg:s6], $0x2FFFF;
	_ =	strace $0x9FFFFFFF  }
0xc2: {  	(tm) =	ssettm $0x7FFFFFFF  }
0xc3: {  	_ =	shalt  }
tec
execute0_lowered:
.L_overlay_start_1:
0x0: {  	(tag) =	ssettag $0x1  }
0x1: {  	s1 =	rddreg [dreg:$0x0]  }
0x2: {  	s0 =	srdreg.scid;
	s2 =	rddreg [dreg:$0x1]  }
0x3: {  	s8 =	stileid.u32;
	s3 =	simm.s32 $0x0;
	s23 =	simm.s32 $0xA0  }
0x4: {  	s25 =	simm.s32 $0xF0;
	s26 =	simm.s32 $0x140;
	s14 =	simm.s32 $0x3C0  }
0x5: {  	s15 =	simm.s32 $0x410;
	s16 =	simm.s32 $0x460;
	s17 =	simm.s32 $0x1E0  }
0x6: {  	s18 =	simm.s32 $0x230;
	[smem:$0x7FF] =	sst s3;
	s6 =	sadd.s32 $0x3DA00, s1  }
0x7: {  	s19 =	simm.s32 $0x280;
	_ =	strace $0x80000047;
	[dreg:$0x12] =	wrdreg s6  }
0x8: {  	s20 =	simm.s32 $0x2D0;
	s28 =	simm.s32 $0x6A40;
	[dreg:$0x3] =	wrdreg s23  }
0x9: {  	s29 =	simm.s32 $0x7E40;
	s30 =	simm.s32 $0x9240;
	[dreg:$0x4] =	wrdreg s25  }
0xa: {  	s31 =	simm.s32 $0xA640;
	s0 =	sand.u32 $0x1, s0;
	[dreg:$0x5] =	wrdreg s26  }
0xb: {  	s5 =	smul.u32 $0x9C4, s8;
	s9 =	sadd.s32 $0x57E00, s1;
	[dreg:$0x7] =	wrdreg s14  }
0xc: {  	s21 =	smul.u32 $0x500, s8;
	s10 =	sadd.s32 $0x43E00, s1;
	[dreg:$0x8] =	wrdreg s15  }
0xd: {  	s11 =	smul.u32 $0xA000, s8;
	s8 =	sshll.u32 s8, $0x6;
	[dreg:$0x9] =	wrdreg s16  }
0xe: {  	s4 =	smul.u32 $0x13880, s0;
	s7 =	ssub.s32 $0x2, s0;
	[dreg:$0xa] =	wrdreg s17  }
0xf: {  	s24 =	sor.u32 $0x1C07, s8;
	s14 =	simm.s32 $0x190;
	[dreg:$0xb] =	wrdreg s18  }
0x10: {  	s15 =	simm.s32 $0x4B0;
	s16 =	simm.s32 $0x1;
	[dreg:$0xc] =	wrdreg s19  }
0x11: {  	s17 =	simm.s32 $0x50;
	[dreg:$0xd] =	wrdreg s20;
	s18 =	simm.s32 $0x640  }
0x12: {  	s19 =	simm.s32 $0x1A40;
	s23 =	simm.s32 $0x5A0;
	s20 =	simm.s32 $0x2E40  }
0x13: {  	s25 =	simm.s32 $0x5F0;
	p0 =	sne.s32 s0, $0x0;
	s0 =	simm.s32 $0xBA40  }
0x14: {  	s5 =	sadd.s32 s5, s1;
	s22 =	sshrl.u32 s7, $0x1;
	[dreg:$0x10] =	wrdreg s23  }
0x15: {  	s13 =	sadd.s32 s11, s2;
	[dreg:$0x11] =	wrdreg s25;
	s9 =	smov.u32 @p0 s10  }
0x16: {  	s23 =	simm.s32 $0x16E40;
	s25 =	simm.s32 $0x3;
	s10 =	simm.s32 $0x0  }
0x17: {  	[dreg:$0x13] =	wrdreg s24;
	s4 =	sadd.s32 s4, s1;
	s1 =	sadd.s32 s21, s1  }
0x18: {  	s12 =	ssub.s32 s7, s22;
	s6 =	sadd.s32 $0xCA00, s5;
	s7 =	sadd.s32 $0x2C00, s5  }
0x19: {  	s5 =	sshrl.u32 s11, $0x3;
	s11 =	simm.s32 $0x370;
	s21 =	simm.s32 $0x500  }
0x1a: {  	s22 =	simm.s32 $0x550;
	s8 =	sadd.s32 $0x16800, s4;
	[dreg:$0x6] =	wrdreg s11  }
0x1b: {  	s1 =	sadd.s32 $0x3EE00, s1;
	s12 =	smax.u32 s12, $0x1;
	[dreg:$0xe] =	wrdreg s21  }
0x1c: {  	s11 =	sshrl.u32 s13, $0x3;
	s13 =	simm.s32 $0x320;
	[dreg:$0xf] =	wrdreg s22  }
0x1d: {  	s21 =	simm.s32 $0x4240;
	s22 =	simm.s32 $0x5640;
	[dreg:$0x14] =	wrdreg s1  }
0x1e: {  	s26 =	sadd.s32 s9, s5;
	s4 =	simm.s32 $0x4;
	[dreg:$0x15] =	wrdreg s12  }
0x1f: {  	s9 =	simm.s32 $0x6;
	s12 =	simm.s32 $0x7;
	[dreg:$0x17] =	wrdreg s26  }
0x20: {  	v0 =	vimm.f32 $0.0e+00;
	v1 =	vimm.f32 $1.000000000e+00;
	s26 =	simm.s32 $0x2;
	s1 =	simm.s32 $0x5;
	[dreg:$0x16] =	wrdreg s11  }
.LBB2_1:
0x21: {  	s5 =	rddreg [dreg:$0x12]  }
0x22: {  	[spmem:s11], [sflag:s24] =	dma.local [hbm:s5], $0x1400  }
0x23: {  	_ =	swait.ge [sflag:s12], $0x1400  }
0x24: {  	[sflag:s12] =	ssyncset.done $0x0  }
0x25: {  	s24 =	simm.s32 $0x40;
	s5 =	simm.s32 $0x0;
	[sflag:s12] =	ssyncadd.s32 $0xFFFFEC00  }
.LBB2_2:
0x26: {  	p1 =	sne.s32 s24, $0x9FC0;
	[tilespmem:s5+$0x16E40] =	vst v0;
	s5 =	smov.u32 s24;
	s24 =	sadd.s32 $0x40, s24  }
.Ltmp0:
0x27: {  	(pc) =	sbr.rel @p1 .LBB2_2-.Ltmp0, $2  }
0x28: {  	_ =	sdelay $0x2  }
0x29: {  	s5 =	sshra.s32 s5, $0x2  }
0x2a: {  	[tilespmem:s5+$0x16E40] =	vst v0  }
0x2b: {  	s24 =	simm.s32 $0x0;
	[bflag:$0x0] =	sbarrier.arrive $0xFFFF  }
0x2c: {  	[tilespmem:s24], [sflag:$0x1] =	stream.linear.gather [hbm4b:s6+s24], $0x190, $0x38;
	[tilespmem:$0x19640] =	vst v63  }
0x2d: {  	_ = 	snop  }
0x2e: {  	[tilespmem:s13], [sflag:$0x1] =	stream.linear.gather [hbm4b:s7+s24], $0x190, $0x38;
	[tilespmem:$0x19640] =	vst v63  }
.LBB2_4:
0x2f: {  	p1 =	seq.s32 s24, $0x0  }
0x30: {  	s5 =	simm.s32 @!p1 $0x6  }
0x31: {  	_ =	swait.ge @!p1 [sflag:s5], $0x1400  }
0x32: {  	[sflag:s5] =	ssyncset.done @!p1 $0x0  }
0x33: {  	[sflag:s5] =	ssyncadd.s32 @!p1 $0xFFFFEC00  }
0x34: {  	_ =	swait.ge @!p1 [sflag:s5], $0x1400  }
0x35: {  	[sflag:s5] =	ssyncset.done @!p1 $0x0  }
0x36: {  	[sflag:s5] =	ssyncadd.s32 @!p1 $0xFFFFEC00  }
0x37: {  	_ =	swait.ge @!p1 [sflag:s5], $0x1400  }
0x38: {  	[sflag:s5] =	ssyncset.done @!p1 $0x0  }
0x39: {  	[sflag:s5] =	ssyncadd.s32 @!p1 $0xFFFFEC00  }
0x3a: {  	_ =	swait.ge @!p1 [sflag:s5], $0x1400  }
0x3b: {  	[sflag:s5] =	ssyncset.done @!p1 $0x0  }
0x3c: {  	[sflag:s5] =	ssyncadd.s32 @!p1 $0xFFFFEC00  }
0x3d: {  	_ =	swait.ge @!p1 [sflag:s5], $0x1400  }
0x3e: {  	s11 =	sadd.s32 s24, s6;
	[sflag:s5] =	ssyncset.done @!p1 $0x0  }
0x3f: {  	s12 =	sadd.s32 $0x32, s11;
	s11 =	sadd.s32 s24, s7;
	[sflag:s5] =	ssyncadd.s32 @!p1 $0xFFFFEC00  }
0x40: {  	[tilespmem:s14], [sflag:$0x2] =	stream.linear.gather [hbm4b:s12+s3], $0x190, $0x38;
	[tilespmem:$0x19640] =	vst v63  }
0x41: {  	s5 =	sadd.s32 $0x32, s11  }
0x42: {  	[tilespmem:s15], [sflag:$0x2] =	stream.linear.gather [hbm4b:s5+s3], $0x190, $0x38;
	[tilespmem:$0x19640] =	vst v63  }
0x43: {  	_ =	swait.ge [sflag:s16], $0x190  }
0x44: {  	[sflag:s16] =	ssyncset.done $0x0  }
0x45: {  	[sflag:s16] =	ssyncadd.s32 $0xFFFFFE70  }
0x46: {  	_ =	swait.ge [sflag:s16], $0x190  }
0x47: {  	[sflag:s16] =	ssyncset.done $0x0  }
0x48: {  	[sflag:s16] =	ssyncadd.s32 $0xFFFFFE70  }
0x49: {  	[tilespmem:s18], [sflag:$0x3] =	stream.indirect.gather [hbm4b:s8+s17], $0x40, s3, s17, $0xb8;
	[tilespmem:$0x19640] =	vst v63  }
0x4a: {  	_ = 	snop  }
0x4b: {  	[tilespmem:s19], [sflag:$0x3] =	stream.indirect.gather [hbm4b:s8+s17], $0x40, s17, s17, $0xb8;
	[tilespmem:$0x19640] =	vst v63  }
0x4c: {  	s12 =	rddreg [dreg:$0x3]  }
0x4d: {  	[tilespmem:s20], [sflag:$0x3] =	stream.indirect.gather [hbm4b:s8+s17], $0x40, s12, s17, $0xb8;
	[tilespmem:$0x19640] =	vst v63  }
0x4e: {  	s11 =	rddreg [dreg:$0x4]  }
0x4f: {  	[tilespmem:s21], [sflag:$0x3] =	stream.indirect.gather [hbm4b:s8+s17], $0x40, s11, s17, $0xb8;
	[tilespmem:$0x19640] =	vst v63  }
0x50: {  	s12 =	rddreg [dreg:$0x5]  }
0x51: {  	[tilespmem:s22], [sflag:$0x3] =	stream.indirect.gather [hbm4b:s8+s17], $0x40, s12, s17, $0xb8;
	[tilespmem:$0x19640] =	vst v63  }
0x52: {  	v2 =	vld [tilespmem:$0x320];
	_ =	sdelay $0x7  }
0x53: {  	[tilespmem:v2+s23+$0x0] =	vst.idx.add.f32.msk $0xffff, v1  }
0x54: {  	v2 =	vld [tilespmem:$0x330];
	_ =	sdelay $0x7  }
0x55: {  	[tilespmem:v2+s23+$0x0] =	vst.idx.add.f32.msk $0xffff, v1  }
0x56: {  	v2 =	vld [tilespmem:$0x340];
	_ =	sdelay $0x7  }
0x57: {  	[tilespmem:v2+s23+$0x0] =	vst.idx.add.f32.msk $0xffff, v1  }
0x58: {  	v2 =	vld [tilespmem:$0x350];
	_ =	sdelay $0x7  }
0x59: {  	[tilespmem:v2+s23+$0x0] =	vst.idx.add.f32.msk $0xffff, v1  }
0x5a: {  	v2 =	vld [tilespmem:$0x360];
	_ =	sdelay $0x7  }
0x5b: {  	[tilespmem:v2+s23+$0x0] =	vst.idx.add.f32.msk $0xffff, v1  }
0x5c: {  	v2 =	vld [tilespmem:$0x370];
	_ =	sdelay $0x7  }
0x5d: {  	[tilespmem:v2+s23+$0x0] =	vst.idx.add.f32.msk $0xffff, v1  }
0x5e: {  	v2 =	vld [tilespmem:$0x380];
	_ =	sdelay $0x7  }
0x5f: {  	[tilespmem:v2+s23+$0x0] =	vst.idx.add.f32.msk $0xffff, v1  }
0x60: {  	v2 =	vld [tilespmem:$0x390];
	_ =	sdelay $0x7  }
0x61: {  	[tilespmem:v2+s23+$0x0] =	vst.idx.add.f32.msk $0xffff, v1  }
0x62: {  	v2 =	vld [tilespmem:$0x3A0];
	_ =	sdelay $0x7  }
0x63: {  	[tilespmem:v2+s23+$0x0] =	vst.idx.add.f32.msk $0xffff, v1  }
0x64: {  	v2 =	vld [tilespmem:$0x3B0];
	_ =	sdelay $0x7  }
0x65: {  	[tilespmem:v2+s23+$0x0] =	vst.idx.add.f32.msk $0xffff, v1  }
0x66: {  	v2 =	vld [tilespmem:$0x3C0];
	_ =	sdelay $0x7  }
0x67: {  	[tilespmem:v2+s23+$0x0] =	vst.idx.add.f32.msk $0xffff, v1  }
0x68: {  	v2 =	vld [tilespmem:$0x3D0];
	_ =	sdelay $0x7  }
0x69: {  	[tilespmem:v2+s23+$0x0] =	vst.idx.add.f32.msk $0xffff, v1  }
0x6a: {  	v2 =	vld [tilespmem:$0x3E0];
	_ =	sdelay $0x7  }
0x6b: {  	[tilespmem:v2+s23+$0x0] =	vst.idx.add.f32.msk $0xffff, v1  }
0x6c: {  	v2 =	vld [tilespmem:$0x3F0];
	_ =	sdelay $0x7  }
0x6d: {  	[tilespmem:v2+s23+$0x0] =	vst.idx.add.f32.msk $0xffff, v1  }
0x6e: {  	v2 =	vld [tilespmem:$0x400];
	_ =	sdelay $0x7  }
0x6f: {  	[tilespmem:v2+s23+$0x0] =	vst.idx.add.f32.msk $0xffff, v1  }
0x70: {  	v2 =	vld [tilespmem:$0x410];
	_ =	sdelay $0x7  }
0x71: {  	[tilespmem:v2+s23+$0x0] =	vst.idx.add.f32.msk $0xffff, v1  }
0x72: {  	v2 =	vld [tilespmem:$0x420];
	_ =	sdelay $0x7  }
0x73: {  	[tilespmem:v2+s23+$0x0] =	vst.idx.add.f32.msk $0xffff, v1  }
0x74: {  	v2 =	vld [tilespmem:$0x430];
	_ =	sdelay $0x7  }
0x75: {  	[tilespmem:v2+s23+$0x0] =	vst.idx.add.f32.msk $0xffff, v1  }
0x76: {  	v2 =	vld [tilespmem:$0x440];
	_ =	sdelay $0x7  }
0x77: {  	[tilespmem:v2+s23+$0x0] =	vst.idx.add.f32.msk $0xffff, v1  }
0x78: {  	v2 =	vld [tilespmem:$0x450];
	_ =	sdelay $0x7  }
0x79: {  	[tilespmem:v2+s23+$0x0] =	vst.idx.add.f32.msk $0xffff, v1  }
0x7a: {  	v2 =	vld [tilespmem:$0x460];
	_ =	sdelay $0x7  }
0x7b: {  	[tilespmem:v2+s23+$0x0] =	vst.idx.add.f32.msk $0xffff, v1  }
0x7c: {  	v2 =	vld [tilespmem:$0x470];
	_ =	sdelay $0x7  }
0x7d: {  	[tilespmem:v2+s23+$0x0] =	vst.idx.add.f32.msk $0xffff, v1  }
0x7e: {  	v2 =	vld [tilespmem:$0x480];
	_ =	sdelay $0x7  }
0x7f: {  	[tilespmem:v2+s23+$0x0] =	vst.idx.add.f32.msk $0xffff, v1  }
0x80: {  	v2 =	vld [tilespmem:$0x490];
	_ =	sdelay $0x7  }
0x81: {  	[tilespmem:v2+s23+$0x0] =	vst.idx.add.f32.msk $0xffff, v1  }
0x82: {  	v2 =	vld [tilespmem:$0x4A0];
	_ =	sdelay $0x7  }
0x83: {  	[tilespmem:v2+s23+$0x0] =	vst.idx.add.f32.msk $0xffff, v1  }
0x84: {  	_ =	swait.ge [sflag:s25], $0x1400  }
0x85: {  	[sflag:s25] =	ssyncset.done $0x0  }
0x86: {  	[sflag:s25] =	ssyncadd.s32 $0xFFFFEC00  }
0x87: {  	_ =	swait.ge [sflag:s25], $0x1400  }
0x88: {  	[sflag:s25] =	ssyncset.done $0x0  }
0x89: {  	[sflag:s25] =	ssyncadd.s32 $0xFFFFEC00  }
0x8a: {  	_ =	swait.ge [sflag:s25], $0x1400  }
0x8b: {  	[sflag:s25] =	ssyncset.done $0x0  }
0x8c: {  	[sflag:s25] =	ssyncadd.s32 $0xFFFFEC00  }
0x8d: {  	_ =	swait.ge [sflag:s25], $0x1400  }
0x8e: {  	[sflag:s25] =	ssyncset.done $0x0  }
0x8f: {  	[sflag:s25] =	ssyncadd.s32 $0xFFFFEC00  }
0x90: {  	_ =	swait.ge [sflag:s25], $0x1400  }
0x91: {  	[sflag:s25] =	ssyncset.done $0x0  }
0x92: {  	[sflag:s25] =	ssyncadd.s32 $0xFFFFEC00  }
0x93: {  	[spmem:s2] =	stream.indirect.scatter.add.f32 [tilespmem:s18], [sflag:$0x5], $0x40, s13, s17, $0xb8;
	[tilespmem:$0x19640] =	vst v63  }
0x94: {  	s11 =	rddreg [dreg:$0x6]  }
0x95: {  	[spmem:s2] =	stream.indirect.scatter.add.f32 [tilespmem:s19], [sflag:$0x5], $0x40, s11, s17, $0xb8;
	[tilespmem:$0x19640] =	vst v63  }
0x96: {  	s12 =	rddreg [dreg:$0x7]  }
0x97: {  	[spmem:s2] =	stream.indirect.scatter.add.f32 [tilespmem:s20], [sflag:$0x5], $0x40, s12, s17, $0xb8;
	[tilespmem:$0x19640] =	vst v63  }
0x98: {  	s5 =	rddreg [dreg:$0x8]  }
0x99: {  	[spmem:s2] =	stream.indirect.scatter.add.f32 [tilespmem:s21], [sflag:$0x5], $0x40, s5, s17, $0xb8;
	[tilespmem:$0x19640] =	vst v63  }
0x9a: {  	s12 =	rddreg [dreg:$0x9]  }
0x9b: {  	[spmem:s2] =	stream.indirect.scatter.add.f32 [tilespmem:s22], [sflag:$0x5], $0x40, s12, s17, $0xb8;
	[tilespmem:$0x19640] =	vst v63  }
0x9c: {  	_ =	swait.ge [sflag:s26], $0x190  }
0x9d: {  	[sflag:s26] =	ssyncset.done $0x0  }
0x9e: {  	[sflag:s26] =	ssyncadd.s32 $0xFFFFFE70  }
0x9f: {  	_ =	swait.ge [sflag:s26], $0x190  }
0xa0: {  	[sflag:s26] =	ssyncset.done $0x0  }
0xa1: {  	[sflag:s26] =	ssyncadd.s32 $0xFFFFFE70  }
0xa2: {  	[tilespmem:s28], [sflag:$0x4] =	stream.indirect.gather [hbm4b:s8+s17], $0x40, s14, s17, $0xb8;
	[tilespmem:$0x19640] =	vst v63  }
0xa3: {  	s11 =	rddreg [dreg:$0xa]  }
0xa4: {  	[tilespmem:s29], [sflag:$0x4] =	stream.indirect.gather [hbm4b:s8+s17], $0x40, s11, s17, $0xb8;
	[tilespmem:$0x19640] =	vst v63  }
0xa5: {  	s12 =	rddreg [dreg:$0xb]  }
0xa6: {  	[tilespmem:s30], [sflag:$0x4] =	stream.indirect.gather [hbm4b:s8+s17], $0x40, s12, s17, $0xb8;
	[tilespmem:$0x19640] =	vst v63  }
0xa7: {  	s5 =	rddreg [dreg:$0xc]  }
0xa8: {  	[tilespmem:s31], [sflag:$0x4] =	stream.indirect.gather [hbm4b:s8+s17], $0x40, s5, s17, $0xb8;
	[tilespmem:$0x19640] =	vst v63  }
0xa9: {  	s12 =	rddreg [dreg:$0xd]  }
0xaa: {  	[tilespmem:s0], [sflag:$0x4] =	stream.indirect.gather [hbm4b:s8+s17], $0x40, s12, s17, $0xb8;
	[tilespmem:$0x19640] =	vst v63  }
0xab: {  	v2 =	vld [tilespmem:$0x4B0];
	_ =	sdelay $0x7  }
0xac: {  	[tilespmem:v2+s23+$0x0] =	vst.idx.add.f32.msk $0xffff, v1  }
0xad: {  	v2 =	vld [tilespmem:$0x4C0];
	_ =	sdelay $0x7  }
0xae: {  	[tilespmem:v2+s23+$0x0] =	vst.idx.add.f32.msk $0xffff, v1  }
0xaf: {  	v2 =	vld [tilespmem:$0x4D0];
	_ =	sdelay $0x7  }
0xb0: {  	[tilespmem:v2+s23+$0x0] =	vst.idx.add.f32.msk $0xffff, v1  }
0xb1: {  	v2 =	vld [tilespmem:$0x4E0];
	_ =	sdelay $0x7  }
0xb2: {  	[tilespmem:v2+s23+$0x0] =	vst.idx.add.f32.msk $0xffff, v1  }
0xb3: {  	v2 =	vld [tilespmem:$0x4F0];
	_ =	sdelay $0x7  }
0xb4: {  	[tilespmem:v2+s23+$0x0] =	vst.idx.add.f32.msk $0xffff, v1  }
0xb5: {  	v2 =	vld [tilespmem:$0x500];
	_ =	sdelay $0x7  }
0xb6: {  	[tilespmem:v2+s23+$0x0] =	vst.idx.add.f32.msk $0xffff, v1  }
0xb7: {  	v2 =	vld [tilespmem:$0x510];
	_ =	sdelay $0x7  }
0xb8: {  	[tilespmem:v2+s23+$0x0] =	vst.idx.add.f32.msk $0xffff, v1  }
0xb9: {  	v2 =	vld [tilespmem:$0x520];
	_ =	sdelay $0x7  }
0xba: {  	[tilespmem:v2+s23+$0x0] =	vst.idx.add.f32.msk $0xffff, v1  }
0xbb: {  	v2 =	vld [tilespmem:$0x530];
	_ =	sdelay $0x7  }
0xbc: {  	[tilespmem:v2+s23+$0x0] =	vst.idx.add.f32.msk $0xffff, v1  }
0xbd: {  	v2 =	vld [tilespmem:$0x540];
	_ =	sdelay $0x7  }
0xbe: {  	[tilespmem:v2+s23+$0x0] =	vst.idx.add.f32.msk $0xffff, v1  }
0xbf: {  	v2 =	vld [tilespmem:$0x550];
	_ =	sdelay $0x7  }
0xc0: {  	[tilespmem:v2+s23+$0x0] =	vst.idx.add.f32.msk $0xffff, v1  }
0xc1: {  	v2 =	vld [tilespmem:$0x560];
	_ =	sdelay $0x7  }
0xc2: {  	[tilespmem:v2+s23+$0x0] =	vst.idx.add.f32.msk $0xffff, v1  }
0xc3: {  	v2 =	vld [tilespmem:$0x570];
	_ =	sdelay $0x7  }
0xc4: {  	[tilespmem:v2+s23+$0x0] =	vst.idx.add.f32.msk $0xffff, v1  }
0xc5: {  	v2 =	vld [tilespmem:$0x580];
	_ =	sdelay $0x7  }
0xc6: {  	[tilespmem:v2+s23+$0x0] =	vst.idx.add.f32.msk $0xffff, v1  }
0xc7: {  	v2 =	vld [tilespmem:$0x590];
	_ =	sdelay $0x7  }
0xc8: {  	[tilespmem:v2+s23+$0x0] =	vst.idx.add.f32.msk $0xffff, v1  }
0xc9: {  	v2 =	vld [tilespmem:$0x5A0];
	_ =	sdelay $0x7  }
0xca: {  	[tilespmem:v2+s23+$0x0] =	vst.idx.add.f32.msk $0xffff, v1  }
0xcb: {  	v2 =	vld [tilespmem:$0x5B0];
	_ =	sdelay $0x7  }
0xcc: {  	[tilespmem:v2+s23+$0x0] =	vst.idx.add.f32.msk $0xffff, v1  }
0xcd: {  	v2 =	vld [tilespmem:$0x5C0];
	_ =	sdelay $0x7  }
0xce: {  	[tilespmem:v2+s23+$0x0] =	vst.idx.add.f32.msk $0xffff, v1  }
0xcf: {  	v2 =	vld [tilespmem:$0x5D0];
	_ =	sdelay $0x7  }
0xd0: {  	[tilespmem:v2+s23+$0x0] =	vst.idx.add.f32.msk $0xffff, v1  }
0xd1: {  	v2 =	vld [tilespmem:$0x5E0];
	_ =	sdelay $0x7  }
0xd2: {  	[tilespmem:v2+s23+$0x0] =	vst.idx.add.f32.msk $0xffff, v1  }
0xd3: {  	v2 =	vld [tilespmem:$0x5F0];
	_ =	sdelay $0x7  }
0xd4: {  	[tilespmem:v2+s23+$0x0] =	vst.idx.add.f32.msk $0xffff, v1  }
0xd5: {  	v2 =	vld [tilespmem:$0x600];
	_ =	sdelay $0x7  }
0xd6: {  	[tilespmem:v2+s23+$0x0] =	vst.idx.add.f32.msk $0xffff, v1  }
0xd7: {  	v2 =	vld [tilespmem:$0x610];
	_ =	sdelay $0x7  }
0xd8: {  	[tilespmem:v2+s23+$0x0] =	vst.idx.add.f32.msk $0xffff, v1  }
0xd9: {  	v2 =	vld [tilespmem:$0x620];
	_ =	sdelay $0x7  }
0xda: {  	[tilespmem:v2+s23+$0x0] =	vst.idx.add.f32.msk $0xffff, v1  }
0xdb: {  	v2 =	vld [tilespmem:$0x630];
	_ =	sdelay $0x7  }
0xdc: {  	[tilespmem:v2+s23+$0x0] =	vst.idx.add.f32.msk $0xffff, v1  }
0xdd: {  	_ =	swait.ge [sflag:s1], $0x1400  }
0xde: {  	[sflag:s1] =	ssyncset.done $0x0  }
0xdf: {  	[sflag:s1] =	ssyncadd.s32 $0xFFFFEC00  }
0xe0: {  	_ =	swait.ge [sflag:s1], $0x1400  }
0xe1: {  	[sflag:s1] =	ssyncset.done $0x0  }
0xe2: {  	[sflag:s1] =	ssyncadd.s32 $0xFFFFEC00  }
0xe3: {  	_ =	swait.ge [sflag:s1], $0x1400  }
0xe4: {  	[sflag:s1] =	ssyncset.done $0x0  }
0xe5: {  	[sflag:s1] =	ssyncadd.s32 $0xFFFFEC00  }
0xe6: {  	_ =	swait.ge [sflag:s1], $0x1400  }
0xe7: {  	[sflag:s1] =	ssyncset.done $0x0  }
0xe8: {  	[sflag:s1] =	ssyncadd.s32 $0xFFFFEC00  }
0xe9: {  	p1 =	seq.s32 s24, $0x960;
	_ =	swait.ge [sflag:s1], $0x1400  }
0xea: {  	s5 =	sadd.s32 @!p1 s24, s6;
	[sflag:s1] =	ssyncset.done $0x0  }
0xeb: {  	s11 =	simm.s32 @!p1 $0x0;
	s5 =	sadd.s32 @!p1 $0x64, s5;
	[sflag:s1] =	ssyncadd.s32 $0xFFFFEC00  }
0xec: {  	[tilespmem:s11], [sflag:$0x1] =	stream.linear.gather @!p1 [hbm4b:s5+s11], $0x190, $0x38;
	[tilespmem:$0x19640] =	vst v63  }
0xed: {  	s5 =	sadd.s32 @!p1 s24, s7  }
0xee: {  	s12 =	simm.s32 @!p1 $0x320;
	s5 =	sadd.s32 @!p1 $0x64, s5  }
0xef: {  	[tilespmem:s12], [sflag:$0x1] =	stream.linear.gather @!p1 [hbm4b:s5+s11], $0x190, $0x38;
	[tilespmem:$0x19640] =	vst v63  }
0xf0: {  	_ =	swait.ge [sflag:s4], $0x1400  }
0xf1: {  	[sflag:s4] =	ssyncset.done $0x0  }
0xf2: {  	[sflag:s4] =	ssyncadd.s32 $0xFFFFEC00  }
0xf3: {  	_ =	swait.ge [sflag:s4], $0x1400  }
0xf4: {  	[sflag:s4] =	ssyncset.done $0x0  }
0xf5: {  	[sflag:s4] =	ssyncadd.s32 $0xFFFFEC00  }
0xf6: {  	_ =	swait.ge [sflag:s4], $0x1400  }
0xf7: {  	[sflag:s4] =	ssyncset.done $0x0  }
0xf8: {  	[sflag:s4] =	ssyncadd.s32 $0xFFFFEC00  }
0xf9: {  	_ =	swait.ge [sflag:s4], $0x1400  }
0xfa: {  	[sflag:s4] =	ssyncset.done $0x0  }
0xfb: {  	[sflag:s4] =	ssyncadd.s32 $0xFFFFEC00  }
0xfc: {  	_ =	swait.ge [sflag:s4], $0x1400  }
0xfd: {  	[sflag:s4] =	ssyncset.done $0x0  }
0xfe: {  	[sflag:s4] =	ssyncadd.s32 $0xFFFFEC00  }
0xff: {  	[spmem:s2] =	stream.indirect.scatter.add.f32 [tilespmem:s28], [sflag:$0x6], $0x40, s15, s17, $0xb8;
	[tilespmem:$0x19640] =	vst v63  }
0x100: {  	s24 =	sadd.s32 $0x64, s24;
	s11 =	rddreg [dreg:$0xe]  }
0x101: {  	[spmem:s2] =	stream.indirect.scatter.add.f32 [tilespmem:s29], [sflag:$0x6], $0x40, s11, s17, $0xb8;
	[tilespmem:$0x19640] =	vst v63  }
0x102: {  	p1 =	sne.s32 s24, $0x9C4;
	s12 =	rddreg [dreg:$0xf]  }
0x103: {  	[spmem:s2] =	stream.indirect.scatter.add.f32 [tilespmem:s30], [sflag:$0x6], $0x40, s12, s17, $0xb8;
	[tilespmem:$0x19640] =	vst v63  }
.Ltmp1:
0x104: {  	_ = 	snop;
	(pc) =	sbr.rel @p1 .LBB2_4-.Ltmp1, $4  }
0x105: {  	s5 =	rddreg [dreg:$0x10]  }
0x106: {  	[spmem:s2] =	stream.indirect.scatter.add.f32 [tilespmem:s31], [sflag:$0x6], $0x40, s5, s17, $0xb8;
	[tilespmem:$0x19640] =	vst v63  }
0x107: {  	s12 =	rddreg [dreg:$0x11]  }
0x108: {  	[spmem:s2] =	stream.indirect.scatter.add.f32 [tilespmem:s0], [sflag:$0x6], $0x40, s12, s17, $0xb8;
	[tilespmem:$0x19640] =	vst v63  }
0x109: {  	_ =	swait.ge [sflag:s9], $0x1400  }
0x10a: {  	[sflag:s9] =	ssyncset.done $0x0  }
0x10b: {  	[sflag:s9] =	ssyncadd.s32 $0xFFFFEC00  }
0x10c: {  	_ =	swait.ge [sflag:s9], $0x1400  }
0x10d: {  	[sflag:s9] =	ssyncset.done $0x0  }
0x10e: {  	[sflag:s9] =	ssyncadd.s32 $0xFFFFEC00  }
0x10f: {  	_ =	swait.ge [sflag:s9], $0x1400  }
0x110: {  	[sflag:s9] =	ssyncset.done $0x0  }
0x111: {  	[sflag:s9] =	ssyncadd.s32 $0xFFFFEC00  }
0x112: {  	_ =	swait.ge [sflag:s9], $0x1400  }
0x113: {  	[sflag:s9] =	ssyncset.done $0x0  }
0x114: {  	[sflag:s9] =	ssyncadd.s32 $0xFFFFEC00  }
0x115: {  	_ =	swait.ge [sflag:s9], $0x1400  }
0x116: {  	s5 =	simm.s32 @!p0 $0x0;
	[sflag:s9] =	ssyncset.done $0x0  }
0x117: {  	s11 =	simm.s32 @!p0 $0x16E40;
	s12 =	rddreg [dreg:$0x14];
	[sflag:s9] =	ssyncadd.s32 $0xFFFFEC00  }
0x118: {  	[hbm4b:s12+s5] =	stream.linear.scatter @!p0 [tilespmem:s11], [sflag:$0x7], $0x2800, $0x38;
	[tilespmem:$0x19640] =	vst v63  }
0x119: {  	s5 =	simm.s32 @!p0 $0x7  }
0x11a: {  	_ =	swait.ge @!p0 [sflag:s5], $0x2800  }
0x11b: {  	[sflag:s5] =	ssyncset.done @!p0 $0x0  }
0x11c: {  	[sflag:s5] =	ssyncadd.s32 @!p0 $0xFFFFD800  }
0x11d: {  	[bflag:$0x0] =	sbarrier.arrive $0xFFFF  }
0x11e: {  	s24 =	rddreg [dreg:$0x13]  }
0x11f: {  	s11 =	rddreg [dreg:$0x16]  }
0x120: {  	s12 =	rddreg [dreg:$0x17]  }
0x121: {  	[hbm:s12], [sflag:s24] =	dma.local [spmem:s11], $0x1400  }
0x122: {  	s12 =	simm.s32 $0x7  }
0x123: {  	_ =	swait.ge [sflag:s12], $0x1400  }
0x124: {  	s10 =	sadd.s32 $0x1, s10;
	s5 =	rddreg [dreg:$0x15]  }
0x125: {  	p1 =	sne.s32 s10, s5  }
.Ltmp2:
0x126: {  	_ = 	snop;
	(pc) =	sbr.rel @p1 .LBB2_1-.Ltmp2, $3  }
0x127: {  	_ =	sdelay $0x1  }
0x128: {  	[sflag:s12] =	ssyncset.done $0x0  }
0x129: {  	[sflag:s12] =	ssyncadd.s32 $0xFFFFEC00  }
0x12a: {  	_ =	sfence.sel $0x180000  }
0x12b: {  	[bflag:$0x0] =	sbarrier.arrive $0xFFFF  }
0x12c: {  	_ =	strace $0x90000047  }
0x12d: {  	s0 =	stileid.u32;
	[bflag:$0x2] =	sbarrier.arrive $0xFFFF  }
0x12e: {  	p0 =	sne.s32 s0, $0x0;
	s0 =	rddreg [dreg:$0x2]  }
0x12f: {  	s0 =	sadd.s32 @!p0 $0x100000, s0  }
0x130: {  	[sflag:s0] =	ssyncadd.tile.s32 @!p0 $0x1;
	_ =	shalt  }
.Lfunc_end2:
_tile_overlayer_lowered:
.L_overlay_start_2:
0x131: {  	(tag) =	ssettag $0x2  }
0x132: {  	s0 =	rddreg [dreg:$0x0];
	s2 =	stileid.u32  }
0x133: {  	s1 =	rddreg [dreg:$0x1];
	p0 =	sne.s32 s2, $0x0  }
0x134: {  	s3 =	rddreg [dreg:$0x2];
	[bflag:$0x3] =	sbarrier.arrive $0xFFFF;
	s2 =	simm.s32 @!p0 $0x1C07  }
0x135: {  	[timem:s3], [sflag:s2] =	dma.local @!p0 [hbm:s0], s1  }
0x136: {  	s0 =	simm.s32 @!p0 $0x7  }
0x137: {  	_ =	swait.ge @!p0 [sflag:s0], s1  }
0x138: {  	s1 =	ssub.s32 @!p0 $0x0, s1;
	[sflag:s0] =	ssyncset.done @!p0 $0x0  }
0x139: {  	[sflag:s0] =	ssyncadd.s32 @!p0 s1  }
0x13a: {  	[bflag:$0x3] =	sbarrier.arrive $0xFFFF  }
0x13b: {  	_ =	shalt  }

</sc_bundles>
